<compile_context>
chip_gen: v7x
topology: tpu7x:2x2x1
jax: 0.10.2.dev20260603
libtpu: 0.0.44.dev20260713+nightly
codegen_flags: <defaults>
</compile_context>

<pallas_src>
import functools

import jax
import jax.numpy as jnp
from jax import lax
from jax.experimental import pallas as pl
from jax.experimental.pallas import tpu as pltpu
from jax.experimental.pallas import tpu_sc as plsc

N = 1024
E = 16384
H = 128
NC = 2
NS = 16
NW = NC * NS
ROWS_W = N // NW
CELLS_W = ROWS_W * N
EW = E // NW
CHUNK = 128
NCHUNK = EW // CHUNK
ROWS_S = N // NS


def _proj_body(mu_ref, sig_ref, ef4_ref, w1_ref, b1_ref, p_ref, efp_ref):
    w1a = w1_ref[0:H, :]
    w1b = w1_ref[H:2 * H, :]
    p_ref[...] = jnp.dot(mu_ref[...], w1a) + jnp.dot(sig_ref[...], w1b) + b1_ref[...]
    efp = jnp.dot(ef4_ref[...], w1_ref[2 * H:, :])
    efp_ref[...] = jnp.reshape(efp, (NW, NCHUNK, CHUNK, H))


def _adj_body(flat_hbm, dval_hbm, adj_hbm, idx_v, val_v, tile_v, sem):
    c = lax.axis_index("c")
    s = lax.axis_index("s")
    wid = c * NS + s
    d2 = pltpu.async_copy(flat_hbm, idx_v, sem)
    d3 = pltpu.async_copy(dval_hbm, val_v, sem)
    neg16 = jnp.full((16,), -1.0, _f32)

    def fbody(r, carry):
        for j in range(N // 16):
            tile_v[r, pl.ds(j * 16, 16)] = neg16
        return carry

    lax.fori_loop(0, ROWS_W, fbody, 0)
    d2.wait()
    d3.wait()

    row0 = wid * ROWS_W

    def body(g, carry):
        for u in range(16):
            sl = pl.ds(g * 256 + u * 16, 16)
            idx = idx_v[sl]
            val = val_v[sl]
            rloc = (idx >> 10) - row0
            msk = (rloc >= 0) & (rloc < ROWS_W)
            plsc.store_scatter(tile_v, [rloc, idx & (N - 1)], val, mask=msk)
        return carry

    lax.fori_loop(0, E // 256, body, 0)
    pltpu.sync_copy(tile_v, adj_hbm.at[pl.ds(wid * ROWS_W, ROWS_W)])


def _twohop_body(adj_ref, g_ref):
    a = adj_ref[...]
    m = (a >= 0.0).astype(jnp.bfloat16)
    dm = jnp.maximum(a, 0.0).astype(jnp.bfloat16)
    pc = jnp.dot(m, m, preferred_element_type=jnp.float32)
    s = (jnp.dot(dm, m, preferred_element_type=jnp.float32)
         + jnp.dot(m, dm, preferred_element_type=jnp.float32))
    g = jnp.where(pc > 0.0, s / jnp.maximum(pc, 1.0), -1.0)
    g_ref[...] = jnp.reshape(g, (N * N,))


def _edge_body(srcr_hbm, dstr_hbm, dstw_hbm, flatw_hbm, dw_hbm, g_hbm, pn_hbm,
               efr_hbm,
               agg_hbm, wsum_hbm, rsum_hbm, deg_hbm, resid_hbm,
               src_0, src_1, src_2, src_3, dst_0, dst_1, dst_2, dst_3,
               dstw_v, flat_v, d_v, g_v, w_v, r_v, one_v, zv_v,
               prow_a, prow_b, ef_0, ef_1, ef_2, ef_3,
               agg_s, wsum_s, rsum_s, deg_s,
               sem_in, sem_a, sem_b, sem_g, sem_s):
    c = lax.axis_index("c")
    s = lax.axis_index("s")
    wid = c * NS + s
    src_c = (src_0, src_1, src_2, src_3)
    dst_c = (dst_0, dst_1, dst_2, dst_3)
    ef_c = (ef_0, ef_1, ef_2, ef_3)
    prow_c = (prow_a, prow_b)
    sem_c = (sem_a, sem_b)

    in_descs = []
    for ci in range(NCHUNK):
        in_descs.append(pltpu.async_copy(srcr_hbm.at[wid, ci], src_c[ci], sem_in))
        in_descs.append(pltpu.async_copy(dstr_hbm.at[wid, ci], dst_c[ci], sem_in))
    in_descs.append(pltpu.async_copy(dstw_hbm.at[wid], dstw_v, sem_in))
    in_descs.append(pltpu.async_copy(flatw_hbm.at[wid], flat_v, sem_in))
    in_descs.append(pltpu.async_copy(dw_hbm.at[wid], d_v, sem_in))

    zsl = pl.ds(s * ROWS_S, ROWS_S)
    zero16 = jnp.zeros((16,), _f32)

    def zrow_body(i, carry):
        for j in range(H // 16):
            ef_0[i, pl.ds(j * 16, 16)] = zero16
        return carry

    lax.fori_loop(0, ROWS_S, zrow_body, 0)
    for g16 in range(ROWS_S // 16):
        zv_v[pl.ds(g16 * 16, 16)] = zero16
    for g16 in range(EW // 16):
        one_v[pl.ds(g16 * 16, 16)] = jnp.full((16,), 1.0, _f32)
    pltpu.sync_copy(ef_0.at[pl.ds(0, ROWS_S)], agg_s.at[zsl])
    pltpu.sync_copy(zv_v, wsum_s.at[zsl])
    pltpu.sync_copy(zv_v, rsum_s.at[zsl])
    pltpu.sync_copy(zv_v, deg_s.at[zsl])

    plsc.subcore_barrier()

    for dd in in_descs:
        dd.wait()

    gd = pltpu.async_copy(g_hbm.at[flat_v], g_v, sem_g)

    def fire(ci):
        return (pltpu.async_copy(pn_hbm.at[src_c[ci]], prow_c[ci % 2], sem_c[ci % 2]),
                pltpu.async_copy(efr_hbm.at[wid, ci], ef_c[ci], sem_c[ci % 2]))

    row_descs = {0: fire(0), 1: fire(1)}

    gd.wait()
    for g16 in range(EW // 16):
        sl = pl.ds(g16 * 16, 16)
        gg = g_v[sl]
        dd = d_v[sl]
        rr = jnp.where(gg >= 0.0, jnp.abs(dd - gg), 0.0)
        r_v[sl] = rr
        w_v[sl] = jnp.exp(-rr)

    sc_descs = [
        pltpu.async_copy(w_v, wsum_s.at[dstw_v], sem_s, add=True),
        pltpu.async_copy(r_v, rsum_s.at[dstw_v], sem_s, add=True),
        pltpu.async_copy(one_v, deg_s.at[dstw_v], sem_s, add=True),
    ]
    pltpu.sync_copy(r_v, resid_hbm.at[wid])

    for ci in range(NCHUNK):
        da, db = row_descs[ci]
        da.wait()
        db.wait()
        pw = prow_c[ci % 2]
        eb = ef_c[ci]
        cbase = ci * CHUNK

        def ebody(e):
            wspl = plsc.load_gather(w_v, [jnp.full((16,), cbase + e, jnp.int32)])
            for j in range(H // 16):
                sl = pl.ds(j * 16, 16)
                eb[e, sl] = jnp.maximum(pw[e, sl] + eb[e, sl], 0.0) * wspl

        plsc.parallel_loop(0, CHUNK, 1, unroll=4)(ebody)

        sc_descs.append(pltpu.async_copy(eb, agg_s.at[dst_c[ci]], sem_s, add=True))
        if ci + 2 < NCHUNK:
            row_descs[ci + 2] = fire(ci + 2)

    for dd in sc_descs:
        dd.wait()

    plsc.subcore_barrier()

    pltpu.sync_copy(agg_s.at[zsl], ef_0.at[pl.ds(0, ROWS_S)])
    pltpu.sync_copy(ef_0.at[pl.ds(0, ROWS_S)], agg_hbm.at[c, zsl])
    pltpu.sync_copy(wsum_s.at[zsl], zv_v)
    pltpu.sync_copy(zv_v, wsum_hbm.at[c, zsl])
    pltpu.sync_copy(rsum_s.at[zsl], zv_v)
    pltpu.sync_copy(zv_v, rsum_hbm.at[c, zsl])
    pltpu.sync_copy(deg_s.at[zsl], zv_v)
    pltpu.sync_copy(zv_v, deg_hbm.at[c, zsl])


def _final_body(agg_ref, ws_ref, rs_ref, dg_ref, mu_ref,
                w2_ref, b2_ref, muw1_ref, mub1_ref, muw2_ref, mub2_ref,
                sgw1_ref, sgb1_ref, sgw2_ref, sgb2_ref,
                munew_ref, signew_ref):
    a = agg_ref[0] + agg_ref[1]
    ws = jnp.reshape(ws_ref[0] + ws_ref[1], (N, 1))
    rs = jnp.reshape(rs_ref[0] + rs_ref[1], (N, 1))
    dg = jnp.reshape(dg_ref[0] + dg_ref[1], (N, 1))
    agg = ((jnp.dot(a, w2_ref[...]) + ws * b2_ref[...])
           / jnp.maximum(ws, 1e-8))
    hmu = jnp.maximum(jnp.dot(agg, muw1_ref[...]) + mub1_ref[...], 0.0)
    munew_ref[...] = mu_ref[...] + jnp.dot(hmu, muw2_ref[...]) + mub2_ref[...]
    rmean = rs / jnp.maximum(dg, 1.0)
    sgw1a = sgw1_ref[0:H, :]
    sgw1b = sgw1_ref[H:H + 1, :]
    hsg = jnp.maximum(jnp.dot(agg, sgw1a) + rmean * sgw1b + sgb1_ref[...], 0.0)
    spre = jnp.dot(hsg, sgw2_ref[...]) + sgb2_ref[...]
    signew_ref[...] = jnp.maximum(spre, 0.0) + jnp.log1p(jnp.exp(-jnp.abs(spre)))


_SC_MESH = plsc.VectorSubcoreMesh(core_axis_name="c", subcore_axis_name="s")
_SC_PARAMS = pltpu.CompilerParams(needs_layout_passes=False)
_f32 = jnp.float32


def kernel(mu, sigma, edge_index, edge_dist, edge_conf, edge_angle, edge_depth_diff,
           msg_W1, msg_b1, msg_W2, msg_b2,
           mu_W1, mu_b1, mu_W2, mu_b2,
           sig_W1, sig_b1, sig_W2, sig_b2):
    src = edge_index[0]
    dst = edge_index[1]
    flat = src * N + dst
    d = edge_dist[:, 0]
    ef4 = jnp.concatenate([edge_dist, edge_conf, edge_angle, edge_depth_diff], axis=-1)

    p_nodes, ef_proj = pl.pallas_call(
        _proj_body,
        out_shape=(jax.ShapeDtypeStruct((N, H), _f32),
                   jax.ShapeDtypeStruct((NW, NCHUNK, CHUNK, H), _f32)),
    )(mu, sigma, ef4, msg_W1, msg_b1.reshape(1, H))

    adj = pl.kernel(
        _adj_body,
        out_type=jax.ShapeDtypeStruct((N, N), _f32),
        mesh=_SC_MESH,
        compiler_params=_SC_PARAMS,
        scratch_types=[
            pltpu.VMEM((E,), jnp.int32),
            pltpu.VMEM((E,), _f32),
            pltpu.VMEM((ROWS_W, N), _f32),
            pltpu.SemaphoreType.DMA,
        ],
    )(flat, d)

    g_flat = pl.pallas_call(
        _twohop_body,
        out_shape=jax.ShapeDtypeStruct((N * N,), _f32),
    )(adj)

    srcr = src.reshape(NW, NCHUNK, CHUNK)
    dstr = dst.reshape(NW, NCHUNK, CHUNK)
    dstw = dst.reshape(NW, EW)
    flatw = flat.reshape(NW, EW)
    dw = d.reshape(NW, EW)
    agg_p, wsum_p, rsum_p, deg_p, resid = pl.kernel(
        _edge_body,
        out_type=(jax.ShapeDtypeStruct((NC, N, H), _f32),
                  jax.ShapeDtypeStruct((NC, N), _f32),
                  jax.ShapeDtypeStruct((NC, N), _f32),
                  jax.ShapeDtypeStruct((NC, N), _f32),
                  jax.ShapeDtypeStruct((NW, EW), _f32)),
        mesh=_SC_MESH,
        compiler_params=_SC_PARAMS,
        scratch_types=(
            [pltpu.VMEM((CHUNK,), jnp.int32)] * 8
            + [
                pltpu.VMEM((EW,), jnp.int32),
                pltpu.VMEM((EW,), jnp.int32),
                pltpu.VMEM((EW,), _f32),
                pltpu.VMEM((EW,), _f32),
                pltpu.VMEM((EW,), _f32),
                pltpu.VMEM((EW,), _f32),
                pltpu.VMEM((EW,), _f32),
                pltpu.VMEM((ROWS_S,), _f32),
                pltpu.VMEM((CHUNK, H), _f32),
                pltpu.VMEM((CHUNK, H), _f32),
                pltpu.VMEM((CHUNK, H), _f32),
                pltpu.VMEM((CHUNK, H), _f32),
                pltpu.VMEM((CHUNK, H), _f32),
                pltpu.VMEM((CHUNK, H), _f32),
                pltpu.VMEM_SHARED((N, H), _f32),
                pltpu.VMEM_SHARED((N,), _f32),
                pltpu.VMEM_SHARED((N,), _f32),
                pltpu.VMEM_SHARED((N,), _f32),
                pltpu.SemaphoreType.DMA,
                pltpu.SemaphoreType.DMA,
                pltpu.SemaphoreType.DMA,
                pltpu.SemaphoreType.DMA,
                pltpu.SemaphoreType.DMA,
            ]
        ),
    )(srcr, dstr, dstw, flatw, dw, g_flat, p_nodes, ef_proj)

    mu_new, sigma_new = pl.pallas_call(
        _final_body,
        out_shape=(jax.ShapeDtypeStruct((N, H), _f32),
                   jax.ShapeDtypeStruct((N, H), _f32)),
    )(agg_p, wsum_p, rsum_p, deg_p, mu,
      msg_W2, msg_b2.reshape(1, H), mu_W1, mu_b1.reshape(1, H),
      mu_W2, mu_b2.reshape(1, H), sig_W1, sig_b1.reshape(1, H),
      sig_W2, sig_b2.reshape(1, H))

    return (mu_new, sigma_new, resid.reshape(E, 1))

# --- scband reference (transcript-rebuilt; emitter-appended) ---
"""Pipeline reference for scband-geometric-constraint-message-passing-27023934227041 (READ-ONLY COPY).

The authoritative reference and input builder live on the scoring server;
editing this copy changes nothing except your own understanding.
"""

import jax, jax.numpy as jnp
import numpy as np

N = 1024
E = 16384
H = 128
EDGE_FEAT_DIM = 4


def setup_inputs(seed: int = 0) -> dict:
    key = jax.random.key(seed)
    ks = jax.random.split(key, 20)
    inp = {}
    inp["mu"] = jax.random.normal(ks[0], (N, H), dtype=jnp.float32)
    inp["sigma"] = jax.random.uniform(ks[1], (N, H), dtype=jnp.float32)
    inp["edge_index"] = jax.random.randint(ks[2], (2, E), 0, N, dtype=jnp.int32)
    inp["edge_dist"] = jax.random.uniform(ks[3], (E, 1), dtype=jnp.float32)
    inp["edge_conf"] = jax.random.uniform(ks[4], (E, 1), dtype=jnp.float32)
    inp["edge_angle"] = jax.random.normal(ks[5], (E, 1), dtype=jnp.float32)
    inp["edge_depth_diff"] = jax.random.normal(ks[6], (E, 1), dtype=jnp.float32)
    # learned parameters (x @ W + b convention)
    inp["msg_W1"] = jax.random.normal(ks[7], (2 * H + EDGE_FEAT_DIM, H), dtype=jnp.float32) * 0.05
    inp["msg_b1"] = jnp.zeros((H,), dtype=jnp.float32)
    inp["msg_W2"] = jax.random.normal(ks[8], (H, H), dtype=jnp.float32) * 0.05
    inp["msg_b2"] = jnp.zeros((H,), dtype=jnp.float32)
    inp["mu_W1"] = jax.random.normal(ks[9], (H, H), dtype=jnp.float32) * 0.05
    inp["mu_b1"] = jnp.zeros((H,), dtype=jnp.float32)
    inp["mu_W2"] = jax.random.normal(ks[10], (H, H), dtype=jnp.float32) * 0.05
    inp["mu_b2"] = jnp.zeros((H,), dtype=jnp.float32)
    inp["sig_W1"] = jax.random.normal(ks[11], (H + 1, H), dtype=jnp.float32) * 0.05
    inp["sig_b1"] = jnp.zeros((H,), dtype=jnp.float32)
    inp["sig_W2"] = jax.random.normal(ks[12], (H, H), dtype=jnp.float32) * 0.05
    inp["sig_b2"] = jnp.zeros((H,), dtype=jnp.float32)
    return inp


def reference(mu, sigma, edge_index, edge_dist, edge_conf, edge_angle, edge_depth_diff,
              msg_W1, msg_b1, msg_W2, msg_b2,
              mu_W1, mu_b1, mu_W2, mu_b2,
              sig_W1, sig_b1, sig_W2, sig_b2):
    src = edge_index[0]
    dst = edge_index[1]
    # ---- compute_consistency_residuals ----
    d_AC = edge_dist[:, 0]
    adj = jnp.full((N, N), -1.0, dtype=jnp.float32).at[src, dst].set(d_AC)
    d_AB = adj[src]                 # (E, N) gather
    d_BC_T = adj[:, dst].T          # (E, N) gather
    valid = (d_AB >= 0) & (d_BC_T >= 0)
    two_hop = jnp.where(valid, d_AB + d_BC_T, 0.0)
    path_count = valid.astype(jnp.float32).sum(axis=1)
    mean_two_hop = jnp.where(path_count > 0,
                             two_hop.sum(axis=1) / jnp.clip(path_count, 1.0, None),
                             d_AC)
    residuals = jnp.abs(d_AC - mean_two_hop)[:, None]   # (E, 1)
    # ---- message passing ----
    weights = jnp.exp(-residuals)
    edge_feat = jnp.concatenate([edge_dist, edge_conf, edge_angle, edge_depth_diff], axis=-1)
    msg_input = jnp.concatenate([mu[src], sigma[src], edge_feat], axis=-1)
    messages = jax.nn.relu(msg_input @ msg_W1 + msg_b1) @ msg_W2 + msg_b2
    weighted_msgs = messages * weights
    agg_msg = jax.ops.segment_sum(weighted_msgs, dst, num_segments=N)
    weight_sum = jax.ops.segment_sum(weights, dst, num_segments=N)
    agg_msg = agg_msg / jnp.clip(weight_sum, 1e-08, None)
    mu_new = mu + (jax.nn.relu(agg_msg @ mu_W1 + mu_b1) @ mu_W2 + mu_b2)
    deg = jax.ops.segment_sum(jnp.ones((E,), dtype=jnp.float32), dst, num_segments=N)
    mean_incoming_r = jax.ops.segment_sum(residuals, dst, num_segments=N) / jnp.clip(deg, 1.0, None)[:, None]
    sigma_input = jnp.concatenate([agg_msg, mean_incoming_r], axis=-1)
    sigma_new = jax.nn.softplus(jax.nn.relu(sigma_input @ sig_W1 + sig_b1) @ sig_W2 + sig_b2)
    return (mu_new, sigma_new, residuals)

if __name__ == "__main__":
    import jax
    _d = setup_inputs()
    print(jax.jit(kernel)(*tuple(_d.values())))

</pallas_src>

<mosaic_0001>
#map = affine_map<(d0, d1) -> (0, 0, 0)>
#map1 = affine_map<(d0, d1) -> (0, 0)>
#map2 = affine_map<(d0, d1) -> (0)>
#map3 = affine_map<(d0, d1) -> (0, 0, 0, 0)>
module attributes {stable_mosaic.version = 14 : i64} {
  func.func @_edge_body(%arg0: i32, %arg1: i32, %arg2: memref<32x4x128xi32, #tpu.memory_space<hbm>>, %arg3: memref<32x4x128xi32, #tpu.memory_space<hbm>>, %arg4: memref<32x512xi32, #tpu.memory_space<hbm>>, %arg5: memref<32x512xi32, #tpu.memory_space<hbm>>, %arg6: memref<32x512xf32, #tpu.memory_space<hbm>>, %arg7: memref<1048576xf32, #tpu.memory_space<hbm>>, %arg8: memref<1024x128xf32, #tpu.memory_space<hbm>>, %arg9: memref<32x4x128x128xf32, #tpu.memory_space<hbm>>, %arg10: memref<2x1024x128xf32, #tpu.memory_space<hbm>>, %arg11: memref<2x1024xf32, #tpu.memory_space<hbm>>, %arg12: memref<2x1024xf32, #tpu.memory_space<hbm>>, %arg13: memref<2x1024xf32, #tpu.memory_space<hbm>>, %arg14: memref<32x512xf32, #tpu.memory_space<hbm>>, %arg15: memref<128xi32, #tpu.memory_space<vmem>>, %arg16: memref<128xi32, #tpu.memory_space<vmem>>, %arg17: memref<128xi32, #tpu.memory_space<vmem>>, %arg18: memref<128xi32, #tpu.memory_space<vmem>>, %arg19: memref<128xi32, #tpu.memory_space<vmem>>, %arg20: memref<128xi32, #tpu.memory_space<vmem>>, %arg21: memref<128xi32, #tpu.memory_space<vmem>>, %arg22: memref<128xi32, #tpu.memory_space<vmem>>, %arg23: memref<512xi32, #tpu.memory_space<vmem>>, %arg24: memref<512xi32, #tpu.memory_space<vmem>>, %arg25: memref<512xf32, #tpu.memory_space<vmem>>, %arg26: memref<512xf32, #tpu.memory_space<vmem>>, %arg27: memref<512xf32, #tpu.memory_space<vmem>>, %arg28: memref<512xf32, #tpu.memory_space<vmem>>, %arg29: memref<512xf32, #tpu.memory_space<vmem>>, %arg30: memref<64xf32, #tpu.memory_space<vmem>>, %arg31: memref<128x128xf32, #tpu.memory_space<vmem>>, %arg32: memref<128x128xf32, #tpu.memory_space<vmem>>, %arg33: memref<128x128xf32, #tpu.memory_space<vmem>>, %arg34: memref<128x128xf32, #tpu.memory_space<vmem>>, %arg35: memref<128x128xf32, #tpu.memory_space<vmem>>, %arg36: memref<128x128xf32, #tpu.memory_space<vmem>>, %arg37: memref<1024x128xf32, #tpu.memory_space<vmem_shared>>, %arg38: memref<1024xf32, #tpu.memory_space<vmem_shared>>, %arg39: memref<1024xf32, #tpu.memory_space<vmem_shared>>, %arg40: memref<1024xf32, #tpu.memory_space<vmem_shared>>, %arg41: memref<!tpu.dma_semaphore, #tpu.memory_space<semaphore_mem>>, %arg42: memref<!tpu.dma_semaphore, #tpu.memory_space<semaphore_mem>>, %arg43: memref<!tpu.dma_semaphore, #tpu.memory_space<semaphore_mem>>, %arg44: memref<!tpu.dma_semaphore, #tpu.memory_space<semaphore_mem>>, %arg45: memref<!tpu.dma_semaphore, #tpu.memory_space<semaphore_mem>>) attributes {dimension_semantics = [#tpu.dimension_semantics<core_parallel>, #tpu.dimension_semantics<subcore_parallel>], iteration_bounds = array<i64: 2, 16>, scalar_prefetch = 0 : i64, scratch_operands = 31 : i64, tpu.core_type = #tpu.core_type<sc_vector_subcore>, window_params = [{transform_indices = #map}, {transform_indices = #map}, {transform_indices = #map1}, {transform_indices = #map1}, {transform_indices = #map1}, {transform_indices = #map2}, {transform_indices = #map1}, {transform_indices = #map3}, {transform_indices = #map}, {transform_indices = #map1}, {transform_indices = #map1}, {transform_indices = #map1}, {transform_indices = #map1}]} {
    %mul3A = arith.constant 16 : i32
    %mul3A_0 = arith.muli %arg0, %mul3A : i32
    %add3A = arith.addi %mul3A_0, %arg1 : i32
    %dma_start3A = arith.constant 0 : i32
    %dma_start3A_1 = arith.constant 0 : i32
    %dma_start3A_2 = tpu.memref_slice %arg2[%add3A, %dma_start3A, %dma_start3A_1] : memref<32x4x128xi32, #tpu.memory_space<hbm>> -> memref<1x1x128xi32, #tpu.memory_space<hbm>>
    %dma_start3A_3 = tpu.memref_squeeze %dma_start3A_2 : memref<1x1x128xi32, #tpu.memory_space<hbm>> -> memref<128xi32, #tpu.memory_space<hbm>>
    %dma_start3A_4 = arith.constant 0 : i32
    %dma_start3A_5 = tpu.memref_slice %arg2[%add3A, %dma_start3A, %dma_start3A_4] : memref<32x4x128xi32, #tpu.memory_space<hbm>> -> memref<1x1x128xi32, #tpu.memory_space<hbm>>
    %dma_start3A_6 = tpu.memref_squeeze %dma_start3A_5 : memref<1x1x128xi32, #tpu.memory_space<hbm>> -> memref<128xi32, #tpu.memory_space<hbm>>
    tpu.enqueue_dma source(%dma_start3A_6 : memref<128xi32, #tpu.memory_space<hbm>>) target(%arg15 : memref<128xi32, #tpu.memory_space<vmem>>) target_semaphore(%arg41 : memref<!tpu.dma_semaphore, #tpu.memory_space<semaphore_mem>>)
    %dma_start3A_7 = arith.constant 0 : i32
    %dma_start3A_8 = arith.constant 0 : i32
    %dma_start3A_9 = tpu.memref_slice %arg3[%add3A, %dma_start3A_7, %dma_start3A_8] : memref<32x4x128xi32, #tpu.memory_space<hbm>> -> memref<1x1x128xi32, #tpu.memory_space<hbm>>
    %dma_start3A_10 = tpu.memref_squeeze %dma_start3A_9 : memref<1x1x128xi32, #tpu.memory_space<hbm>> -> memref<128xi32, #tpu.memory_space<hbm>>
    %dma_start3A_11 = arith.constant 0 : i32
    %dma_start3A_12 = tpu.memref_slice %arg3[%add3A, %dma_start3A_7, %dma_start3A_11] : memref<32x4x128xi32, #tpu.memory_space<hbm>> -> memref<1x1x128xi32, #tpu.memory_space<hbm>>
    %dma_start3A_13 = tpu.memref_squeeze %dma_start3A_12 : memref<1x1x128xi32, #tpu.memory_space<hbm>> -> memref<128xi32, #tpu.memory_space<hbm>>
    tpu.enqueue_dma source(%dma_start3A_13 : memref<128xi32, #tpu.memory_space<hbm>>) target(%arg19 : memref<128xi32, #tpu.memory_space<vmem>>) target_semaphore(%arg41 : memref<!tpu.dma_semaphore, #tpu.memory_space<semaphore_mem>>)
    %dma_start3A_14 = arith.constant 1 : i32
    %dma_start3A_15 = arith.constant 0 : i32
    %dma_start3A_16 = tpu.memref_slice %arg2[%add3A, %dma_start3A_14, %dma_start3A_15] : memref<32x4x128xi32, #tpu.memory_space<hbm>> -> memref<1x1x128xi32, #tpu.memory_space<hbm>>
    %dma_start3A_17 = tpu.memref_squeeze %dma_start3A_16 : memref<1x1x128xi32, #tpu.memory_space<hbm>> -> memref<128xi32, #tpu.memory_space<hbm>>
    %dma_start3A_18 = arith.constant 0 : i32
    %dma_start3A_19 = tpu.memref_slice %arg2[%add3A, %dma_start3A_14, %dma_start3A_18] : memref<32x4x128xi32, #tpu.memory_space<hbm>> -> memref<1x1x128xi32, #tpu.memory_space<hbm>>
    %dma_start3A_20 = tpu.memref_squeeze %dma_start3A_19 : memref<1x1x128xi32, #tpu.memory_space<hbm>> -> memref<128xi32, #tpu.memory_space<hbm>>
    tpu.enqueue_dma source(%dma_start3A_20 : memref<128xi32, #tpu.memory_space<hbm>>) target(%arg16 : memref<128xi32, #tpu.memory_space<vmem>>) target_semaphore(%arg41 : memref<!tpu.dma_semaphore, #tpu.memory_space<semaphore_mem>>)
    %dma_start3A_21 = arith.constant 1 : i32
    %dma_start3A_22 = arith.constant 0 : i32
    %dma_start3A_23 = tpu.memref_slice %arg3[%add3A, %dma_start3A_21, %dma_start3A_22] : memref<32x4x128xi32, #tpu.memory_space<hbm>> -> memref<1x1x128xi32, #tpu.memory_space<hbm>>
    %dma_start3A_24 = tpu.memref_squeeze %dma_start3A_23 : memref<1x1x128xi32, #tpu.memory_space<hbm>> -> memref<128xi32, #tpu.memory_space<hbm>>
    %dma_start3A_25 = arith.constant 0 : i32
    %dma_start3A_26 = tpu.memref_slice %arg3[%add3A, %dma_start3A_21, %dma_start3A_25] : memref<32x4x128xi32, #tpu.memory_space<hbm>> -> memref<1x1x128xi32, #tpu.memory_space<hbm>>
    %dma_start3A_27 = tpu.memref_squeeze %dma_start3A_26 : memref<1x1x128xi32, #tpu.memory_space<hbm>> -> memref<128xi32, #tpu.memory_space<hbm>>
    tpu.enqueue_dma source(%dma_start3A_27 : memref<128xi32, #tpu.memory_space<hbm>>) target(%arg20 : memref<128xi32, #tpu.memory_space<vmem>>) target_semaphore(%arg41 : memref<!tpu.dma_semaphore, #tpu.memory_space<semaphore_mem>>)
    %dma_start3A_28 = arith.constant 2 : i32
    %dma_start3A_29 = arith.constant 0 : i32
    %dma_start3A_30 = tpu.memref_slice %arg2[%add3A, %dma_start3A_28, %dma_start3A_29] : memref<32x4x128xi32, #tpu.memory_space<hbm>> -> memref<1x1x128xi32, #tpu.memory_space<hbm>>
    %dma_start3A_31 = tpu.memref_squeeze %dma_start3A_30 : memref<1x1x128xi32, #tpu.memory_space<hbm>> -> memref<128xi32, #tpu.memory_space<hbm>>
    %dma_start3A_32 = arith.constant 0 : i32
    %dma_start3A_33 = tpu.memref_slice %arg2[%add3A, %dma_start3A_28, %dma_start3A_32] : memref<32x4x128xi32, #tpu.memory_space<hbm>> -> memref<1x1x128xi32, #tpu.memory_space<hbm>>
    %dma_start3A_34 = tpu.memref_squeeze %dma_start3A_33 : memref<1x1x128xi32, #tpu.memory_space<hbm>> -> memref<128xi32, #tpu.memory_space<hbm>>
    tpu.enqueue_dma source(%dma_start3A_34 : memref<128xi32, #tpu.memory_space<hbm>>) target(%arg17 : memref<128xi32, #tpu.memory_space<vmem>>) target_semaphore(%arg41 : memref<!tpu.dma_semaphore, #tpu.memory_space<semaphore_mem>>)
    %dma_start3A_35 = arith.constant 2 : i32
    %dma_start3A_36 = arith.constant 0 : i32
    %dma_start3A_37 = tpu.memref_slice %arg3[%add3A, %dma_start3A_35, %dma_start3A_36] : memref<32x4x128xi32, #tpu.memory_space<hbm>> -> memref<1x1x128xi32, #tpu.memory_space<hbm>>
    %dma_start3A_38 = tpu.memref_squeeze %dma_start3A_37 : memref<1x1x128xi32, #tpu.memory_space<hbm>> -> memref<128xi32, #tpu.memory_space<hbm>>
    %dma_start3A_39 = arith.constant 0 : i32
    %dma_start3A_40 = tpu.memref_slice %arg3[%add3A, %dma_start3A_35, %dma_start3A_39] : memref<32x4x128xi32, #tpu.memory_space<hbm>> -> memref<1x1x128xi32, #tpu.memory_space<hbm>>
    %dma_start3A_41 = tpu.memref_squeeze %dma_start3A_40 : memref<1x1x128xi32, #tpu.memory_space<hbm>> -> memref<128xi32, #tpu.memory_space<hbm>>
    tpu.enqueue_dma source(%dma_start3A_41 : memref<128xi32, #tpu.memory_space<hbm>>) target(%arg21 : memref<128xi32, #tpu.memory_space<vmem>>) target_semaphore(%arg41 : memref<!tpu.dma_semaphore, #tpu.memory_space<semaphore_mem>>)
    %dma_start3A_42 = arith.constant 3 : i32
    %dma_start3A_43 = arith.constant 0 : i32
    %dma_start3A_44 = tpu.memref_slice %arg2[%add3A, %dma_start3A_42, %dma_start3A_43] : memref<32x4x128xi32, #tpu.memory_space<hbm>> -> memref<1x1x128xi32, #tpu.memory_space<hbm>>
    %dma_start3A_45 = tpu.memref_squeeze %dma_start3A_44 : memref<1x1x128xi32, #tpu.memory_space<hbm>> -> memref<128xi32, #tpu.memory_space<hbm>>
    %dma_start3A_46 = arith.constant 0 : i32
    %dma_start3A_47 = tpu.memref_slice %arg2[%add3A, %dma_start3A_42, %dma_start3A_46] : memref<32x4x128xi32, #tpu.memory_space<hbm>> -> memref<1x1x128xi32, #tpu.memory_space<hbm>>
    %dma_start3A_48 = tpu.memref_squeeze %dma_start3A_47 : memref<1x1x128xi32, #tpu.memory_space<hbm>> -> memref<128xi32, #tpu.memory_space<hbm>>
    tpu.enqueue_dma source(%dma_start3A_48 : memref<128xi32, #tpu.memory_space<hbm>>) target(%arg18 : memref<128xi32, #tpu.memory_space<vmem>>) target_semaphore(%arg41 : memref<!tpu.dma_semaphore, #tpu.memory_space<semaphore_mem>>)
    %dma_start3A_49 = arith.constant 3 : i32
    %dma_start3A_50 = arith.constant 0 : i32
    %dma_start3A_51 = tpu.memref_slice %arg3[%add3A, %dma_start3A_49, %dma_start3A_50] : memref<32x4x128xi32, #tpu.memory_space<hbm>> -> memref<1x1x128xi32, #tpu.memory_space<hbm>>
    %dma_start3A_52 = tpu.memref_squeeze %dma_start3A_51 : memref<1x1x128xi32, #tpu.memory_space<hbm>> -> memref<128xi32, #tpu.memory_space<hbm>>
    %dma_start3A_53 = arith.constant 0 : i32
    %dma_start3A_54 = tpu.memref_slice %arg3[%add3A, %dma_start3A_49, %dma_start3A_53] : memref<32x4x128xi32, #tpu.memory_space<hbm>> -> memref<1x1x128xi32, #tpu.memory_space<hbm>>
    %dma_start3A_55 = tpu.memref_squeeze %dma_start3A_54 : memref<1x1x128xi32, #tpu.memory_space<hbm>> -> memref<128xi32, #tpu.memory_space<hbm>>
    tpu.enqueue_dma source(%dma_start3A_55 : memref<128xi32, #tpu.memory_space<hbm>>) target(%arg22 : memref<128xi32, #tpu.memory_space<vmem>>) target_semaphore(%arg41 : memref<!tpu.dma_semaphore, #tpu.memory_space<semaphore_mem>>)
    %dma_start3A_56 = arith.constant 0 : i32
    %dma_start3A_57 = tpu.memref_slice %arg4[%add3A, %dma_start3A_56] : memref<32x512xi32, #tpu.memory_space<hbm>> -> memref<1x512xi32, #tpu.memory_space<hbm>>
    %dma_start3A_58 = tpu.memref_squeeze %dma_start3A_57 : memref<1x512xi32, #tpu.memory_space<hbm>> -> memref<512xi32, #tpu.memory_space<hbm>>
    %dma_start3A_59 = arith.constant 0 : i32
    %dma_start3A_60 = tpu.memref_slice %arg4[%add3A, %dma_start3A_59] : memref<32x512xi32, #tpu.memory_space<hbm>> -> memref<1x512xi32, #tpu.memory_space<hbm>>
    %dma_start3A_61 = tpu.memref_squeeze %dma_start3A_60 : memref<1x512xi32, #tpu.memory_space<hbm>> -> memref<512xi32, #tpu.memory_space<hbm>>
    tpu.enqueue_dma source(%dma_start3A_61 : memref<512xi32, #tpu.memory_space<hbm>>) target(%arg23 : memref<512xi32, #tpu.memory_space<vmem>>) target_semaphore(%arg41 : memref<!tpu.dma_semaphore, #tpu.memory_space<semaphore_mem>>)
    %dma_start3A_62 = arith.constant 0 : i32
    %dma_start3A_63 = tpu.memref_slice %arg5[%add3A, %dma_start3A_62] : memref<32x512xi32, #tpu.memory_space<hbm>> -> memref<1x512xi32, #tpu.memory_space<hbm>>
    %dma_start3A_64 = tpu.memref_squeeze %dma_start3A_63 : memref<1x512xi32, #tpu.memory_space<hbm>> -> memref<512xi32, #tpu.memory_space<hbm>>
    %dma_start3A_65 = arith.constant 0 : i32
    %dma_start3A_66 = tpu.memref_slice %arg5[%add3A, %dma_start3A_65] : memref<32x512xi32, #tpu.memory_space<hbm>> -> memref<1x512xi32, #tpu.memory_space<hbm>>
    %dma_start3A_67 = tpu.memref_squeeze %dma_start3A_66 : memref<1x512xi32, #tpu.memory_space<hbm>> -> memref<512xi32, #tpu.memory_space<hbm>>
    tpu.enqueue_dma source(%dma_start3A_67 : memref<512xi32, #tpu.memory_space<hbm>>) target(%arg24 : memref<512xi32, #tpu.memory_space<vmem>>) target_semaphore(%arg41 : memref<!tpu.dma_semaphore, #tpu.memory_space<semaphore_mem>>)
    %dma_start3A_68 = arith.constant 0 : i32
    %dma_start3A_69 = tpu.memref_slice %arg6[%add3A, %dma_start3A_68] : memref<32x512xf32, #tpu.memory_space<hbm>> -> memref<1x512xf32, #tpu.memory_space<hbm>>
    %dma_start3A_70 = tpu.memref_squeeze %dma_start3A_69 : memref<1x512xf32, #tpu.memory_space<hbm>> -> memref<512xf32, #tpu.memory_space<hbm>>
    %dma_start3A_71 = arith.constant 0 : i32
    %dma_start3A_72 = tpu.memref_slice %arg6[%add3A, %dma_start3A_71] : memref<32x512xf32, #tpu.memory_space<hbm>> -> memref<1x512xf32, #tpu.memory_space<hbm>>
    %dma_start3A_73 = tpu.memref_squeeze %dma_start3A_72 : memref<1x512xf32, #tpu.memory_space<hbm>> -> memref<512xf32, #tpu.memory_space<hbm>>
    tpu.enqueue_dma source(%dma_start3A_73 : memref<512xf32, #tpu.memory_space<hbm>>) target(%arg25 : memref<512xf32, #tpu.memory_space<vmem>>) target_semaphore(%arg41 : memref<!tpu.dma_semaphore, #tpu.memory_space<semaphore_mem>>)
    %mul3A_74 = arith.constant 64 : i32
    %mul3A_75 = arith.muli %arg1, %mul3A_74 : i32
    %broadcast_in_dim3A = arith.constant 0.000000e+00 : f32
    %broadcast_in_dim3A_76 = vector.broadcast %broadcast_in_dim3A : f32 to vector<16xf32>
    %scan3A = arith.constant 0 : i32
    %scan3A_77 = arith.constant 0 : i32
    %scan3A_78 = arith.constant 64 : i32
    %scan3A_79 = arith.addi %scan3A_77, %scan3A_78 : i32
    %scan3A_80 = arith.constant 1 : i32
    scf.for %scan3A_1070 = %scan3A_77 to %scan3A_79 step %scan3A_80  : i32 {
      %swap3A_1071 = arith.index_cast %scan3A_1070 : i32 to index
      %swap3A_1072 = arith.constant 0 : index
      %swap3A_1073 = tpu.vector_load %arg33[%swap3A_1071, %swap3A_1072] {strides = array<i32>} : memref<128x128xf32, #tpu.memory_space<vmem>>, vector<16xf32>,
      tpu.vector_store %arg33[%swap3A_1071, %swap3A_1072], %broadcast_in_dim3A_76 {strides = array<i32>} : memref<128x128xf32, #tpu.memory_space<vmem>>, vector<16xf32>,
      %swap3A_1074 = arith.index_cast %scan3A_1070 : i32 to index
      %swap3A_1075 = arith.constant 16 : index
      %swap3A_1076 = tpu.vector_load %arg33[%swap3A_1074, %swap3A_1075] {strides = array<i32>} : memref<128x128xf32, #tpu.memory_space<vmem>>, vector<16xf32>,
      tpu.vector_store %arg33[%swap3A_1074, %swap3A_1075], %broadcast_in_dim3A_76 {strides = array<i32>} : memref<128x128xf32, #tpu.memory_space<vmem>>, vector<16xf32>,
      %swap3A_1077 = arith.index_cast %scan3A_1070 : i32 to index
      %swap3A_1078 = arith.constant 32 : index
      %swap3A_1079 = tpu.vector_load %arg33[%swap3A_1077, %swap3A_1078] {strides = array<i32>} : memref<128x128xf32, #tpu.memory_space<vmem>>, vector<16xf32>,
      tpu.vector_store %arg33[%swap3A_1077, %swap3A_1078], %broadcast_in_dim3A_76 {strides = array<i32>} : memref<128x128xf32, #tpu.memory_space<vmem>>, vector<16xf32>,
      %swap3A_1080 = arith.index_cast %scan3A_1070 : i32 to index
      %swap3A_1081 = arith.constant 48 : index
      %swap3A_1082 = tpu.vector_load %arg33[%swap3A_1080, %swap3A_1081] {strides = array<i32>} : memref<128x128xf32, #tpu.memory_space<vmem>>, vector<16xf32>,
      tpu.vector_store %arg33[%swap3A_1080, %swap3A_1081], %broadcast_in_dim3A_76 {strides = array<i32>} : memref<128x128xf32, #tpu.memory_space<vmem>>, vector<16xf32>,
      %swap3A_1083 = arith.index_cast %scan3A_1070 : i32 to index
      %swap3A_1084 = arith.constant 64 : index
      %swap3A_1085 = tpu.vector_load %arg33[%swap3A_1083, %swap3A_1084] {strides = array<i32>} : memref<128x128xf32, #tpu.memory_space<vmem>>, vector<16xf32>,
      tpu.vector_store %arg33[%swap3A_1083, %swap3A_1084], %broadcast_in_dim3A_76 {strides = array<i32>} : memref<128x128xf32, #tpu.memory_space<vmem>>, vector<16xf32>,
      %swap3A_1086 = arith.index_cast %scan3A_1070 : i32 to index
      %swap3A_1087 = arith.constant 80 : index
      %swap3A_1088 = tpu.vector_load %arg33[%swap3A_1086, %swap3A_1087] {strides = array<i32>} : memref<128x128xf32, #tpu.memory_space<vmem>>, vector<16xf32>,
      tpu.vector_store %arg33[%swap3A_1086, %swap3A_1087], %broadcast_in_dim3A_76 {strides = array<i32>} : memref<128x128xf32, #tpu.memory_space<vmem>>, vector<16xf32>,
      %swap3A_1089 = arith.index_cast %scan3A_1070 : i32 to index
      %swap3A_1090 = arith.constant 96 : index
      %swap3A_1091 = tpu.vector_load %arg33[%swap3A_1089, %swap3A_1090] {strides = array<i32>} : memref<128x128xf32, #tpu.memory_space<vmem>>, vector<16xf32>,
      tpu.vector_store %arg33[%swap3A_1089, %swap3A_1090], %broadcast_in_dim3A_76 {strides = array<i32>} : memref<128x128xf32, #tpu.memory_space<vmem>>, vector<16xf32>,
      %swap3A_1092 = arith.index_cast %scan3A_1070 : i32 to index
      %swap3A_1093 = arith.constant 112 : index
      %swap3A_1094 = tpu.vector_load %arg33[%swap3A_1092, %swap3A_1093] {strides = array<i32>} : memref<128x128xf32, #tpu.memory_space<vmem>>, vector<16xf32>,
      tpu.vector_store %arg33[%swap3A_1092, %swap3A_1093], %broadcast_in_dim3A_76 {strides = array<i32>} : memref<128x128xf32, #tpu.memory_space<vmem>>, vector<16xf32>,
    }
    %scan3A_81 = arith.constant 64 : i32
    %swap3A = arith.constant 0 : index
    %swap3A_82 = tpu.vector_load %arg30[%swap3A] {strides = array<i32>} : memref<64xf32, #tpu.memory_space<vmem>>, vector<16xf32>,
    tpu.vector_store %arg30[%swap3A], %broadcast_in_dim3A_76 {strides = array<i32>} : memref<64xf32, #tpu.memory_space<vmem>>, vector<16xf32>,
    %swap3A_83 = arith.constant 16 : index
    %swap3A_84 = tpu.vector_load %arg30[%swap3A_83] {strides = array<i32>} : memref<64xf32, #tpu.memory_space<vmem>>, vector<16xf32>,
    tpu.vector_store %arg30[%swap3A_83], %broadcast_in_dim3A_76 {strides = array<i32>} : memref<64xf32, #tpu.memory_space<vmem>>, vector<16xf32>,
    %swap3A_85 = arith.constant 32 : index
    %swap3A_86 = tpu.vector_load %arg30[%swap3A_85] {strides = array<i32>} : memref<64xf32, #tpu.memory_space<vmem>>, vector<16xf32>,
    tpu.vector_store %arg30[%swap3A_85], %broadcast_in_dim3A_76 {strides = array<i32>} : memref<64xf32, #tpu.memory_space<vmem>>, vector<16xf32>,
    %swap3A_87 = arith.constant 48 : index
    %swap3A_88 = tpu.vector_load %arg30[%swap3A_87] {strides = array<i32>} : memref<64xf32, #tpu.memory_space<vmem>>, vector<16xf32>,
    tpu.vector_store %arg30[%swap3A_87], %broadcast_in_dim3A_76 {strides = array<i32>} : memref<64xf32, #tpu.memory_space<vmem>>, vector<16xf32>,
    %broadcast_in_dim3A_89 = arith.constant 1.000000e+00 : f32
    %broadcast_in_dim3A_90 = vector.broadcast %broadcast_in_dim3A_89 : f32 to vector<16xf32>
    %swap3A_91 = arith.constant 0 : index
    %swap3A_92 = tpu.vector_load %arg29[%swap3A_91] {strides = array<i32>} : memref<512xf32, #tpu.memory_space<vmem>>, vector<16xf32>,
    tpu.vector_store %arg29[%swap3A_91], %broadcast_in_dim3A_90 {strides = array<i32>} : memref<512xf32, #tpu.memory_space<vmem>>, vector<16xf32>,
    %broadcast_in_dim3A_93 = arith.constant 1.000000e+00 : f32
    %broadcast_in_dim3A_94 = vector.broadcast %broadcast_in_dim3A_93 : f32 to vector<16xf32>
    %swap3A_95 = arith.constant 16 : index
    %swap3A_96 = tpu.vector_load %arg29[%swap3A_95] {strides = array<i32>} : memref<512xf32, #tpu.memory_space<vmem>>, vector<16xf32>,
    tpu.vector_store %arg29[%swap3A_95], %broadcast_in_dim3A_94 {strides = array<i32>} : memref<512xf32, #tpu.memory_space<vmem>>, vector<16xf32>,
    %broadcast_in_dim3A_97 = arith.constant 1.000000e+00 : f32
    %broadcast_in_dim3A_98 = vector.broadcast %broadcast_in_dim3A_97 : f32 to vector<16xf32>
    %swap3A_99 = arith.constant 32 : index
    %swap3A_100 = tpu.vector_load %arg29[%swap3A_99] {strides = array<i32>} : memref<512xf32, #tpu.memory_space<vmem>>, vector<16xf32>,
    tpu.vector_store %arg29[%swap3A_99], %broadcast_in_dim3A_98 {strides = array<i32>} : memref<512xf32, #tpu.memory_space<vmem>>, vector<16xf32>,
    %broadcast_in_dim3A_101 = arith.constant 1.000000e+00 : f32
    %broadcast_in_dim3A_102 = vector.broadcast %broadcast_in_dim3A_101 : f32 to vector<16xf32>
    %swap3A_103 = arith.constant 48 : index
    %swap3A_104 = tpu.vector_load %arg29[%swap3A_103] {strides = array<i32>} : memref<512xf32, #tpu.memory_space<vmem>>, vector<16xf32>,
    tpu.vector_store %arg29[%swap3A_103], %broadcast_in_dim3A_102 {strides = array<i32>} : memref<512xf32, #tpu.memory_space<vmem>>, vector<16xf32>,
    %broadcast_in_dim3A_105 = arith.constant 1.000000e+00 : f32
    %broadcast_in_dim3A_106 = vector.broadcast %broadcast_in_dim3A_105 : f32 to vector<16xf32>
    %swap3A_107 = arith.constant 64 : index
    %swap3A_108 = tpu.vector_load %arg29[%swap3A_107] {strides = array<i32>} : memref<512xf32, #tpu.memory_space<vmem>>, vector<16xf32>,
    tpu.vector_store %arg29[%swap3A_107], %broadcast_in_dim3A_106 {strides = array<i32>} : memref<512xf32, #tpu.memory_space<vmem>>, vector<16xf32>,
    %broadcast_in_dim3A_109 = arith.constant 1.000000e+00 : f32
    %broadcast_in_dim3A_110 = vector.broadcast %broadcast_in_dim3A_109 : f32 to vector<16xf32>
    %swap3A_111 = arith.constant 80 : index
    %swap3A_112 = tpu.vector_load %arg29[%swap3A_111] {strides = array<i32>} : memref<512xf32, #tpu.memory_space<vmem>>, vector<16xf32>,
    tpu.vector_store %arg29[%swap3A_111], %broadcast_in_dim3A_110 {strides = array<i32>} : memref<512xf32, #tpu.memory_space<vmem>>, vector<16xf32>,
    %broadcast_in_dim3A_113 = arith.constant 1.000000e+00 : f32
    %broadcast_in_dim3A_114 = vector.broadcast %broadcast_in_dim3A_113 : f32 to vector<16xf32>
    %swap3A_115 = arith.constant 96 : index
    %swap3A_116 = tpu.vector_load %arg29[%swap3A_115] {strides = array<i32>} : memref<512xf32, #tpu.memory_space<vmem>>, vector<16xf32>,
    tpu.vector_store %arg29[%swap3A_115], %broadcast_in_dim3A_114 {strides = array<i32>} : memref<512xf32, #tpu.memory_space<vmem>>, vector<16xf32>,
    %broadcast_in_dim3A_117 = arith.constant 1.000000e+00 : f32
    %broadcast_in_dim3A_118 = vector.broadcast %broadcast_in_dim3A_117 : f32 to vector<16xf32>
    %swap3A_119 = arith.constant 112 : index
    %swap3A_120 = tpu.vector_load %arg29[%swap3A_119] {strides = array<i32>} : memref<512xf32, #tpu.memory_space<vmem>>, vector<16xf32>,
    tpu.vector_store %arg29[%swap3A_119], %broadcast_in_dim3A_118 {strides = array<i32>} : memref<512xf32, #tpu.memory_space<vmem>>, vector<16xf32>,
    %broadcast_in_dim3A_121 = arith.constant 1.000000e+00 : f32
    %broadcast_in_dim3A_122 = vector.broadcast %broadcast_in_dim3A_121 : f32 to vector<16xf32>
    %swap3A_123 = arith.constant 128 : index
    %swap3A_124 = tpu.vector_load %arg29[%swap3A_123] {strides = array<i32>} : memref<512xf32, #tpu.memory_space<vmem>>, vector<16xf32>,
    tpu.vector_store %arg29[%swap3A_123], %broadcast_in_dim3A_122 {strides = array<i32>} : memref<512xf32, #tpu.memory_space<vmem>>, vector<16xf32>,
    %broadcast_in_dim3A_125 = arith.constant 1.000000e+00 : f32
    %broadcast_in_dim3A_126 = vector.broadcast %broadcast_in_dim3A_125 : f32 to vector<16xf32>
    %swap3A_127 = arith.constant 144 : index
    %swap3A_128 = tpu.vector_load %arg29[%swap3A_127] {strides = array<i32>} : memref<512xf32, #tpu.memory_space<vmem>>, vector<16xf32>,
    tpu.vector_store %arg29[%swap3A_127], %broadcast_in_dim3A_126 {strides = array<i32>} : memref<512xf32, #tpu.memory_space<vmem>>, vector<16xf32>,
    %broadcast_in_dim3A_129 = arith.constant 1.000000e+00 : f32
    %broadcast_in_dim3A_130 = vector.broadcast %broadcast_in_dim3A_129 : f32 to vector<16xf32>
    %swap3A_131 = arith.constant 160 : index
    %swap3A_132 = tpu.vector_load %arg29[%swap3A_131] {strides = array<i32>} : memref<512xf32, #tpu.memory_space<vmem>>, vector<16xf32>,
    tpu.vector_store %arg29[%swap3A_131], %broadcast_in_dim3A_130 {strides = array<i32>} : memref<512xf32, #tpu.memory_space<vmem>>, vector<16xf32>,
    %broadcast_in_dim3A_133 = arith.constant 1.000000e+00 : f32
    %broadcast_in_dim3A_134 = vector.broadcast %broadcast_in_dim3A_133 : f32 to vector<16xf32>
    %swap3A_135 = arith.constant 176 : index
    %swap3A_136 = tpu.vector_load %arg29[%swap3A_135] {strides = array<i32>} : memref<512xf32, #tpu.memory_space<vmem>>, vector<16xf32>,
    tpu.vector_store %arg29[%swap3A_135], %broadcast_in_dim3A_134 {strides = array<i32>} : memref<512xf32, #tpu.memory_space<vmem>>, vector<16xf32>,
    %broadcast_in_dim3A_137 = arith.constant 1.000000e+00 : f32
    %broadcast_in_dim3A_138 = vector.broadcast %broadcast_in_dim3A_137 : f32 to vector<16xf32>
    %swap3A_139 = arith.constant 192 : index
    %swap3A_140 = tpu.vector_load %arg29[%swap3A_139] {strides = array<i32>} : memref<512xf32, #tpu.memory_space<vmem>>, vector<16xf32>,
    tpu.vector_store %arg29[%swap3A_139], %broadcast_in_dim3A_138 {strides = array<i32>} : memref<512xf32, #tpu.memory_space<vmem>>, vector<16xf32>,
    %broadcast_in_dim3A_141 = arith.constant 1.000000e+00 : f32
    %broadcast_in_dim3A_142 = vector.broadcast %broadcast_in_dim3A_141 : f32 to vector<16xf32>
    %swap3A_143 = arith.constant 208 : index
    %swap3A_144 = tpu.vector_load %arg29[%swap3A_143] {strides = array<i32>} : memref<512xf32, #tpu.memory_space<vmem>>, vector<16xf32>,
    tpu.vector_store %arg29[%swap3A_143], %broadcast_in_dim3A_142 {strides = array<i32>} : memref<512xf32, #tpu.memory_space<vmem>>, vector<16xf32>,
    %broadcast_in_dim3A_145 = arith.constant 1.000000e+00 : f32
    %broadcast_in_dim3A_146 = vector.broadcast %broadcast_in_dim3A_145 : f32 to vector<16xf32>
    %swap3A_147 = arith.constant 224 : index
    %swap3A_148 = tpu.vector_load %arg29[%swap3A_147] {strides = array<i32>} : memref<512xf32, #tpu.memory_space<vmem>>, vector<16xf32>,
    tpu.vector_store %arg29[%swap3A_147], %broadcast_in_dim3A_146 {strides = array<i32>} : memref<512xf32, #tpu.memory_space<vmem>>, vector<16xf32>,
    %broadcast_in_dim3A_149 = arith.constant 1.000000e+00 : f32
    %broadcast_in_dim3A_150 = vector.broadcast %broadcast_in_dim3A_149 : f32 to vector<16xf32>
    %swap3A_151 = arith.constant 240 : index
    %swap3A_152 = tpu.vector_load %arg29[%swap3A_151] {strides = array<i32>} : memref<512xf32, #tpu.memory_space<vmem>>, vector<16xf32>,
    tpu.vector_store %arg29[%swap3A_151], %broadcast_in_dim3A_150 {strides = array<i32>} : memref<512xf32, #tpu.memory_space<vmem>>, vector<16xf32>,
    %broadcast_in_dim3A_153 = arith.constant 1.000000e+00 : f32
    %broadcast_in_dim3A_154 = vector.broadcast %broadcast_in_dim3A_153 : f32 to vector<16xf32>
    %swap3A_155 = arith.constant 256 : index
    %swap3A_156 = tpu.vector_load %arg29[%swap3A_155] {strides = array<i32>} : memref<512xf32, #tpu.memory_space<vmem>>, vector<16xf32>,
    tpu.vector_store %arg29[%swap3A_155], %broadcast_in_dim3A_154 {strides = array<i32>} : memref<512xf32, #tpu.memory_space<vmem>>, vector<16xf32>,
    %broadcast_in_dim3A_157 = arith.constant 1.000000e+00 : f32
    %broadcast_in_dim3A_158 = vector.broadcast %broadcast_in_dim3A_157 : f32 to vector<16xf32>
    %swap3A_159 = arith.constant 272 : index
    %swap3A_160 = tpu.vector_load %arg29[%swap3A_159] {strides = array<i32>} : memref<512xf32, #tpu.memory_space<vmem>>, vector<16xf32>,
    tpu.vector_store %arg29[%swap3A_159], %broadcast_in_dim3A_158 {strides = array<i32>} : memref<512xf32, #tpu.memory_space<vmem>>, vector<16xf32>,
    %broadcast_in_dim3A_161 = arith.constant 1.000000e+00 : f32
    %broadcast_in_dim3A_162 = vector.broadcast %broadcast_in_dim3A_161 : f32 to vector<16xf32>
    %swap3A_163 = arith.constant 288 : index
    %swap3A_164 = tpu.vector_load %arg29[%swap3A_163] {strides = array<i32>} : memref<512xf32, #tpu.memory_space<vmem>>, vector<16xf32>,
    tpu.vector_store %arg29[%swap3A_163], %broadcast_in_dim3A_162 {strides = array<i32>} : memref<512xf32, #tpu.memory_space<vmem>>, vector<16xf32>,
    %broadcast_in_dim3A_165 = arith.constant 1.000000e+00 : f32
    %broadcast_in_dim3A_166 = vector.broadcast %broadcast_in_dim3A_165 : f32 to vector<16xf32>
    %swap3A_167 = arith.constant 304 : index
    %swap3A_168 = tpu.vector_load %arg29[%swap3A_167] {strides = array<i32>} : memref<512xf32, #tpu.memory_space<vmem>>, vector<16xf32>,
    tpu.vector_store %arg29[%swap3A_167], %broadcast_in_dim3A_166 {strides = array<i32>} : memref<512xf32, #tpu.memory_space<vmem>>, vector<16xf32>,
    %broadcast_in_dim3A_169 = arith.constant 1.000000e+00 : f32
    %broadcast_in_dim3A_170 = vector.broadcast %broadcast_in_dim3A_169 : f32 to vector<16xf32>
    %swap3A_171 = arith.constant 320 : index
    %swap3A_172 = tpu.vector_load %arg29[%swap3A_171] {strides = array<i32>} : memref<512xf32, #tpu.memory_space<vmem>>, vector<16xf32>,
    tpu.vector_store %arg29[%swap3A_171], %broadcast_in_dim3A_170 {strides = array<i32>} : memref<512xf32, #tpu.memory_space<vmem>>, vector<16xf32>,
    %broadcast_in_dim3A_173 = arith.constant 1.000000e+00 : f32
    %broadcast_in_dim3A_174 = vector.broadcast %broadcast_in_dim3A_173 : f32 to vector<16xf32>
    %swap3A_175 = arith.constant 336 : index
    %swap3A_176 = tpu.vector_load %arg29[%swap3A_175] {strides = array<i32>} : memref<512xf32, #tpu.memory_space<vmem>>, vector<16xf32>,
    tpu.vector_store %arg29[%swap3A_175], %broadcast_in_dim3A_174 {strides = array<i32>} : memref<512xf32, #tpu.memory_space<vmem>>, vector<16xf32>,
    %broadcast_in_dim3A_177 = arith.constant 1.000000e+00 : f32
    %broadcast_in_dim3A_178 = vector.broadcast %broadcast_in_dim3A_177 : f32 to vector<16xf32>
    %swap3A_179 = arith.constant 352 : index
    %swap3A_180 = tpu.vector_load %arg29[%swap3A_179] {strides = array<i32>} : memref<512xf32, #tpu.memory_space<vmem>>, vector<16xf32>,
    tpu.vector_store %arg29[%swap3A_179], %broadcast_in_dim3A_178 {strides = array<i32>} : memref<512xf32, #tpu.memory_space<vmem>>, vector<16xf32>,
    %broadcast_in_dim3A_181 = arith.constant 1.000000e+00 : f32
    %broadcast_in_dim3A_182 = vector.broadcast %broadcast_in_dim3A_181 : f32 to vector<16xf32>
    %swap3A_183 = arith.constant 368 : index
    %swap3A_184 = tpu.vector_load %arg29[%swap3A_183] {strides = array<i32>} : memref<512xf32, #tpu.memory_space<vmem>>, vector<16xf32>,
    tpu.vector_store %arg29[%swap3A_183], %broadcast_in_dim3A_182 {strides = array<i32>} : memref<512xf32, #tpu.memory_space<vmem>>, vector<16xf32>,
    %broadcast_in_dim3A_185 = arith.constant 1.000000e+00 : f32
    %broadcast_in_dim3A_186 = vector.broadcast %broadcast_in_dim3A_185 : f32 to vector<16xf32>
    %swap3A_187 = arith.constant 384 : index
    %swap3A_188 = tpu.vector_load %arg29[%swap3A_187] {strides = array<i32>} : memref<512xf32, #tpu.memory_space<vmem>>, vector<16xf32>,
    tpu.vector_store %arg29[%swap3A_187], %broadcast_in_dim3A_186 {strides = array<i32>} : memref<512xf32, #tpu.memory_space<vmem>>, vector<16xf32>,
    %broadcast_in_dim3A_189 = arith.constant 1.000000e+00 : f32
    %broadcast_in_dim3A_190 = vector.broadcast %broadcast_in_dim3A_189 : f32 to vector<16xf32>
    %swap3A_191 = arith.constant 400 : index
    %swap3A_192 = tpu.vector_load %arg29[%swap3A_191] {strides = array<i32>} : memref<512xf32, #tpu.memory_space<vmem>>, vector<16xf32>,
    tpu.vector_store %arg29[%swap3A_191], %broadcast_in_dim3A_190 {strides = array<i32>} : memref<512xf32, #tpu.memory_space<vmem>>, vector<16xf32>,
    %broadcast_in_dim3A_193 = arith.constant 1.000000e+00 : f32
    %broadcast_in_dim3A_194 = vector.broadcast %broadcast_in_dim3A_193 : f32 to vector<16xf32>
    %swap3A_195 = arith.constant 416 : index
    %swap3A_196 = tpu.vector_load %arg29[%swap3A_195] {strides = array<i32>} : memref<512xf32, #tpu.memory_space<vmem>>, vector<16xf32>,
    tpu.vector_store %arg29[%swap3A_195], %broadcast_in_dim3A_194 {strides = array<i32>} : memref<512xf32, #tpu.memory_space<vmem>>, vector<16xf32>,
    %broadcast_in_dim3A_197 = arith.constant 1.000000e+00 : f32
    %broadcast_in_dim3A_198 = vector.broadcast %broadcast_in_dim3A_197 : f32 to vector<16xf32>
    %swap3A_199 = arith.constant 432 : index
    %swap3A_200 = tpu.vector_load %arg29[%swap3A_199] {strides = array<i32>} : memref<512xf32, #tpu.memory_space<vmem>>, vector<16xf32>,
    tpu.vector_store %arg29[%swap3A_199], %broadcast_in_dim3A_198 {strides = array<i32>} : memref<512xf32, #tpu.memory_space<vmem>>, vector<16xf32>,
    %broadcast_in_dim3A_201 = arith.constant 1.000000e+00 : f32
    %broadcast_in_dim3A_202 = vector.broadcast %broadcast_in_dim3A_201 : f32 to vector<16xf32>
    %swap3A_203 = arith.constant 448 : index
    %swap3A_204 = tpu.vector_load %arg29[%swap3A_203] {strides = array<i32>} : memref<512xf32, #tpu.memory_space<vmem>>, vector<16xf32>,
    tpu.vector_store %arg29[%swap3A_203], %broadcast_in_dim3A_202 {strides = array<i32>} : memref<512xf32, #tpu.memory_space<vmem>>, vector<16xf32>,
    %broadcast_in_dim3A_205 = arith.constant 1.000000e+00 : f32
    %broadcast_in_dim3A_206 = vector.broadcast %broadcast_in_dim3A_205 : f32 to vector<16xf32>
    %swap3A_207 = arith.constant 464 : index
    %swap3A_208 = tpu.vector_load %arg29[%swap3A_207] {strides = array<i32>} : memref<512xf32, #tpu.memory_space<vmem>>, vector<16xf32>,
    tpu.vector_store %arg29[%swap3A_207], %broadcast_in_dim3A_206 {strides = array<i32>} : memref<512xf32, #tpu.memory_space<vmem>>, vector<16xf32>,
    %broadcast_in_dim3A_209 = arith.constant 1.000000e+00 : f32
    %broadcast_in_dim3A_210 = vector.broadcast %broadcast_in_dim3A_209 : f32 to vector<16xf32>
    %swap3A_211 = arith.constant 480 : index
    %swap3A_212 = tpu.vector_load %arg29[%swap3A_211] {strides = array<i32>} : memref<512xf32, #tpu.memory_space<vmem>>, vector<16xf32>,
    tpu.vector_store %arg29[%swap3A_211], %broadcast_in_dim3A_210 {strides = array<i32>} : memref<512xf32, #tpu.memory_space<vmem>>, vector<16xf32>,
    %broadcast_in_dim3A_213 = arith.constant 1.000000e+00 : f32
    %broadcast_in_dim3A_214 = vector.broadcast %broadcast_in_dim3A_213 : f32 to vector<16xf32>
    %swap3A_215 = arith.constant 496 : index
    %swap3A_216 = tpu.vector_load %arg29[%swap3A_215] {strides = array<i32>} : memref<512xf32, #tpu.memory_space<vmem>>, vector<16xf32>,
    tpu.vector_store %arg29[%swap3A_215], %broadcast_in_dim3A_214 {strides = array<i32>} : memref<512xf32, #tpu.memory_space<vmem>>, vector<16xf32>,
    "tpu.region"() ({
      %run_scoped3A = tpu.sem_alloc : memref<!tpu.dma_semaphore, #tpu.memory_space<semaphore_mem>>
      %dma_start3A_1070 = arith.constant 0 : i32
      %dma_start3A_1071 = arith.constant 0 : i32
      %dma_start3A_1072 = tpu.memref_slice %arg33[%dma_start3A_1070, %dma_start3A_1071] : memref<128x128xf32, #tpu.memory_space<vmem>> -> memref<64x128xf32, #tpu.memory_space<vmem>>
      %dma_start3A_1073 = arith.constant 0 : i32
      %dma_start3A_1074 = tpu.memref_slice %arg37[%mul3A_75, %dma_start3A_1073] : memref<1024x128xf32, #tpu.memory_space<vmem_shared>> -> memref<64x128xf32, #tpu.memory_space<vmem_shared>>
      %dma_start3A_1075 = arith.constant 0 : i32
      %dma_start3A_1076 = tpu.memref_slice %arg37[%mul3A_75, %dma_start3A_1075] : memref<1024x128xf32, #tpu.memory_space<vmem_shared>> -> memref<64x128xf32, #tpu.memory_space<vmem_shared>>
      %dma_start3A_1077 = arith.constant 0 : i32
      %dma_start3A_1078 = arith.constant 0 : i32
      %dma_start3A_1079 = tpu.memref_slice %arg33[%dma_start3A_1077, %dma_start3A_1078] : memref<128x128xf32, #tpu.memory_space<vmem>> -> memref<64x128xf32, #tpu.memory_space<vmem>>
      tpu.enqueue_dma source(%dma_start3A_1079 : memref<64x128xf32, #tpu.memory_space<vmem>>) target(%dma_start3A_1076 : memref<64x128xf32, #tpu.memory_space<vmem_shared>>) target_semaphore(%run_scoped3A : memref<!tpu.dma_semaphore, #tpu.memory_space<semaphore_mem>>)
      %dma_wait3A_1080 = arith.constant 0 : i32
      %dma_wait3A_1081 = arith.constant 0 : i32
      %dma_wait3A_1082 = tpu.memref_slice %arg33[%dma_wait3A_1080, %dma_wait3A_1081] : memref<128x128xf32, #tpu.memory_space<vmem>> -> memref<64x128xf32, #tpu.memory_space<vmem>>
      %dma_wait3A_1083 = arith.constant 0 : i32
      %dma_wait3A_1084 = tpu.memref_slice %arg37[%mul3A_75, %dma_wait3A_1083] : memref<1024x128xf32, #tpu.memory_space<vmem_shared>> -> memref<64x128xf32, #tpu.memory_space<vmem_shared>>
      %dma_wait3A_1085 = arith.constant 0 : i32
      %dma_wait3A_1086 = tpu.memref_slice %arg37[%mul3A_75, %dma_wait3A_1085] : memref<1024x128xf32, #tpu.memory_space<vmem_shared>> -> memref<64x128xf32, #tpu.memory_space<vmem_shared>>
      %dma_wait3A_1087 = arith.constant 0 : i32
      %dma_wait3A_1088 = arith.constant 0 : i32
      %dma_wait3A_1089 = tpu.memref_slice %arg33[%dma_wait3A_1087, %dma_wait3A_1088] : memref<128x128xf32, #tpu.memory_space<vmem>> -> memref<64x128xf32, #tpu.memory_space<vmem>>
      tpu.wait_dma2 semaphore(%run_scoped3A : memref<!tpu.dma_semaphore, #tpu.memory_space<semaphore_mem>>) src(%dma_wait3A_1089 : memref<64x128xf32, #tpu.memory_space<vmem>>) dst(%dma_wait3A_1086 : memref<64x128xf32, #tpu.memory_space<vmem_shared>>)
      tpu.yield
    }) : () -> ()
    "tpu.region"() ({
      %run_scoped3A = tpu.sem_alloc : memref<!tpu.dma_semaphore, #tpu.memory_space<semaphore_mem>>
      %dma_start3A_1070 = tpu.memref_slice %arg38[%mul3A_75] : memref<1024xf32, #tpu.memory_space<vmem_shared>> -> memref<64xf32, #tpu.memory_space<vmem_shared>>
      %dma_start3A_1071 = tpu.memref_slice %arg38[%mul3A_75] : memref<1024xf32, #tpu.memory_space<vmem_shared>> -> memref<64xf32, #tpu.memory_space<vmem_shared>>
      tpu.enqueue_dma source(%arg30 : memref<64xf32, #tpu.memory_space<vmem>>) target(%dma_start3A_1071 : memref<64xf32, #tpu.memory_space<vmem_shared>>) target_semaphore(%run_scoped3A : memref<!tpu.dma_semaphore, #tpu.memory_space<semaphore_mem>>)
      %dma_wait3A_1072 = tpu.memref_slice %arg38[%mul3A_75] : memref<1024xf32, #tpu.memory_space<vmem_shared>> -> memref<64xf32, #tpu.memory_space<vmem_shared>>
      %dma_wait3A_1073 = tpu.memref_slice %arg38[%mul3A_75] : memref<1024xf32, #tpu.memory_space<vmem_shared>> -> memref<64xf32, #tpu.memory_space<vmem_shared>>
      tpu.wait_dma2 semaphore(%run_scoped3A : memref<!tpu.dma_semaphore, #tpu.memory_space<semaphore_mem>>) src(%arg30 : memref<64xf32, #tpu.memory_space<vmem>>) dst(%dma_wait3A_1073 : memref<64xf32, #tpu.memory_space<vmem_shared>>)
      tpu.yield
    }) : () -> ()
    "tpu.region"() ({
      %run_scoped3A = tpu.sem_alloc : memref<!tpu.dma_semaphore, #tpu.memory_space<semaphore_mem>>
      %dma_start3A_1070 = tpu.memref_slice %arg39[%mul3A_75] : memref<1024xf32, #tpu.memory_space<vmem_shared>> -> memref<64xf32, #tpu.memory_space<vmem_shared>>
      %dma_start3A_1071 = tpu.memref_slice %arg39[%mul3A_75] : memref<1024xf32, #tpu.memory_space<vmem_shared>> -> memref<64xf32, #tpu.memory_space<vmem_shared>>
      tpu.enqueue_dma source(%arg30 : memref<64xf32, #tpu.memory_space<vmem>>) target(%dma_start3A_1071 : memref<64xf32, #tpu.memory_space<vmem_shared>>) target_semaphore(%run_scoped3A : memref<!tpu.dma_semaphore, #tpu.memory_space<semaphore_mem>>)
      %dma_wait3A_1072 = tpu.memref_slice %arg39[%mul3A_75] : memref<1024xf32, #tpu.memory_space<vmem_shared>> -> memref<64xf32, #tpu.memory_space<vmem_shared>>
      %dma_wait3A_1073 = tpu.memref_slice %arg39[%mul3A_75] : memref<1024xf32, #tpu.memory_space<vmem_shared>> -> memref<64xf32, #tpu.memory_space<vmem_shared>>
      tpu.wait_dma2 semaphore(%run_scoped3A : memref<!tpu.dma_semaphore, #tpu.memory_space<semaphore_mem>>) src(%arg30 : memref<64xf32, #tpu.memory_space<vmem>>) dst(%dma_wait3A_1073 : memref<64xf32, #tpu.memory_space<vmem_shared>>)
      tpu.yield
    }) : () -> ()
    "tpu.region"() ({
      %run_scoped3A = tpu.sem_alloc : memref<!tpu.dma_semaphore, #tpu.memory_space<semaphore_mem>>
      %dma_start3A_1070 = tpu.memref_slice %arg40[%mul3A_75] : memref<1024xf32, #tpu.memory_space<vmem_shared>> -> memref<64xf32, #tpu.memory_space<vmem_shared>>
      %dma_start3A_1071 = tpu.memref_slice %arg40[%mul3A_75] : memref<1024xf32, #tpu.memory_space<vmem_shared>> -> memref<64xf32, #tpu.memory_space<vmem_shared>>
      tpu.enqueue_dma source(%arg30 : memref<64xf32, #tpu.memory_space<vmem>>) target(%dma_start3A_1071 : memref<64xf32, #tpu.memory_space<vmem_shared>>) target_semaphore(%run_scoped3A : memref<!tpu.dma_semaphore, #tpu.memory_space<semaphore_mem>>)
      %dma_wait3A_1072 = tpu.memref_slice %arg40[%mul3A_75] : memref<1024xf32, #tpu.memory_space<vmem_shared>> -> memref<64xf32, #tpu.memory_space<vmem_shared>>
      %dma_wait3A_1073 = tpu.memref_slice %arg40[%mul3A_75] : memref<1024xf32, #tpu.memory_space<vmem_shared>> -> memref<64xf32, #tpu.memory_space<vmem_shared>>
      tpu.wait_dma2 semaphore(%run_scoped3A : memref<!tpu.dma_semaphore, #tpu.memory_space<semaphore_mem>>) src(%arg30 : memref<64xf32, #tpu.memory_space<vmem>>) dst(%dma_wait3A_1073 : memref<64xf32, #tpu.memory_space<vmem_shared>>)
      tpu.yield
    }) : () -> ()
    %barrier3A = arith.constant 0 : index
    tpu.barrier barrier_id(%barrier3A)
    %dma_wait3A = arith.constant 0 : i32
    %dma_wait3A_217 = arith.constant 0 : i32
    %dma_wait3A_218 = tpu.memref_slice %arg2[%add3A, %dma_wait3A, %dma_wait3A_217] : memref<32x4x128xi32, #tpu.memory_space<hbm>> -> memref<1x1x128xi32, #tpu.memory_space<hbm>>
    %dma_wait3A_219 = tpu.memref_squeeze %dma_wait3A_218 : memref<1x1x128xi32, #tpu.memory_space<hbm>> -> memref<128xi32, #tpu.memory_space<hbm>>
    %dma_wait3A_220 = arith.constant 0 : i32
    %dma_wait3A_221 = tpu.memref_slice %arg2[%add3A, %dma_wait3A, %dma_wait3A_220] : memref<32x4x128xi32, #tpu.memory_space<hbm>> -> memref<1x1x128xi32, #tpu.memory_space<hbm>>
    %dma_wait3A_222 = tpu.memref_squeeze %dma_wait3A_221 : memref<1x1x128xi32, #tpu.memory_space<hbm>> -> memref<128xi32, #tpu.memory_space<hbm>>
    tpu.wait_dma2 semaphore(%arg41 : memref<!tpu.dma_semaphore, #tpu.memory_space<semaphore_mem>>) src(%dma_wait3A_222 : memref<128xi32, #tpu.memory_space<hbm>>) dst(%arg15 : memref<128xi32, #tpu.memory_space<vmem>>)
    %dma_wait3A_223 = arith.constant 0 : i32
    %dma_wait3A_224 = arith.constant 0 : i32
    %dma_wait3A_225 = tpu.memref_slice %arg3[%add3A, %dma_wait3A_223, %dma_wait3A_224] : memref<32x4x128xi32, #tpu.memory_space<hbm>> -> memref<1x1x128xi32, #tpu.memory_space<hbm>>
    %dma_wait3A_226 = tpu.memref_squeeze %dma_wait3A_225 : memref<1x1x128xi32, #tpu.memory_space<hbm>> -> memref<128xi32, #tpu.memory_space<hbm>>
    %dma_wait3A_227 = arith.constant 0 : i32
    %dma_wait3A_228 = tpu.memref_slice %arg3[%add3A, %dma_wait3A_223, %dma_wait3A_227] : memref<32x4x128xi32, #tpu.memory_space<hbm>> -> memref<1x1x128xi32, #tpu.memory_space<hbm>>
    %dma_wait3A_229 = tpu.memref_squeeze %dma_wait3A_228 : memref<1x1x128xi32, #tpu.memory_space<hbm>> -> memref<128xi32, #tpu.memory_space<hbm>>
    tpu.wait_dma2 semaphore(%arg41 : memref<!tpu.dma_semaphore, #tpu.memory_space<semaphore_mem>>) src(%dma_wait3A_229 : memref<128xi32, #tpu.memory_space<hbm>>) dst(%arg19 : memref<128xi32, #tpu.memory_space<vmem>>)
    %dma_wait3A_230 = arith.constant 1 : i32
    %dma_wait3A_231 = arith.constant 0 : i32
    %dma_wait3A_232 = tpu.memref_slice %arg2[%add3A, %dma_wait3A_230, %dma_wait3A_231] : memref<32x4x128xi32, #tpu.memory_space<hbm>> -> memref<1x1x128xi32, #tpu.memory_space<hbm>>
    %dma_wait3A_233 = tpu.memref_squeeze %dma_wait3A_232 : memref<1x1x128xi32, #tpu.memory_space<hbm>> -> memref<128xi32, #tpu.memory_space<hbm>>
    %dma_wait3A_234 = arith.constant 0 : i32
    %dma_wait3A_235 = tpu.memref_slice %arg2[%add3A, %dma_wait3A_230, %dma_wait3A_234] : memref<32x4x128xi32, #tpu.memory_space<hbm>> -> memref<1x1x128xi32, #tpu.memory_space<hbm>>
    %dma_wait3A_236 = tpu.memref_squeeze %dma_wait3A_235 : memref<1x1x128xi32, #tpu.memory_space<hbm>> -> memref<128xi32, #tpu.memory_space<hbm>>
    tpu.wait_dma2 semaphore(%arg41 : memref<!tpu.dma_semaphore, #tpu.memory_space<semaphore_mem>>) src(%dma_wait3A_236 : memref<128xi32, #tpu.memory_space<hbm>>) dst(%arg16 : memref<128xi32, #tpu.memory_space<vmem>>)
    %dma_wait3A_237 = arith.constant 1 : i32
    %dma_wait3A_238 = arith.constant 0 : i32
    %dma_wait3A_239 = tpu.memref_slice %arg3[%add3A, %dma_wait3A_237, %dma_wait3A_238] : memref<32x4x128xi32, #tpu.memory_space<hbm>> -> memref<1x1x128xi32, #tpu.memory_space<hbm>>
    %dma_wait3A_240 = tpu.memref_squeeze %dma_wait3A_239 : memref<1x1x128xi32, #tpu.memory_space<hbm>> -> memref<128xi32, #tpu.memory_space<hbm>>
    %dma_wait3A_241 = arith.constant 0 : i32
    %dma_wait3A_242 = tpu.memref_slice %arg3[%add3A, %dma_wait3A_237, %dma_wait3A_241] : memref<32x4x128xi32, #tpu.memory_space<hbm>> -> memref<1x1x128xi32, #tpu.memory_space<hbm>>
    %dma_wait3A_243 = tpu.memref_squeeze %dma_wait3A_242 : memref<1x1x128xi32, #tpu.memory_space<hbm>> -> memref<128xi32, #tpu.memory_space<hbm>>
    tpu.wait_dma2 semaphore(%arg41 : memref<!tpu.dma_semaphore, #tpu.memory_space<semaphore_mem>>) src(%dma_wait3A_243 : memref<128xi32, #tpu.memory_space<hbm>>) dst(%arg20 : memref<128xi32, #tpu.memory_space<vmem>>)
    %dma_wait3A_244 = arith.constant 2 : i32
    %dma_wait3A_245 = arith.constant 0 : i32
    %dma_wait3A_246 = tpu.memref_slice %arg2[%add3A, %dma_wait3A_244, %dma_wait3A_245] : memref<32x4x128xi32, #tpu.memory_space<hbm>> -> memref<1x1x128xi32, #tpu.memory_space<hbm>>
    %dma_wait3A_247 = tpu.memref_squeeze %dma_wait3A_246 : memref<1x1x128xi32, #tpu.memory_space<hbm>> -> memref<128xi32, #tpu.memory_space<hbm>>
    %dma_wait3A_248 = arith.constant 0 : i32
    %dma_wait3A_249 = tpu.memref_slice %arg2[%add3A, %dma_wait3A_244, %dma_wait3A_248] : memref<32x4x128xi32, #tpu.memory_space<hbm>> -> memref<1x1x128xi32, #tpu.memory_space<hbm>>
    %dma_wait3A_250 = tpu.memref_squeeze %dma_wait3A_249 : memref<1x1x128xi32, #tpu.memory_space<hbm>> -> memref<128xi32, #tpu.memory_space<hbm>>
    tpu.wait_dma2 semaphore(%arg41 : memref<!tpu.dma_semaphore, #tpu.memory_space<semaphore_mem>>) src(%dma_wait3A_250 : memref<128xi32, #tpu.memory_space<hbm>>) dst(%arg17 : memref<128xi32, #tpu.memory_space<vmem>>)
    %dma_wait3A_251 = arith.constant 2 : i32
    %dma_wait3A_252 = arith.constant 0 : i32
    %dma_wait3A_253 = tpu.memref_slice %arg3[%add3A, %dma_wait3A_251, %dma_wait3A_252] : memref<32x4x128xi32, #tpu.memory_space<hbm>> -> memref<1x1x128xi32, #tpu.memory_space<hbm>>
    %dma_wait3A_254 = tpu.memref_squeeze %dma_wait3A_253 : memref<1x1x128xi32, #tpu.memory_space<hbm>> -> memref<128xi32, #tpu.memory_space<hbm>>
    %dma_wait3A_255 = arith.constant 0 : i32
    %dma_wait3A_256 = tpu.memref_slice %arg3[%add3A, %dma_wait3A_251, %dma_wait3A_255] : memref<32x4x128xi32, #tpu.memory_space<hbm>> -> memref<1x1x128xi32, #tpu.memory_space<hbm>>
    %dma_wait3A_257 = tpu.memref_squeeze %dma_wait3A_256 : memref<1x1x128xi32, #tpu.memory_space<hbm>> -> memref<128xi32, #tpu.memory_space<hbm>>
    tpu.wait_dma2 semaphore(%arg41 : memref<!tpu.dma_semaphore, #tpu.memory_space<semaphore_mem>>) src(%dma_wait3A_257 : memref<128xi32, #tpu.memory_space<hbm>>) dst(%arg21 : memref<128xi32, #tpu.memory_space<vmem>>)
    %dma_wait3A_258 = arith.constant 3 : i32
    %dma_wait3A_259 = arith.constant 0 : i32
    %dma_wait3A_260 = tpu.memref_slice %arg2[%add3A, %dma_wait3A_258, %dma_wait3A_259] : memref<32x4x128xi32, #tpu.memory_space<hbm>> -> memref<1x1x128xi32, #tpu.memory_space<hbm>>
    %dma_wait3A_261 = tpu.memref_squeeze %dma_wait3A_260 : memref<1x1x128xi32, #tpu.memory_space<hbm>> -> memref<128xi32, #tpu.memory_space<hbm>>
    %dma_wait3A_262 = arith.constant 0 : i32
    %dma_wait3A_263 = tpu.memref_slice %arg2[%add3A, %dma_wait3A_258, %dma_wait3A_262] : memref<32x4x128xi32, #tpu.memory_space<hbm>> -> memref<1x1x128xi32, #tpu.memory_space<hbm>>
    %dma_wait3A_264 = tpu.memref_squeeze %dma_wait3A_263 : memref<1x1x128xi32, #tpu.memory_space<hbm>> -> memref<128xi32, #tpu.memory_space<hbm>>
    tpu.wait_dma2 semaphore(%arg41 : memref<!tpu.dma_semaphore, #tpu.memory_space<semaphore_mem>>) src(%dma_wait3A_264 : memref<128xi32, #tpu.memory_space<hbm>>) dst(%arg18 : memref<128xi32, #tpu.memory_space<vmem>>)
    %dma_wait3A_265 = arith.constant 3 : i32
    %dma_wait3A_266 = arith.constant 0 : i32
    %dma_wait3A_267 = tpu.memref_slice %arg3[%add3A, %dma_wait3A_265, %dma_wait3A_266] : memref<32x4x128xi32, #tpu.memory_space<hbm>> -> memref<1x1x128xi32, #tpu.memory_space<hbm>>
    %dma_wait3A_268 = tpu.memref_squeeze %dma_wait3A_267 : memref<1x1x128xi32, #tpu.memory_space<hbm>> -> memref<128xi32, #tpu.memory_space<hbm>>
    %dma_wait3A_269 = arith.constant 0 : i32
    %dma_wait3A_270 = tpu.memref_slice %arg3[%add3A, %dma_wait3A_265, %dma_wait3A_269] : memref<32x4x128xi32, #tpu.memory_space<hbm>> -> memref<1x1x128xi32, #tpu.memory_space<hbm>>
    %dma_wait3A_271 = tpu.memref_squeeze %dma_wait3A_270 : memref<1x1x128xi32, #tpu.memory_space<hbm>> -> memref<128xi32, #tpu.memory_space<hbm>>
    tpu.wait_dma2 semaphore(%arg41 : memref<!tpu.dma_semaphore, #tpu.memory_space<semaphore_mem>>) src(%dma_wait3A_271 : memref<128xi32, #tpu.memory_space<hbm>>) dst(%arg22 : memref<128xi32, #tpu.memory_space<vmem>>)
    %dma_wait3A_272 = arith.constant 0 : i32
    %dma_wait3A_273 = tpu.memref_slice %arg4[%add3A, %dma_wait3A_272] : memref<32x512xi32, #tpu.memory_space<hbm>> -> memref<1x512xi32, #tpu.memory_space<hbm>>
    %dma_wait3A_274 = tpu.memref_squeeze %dma_wait3A_273 : memref<1x512xi32, #tpu.memory_space<hbm>> -> memref<512xi32, #tpu.memory_space<hbm>>
    %dma_wait3A_275 = arith.constant 0 : i32
    %dma_wait3A_276 = tpu.memref_slice %arg4[%add3A, %dma_wait3A_275] : memref<32x512xi32, #tpu.memory_space<hbm>> -> memref<1x512xi32, #tpu.memory_space<hbm>>
    %dma_wait3A_277 = tpu.memref_squeeze %dma_wait3A_276 : memref<1x512xi32, #tpu.memory_space<hbm>> -> memref<512xi32, #tpu.memory_space<hbm>>
    tpu.wait_dma2 semaphore(%arg41 : memref<!tpu.dma_semaphore, #tpu.memory_space<semaphore_mem>>) src(%dma_wait3A_277 : memref<512xi32, #tpu.memory_space<hbm>>) dst(%arg23 : memref<512xi32, #tpu.memory_space<vmem>>)
    %dma_wait3A_278 = arith.constant 0 : i32
    %dma_wait3A_279 = tpu.memref_slice %arg5[%add3A, %dma_wait3A_278] : memref<32x512xi32, #tpu.memory_space<hbm>> -> memref<1x512xi32, #tpu.memory_space<hbm>>
    %dma_wait3A_280 = tpu.memref_squeeze %dma_wait3A_279 : memref<1x512xi32, #tpu.memory_space<hbm>> -> memref<512xi32, #tpu.memory_space<hbm>>
    %dma_wait3A_281 = arith.constant 0 : i32
    %dma_wait3A_282 = tpu.memref_slice %arg5[%add3A, %dma_wait3A_281] : memref<32x512xi32, #tpu.memory_space<hbm>> -> memref<1x512xi32, #tpu.memory_space<hbm>>
    %dma_wait3A_283 = tpu.memref_squeeze %dma_wait3A_282 : memref<1x512xi32, #tpu.memory_space<hbm>> -> memref<512xi32, #tpu.memory_space<hbm>>
    tpu.wait_dma2 semaphore(%arg41 : memref<!tpu.dma_semaphore, #tpu.memory_space<semaphore_mem>>) src(%dma_wait3A_283 : memref<512xi32, #tpu.memory_space<hbm>>) dst(%arg24 : memref<512xi32, #tpu.memory_space<vmem>>)
    %dma_wait3A_284 = arith.constant 0 : i32
    %dma_wait3A_285 = tpu.memref_slice %arg6[%add3A, %dma_wait3A_284] : memref<32x512xf32, #tpu.memory_space<hbm>> -> memref<1x512xf32, #tpu.memory_space<hbm>>
    %dma_wait3A_286 = tpu.memref_squeeze %dma_wait3A_285 : memref<1x512xf32, #tpu.memory_space<hbm>> -> memref<512xf32, #tpu.memory_space<hbm>>
    %dma_wait3A_287 = arith.constant 0 : i32
    %dma_wait3A_288 = tpu.memref_slice %arg6[%add3A, %dma_wait3A_287] : memref<32x512xf32, #tpu.memory_space<hbm>> -> memref<1x512xf32, #tpu.memory_space<hbm>>
    %dma_wait3A_289 = tpu.memref_squeeze %dma_wait3A_288 : memref<1x512xf32, #tpu.memory_space<hbm>> -> memref<512xf32, #tpu.memory_space<hbm>>
    tpu.wait_dma2 semaphore(%arg41 : memref<!tpu.dma_semaphore, #tpu.memory_space<semaphore_mem>>) src(%dma_wait3A_289 : memref<512xf32, #tpu.memory_space<hbm>>) dst(%arg25 : memref<512xf32, #tpu.memory_space<vmem>>)
    %dma_start3A_290 = arith.constant 0 : i32
    %dma_start3A_291 = tpu.memref_slice %arg7[%dma_start3A_290] : memref<1048576xf32, #tpu.memory_space<hbm>> -> memref<1048576xf32, #tpu.memory_space<hbm>>
    tpu.enqueue_indirect_dma source(%dma_start3A_291 : memref<1048576xf32, #tpu.memory_space<hbm>>) target(%arg26 : memref<512xf32, #tpu.memory_space<vmem>>) offsets(%arg24 : memref<512xi32, #tpu.memory_space<vmem>>) semaphore(%arg44 : memref<!tpu.dma_semaphore, #tpu.memory_space<semaphore_mem>>)
    %dma_start3A_292 = arith.constant 0 : i32
    %dma_start3A_293 = arith.constant 0 : i32
    %dma_start3A_294 = tpu.memref_slice %arg8[%dma_start3A_292, %dma_start3A_293] : memref<1024x128xf32, #tpu.memory_space<hbm>> -> memref<1024x128xf32, #tpu.memory_space<hbm>>
    tpu.enqueue_indirect_dma source(%dma_start3A_294 : memref<1024x128xf32, #tpu.memory_space<hbm>>) target(%arg31 : memref<128x128xf32, #tpu.memory_space<vmem>>) offsets(%arg15 : memref<128xi32, #tpu.memory_space<vmem>>) semaphore(%arg42 : memref<!tpu.dma_semaphore, #tpu.memory_space<semaphore_mem>>)
    %dma_start3A_295 = arith.constant 0 : i32
    %dma_start3A_296 = arith.constant 0 : i32
    %dma_start3A_297 = arith.constant 0 : i32
    %dma_start3A_298 = tpu.memref_slice %arg9[%add3A, %dma_start3A_295, %dma_start3A_296, %dma_start3A_297] : memref<32x4x128x128xf32, #tpu.memory_space<hbm>> -> memref<1x1x128x128xf32, #tpu.memory_space<hbm>>
    %dma_start3A_299 = tpu.memref_squeeze %dma_start3A_298 : memref<1x1x128x128xf32, #tpu.memory_space<hbm>> -> memref<128x128xf32, #tpu.memory_space<hbm>>
    %dma_start3A_300 = arith.constant 0 : i32
    %dma_start3A_301 = arith.constant 0 : i32
    %dma_start3A_302 = tpu.memref_slice %arg9[%add3A, %dma_start3A_295, %dma_start3A_300, %dma_start3A_301] : memref<32x4x128x128xf32, #tpu.memory_space<hbm>> -> memref<1x1x128x128xf32, #tpu.memory_space<hbm>>
    %dma_start3A_303 = tpu.memref_squeeze %dma_start3A_302 : memref<1x1x128x128xf32, #tpu.memory_space<hbm>> -> memref<128x128xf32, #tpu.memory_space<hbm>>
    tpu.enqueue_dma source(%dma_start3A_303 : memref<128x128xf32, #tpu.memory_space<hbm>>) target(%arg33 : memref<128x128xf32, #tpu.memory_space<vmem>>) target_semaphore(%arg42 : memref<!tpu.dma_semaphore, #tpu.memory_space<semaphore_mem>>)
    %dma_start3A_304 = arith.constant 0 : i32
    %dma_start3A_305 = arith.constant 0 : i32
    %dma_start3A_306 = tpu.memref_slice %arg8[%dma_start3A_304, %dma_start3A_305] : memref<1024x128xf32, #tpu.memory_space<hbm>> -> memref<1024x128xf32, #tpu.memory_space<hbm>>
    tpu.enqueue_indirect_dma source(%dma_start3A_306 : memref<1024x128xf32, #tpu.memory_space<hbm>>) target(%arg32 : memref<128x128xf32, #tpu.memory_space<vmem>>) offsets(%arg16 : memref<128xi32, #tpu.memory_space<vmem>>) semaphore(%arg43 : memref<!tpu.dma_semaphore, #tpu.memory_space<semaphore_mem>>)
    %dma_start3A_307 = arith.constant 1 : i32
    %dma_start3A_308 = arith.constant 0 : i32
    %dma_start3A_309 = arith.constant 0 : i32
    %dma_start3A_310 = tpu.memref_slice %arg9[%add3A, %dma_start3A_307, %dma_start3A_308, %dma_start3A_309] : memref<32x4x128x128xf32, #tpu.memory_space<hbm>> -> memref<1x1x128x128xf32, #tpu.memory_space<hbm>>
    %dma_start3A_311 = tpu.memref_squeeze %dma_start3A_310 : memref<1x1x128x128xf32, #tpu.memory_space<hbm>> -> memref<128x128xf32, #tpu.memory_space<hbm>>
    %dma_start3A_312 = arith.constant 0 : i32
    %dma_start3A_313 = arith.constant 0 : i32
    %dma_start3A_314 = tpu.memref_slice %arg9[%add3A, %dma_start3A_307, %dma_start3A_312, %dma_start3A_313] : memref<32x4x128x128xf32, #tpu.memory_space<hbm>> -> memref<1x1x128x128xf32, #tpu.memory_space<hbm>>
    %dma_start3A_315 = tpu.memref_squeeze %dma_start3A_314 : memref<1x1x128x128xf32, #tpu.memory_space<hbm>> -> memref<128x128xf32, #tpu.memory_space<hbm>>
    tpu.enqueue_dma source(%dma_start3A_315 : memref<128x128xf32, #tpu.memory_space<hbm>>) target(%arg34 : memref<128x128xf32, #tpu.memory_space<vmem>>) target_semaphore(%arg43 : memref<!tpu.dma_semaphore, #tpu.memory_space<semaphore_mem>>)
    %dma_wait3A_316 = arith.constant 0 : i32
    %dma_wait3A_317 = tpu.memref_slice %arg7[%dma_wait3A_316] : memref<1048576xf32, #tpu.memory_space<hbm>> -> memref<1048576xf32, #tpu.memory_space<hbm>>
    tpu.wait_indirect_dma semaphore(%arg44 : memref<!tpu.dma_semaphore, #tpu.memory_space<semaphore_mem>>) src(%dma_wait3A_317 : memref<1048576xf32, #tpu.memory_space<hbm>>) dst(%arg26 : memref<512xf32, #tpu.memory_space<vmem>>)
    %get3A = arith.constant 0 : index
    %get3A_318 = tpu.vector_load %arg26[%get3A] {strides = array<i32>} : memref<512xf32, #tpu.memory_space<vmem>>, vector<16xf32>,
    %get3A_319 = arith.constant 0 : index
    %get3A_320 = tpu.vector_load %arg25[%get3A_319] {strides = array<i32>} : memref<512xf32, #tpu.memory_space<vmem>>, vector<16xf32>,
    %ge3A = arith.constant 0.000000e+00 : f32
    %ge3A_321 = vector.broadcast %ge3A : f32 to vector<16xf32>
    %ge3A_322 = arith.cmpf oge, %get3A_318, %ge3A_321 : vector<16xf32>
    %sub3A = arith.subf %get3A_320, %get3A_318 : vector<16xf32>
    %abs3A = math.absf %sub3A : vector<16xf32>
    %jit3A = arith.constant 0.000000e+00 : f32
    %broadcast_in_dim3A_323 = vector.broadcast %jit3A : f32 to vector<16xf32>
    %select_n3A = arith.select %ge3A_322, %abs3A, %broadcast_in_dim3A_323 : vector<16xi1>, vector<16xf32>
    %swap3A_324 = arith.constant 0 : index
    %swap3A_325 = tpu.vector_load %arg28[%swap3A_324] {strides = array<i32>} : memref<512xf32, #tpu.memory_space<vmem>>, vector<16xf32>,
    tpu.vector_store %arg28[%swap3A_324], %select_n3A {strides = array<i32>} : memref<512xf32, #tpu.memory_space<vmem>>, vector<16xf32>,
    %neg3A = arith.constant 0.000000e+00 : f32
    %neg3A_326 = vector.broadcast %neg3A : f32 to vector<16xf32>
    %neg3A_327 = arith.subf %neg3A_326, %select_n3A : vector<16xf32>
    %exp3A = math.exp %neg3A_327 : vector<16xf32>
    %swap3A_328 = arith.constant 0 : index
    %swap3A_329 = tpu.vector_load %arg27[%swap3A_328] {strides = array<i32>} : memref<512xf32, #tpu.memory_space<vmem>>, vector<16xf32>,
    tpu.vector_store %arg27[%swap3A_328], %exp3A {strides = array<i32>} : memref<512xf32, #tpu.memory_space<vmem>>, vector<16xf32>,
    %get3A_330 = arith.constant 16 : index
    %get3A_331 = tpu.vector_load %arg26[%get3A_330] {strides = array<i32>} : memref<512xf32, #tpu.memory_space<vmem>>, vector<16xf32>,
    %get3A_332 = arith.constant 16 : index
    %get3A_333 = tpu.vector_load %arg25[%get3A_332] {strides = array<i32>} : memref<512xf32, #tpu.memory_space<vmem>>, vector<16xf32>,
    %ge3A_334 = arith.constant 0.000000e+00 : f32
    %ge3A_335 = vector.broadcast %ge3A_334 : f32 to vector<16xf32>
    %ge3A_336 = arith.cmpf oge, %get3A_331, %ge3A_335 : vector<16xf32>
    %sub3A_337 = arith.subf %get3A_333, %get3A_331 : vector<16xf32>
    %abs3A_338 = math.absf %sub3A_337 : vector<16xf32>
    %jit3A_339 = arith.constant 0.000000e+00 : f32
    %broadcast_in_dim3A_340 = vector.broadcast %jit3A_339 : f32 to vector<16xf32>
    %select_n3A_341 = arith.select %ge3A_336, %abs3A_338, %broadcast_in_dim3A_340 : vector<16xi1>, vector<16xf32>
    %swap3A_342 = arith.constant 16 : index
    %swap3A_343 = tpu.vector_load %arg28[%swap3A_342] {strides = array<i32>} : memref<512xf32, #tpu.memory_space<vmem>>, vector<16xf32>,
    tpu.vector_store %arg28[%swap3A_342], %select_n3A_341 {strides = array<i32>} : memref<512xf32, #tpu.memory_space<vmem>>, vector<16xf32>,
    %neg3A_344 = arith.constant 0.000000e+00 : f32
    %neg3A_345 = vector.broadcast %neg3A_344 : f32 to vector<16xf32>
    %neg3A_346 = arith.subf %neg3A_345, %select_n3A_341 : vector<16xf32>
    %exp3A_347 = math.exp %neg3A_346 : vector<16xf32>
    %swap3A_348 = arith.constant 16 : index
    %swap3A_349 = tpu.vector_load %arg27[%swap3A_348] {strides = array<i32>} : memref<512xf32, #tpu.memory_space<vmem>>, vector<16xf32>,
    tpu.vector_store %arg27[%swap3A_348], %exp3A_347 {strides = array<i32>} : memref<512xf32, #tpu.memory_space<vmem>>, vector<16xf32>,
    %get3A_350 = arith.constant 32 : index
    %get3A_351 = tpu.vector_load %arg26[%get3A_350] {strides = array<i32>} : memref<512xf32, #tpu.memory_space<vmem>>, vector<16xf32>,
    %get3A_352 = arith.constant 32 : index
    %get3A_353 = tpu.vector_load %arg25[%get3A_352] {strides = array<i32>} : memref<512xf32, #tpu.memory_space<vmem>>, vector<16xf32>,
    %ge3A_354 = arith.constant 0.000000e+00 : f32
    %ge3A_355 = vector.broadcast %ge3A_354 : f32 to vector<16xf32>
    %ge3A_356 = arith.cmpf oge, %get3A_351, %ge3A_355 : vector<16xf32>
    %sub3A_357 = arith.subf %get3A_353, %get3A_351 : vector<16xf32>
    %abs3A_358 = math.absf %sub3A_357 : vector<16xf32>
    %jit3A_359 = arith.constant 0.000000e+00 : f32
    %broadcast_in_dim3A_360 = vector.broadcast %jit3A_359 : f32 to vector<16xf32>
    %select_n3A_361 = arith.select %ge3A_356, %abs3A_358, %broadcast_in_dim3A_360 : vector<16xi1>, vector<16xf32>
    %swap3A_362 = arith.constant 32 : index
    %swap3A_363 = tpu.vector_load %arg28[%swap3A_362] {strides = array<i32>} : memref<512xf32, #tpu.memory_space<vmem>>, vector<16xf32>,
    tpu.vector_store %arg28[%swap3A_362], %select_n3A_361 {strides = array<i32>} : memref<512xf32, #tpu.memory_space<vmem>>, vector<16xf32>,
    %neg3A_364 = arith.constant 0.000000e+00 : f32
    %neg3A_365 = vector.broadcast %neg3A_364 : f32 to vector<16xf32>
    %neg3A_366 = arith.subf %neg3A_365, %select_n3A_361 : vector<16xf32>
    %exp3A_367 = math.exp %neg3A_366 : vector<16xf32>
    %swap3A_368 = arith.constant 32 : index
    %swap3A_369 = tpu.vector_load %arg27[%swap3A_368] {strides = array<i32>} : memref<512xf32, #tpu.memory_space<vmem>>, vector<16xf32>,
    tpu.vector_store %arg27[%swap3A_368], %exp3A_367 {strides = array<i32>} : memref<512xf32, #tpu.memory_space<vmem>>, vector<16xf32>,
    %get3A_370 = arith.constant 48 : index
    %get3A_371 = tpu.vector_load %arg26[%get3A_370] {strides = array<i32>} : memref<512xf32, #tpu.memory_space<vmem>>, vector<16xf32>,
    %get3A_372 = arith.constant 48 : index
    %get3A_373 = tpu.vector_load %arg25[%get3A_372] {strides = array<i32>} : memref<512xf32, #tpu.memory_space<vmem>>, vector<16xf32>,
    %ge3A_374 = arith.constant 0.000000e+00 : f32
    %ge3A_375 = vector.broadcast %ge3A_374 : f32 to vector<16xf32>
    %ge3A_376 = arith.cmpf oge, %get3A_371, %ge3A_375 : vector<16xf32>
    %sub3A_377 = arith.subf %get3A_373, %get3A_371 : vector<16xf32>
    %abs3A_378 = math.absf %sub3A_377 : vector<16xf32>
    %jit3A_379 = arith.constant 0.000000e+00 : f32
    %broadcast_in_dim3A_380 = vector.broadcast %jit3A_379 : f32 to vector<16xf32>
    %select_n3A_381 = arith.select %ge3A_376, %abs3A_378, %broadcast_in_dim3A_380 : vector<16xi1>, vector<16xf32>
    %swap3A_382 = arith.constant 48 : index
    %swap3A_383 = tpu.vector_load %arg28[%swap3A_382] {strides = array<i32>} : memref<512xf32, #tpu.memory_space<vmem>>, vector<16xf32>,
    tpu.vector_store %arg28[%swap3A_382], %select_n3A_381 {strides = array<i32>} : memref<512xf32, #tpu.memory_space<vmem>>, vector<16xf32>,
    %neg3A_384 = arith.constant 0.000000e+00 : f32
    %neg3A_385 = vector.broadcast %neg3A_384 : f32 to vector<16xf32>
    %neg3A_386 = arith.subf %neg3A_385, %select_n3A_381 : vector<16xf32>
    %exp3A_387 = math.exp %neg3A_386 : vector<16xf32>
    %swap3A_388 = arith.constant 48 : index
    %swap3A_389 = tpu.vector_load %arg27[%swap3A_388] {strides = array<i32>} : memref<512xf32, #tpu.memory_space<vmem>>, vector<16xf32>,
    tpu.vector_store %arg27[%swap3A_388], %exp3A_387 {strides = array<i32>} : memref<512xf32, #tpu.memory_space<vmem>>, vector<16xf32>,
    %get3A_390 = arith.constant 64 : index
    %get3A_391 = tpu.vector_load %arg26[%get3A_390] {strides = array<i32>} : memref<512xf32, #tpu.memory_space<vmem>>, vector<16xf32>,
    %get3A_392 = arith.constant 64 : index
    %get3A_393 = tpu.vector_load %arg25[%get3A_392] {strides = array<i32>} : memref<512xf32, #tpu.memory_space<vmem>>, vector<16xf32>,
    %ge3A_394 = arith.constant 0.000000e+00 : f32
    %ge3A_395 = vector.broadcast %ge3A_394 : f32 to vector<16xf32>
    %ge3A_396 = arith.cmpf oge, %get3A_391, %ge3A_395 : vector<16xf32>
    %sub3A_397 = arith.subf %get3A_393, %get3A_391 : vector<16xf32>
    %abs3A_398 = math.absf %sub3A_397 : vector<16xf32>
    %jit3A_399 = arith.constant 0.000000e+00 : f32
    %broadcast_in_dim3A_400 = vector.broadcast %jit3A_399 : f32 to vector<16xf32>
    %select_n3A_401 = arith.select %ge3A_396, %abs3A_398, %broadcast_in_dim3A_400 : vector<16xi1>, vector<16xf32>
    %swap3A_402 = arith.constant 64 : index
    %swap3A_403 = tpu.vector_load %arg28[%swap3A_402] {strides = array<i32>} : memref<512xf32, #tpu.memory_space<vmem>>, vector<16xf32>,
    tpu.vector_store %arg28[%swap3A_402], %select_n3A_401 {strides = array<i32>} : memref<512xf32, #tpu.memory_space<vmem>>, vector<16xf32>,
    %neg3A_404 = arith.constant 0.000000e+00 : f32
    %neg3A_405 = vector.broadcast %neg3A_404 : f32 to vector<16xf32>
    %neg3A_406 = arith.subf %neg3A_405, %select_n3A_401 : vector<16xf32>
    %exp3A_407 = math.exp %neg3A_406 : vector<16xf32>
    %swap3A_408 = arith.constant 64 : index
    %swap3A_409 = tpu.vector_load %arg27[%swap3A_408] {strides = array<i32>} : memref<512xf32, #tpu.memory_space<vmem>>, vector<16xf32>,
    tpu.vector_store %arg27[%swap3A_408], %exp3A_407 {strides = array<i32>} : memref<512xf32, #tpu.memory_space<vmem>>, vector<16xf32>,
    %get3A_410 = arith.constant 80 : index
    %get3A_411 = tpu.vector_load %arg26[%get3A_410] {strides = array<i32>} : memref<512xf32, #tpu.memory_space<vmem>>, vector<16xf32>,
    %get3A_412 = arith.constant 80 : index
    %get3A_413 = tpu.vector_load %arg25[%get3A_412] {strides = array<i32>} : memref<512xf32, #tpu.memory_space<vmem>>, vector<16xf32>,
    %ge3A_414 = arith.constant 0.000000e+00 : f32
    %ge3A_415 = vector.broadcast %ge3A_414 : f32 to vector<16xf32>
    %ge3A_416 = arith.cmpf oge, %get3A_411, %ge3A_415 : vector<16xf32>
    %sub3A_417 = arith.subf %get3A_413, %get3A_411 : vector<16xf32>
    %abs3A_418 = math.absf %sub3A_417 : vector<16xf32>
    %jit3A_419 = arith.constant 0.000000e+00 : f32
    %broadcast_in_dim3A_420 = vector.broadcast %jit3A_419 : f32 to vector<16xf32>
    %select_n3A_421 = arith.select %ge3A_416, %abs3A_418, %broadcast_in_dim3A_420 : vector<16xi1>, vector<16xf32>
    %swap3A_422 = arith.constant 80 : index
    %swap3A_423 = tpu.vector_load %arg28[%swap3A_422] {strides = array<i32>} : memref<512xf32, #tpu.memory_space<vmem>>, vector<16xf32>,
    tpu.vector_store %arg28[%swap3A_422], %select_n3A_421 {strides = array<i32>} : memref<512xf32, #tpu.memory_space<vmem>>, vector<16xf32>,
    %neg3A_424 = arith.constant 0.000000e+00 : f32
    %neg3A_425 = vector.broadcast %neg3A_424 : f32 to vector<16xf32>
    %neg3A_426 = arith.subf %neg3A_425, %select_n3A_421 : vector<16xf32>
    %exp3A_427 = math.exp %neg3A_426 : vector<16xf32>
    %swap3A_428 = arith.constant 80 : index
    %swap3A_429 = tpu.vector_load %arg27[%swap3A_428] {strides = array<i32>} : memref<512xf32, #tpu.memory_space<vmem>>, vector<16xf32>,
    tpu.vector_store %arg27[%swap3A_428], %exp3A_427 {strides = array<i32>} : memref<512xf32, #tpu.memory_space<vmem>>, vector<16xf32>,
    %get3A_430 = arith.constant 96 : index
    %get3A_431 = tpu.vector_load %arg26[%get3A_430] {strides = array<i32>} : memref<512xf32, #tpu.memory_space<vmem>>, vector<16xf32>,
    %get3A_432 = arith.constant 96 : index
    %get3A_433 = tpu.vector_load %arg25[%get3A_432] {strides = array<i32>} : memref<512xf32, #tpu.memory_space<vmem>>, vector<16xf32>,
    %ge3A_434 = arith.constant 0.000000e+00 : f32
    %ge3A_435 = vector.broadcast %ge3A_434 : f32 to vector<16xf32>
    %ge3A_436 = arith.cmpf oge, %get3A_431, %ge3A_435 : vector<16xf32>
    %sub3A_437 = arith.subf %get3A_433, %get3A_431 : vector<16xf32>
    %abs3A_438 = math.absf %sub3A_437 : vector<16xf32>
    %jit3A_439 = arith.constant 0.000000e+00 : f32
    %broadcast_in_dim3A_440 = vector.broadcast %jit3A_439 : f32 to vector<16xf32>
    %select_n3A_441 = arith.select %ge3A_436, %abs3A_438, %broadcast_in_dim3A_440 : vector<16xi1>, vector<16xf32>
    %swap3A_442 = arith.constant 96 : index
    %swap3A_443 = tpu.vector_load %arg28[%swap3A_442] {strides = array<i32>} : memref<512xf32, #tpu.memory_space<vmem>>, vector<16xf32>,
    tpu.vector_store %arg28[%swap3A_442], %select_n3A_441 {strides = array<i32>} : memref<512xf32, #tpu.memory_space<vmem>>, vector<16xf32>,
    %neg3A_444 = arith.constant 0.000000e+00 : f32
    %neg3A_445 = vector.broadcast %neg3A_444 : f32 to vector<16xf32>
    %neg3A_446 = arith.subf %neg3A_445, %select_n3A_441 : vector<16xf32>
    %exp3A_447 = math.exp %neg3A_446 : vector<16xf32>
    %swap3A_448 = arith.constant 96 : index
    %swap3A_449 = tpu.vector_load %arg27[%swap3A_448] {strides = array<i32>} : memref<512xf32, #tpu.memory_space<vmem>>, vector<16xf32>,
    tpu.vector_store %arg27[%swap3A_448], %exp3A_447 {strides = array<i32>} : memref<512xf32, #tpu.memory_space<vmem>>, vector<16xf32>,
    %get3A_450 = arith.constant 112 : index
    %get3A_451 = tpu.vector_load %arg26[%get3A_450] {strides = array<i32>} : memref<512xf32, #tpu.memory_space<vmem>>, vector<16xf32>,
    %get3A_452 = arith.constant 112 : index
    %get3A_453 = tpu.vector_load %arg25[%get3A_452] {strides = array<i32>} : memref<512xf32, #tpu.memory_space<vmem>>, vector<16xf32>,
    %ge3A_454 = arith.constant 0.000000e+00 : f32
    %ge3A_455 = vector.broadcast %ge3A_454 : f32 to vector<16xf32>
    %ge3A_456 = arith.cmpf oge, %get3A_451, %ge3A_455 : vector<16xf32>
    %sub3A_457 = arith.subf %get3A_453, %get3A_451 : vector<16xf32>
    %abs3A_458 = math.absf %sub3A_457 : vector<16xf32>
    %jit3A_459 = arith.constant 0.000000e+00 : f32
    %broadcast_in_dim3A_460 = vector.broadcast %jit3A_459 : f32 to vector<16xf32>
    %select_n3A_461 = arith.select %ge3A_456, %abs3A_458, %broadcast_in_dim3A_460 : vector<16xi1>, vector<16xf32>
    %swap3A_462 = arith.constant 112 : index
    %swap3A_463 = tpu.vector_load %arg28[%swap3A_462] {strides = array<i32>} : memref<512xf32, #tpu.memory_space<vmem>>, vector<16xf32>,
    tpu.vector_store %arg28[%swap3A_462], %select_n3A_461 {strides = array<i32>} : memref<512xf32, #tpu.memory_space<vmem>>, vector<16xf32>,
    %neg3A_464 = arith.constant 0.000000e+00 : f32
    %neg3A_465 = vector.broadcast %neg3A_464 : f32 to vector<16xf32>
    %neg3A_466 = arith.subf %neg3A_465, %select_n3A_461 : vector<16xf32>
    %exp3A_467 = math.exp %neg3A_466 : vector<16xf32>
    %swap3A_468 = arith.constant 112 : index
    %swap3A_469 = tpu.vector_load %arg27[%swap3A_468] {strides = array<i32>} : memref<512xf32, #tpu.memory_space<vmem>>, vector<16xf32>,
    tpu.vector_store %arg27[%swap3A_468], %exp3A_467 {strides = array<i32>} : memref<512xf32, #tpu.memory_space<vmem>>, vector<16xf32>,
    %get3A_470 = arith.constant 128 : index
    %get3A_471 = tpu.vector_load %arg26[%get3A_470] {strides = array<i32>} : memref<512xf32, #tpu.memory_space<vmem>>, vector<16xf32>,
    %get3A_472 = arith.constant 128 : index
    %get3A_473 = tpu.vector_load %arg25[%get3A_472] {strides = array<i32>} : memref<512xf32, #tpu.memory_space<vmem>>, vector<16xf32>,
    %ge3A_474 = arith.constant 0.000000e+00 : f32
    %ge3A_475 = vector.broadcast %ge3A_474 : f32 to vector<16xf32>
    %ge3A_476 = arith.cmpf oge, %get3A_471, %ge3A_475 : vector<16xf32>
    %sub3A_477 = arith.subf %get3A_473, %get3A_471 : vector<16xf32>
    %abs3A_478 = math.absf %sub3A_477 : vector<16xf32>
    %jit3A_479 = arith.constant 0.000000e+00 : f32
    %broadcast_in_dim3A_480 = vector.broadcast %jit3A_479 : f32 to vector<16xf32>
    %select_n3A_481 = arith.select %ge3A_476, %abs3A_478, %broadcast_in_dim3A_480 : vector<16xi1>, vector<16xf32>
    %swap3A_482 = arith.constant 128 : index
    %swap3A_483 = tpu.vector_load %arg28[%swap3A_482] {strides = array<i32>} : memref<512xf32, #tpu.memory_space<vmem>>, vector<16xf32>,
    tpu.vector_store %arg28[%swap3A_482], %select_n3A_481 {strides = array<i32>} : memref<512xf32, #tpu.memory_space<vmem>>, vector<16xf32>,
    %neg3A_484 = arith.constant 0.000000e+00 : f32
    %neg3A_485 = vector.broadcast %neg3A_484 : f32 to vector<16xf32>
    %neg3A_486 = arith.subf %neg3A_485, %select_n3A_481 : vector<16xf32>
    %exp3A_487 = math.exp %neg3A_486 : vector<16xf32>
    %swap3A_488 = arith.constant 128 : index
    %swap3A_489 = tpu.vector_load %arg27[%swap3A_488] {strides = array<i32>} : memref<512xf32, #tpu.memory_space<vmem>>, vector<16xf32>,
    tpu.vector_store %arg27[%swap3A_488], %exp3A_487 {strides = array<i32>} : memref<512xf32, #tpu.memory_space<vmem>>, vector<16xf32>,
    %get3A_490 = arith.constant 144 : index
    %get3A_491 = tpu.vector_load %arg26[%get3A_490] {strides = array<i32>} : memref<512xf32, #tpu.memory_space<vmem>>, vector<16xf32>,
    %get3A_492 = arith.constant 144 : index
    %get3A_493 = tpu.vector_load %arg25[%get3A_492] {strides = array<i32>} : memref<512xf32, #tpu.memory_space<vmem>>, vector<16xf32>,
    %ge3A_494 = arith.constant 0.000000e+00 : f32
    %ge3A_495 = vector.broadcast %ge3A_494 : f32 to vector<16xf32>
    %ge3A_496 = arith.cmpf oge, %get3A_491, %ge3A_495 : vector<16xf32>
    %sub3A_497 = arith.subf %get3A_493, %get3A_491 : vector<16xf32>
    %abs3A_498 = math.absf %sub3A_497 : vector<16xf32>
    %jit3A_499 = arith.constant 0.000000e+00 : f32
    %broadcast_in_dim3A_500 = vector.broadcast %jit3A_499 : f32 to vector<16xf32>
    %select_n3A_501 = arith.select %ge3A_496, %abs3A_498, %broadcast_in_dim3A_500 : vector<16xi1>, vector<16xf32>
    %swap3A_502 = arith.constant 144 : index
    %swap3A_503 = tpu.vector_load %arg28[%swap3A_502] {strides = array<i32>} : memref<512xf32, #tpu.memory_space<vmem>>, vector<16xf32>,
    tpu.vector_store %arg28[%swap3A_502], %select_n3A_501 {strides = array<i32>} : memref<512xf32, #tpu.memory_space<vmem>>, vector<16xf32>,
    %neg3A_504 = arith.constant 0.000000e+00 : f32
    %neg3A_505 = vector.broadcast %neg3A_504 : f32 to vector<16xf32>
    %neg3A_506 = arith.subf %neg3A_505, %select_n3A_501 : vector<16xf32>
    %exp3A_507 = math.exp %neg3A_506 : vector<16xf32>
    %swap3A_508 = arith.constant 144 : index
    %swap3A_509 = tpu.vector_load %arg27[%swap3A_508] {strides = array<i32>} : memref<512xf32, #tpu.memory_space<vmem>>, vector<16xf32>,
    tpu.vector_store %arg27[%swap3A_508], %exp3A_507 {strides = array<i32>} : memref<512xf32, #tpu.memory_space<vmem>>, vector<16xf32>,
    %get3A_510 = arith.constant 160 : index
    %get3A_511 = tpu.vector_load %arg26[%get3A_510] {strides = array<i32>} : memref<512xf32, #tpu.memory_space<vmem>>, vector<16xf32>,
    %get3A_512 = arith.constant 160 : index
    %get3A_513 = tpu.vector_load %arg25[%get3A_512] {strides = array<i32>} : memref<512xf32, #tpu.memory_space<vmem>>, vector<16xf32>,
    %ge3A_514 = arith.constant 0.000000e+00 : f32
    %ge3A_515 = vector.broadcast %ge3A_514 : f32 to vector<16xf32>
    %ge3A_516 = arith.cmpf oge, %get3A_511, %ge3A_515 : vector<16xf32>
    %sub3A_517 = arith.subf %get3A_513, %get3A_511 : vector<16xf32>
    %abs3A_518 = math.absf %sub3A_517 : vector<16xf32>
    %jit3A_519 = arith.constant 0.000000e+00 : f32
    %broadcast_in_dim3A_520 = vector.broadcast %jit3A_519 : f32 to vector<16xf32>
    %select_n3A_521 = arith.select %ge3A_516, %abs3A_518, %broadcast_in_dim3A_520 : vector<16xi1>, vector<16xf32>
    %swap3A_522 = arith.constant 160 : index
    %swap3A_523 = tpu.vector_load %arg28[%swap3A_522] {strides = array<i32>} : memref<512xf32, #tpu.memory_space<vmem>>, vector<16xf32>,
    tpu.vector_store %arg28[%swap3A_522], %select_n3A_521 {strides = array<i32>} : memref<512xf32, #tpu.memory_space<vmem>>, vector<16xf32>,
    %neg3A_524 = arith.constant 0.000000e+00 : f32
    %neg3A_525 = vector.broadcast %neg3A_524 : f32 to vector<16xf32>
    %neg3A_526 = arith.subf %neg3A_525, %select_n3A_521 : vector<16xf32>
    %exp3A_527 = math.exp %neg3A_526 : vector<16xf32>
    %swap3A_528 = arith.constant 160 : index
    %swap3A_529 = tpu.vector_load %arg27[%swap3A_528] {strides = array<i32>} : memref<512xf32, #tpu.memory_space<vmem>>, vector<16xf32>,
    tpu.vector_store %arg27[%swap3A_528], %exp3A_527 {strides = array<i32>} : memref<512xf32, #tpu.memory_space<vmem>>, vector<16xf32>,
    %get3A_530 = arith.constant 176 : index
    %get3A_531 = tpu.vector_load %arg26[%get3A_530] {strides = array<i32>} : memref<512xf32, #tpu.memory_space<vmem>>, vector<16xf32>,
    %get3A_532 = arith.constant 176 : index
    %get3A_533 = tpu.vector_load %arg25[%get3A_532] {strides = array<i32>} : memref<512xf32, #tpu.memory_space<vmem>>, vector<16xf32>,
    %ge3A_534 = arith.constant 0.000000e+00 : f32
    %ge3A_535 = vector.broadcast %ge3A_534 : f32 to vector<16xf32>
    %ge3A_536 = arith.cmpf oge, %get3A_531, %ge3A_535 : vector<16xf32>
    %sub3A_537 = arith.subf %get3A_533, %get3A_531 : vector<16xf32>
    %abs3A_538 = math.absf %sub3A_537 : vector<16xf32>
    %jit3A_539 = arith.constant 0.000000e+00 : f32
    %broadcast_in_dim3A_540 = vector.broadcast %jit3A_539 : f32 to vector<16xf32>
    %select_n3A_541 = arith.select %ge3A_536, %abs3A_538, %broadcast_in_dim3A_540 : vector<16xi1>, vector<16xf32>
    %swap3A_542 = arith.constant 176 : index
    %swap3A_543 = tpu.vector_load %arg28[%swap3A_542] {strides = array<i32>} : memref<512xf32, #tpu.memory_space<vmem>>, vector<16xf32>,
    tpu.vector_store %arg28[%swap3A_542], %select_n3A_541 {strides = array<i32>} : memref<512xf32, #tpu.memory_space<vmem>>, vector<16xf32>,
    %neg3A_544 = arith.constant 0.000000e+00 : f32
    %neg3A_545 = vector.broadcast %neg3A_544 : f32 to vector<16xf32>
    %neg3A_546 = arith.subf %neg3A_545, %select_n3A_541 : vector<16xf32>
    %exp3A_547 = math.exp %neg3A_546 : vector<16xf32>
    %swap3A_548 = arith.constant 176 : index
    %swap3A_549 = tpu.vector_load %arg27[%swap3A_548] {strides = array<i32>} : memref<512xf32, #tpu.memory_space<vmem>>, vector<16xf32>,
    tpu.vector_store %arg27[%swap3A_548], %exp3A_547 {strides = array<i32>} : memref<512xf32, #tpu.memory_space<vmem>>, vector<16xf32>,
    %get3A_550 = arith.constant 192 : index
    %get3A_551 = tpu.vector_load %arg26[%get3A_550] {strides = array<i32>} : memref<512xf32, #tpu.memory_space<vmem>>, vector<16xf32>,
    %get3A_552 = arith.constant 192 : index
    %get3A_553 = tpu.vector_load %arg25[%get3A_552] {strides = array<i32>} : memref<512xf32, #tpu.memory_space<vmem>>, vector<16xf32>,
    %ge3A_554 = arith.constant 0.000000e+00 : f32
    %ge3A_555 = vector.broadcast %ge3A_554 : f32 to vector<16xf32>
    %ge3A_556 = arith.cmpf oge, %get3A_551, %ge3A_555 : vector<16xf32>
    %sub3A_557 = arith.subf %get3A_553, %get3A_551 : vector<16xf32>
    %abs3A_558 = math.absf %sub3A_557 : vector<16xf32>
    %jit3A_559 = arith.constant 0.000000e+00 : f32
    %broadcast_in_dim3A_560 = vector.broadcast %jit3A_559 : f32 to vector<16xf32>
    %select_n3A_561 = arith.select %ge3A_556, %abs3A_558, %broadcast_in_dim3A_560 : vector<16xi1>, vector<16xf32>
    %swap3A_562 = arith.constant 192 : index
    %swap3A_563 = tpu.vector_load %arg28[%swap3A_562] {strides = array<i32>} : memref<512xf32, #tpu.memory_space<vmem>>, vector<16xf32>,
    tpu.vector_store %arg28[%swap3A_562], %select_n3A_561 {strides = array<i32>} : memref<512xf32, #tpu.memory_space<vmem>>, vector<16xf32>,
    %neg3A_564 = arith.constant 0.000000e+00 : f32
    %neg3A_565 = vector.broadcast %neg3A_564 : f32 to vector<16xf32>
    %neg3A_566 = arith.subf %neg3A_565, %select_n3A_561 : vector<16xf32>
    %exp3A_567 = math.exp %neg3A_566 : vector<16xf32>
    %swap3A_568 = arith.constant 192 : index
    %swap3A_569 = tpu.vector_load %arg27[%swap3A_568] {strides = array<i32>} : memref<512xf32, #tpu.memory_space<vmem>>, vector<16xf32>,
    tpu.vector_store %arg27[%swap3A_568], %exp3A_567 {strides = array<i32>} : memref<512xf32, #tpu.memory_space<vmem>>, vector<16xf32>,
    %get3A_570 = arith.constant 208 : index
    %get3A_571 = tpu.vector_load %arg26[%get3A_570] {strides = array<i32>} : memref<512xf32, #tpu.memory_space<vmem>>, vector<16xf32>,
    %get3A_572 = arith.constant 208 : index
    %get3A_573 = tpu.vector_load %arg25[%get3A_572] {strides = array<i32>} : memref<512xf32, #tpu.memory_space<vmem>>, vector<16xf32>,
    %ge3A_574 = arith.constant 0.000000e+00 : f32
    %ge3A_575 = vector.broadcast %ge3A_574 : f32 to vector<16xf32>
    %ge3A_576 = arith.cmpf oge, %get3A_571, %ge3A_575 : vector<16xf32>
    %sub3A_577 = arith.subf %get3A_573, %get3A_571 : vector<16xf32>
    %abs3A_578 = math.absf %sub3A_577 : vector<16xf32>
    %jit3A_579 = arith.constant 0.000000e+00 : f32
    %broadcast_in_dim3A_580 = vector.broadcast %jit3A_579 : f32 to vector<16xf32>
    %select_n3A_581 = arith.select %ge3A_576, %abs3A_578, %broadcast_in_dim3A_580 : vector<16xi1>, vector<16xf32>
    %swap3A_582 = arith.constant 208 : index
    %swap3A_583 = tpu.vector_load %arg28[%swap3A_582] {strides = array<i32>} : memref<512xf32, #tpu.memory_space<vmem>>, vector<16xf32>,
    tpu.vector_store %arg28[%swap3A_582], %select_n3A_581 {strides = array<i32>} : memref<512xf32, #tpu.memory_space<vmem>>, vector<16xf32>,
    %neg3A_584 = arith.constant 0.000000e+00 : f32
    %neg3A_585 = vector.broadcast %neg3A_584 : f32 to vector<16xf32>
    %neg3A_586 = arith.subf %neg3A_585, %select_n3A_581 : vector<16xf32>
    %exp3A_587 = math.exp %neg3A_586 : vector<16xf32>
    %swap3A_588 = arith.constant 208 : index
    %swap3A_589 = tpu.vector_load %arg27[%swap3A_588] {strides = array<i32>} : memref<512xf32, #tpu.memory_space<vmem>>, vector<16xf32>,
    tpu.vector_store %arg27[%swap3A_588], %exp3A_587 {strides = array<i32>} : memref<512xf32, #tpu.memory_space<vmem>>, vector<16xf32>,
    %get3A_590 = arith.constant 224 : index
    %get3A_591 = tpu.vector_load %arg26[%get3A_590] {strides = array<i32>} : memref<512xf32, #tpu.memory_space<vmem>>, vector<16xf32>,
    %get3A_592 = arith.constant 224 : index
    %get3A_593 = tpu.vector_load %arg25[%get3A_592] {strides = array<i32>} : memref<512xf32, #tpu.memory_space<vmem>>, vector<16xf32>,
    %ge3A_594 = arith.constant 0.000000e+00 : f32
    %ge3A_595 = vector.broadcast %ge3A_594 : f32 to vector<16xf32>
    %ge3A_596 = arith.cmpf oge, %get3A_591, %ge3A_595 : vector<16xf32>
    %sub3A_597 = arith.subf %get3A_593, %get3A_591 : vector<16xf32>
    %abs3A_598 = math.absf %sub3A_597 : vector<16xf32>
    %jit3A_599 = arith.constant 0.000000e+00 : f32
    %broadcast_in_dim3A_600 = vector.broadcast %jit3A_599 : f32 to vector<16xf32>
    %select_n3A_601 = arith.select %ge3A_596, %abs3A_598, %broadcast_in_dim3A_600 : vector<16xi1>, vector<16xf32>
    %swap3A_602 = arith.constant 224 : index
    %swap3A_603 = tpu.vector_load %arg28[%swap3A_602] {strides = array<i32>} : memref<512xf32, #tpu.memory_space<vmem>>, vector<16xf32>,
    tpu.vector_store %arg28[%swap3A_602], %select_n3A_601 {strides = array<i32>} : memref<512xf32, #tpu.memory_space<vmem>>, vector<16xf32>,
    %neg3A_604 = arith.constant 0.000000e+00 : f32
    %neg3A_605 = vector.broadcast %neg3A_604 : f32 to vector<16xf32>
    %neg3A_606 = arith.subf %neg3A_605, %select_n3A_601 : vector<16xf32>
    %exp3A_607 = math.exp %neg3A_606 : vector<16xf32>
    %swap3A_608 = arith.constant 224 : index
    %swap3A_609 = tpu.vector_load %arg27[%swap3A_608] {strides = array<i32>} : memref<512xf32, #tpu.memory_space<vmem>>, vector<16xf32>,
    tpu.vector_store %arg27[%swap3A_608], %exp3A_607 {strides = array<i32>} : memref<512xf32, #tpu.memory_space<vmem>>, vector<16xf32>,
    %get3A_610 = arith.constant 240 : index
    %get3A_611 = tpu.vector_load %arg26[%get3A_610] {strides = array<i32>} : memref<512xf32, #tpu.memory_space<vmem>>, vector<16xf32>,
    %get3A_612 = arith.constant 240 : index
    %get3A_613 = tpu.vector_load %arg25[%get3A_612] {strides = array<i32>} : memref<512xf32, #tpu.memory_space<vmem>>, vector<16xf32>,
    %ge3A_614 = arith.constant 0.000000e+00 : f32
    %ge3A_615 = vector.broadcast %ge3A_614 : f32 to vector<16xf32>
    %ge3A_616 = arith.cmpf oge, %get3A_611, %ge3A_615 : vector<16xf32>
    %sub3A_617 = arith.subf %get3A_613, %get3A_611 : vector<16xf32>
    %abs3A_618 = math.absf %sub3A_617 : vector<16xf32>
    %jit3A_619 = arith.constant 0.000000e+00 : f32
    %broadcast_in_dim3A_620 = vector.broadcast %jit3A_619 : f32 to vector<16xf32>
    %select_n3A_621 = arith.select %ge3A_616, %abs3A_618, %broadcast_in_dim3A_620 : vector<16xi1>, vector<16xf32>
    %swap3A_622 = arith.constant 240 : index
    %swap3A_623 = tpu.vector_load %arg28[%swap3A_622] {strides = array<i32>} : memref<512xf32, #tpu.memory_space<vmem>>, vector<16xf32>,
    tpu.vector_store %arg28[%swap3A_622], %select_n3A_621 {strides = array<i32>} : memref<512xf32, #tpu.memory_space<vmem>>, vector<16xf32>,
    %neg3A_624 = arith.constant 0.000000e+00 : f32
    %neg3A_625 = vector.broadcast %neg3A_624 : f32 to vector<16xf32>
    %neg3A_626 = arith.subf %neg3A_625, %select_n3A_621 : vector<16xf32>
    %exp3A_627 = math.exp %neg3A_626 : vector<16xf32>
    %swap3A_628 = arith.constant 240 : index
    %swap3A_629 = tpu.vector_load %arg27[%swap3A_628] {strides = array<i32>} : memref<512xf32, #tpu.memory_space<vmem>>, vector<16xf32>,
    tpu.vector_store %arg27[%swap3A_628], %exp3A_627 {strides = array<i32>} : memref<512xf32, #tpu.memory_space<vmem>>, vector<16xf32>,
    %get3A_630 = arith.constant 256 : index
    %get3A_631 = tpu.vector_load %arg26[%get3A_630] {strides = array<i32>} : memref<512xf32, #tpu.memory_space<vmem>>, vector<16xf32>,
    %get3A_632 = arith.constant 256 : index
    %get3A_633 = tpu.vector_load %arg25[%get3A_632] {strides = array<i32>} : memref<512xf32, #tpu.memory_space<vmem>>, vector<16xf32>,
    %ge3A_634 = arith.constant 0.000000e+00 : f32
    %ge3A_635 = vector.broadcast %ge3A_634 : f32 to vector<16xf32>
    %ge3A_636 = arith.cmpf oge, %get3A_631, %ge3A_635 : vector<16xf32>
    %sub3A_637 = arith.subf %get3A_633, %get3A_631 : vector<16xf32>
    %abs3A_638 = math.absf %sub3A_637 : vector<16xf32>
    %jit3A_639 = arith.constant 0.000000e+00 : f32
    %broadcast_in_dim3A_640 = vector.broadcast %jit3A_639 : f32 to vector<16xf32>
    %select_n3A_641 = arith.select %ge3A_636, %abs3A_638, %broadcast_in_dim3A_640 : vector<16xi1>, vector<16xf32>
    %swap3A_642 = arith.constant 256 : index
    %swap3A_643 = tpu.vector_load %arg28[%swap3A_642] {strides = array<i32>} : memref<512xf32, #tpu.memory_space<vmem>>, vector<16xf32>,
    tpu.vector_store %arg28[%swap3A_642], %select_n3A_641 {strides = array<i32>} : memref<512xf32, #tpu.memory_space<vmem>>, vector<16xf32>,
    %neg3A_644 = arith.constant 0.000000e+00 : f32
    %neg3A_645 = vector.broadcast %neg3A_644 : f32 to vector<16xf32>
    %neg3A_646 = arith.subf %neg3A_645, %select_n3A_641 : vector<16xf32>
    %exp3A_647 = math.exp %neg3A_646 : vector<16xf32>
    %swap3A_648 = arith.constant 256 : index
    %swap3A_649 = tpu.vector_load %arg27[%swap3A_648] {strides = array<i32>} : memref<512xf32, #tpu.memory_space<vmem>>, vector<16xf32>,
    tpu.vector_store %arg27[%swap3A_648], %exp3A_647 {strides = array<i32>} : memref<512xf32, #tpu.memory_space<vmem>>, vector<16xf32>,
    %get3A_650 = arith.constant 272 : index
    %get3A_651 = tpu.vector_load %arg26[%get3A_650] {strides = array<i32>} : memref<512xf32, #tpu.memory_space<vmem>>, vector<16xf32>,
    %get3A_652 = arith.constant 272 : index
    %get3A_653 = tpu.vector_load %arg25[%get3A_652] {strides = array<i32>} : memref<512xf32, #tpu.memory_space<vmem>>, vector<16xf32>,
    %ge3A_654 = arith.constant 0.000000e+00 : f32
    %ge3A_655 = vector.broadcast %ge3A_654 : f32 to vector<16xf32>
    %ge3A_656 = arith.cmpf oge, %get3A_651, %ge3A_655 : vector<16xf32>
    %sub3A_657 = arith.subf %get3A_653, %get3A_651 : vector<16xf32>
    %abs3A_658 = math.absf %sub3A_657 : vector<16xf32>
    %jit3A_659 = arith.constant 0.000000e+00 : f32
    %broadcast_in_dim3A_660 = vector.broadcast %jit3A_659 : f32 to vector<16xf32>
    %select_n3A_661 = arith.select %ge3A_656, %abs3A_658, %broadcast_in_dim3A_660 : vector<16xi1>, vector<16xf32>
    %swap3A_662 = arith.constant 272 : index
    %swap3A_663 = tpu.vector_load %arg28[%swap3A_662] {strides = array<i32>} : memref<512xf32, #tpu.memory_space<vmem>>, vector<16xf32>,
    tpu.vector_store %arg28[%swap3A_662], %select_n3A_661 {strides = array<i32>} : memref<512xf32, #tpu.memory_space<vmem>>, vector<16xf32>,
    %neg3A_664 = arith.constant 0.000000e+00 : f32
    %neg3A_665 = vector.broadcast %neg3A_664 : f32 to vector<16xf32>
    %neg3A_666 = arith.subf %neg3A_665, %select_n3A_661 : vector<16xf32>
    %exp3A_667 = math.exp %neg3A_666 : vector<16xf32>
    %swap3A_668 = arith.constant 272 : index
    %swap3A_669 = tpu.vector_load %arg27[%swap3A_668] {strides = array<i32>} : memref<512xf32, #tpu.memory_space<vmem>>, vector<16xf32>,
    tpu.vector_store %arg27[%swap3A_668], %exp3A_667 {strides = array<i32>} : memref<512xf32, #tpu.memory_space<vmem>>, vector<16xf32>,
    %get3A_670 = arith.constant 288 : index
    %get3A_671 = tpu.vector_load %arg26[%get3A_670] {strides = array<i32>} : memref<512xf32, #tpu.memory_space<vmem>>, vector<16xf32>,
    %get3A_672 = arith.constant 288 : index
    %get3A_673 = tpu.vector_load %arg25[%get3A_672] {strides = array<i32>} : memref<512xf32, #tpu.memory_space<vmem>>, vector<16xf32>,
    %ge3A_674 = arith.constant 0.000000e+00 : f32
    %ge3A_675 = vector.broadcast %ge3A_674 : f32 to vector<16xf32>
    %ge3A_676 = arith.cmpf oge, %get3A_671, %ge3A_675 : vector<16xf32>
    %sub3A_677 = arith.subf %get3A_673, %get3A_671 : vector<16xf32>
    %abs3A_678 = math.absf %sub3A_677 : vector<16xf32>
    %jit3A_679 = arith.constant 0.000000e+00 : f32
    %broadcast_in_dim3A_680 = vector.broadcast %jit3A_679 : f32 to vector<16xf32>
    %select_n3A_681 = arith.select %ge3A_676, %abs3A_678, %broadcast_in_dim3A_680 : vector<16xi1>, vector<16xf32>
    %swap3A_682 = arith.constant 288 : index
    %swap3A_683 = tpu.vector_load %arg28[%swap3A_682] {strides = array<i32>} : memref<512xf32, #tpu.memory_space<vmem>>, vector<16xf32>,
    tpu.vector_store %arg28[%swap3A_682], %select_n3A_681 {strides = array<i32>} : memref<512xf32, #tpu.memory_space<vmem>>, vector<16xf32>,
    %neg3A_684 = arith.constant 0.000000e+00 : f32
    %neg3A_685 = vector.broadcast %neg3A_684 : f32 to vector<16xf32>
    %neg3A_686 = arith.subf %neg3A_685, %select_n3A_681 : vector<16xf32>
    %exp3A_687 = math.exp %neg3A_686 : vector<16xf32>
    %swap3A_688 = arith.constant 288 : index
    %swap3A_689 = tpu.vector_load %arg27[%swap3A_688] {strides = array<i32>} : memref<512xf32, #tpu.memory_space<vmem>>, vector<16xf32>,
    tpu.vector_store %arg27[%swap3A_688], %exp3A_687 {strides = array<i32>} : memref<512xf32, #tpu.memory_space<vmem>>, vector<16xf32>,
    %get3A_690 = arith.constant 304 : index
    %get3A_691 = tpu.vector_load %arg26[%get3A_690] {strides = array<i32>} : memref<512xf32, #tpu.memory_space<vmem>>, vector<16xf32>,
    %get3A_692 = arith.constant 304 : index
    %get3A_693 = tpu.vector_load %arg25[%get3A_692] {strides = array<i32>} : memref<512xf32, #tpu.memory_space<vmem>>, vector<16xf32>,
    %ge3A_694 = arith.constant 0.000000e+00 : f32
    %ge3A_695 = vector.broadcast %ge3A_694 : f32 to vector<16xf32>
    %ge3A_696 = arith.cmpf oge, %get3A_691, %ge3A_695 : vector<16xf32>
    %sub3A_697 = arith.subf %get3A_693, %get3A_691 : vector<16xf32>
    %abs3A_698 = math.absf %sub3A_697 : vector<16xf32>
    %jit3A_699 = arith.constant 0.000000e+00 : f32
    %broadcast_in_dim3A_700 = vector.broadcast %jit3A_699 : f32 to vector<16xf32>
    %select_n3A_701 = arith.select %ge3A_696, %abs3A_698, %broadcast_in_dim3A_700 : vector<16xi1>, vector<16xf32>
    %swap3A_702 = arith.constant 304 : index
    %swap3A_703 = tpu.vector_load %arg28[%swap3A_702] {strides = array<i32>} : memref<512xf32, #tpu.memory_space<vmem>>, vector<16xf32>,
    tpu.vector_store %arg28[%swap3A_702], %select_n3A_701 {strides = array<i32>} : memref<512xf32, #tpu.memory_space<vmem>>, vector<16xf32>,
    %neg3A_704 = arith.constant 0.000000e+00 : f32
    %neg3A_705 = vector.broadcast %neg3A_704 : f32 to vector<16xf32>
    %neg3A_706 = arith.subf %neg3A_705, %select_n3A_701 : vector<16xf32>
    %exp3A_707 = math.exp %neg3A_706 : vector<16xf32>
    %swap3A_708 = arith.constant 304 : index
    %swap3A_709 = tpu.vector_load %arg27[%swap3A_708] {strides = array<i32>} : memref<512xf32, #tpu.memory_space<vmem>>, vector<16xf32>,
    tpu.vector_store %arg27[%swap3A_708], %exp3A_707 {strides = array<i32>} : memref<512xf32, #tpu.memory_space<vmem>>, vector<16xf32>,
    %get3A_710 = arith.constant 320 : index
    %get3A_711 = tpu.vector_load %arg26[%get3A_710] {strides = array<i32>} : memref<512xf32, #tpu.memory_space<vmem>>, vector<16xf32>,
    %get3A_712 = arith.constant 320 : index
    %get3A_713 = tpu.vector_load %arg25[%get3A_712] {strides = array<i32>} : memref<512xf32, #tpu.memory_space<vmem>>, vector<16xf32>,
    %ge3A_714 = arith.constant 0.000000e+00 : f32
    %ge3A_715 = vector.broadcast %ge3A_714 : f32 to vector<16xf32>
    %ge3A_716 = arith.cmpf oge, %get3A_711, %ge3A_715 : vector<16xf32>
    %sub3A_717 = arith.subf %get3A_713, %get3A_711 : vector<16xf32>
    %abs3A_718 = math.absf %sub3A_717 : vector<16xf32>
    %jit3A_719 = arith.constant 0.000000e+00 : f32
    %broadcast_in_dim3A_720 = vector.broadcast %jit3A_719 : f32 to vector<16xf32>
    %select_n3A_721 = arith.select %ge3A_716, %abs3A_718, %broadcast_in_dim3A_720 : vector<16xi1>, vector<16xf32>
    %swap3A_722 = arith.constant 320 : index
    %swap3A_723 = tpu.vector_load %arg28[%swap3A_722] {strides = array<i32>} : memref<512xf32, #tpu.memory_space<vmem>>, vector<16xf32>,
    tpu.vector_store %arg28[%swap3A_722], %select_n3A_721 {strides = array<i32>} : memref<512xf32, #tpu.memory_space<vmem>>, vector<16xf32>,
    %neg3A_724 = arith.constant 0.000000e+00 : f32
    %neg3A_725 = vector.broadcast %neg3A_724 : f32 to vector<16xf32>
    %neg3A_726 = arith.subf %neg3A_725, %select_n3A_721 : vector<16xf32>
    %exp3A_727 = math.exp %neg3A_726 : vector<16xf32>
    %swap3A_728 = arith.constant 320 : index
    %swap3A_729 = tpu.vector_load %arg27[%swap3A_728] {strides = array<i32>} : memref<512xf32, #tpu.memory_space<vmem>>, vector<16xf32>,
    tpu.vector_store %arg27[%swap3A_728], %exp3A_727 {strides = array<i32>} : memref<512xf32, #tpu.memory_space<vmem>>, vector<16xf32>,
    %get3A_730 = arith.constant 336 : index
    %get3A_731 = tpu.vector_load %arg26[%get3A_730] {strides = array<i32>} : memref<512xf32, #tpu.memory_space<vmem>>, vector<16xf32>,
    %get3A_732 = arith.constant 336 : index
    %get3A_733 = tpu.vector_load %arg25[%get3A_732] {strides = array<i32>} : memref<512xf32, #tpu.memory_space<vmem>>, vector<16xf32>,
    %ge3A_734 = arith.constant 0.000000e+00 : f32
    %ge3A_735 = vector.broadcast %ge3A_734 : f32 to vector<16xf32>
    %ge3A_736 = arith.cmpf oge, %get3A_731, %ge3A_735 : vector<16xf32>
    %sub3A_737 = arith.subf %get3A_733, %get3A_731 : vector<16xf32>
    %abs3A_738 = math.absf %sub3A_737 : vector<16xf32>
    %jit3A_739 = arith.constant 0.000000e+00 : f32
    %broadcast_in_dim3A_740 = vector.broadcast %jit3A_739 : f32 to vector<16xf32>
    %select_n3A_741 = arith.select %ge3A_736, %abs3A_738, %broadcast_in_dim3A_740 : vector<16xi1>, vector<16xf32>
    %swap3A_742 = arith.constant 336 : index
    %swap3A_743 = tpu.vector_load %arg28[%swap3A_742] {strides = array<i32>} : memref<512xf32, #tpu.memory_space<vmem>>, vector<16xf32>,
    tpu.vector_store %arg28[%swap3A_742], %select_n3A_741 {strides = array<i32>} : memref<512xf32, #tpu.memory_space<vmem>>, vector<16xf32>,
    %neg3A_744 = arith.constant 0.000000e+00 : f32
    %neg3A_745 = vector.broadcast %neg3A_744 : f32 to vector<16xf32>
    %neg3A_746 = arith.subf %neg3A_745, %select_n3A_741 : vector<16xf32>
    %exp3A_747 = math.exp %neg3A_746 : vector<16xf32>
    %swap3A_748 = arith.constant 336 : index
    %swap3A_749 = tpu.vector_load %arg27[%swap3A_748] {strides = array<i32>} : memref<512xf32, #tpu.memory_space<vmem>>, vector<16xf32>,
    tpu.vector_store %arg27[%swap3A_748], %exp3A_747 {strides = array<i32>} : memref<512xf32, #tpu.memory_space<vmem>>, vector<16xf32>,
    %get3A_750 = arith.constant 352 : index
    %get3A_751 = tpu.vector_load %arg26[%get3A_750] {strides = array<i32>} : memref<512xf32, #tpu.memory_space<vmem>>, vector<16xf32>,
    %get3A_752 = arith.constant 352 : index
    %get3A_753 = tpu.vector_load %arg25[%get3A_752] {strides = array<i32>} : memref<512xf32, #tpu.memory_space<vmem>>, vector<16xf32>,
    %ge3A_754 = arith.constant 0.000000e+00 : f32
    %ge3A_755 = vector.broadcast %ge3A_754 : f32 to vector<16xf32>
    %ge3A_756 = arith.cmpf oge, %get3A_751, %ge3A_755 : vector<16xf32>
    %sub3A_757 = arith.subf %get3A_753, %get3A_751 : vector<16xf32>
    %abs3A_758 = math.absf %sub3A_757 : vector<16xf32>
    %jit3A_759 = arith.constant 0.000000e+00 : f32
    %broadcast_in_dim3A_760 = vector.broadcast %jit3A_759 : f32 to vector<16xf32>
    %select_n3A_761 = arith.select %ge3A_756, %abs3A_758, %broadcast_in_dim3A_760 : vector<16xi1>, vector<16xf32>
    %swap3A_762 = arith.constant 352 : index
    %swap3A_763 = tpu.vector_load %arg28[%swap3A_762] {strides = array<i32>} : memref<512xf32, #tpu.memory_space<vmem>>, vector<16xf32>,
    tpu.vector_store %arg28[%swap3A_762], %select_n3A_761 {strides = array<i32>} : memref<512xf32, #tpu.memory_space<vmem>>, vector<16xf32>,
    %neg3A_764 = arith.constant 0.000000e+00 : f32
    %neg3A_765 = vector.broadcast %neg3A_764 : f32 to vector<16xf32>
    %neg3A_766 = arith.subf %neg3A_765, %select_n3A_761 : vector<16xf32>
    %exp3A_767 = math.exp %neg3A_766 : vector<16xf32>
    %swap3A_768 = arith.constant 352 : index
    %swap3A_769 = tpu.vector_load %arg27[%swap3A_768] {strides = array<i32>} : memref<512xf32, #tpu.memory_space<vmem>>, vector<16xf32>,
    tpu.vector_store %arg27[%swap3A_768], %exp3A_767 {strides = array<i32>} : memref<512xf32, #tpu.memory_space<vmem>>, vector<16xf32>,
    %get3A_770 = arith.constant 368 : index
    %get3A_771 = tpu.vector_load %arg26[%get3A_770] {strides = array<i32>} : memref<512xf32, #tpu.memory_space<vmem>>, vector<16xf32>,
    %get3A_772 = arith.constant 368 : index
    %get3A_773 = tpu.vector_load %arg25[%get3A_772] {strides = array<i32>} : memref<512xf32, #tpu.memory_space<vmem>>, vector<16xf32>,
    %ge3A_774 = arith.constant 0.000000e+00 : f32
    %ge3A_775 = vector.broadcast %ge3A_774 : f32 to vector<16xf32>
    %ge3A_776 = arith.cmpf oge, %get3A_771, %ge3A_775 : vector<16xf32>
    %sub3A_777 = arith.subf %get3A_773, %get3A_771 : vector<16xf32>
    %abs3A_778 = math.absf %sub3A_777 : vector<16xf32>
    %jit3A_779 = arith.constant 0.000000e+00 : f32
    %broadcast_in_dim3A_780 = vector.broadcast %jit3A_779 : f32 to vector<16xf32>
    %select_n3A_781 = arith.select %ge3A_776, %abs3A_778, %broadcast_in_dim3A_780 : vector<16xi1>, vector<16xf32>
    %swap3A_782 = arith.constant 368 : index
    %swap3A_783 = tpu.vector_load %arg28[%swap3A_782] {strides = array<i32>} : memref<512xf32, #tpu.memory_space<vmem>>, vector<16xf32>,
    tpu.vector_store %arg28[%swap3A_782], %select_n3A_781 {strides = array<i32>} : memref<512xf32, #tpu.memory_space<vmem>>, vector<16xf32>,
    %neg3A_784 = arith.constant 0.000000e+00 : f32
    %neg3A_785 = vector.broadcast %neg3A_784 : f32 to vector<16xf32>
    %neg3A_786 = arith.subf %neg3A_785, %select_n3A_781 : vector<16xf32>
    %exp3A_787 = math.exp %neg3A_786 : vector<16xf32>
    %swap3A_788 = arith.constant 368 : index
    %swap3A_789 = tpu.vector_load %arg27[%swap3A_788] {strides = array<i32>} : memref<512xf32, #tpu.memory_space<vmem>>, vector<16xf32>,
    tpu.vector_store %arg27[%swap3A_788], %exp3A_787 {strides = array<i32>} : memref<512xf32, #tpu.memory_space<vmem>>, vector<16xf32>,
    %get3A_790 = arith.constant 384 : index
    %get3A_791 = tpu.vector_load %arg26[%get3A_790] {strides = array<i32>} : memref<512xf32, #tpu.memory_space<vmem>>, vector<16xf32>,
    %get3A_792 = arith.constant 384 : index
    %get3A_793 = tpu.vector_load %arg25[%get3A_792] {strides = array<i32>} : memref<512xf32, #tpu.memory_space<vmem>>, vector<16xf32>,
    %ge3A_794 = arith.constant 0.000000e+00 : f32
    %ge3A_795 = vector.broadcast %ge3A_794 : f32 to vector<16xf32>
    %ge3A_796 = arith.cmpf oge, %get3A_791, %ge3A_795 : vector<16xf32>
    %sub3A_797 = arith.subf %get3A_793, %get3A_791 : vector<16xf32>
    %abs3A_798 = math.absf %sub3A_797 : vector<16xf32>
    %jit3A_799 = arith.constant 0.000000e+00 : f32
    %broadcast_in_dim3A_800 = vector.broadcast %jit3A_799 : f32 to vector<16xf32>
    %select_n3A_801 = arith.select %ge3A_796, %abs3A_798, %broadcast_in_dim3A_800 : vector<16xi1>, vector<16xf32>
    %swap3A_802 = arith.constant 384 : index
    %swap3A_803 = tpu.vector_load %arg28[%swap3A_802] {strides = array<i32>} : memref<512xf32, #tpu.memory_space<vmem>>, vector<16xf32>,
    tpu.vector_store %arg28[%swap3A_802], %select_n3A_801 {strides = array<i32>} : memref<512xf32, #tpu.memory_space<vmem>>, vector<16xf32>,
    %neg3A_804 = arith.constant 0.000000e+00 : f32
    %neg3A_805 = vector.broadcast %neg3A_804 : f32 to vector<16xf32>
    %neg3A_806 = arith.subf %neg3A_805, %select_n3A_801 : vector<16xf32>
    %exp3A_807 = math.exp %neg3A_806 : vector<16xf32>
    %swap3A_808 = arith.constant 384 : index
    %swap3A_809 = tpu.vector_load %arg27[%swap3A_808] {strides = array<i32>} : memref<512xf32, #tpu.memory_space<vmem>>, vector<16xf32>,
    tpu.vector_store %arg27[%swap3A_808], %exp3A_807 {strides = array<i32>} : memref<512xf32, #tpu.memory_space<vmem>>, vector<16xf32>,
    %get3A_810 = arith.constant 400 : index
    %get3A_811 = tpu.vector_load %arg26[%get3A_810] {strides = array<i32>} : memref<512xf32, #tpu.memory_space<vmem>>, vector<16xf32>,
    %get3A_812 = arith.constant 400 : index
    %get3A_813 = tpu.vector_load %arg25[%get3A_812] {strides = array<i32>} : memref<512xf32, #tpu.memory_space<vmem>>, vector<16xf32>,
    %ge3A_814 = arith.constant 0.000000e+00 : f32
    %ge3A_815 = vector.broadcast %ge3A_814 : f32 to vector<16xf32>
    %ge3A_816 = arith.cmpf oge, %get3A_811, %ge3A_815 : vector<16xf32>
    %sub3A_817 = arith.subf %get3A_813, %get3A_811 : vector<16xf32>
    %abs3A_818 = math.absf %sub3A_817 : vector<16xf32>
    %jit3A_819 = arith.constant 0.000000e+00 : f32
    %broadcast_in_dim3A_820 = vector.broadcast %jit3A_819 : f32 to vector<16xf32>
    %select_n3A_821 = arith.select %ge3A_816, %abs3A_818, %broadcast_in_dim3A_820 : vector<16xi1>, vector<16xf32>
    %swap3A_822 = arith.constant 400 : index
    %swap3A_823 = tpu.vector_load %arg28[%swap3A_822] {strides = array<i32>} : memref<512xf32, #tpu.memory_space<vmem>>, vector<16xf32>,
    tpu.vector_store %arg28[%swap3A_822], %select_n3A_821 {strides = array<i32>} : memref<512xf32, #tpu.memory_space<vmem>>, vector<16xf32>,
    %neg3A_824 = arith.constant 0.000000e+00 : f32
    %neg3A_825 = vector.broadcast %neg3A_824 : f32 to vector<16xf32>
    %neg3A_826 = arith.subf %neg3A_825, %select_n3A_821 : vector<16xf32>
    %exp3A_827 = math.exp %neg3A_826 : vector<16xf32>
    %swap3A_828 = arith.constant 400 : index
    %swap3A_829 = tpu.vector_load %arg27[%swap3A_828] {strides = array<i32>} : memref<512xf32, #tpu.memory_space<vmem>>, vector<16xf32>,
    tpu.vector_store %arg27[%swap3A_828], %exp3A_827 {strides = array<i32>} : memref<512xf32, #tpu.memory_space<vmem>>, vector<16xf32>,
    %get3A_830 = arith.constant 416 : index
    %get3A_831 = tpu.vector_load %arg26[%get3A_830] {strides = array<i32>} : memref<512xf32, #tpu.memory_space<vmem>>, vector<16xf32>,
    %get3A_832 = arith.constant 416 : index
    %get3A_833 = tpu.vector_load %arg25[%get3A_832] {strides = array<i32>} : memref<512xf32, #tpu.memory_space<vmem>>, vector<16xf32>,
    %ge3A_834 = arith.constant 0.000000e+00 : f32
    %ge3A_835 = vector.broadcast %ge3A_834 : f32 to vector<16xf32>
    %ge3A_836 = arith.cmpf oge, %get3A_831, %ge3A_835 : vector<16xf32>
    %sub3A_837 = arith.subf %get3A_833, %get3A_831 : vector<16xf32>
    %abs3A_838 = math.absf %sub3A_837 : vector<16xf32>
    %jit3A_839 = arith.constant 0.000000e+00 : f32
    %broadcast_in_dim3A_840 = vector.broadcast %jit3A_839 : f32 to vector<16xf32>
    %select_n3A_841 = arith.select %ge3A_836, %abs3A_838, %broadcast_in_dim3A_840 : vector<16xi1>, vector<16xf32>
    %swap3A_842 = arith.constant 416 : index
    %swap3A_843 = tpu.vector_load %arg28[%swap3A_842] {strides = array<i32>} : memref<512xf32, #tpu.memory_space<vmem>>, vector<16xf32>,
    tpu.vector_store %arg28[%swap3A_842], %select_n3A_841 {strides = array<i32>} : memref<512xf32, #tpu.memory_space<vmem>>, vector<16xf32>,
    %neg3A_844 = arith.constant 0.000000e+00 : f32
    %neg3A_845 = vector.broadcast %neg3A_844 : f32 to vector<16xf32>
    %neg3A_846 = arith.subf %neg3A_845, %select_n3A_841 : vector<16xf32>
    %exp3A_847 = math.exp %neg3A_846 : vector<16xf32>
    %swap3A_848 = arith.constant 416 : index
    %swap3A_849 = tpu.vector_load %arg27[%swap3A_848] {strides = array<i32>} : memref<512xf32, #tpu.memory_space<vmem>>, vector<16xf32>,
    tpu.vector_store %arg27[%swap3A_848], %exp3A_847 {strides = array<i32>} : memref<512xf32, #tpu.memory_space<vmem>>, vector<16xf32>,
    %get3A_850 = arith.constant 432 : index
    %get3A_851 = tpu.vector_load %arg26[%get3A_850] {strides = array<i32>} : memref<512xf32, #tpu.memory_space<vmem>>, vector<16xf32>,
    %get3A_852 = arith.constant 432 : index
    %get3A_853 = tpu.vector_load %arg25[%get3A_852] {strides = array<i32>} : memref<512xf32, #tpu.memory_space<vmem>>, vector<16xf32>,
    %ge3A_854 = arith.constant 0.000000e+00 : f32
    %ge3A_855 = vector.broadcast %ge3A_854 : f32 to vector<16xf32>
    %ge3A_856 = arith.cmpf oge, %get3A_851, %ge3A_855 : vector<16xf32>
    %sub3A_857 = arith.subf %get3A_853, %get3A_851 : vector<16xf32>
    %abs3A_858 = math.absf %sub3A_857 : vector<16xf32>
    %jit3A_859 = arith.constant 0.000000e+00 : f32
    %broadcast_in_dim3A_860 = vector.broadcast %jit3A_859 : f32 to vector<16xf32>
    %select_n3A_861 = arith.select %ge3A_856, %abs3A_858, %broadcast_in_dim3A_860 : vector<16xi1>, vector<16xf32>
    %swap3A_862 = arith.constant 432 : index
    %swap3A_863 = tpu.vector_load %arg28[%swap3A_862] {strides = array<i32>} : memref<512xf32, #tpu.memory_space<vmem>>, vector<16xf32>,
    tpu.vector_store %arg28[%swap3A_862], %select_n3A_861 {strides = array<i32>} : memref<512xf32, #tpu.memory_space<vmem>>, vector<16xf32>,
    %neg3A_864 = arith.constant 0.000000e+00 : f32
    %neg3A_865 = vector.broadcast %neg3A_864 : f32 to vector<16xf32>
    %neg3A_866 = arith.subf %neg3A_865, %select_n3A_861 : vector<16xf32>
    %exp3A_867 = math.exp %neg3A_866 : vector<16xf32>
    %swap3A_868 = arith.constant 432 : index
    %swap3A_869 = tpu.vector_load %arg27[%swap3A_868] {strides = array<i32>} : memref<512xf32, #tpu.memory_space<vmem>>, vector<16xf32>,
    tpu.vector_store %arg27[%swap3A_868], %exp3A_867 {strides = array<i32>} : memref<512xf32, #tpu.memory_space<vmem>>, vector<16xf32>,
    %get3A_870 = arith.constant 448 : index
    %get3A_871 = tpu.vector_load %arg26[%get3A_870] {strides = array<i32>} : memref<512xf32, #tpu.memory_space<vmem>>, vector<16xf32>,
    %get3A_872 = arith.constant 448 : index
    %get3A_873 = tpu.vector_load %arg25[%get3A_872] {strides = array<i32>} : memref<512xf32, #tpu.memory_space<vmem>>, vector<16xf32>,
    %ge3A_874 = arith.constant 0.000000e+00 : f32
    %ge3A_875 = vector.broadcast %ge3A_874 : f32 to vector<16xf32>
    %ge3A_876 = arith.cmpf oge, %get3A_871, %ge3A_875 : vector<16xf32>
    %sub3A_877 = arith.subf %get3A_873, %get3A_871 : vector<16xf32>
    %abs3A_878 = math.absf %sub3A_877 : vector<16xf32>
    %jit3A_879 = arith.constant 0.000000e+00 : f32
    %broadcast_in_dim3A_880 = vector.broadcast %jit3A_879 : f32 to vector<16xf32>
    %select_n3A_881 = arith.select %ge3A_876, %abs3A_878, %broadcast_in_dim3A_880 : vector<16xi1>, vector<16xf32>
    %swap3A_882 = arith.constant 448 : index
    %swap3A_883 = tpu.vector_load %arg28[%swap3A_882] {strides = array<i32>} : memref<512xf32, #tpu.memory_space<vmem>>, vector<16xf32>,
    tpu.vector_store %arg28[%swap3A_882], %select_n3A_881 {strides = array<i32>} : memref<512xf32, #tpu.memory_space<vmem>>, vector<16xf32>,
    %neg3A_884 = arith.constant 0.000000e+00 : f32
    %neg3A_885 = vector.broadcast %neg3A_884 : f32 to vector<16xf32>
    %neg3A_886 = arith.subf %neg3A_885, %select_n3A_881 : vector<16xf32>
    %exp3A_887 = math.exp %neg3A_886 : vector<16xf32>
    %swap3A_888 = arith.constant 448 : index
    %swap3A_889 = tpu.vector_load %arg27[%swap3A_888] {strides = array<i32>} : memref<512xf32, #tpu.memory_space<vmem>>, vector<16xf32>,
    tpu.vector_store %arg27[%swap3A_888], %exp3A_887 {strides = array<i32>} : memref<512xf32, #tpu.memory_space<vmem>>, vector<16xf32>,
    %get3A_890 = arith.constant 464 : index
    %get3A_891 = tpu.vector_load %arg26[%get3A_890] {strides = array<i32>} : memref<512xf32, #tpu.memory_space<vmem>>, vector<16xf32>,
    %get3A_892 = arith.constant 464 : index
    %get3A_893 = tpu.vector_load %arg25[%get3A_892] {strides = array<i32>} : memref<512xf32, #tpu.memory_space<vmem>>, vector<16xf32>,
    %ge3A_894 = arith.constant 0.000000e+00 : f32
    %ge3A_895 = vector.broadcast %ge3A_894 : f32 to vector<16xf32>
    %ge3A_896 = arith.cmpf oge, %get3A_891, %ge3A_895 : vector<16xf32>
    %sub3A_897 = arith.subf %get3A_893, %get3A_891 : vector<16xf32>
    %abs3A_898 = math.absf %sub3A_897 : vector<16xf32>
    %jit3A_899 = arith.constant 0.000000e+00 : f32
    %broadcast_in_dim3A_900 = vector.broadcast %jit3A_899 : f32 to vector<16xf32>
    %select_n3A_901 = arith.select %ge3A_896, %abs3A_898, %broadcast_in_dim3A_900 : vector<16xi1>, vector<16xf32>
    %swap3A_902 = arith.constant 464 : index
    %swap3A_903 = tpu.vector_load %arg28[%swap3A_902] {strides = array<i32>} : memref<512xf32, #tpu.memory_space<vmem>>, vector<16xf32>,
    tpu.vector_store %arg28[%swap3A_902], %select_n3A_901 {strides = array<i32>} : memref<512xf32, #tpu.memory_space<vmem>>, vector<16xf32>,
    %neg3A_904 = arith.constant 0.000000e+00 : f32
    %neg3A_905 = vector.broadcast %neg3A_904 : f32 to vector<16xf32>
    %neg3A_906 = arith.subf %neg3A_905, %select_n3A_901 : vector<16xf32>
    %exp3A_907 = math.exp %neg3A_906 : vector<16xf32>
    %swap3A_908 = arith.constant 464 : index
    %swap3A_909 = tpu.vector_load %arg27[%swap3A_908] {strides = array<i32>} : memref<512xf32, #tpu.memory_space<vmem>>, vector<16xf32>,
    tpu.vector_store %arg27[%swap3A_908], %exp3A_907 {strides = array<i32>} : memref<512xf32, #tpu.memory_space<vmem>>, vector<16xf32>,
    %get3A_910 = arith.constant 480 : index
    %get3A_911 = tpu.vector_load %arg26[%get3A_910] {strides = array<i32>} : memref<512xf32, #tpu.memory_space<vmem>>, vector<16xf32>,
    %get3A_912 = arith.constant 480 : index
    %get3A_913 = tpu.vector_load %arg25[%get3A_912] {strides = array<i32>} : memref<512xf32, #tpu.memory_space<vmem>>, vector<16xf32>,
    %ge3A_914 = arith.constant 0.000000e+00 : f32
    %ge3A_915 = vector.broadcast %ge3A_914 : f32 to vector<16xf32>
    %ge3A_916 = arith.cmpf oge, %get3A_911, %ge3A_915 : vector<16xf32>
    %sub3A_917 = arith.subf %get3A_913, %get3A_911 : vector<16xf32>
    %abs3A_918 = math.absf %sub3A_917 : vector<16xf32>
    %jit3A_919 = arith.constant 0.000000e+00 : f32
    %broadcast_in_dim3A_920 = vector.broadcast %jit3A_919 : f32 to vector<16xf32>
    %select_n3A_921 = arith.select %ge3A_916, %abs3A_918, %broadcast_in_dim3A_920 : vector<16xi1>, vector<16xf32>
    %swap3A_922 = arith.constant 480 : index
    %swap3A_923 = tpu.vector_load %arg28[%swap3A_922] {strides = array<i32>} : memref<512xf32, #tpu.memory_space<vmem>>, vector<16xf32>,
    tpu.vector_store %arg28[%swap3A_922], %select_n3A_921 {strides = array<i32>} : memref<512xf32, #tpu.memory_space<vmem>>, vector<16xf32>,
    %neg3A_924 = arith.constant 0.000000e+00 : f32
    %neg3A_925 = vector.broadcast %neg3A_924 : f32 to vector<16xf32>
    %neg3A_926 = arith.subf %neg3A_925, %select_n3A_921 : vector<16xf32>
    %exp3A_927 = math.exp %neg3A_926 : vector<16xf32>
    %swap3A_928 = arith.constant 480 : index
    %swap3A_929 = tpu.vector_load %arg27[%swap3A_928] {strides = array<i32>} : memref<512xf32, #tpu.memory_space<vmem>>, vector<16xf32>,
    tpu.vector_store %arg27[%swap3A_928], %exp3A_927 {strides = array<i32>} : memref<512xf32, #tpu.memory_space<vmem>>, vector<16xf32>,
    %get3A_930 = arith.constant 496 : index
    %get3A_931 = tpu.vector_load %arg26[%get3A_930] {strides = array<i32>} : memref<512xf32, #tpu.memory_space<vmem>>, vector<16xf32>,
    %get3A_932 = arith.constant 496 : index
    %get3A_933 = tpu.vector_load %arg25[%get3A_932] {strides = array<i32>} : memref<512xf32, #tpu.memory_space<vmem>>, vector<16xf32>,
    %ge3A_934 = arith.constant 0.000000e+00 : f32
    %ge3A_935 = vector.broadcast %ge3A_934 : f32 to vector<16xf32>
    %ge3A_936 = arith.cmpf oge, %get3A_931, %ge3A_935 : vector<16xf32>
    %sub3A_937 = arith.subf %get3A_933, %get3A_931 : vector<16xf32>
    %abs3A_938 = math.absf %sub3A_937 : vector<16xf32>
    %jit3A_939 = arith.constant 0.000000e+00 : f32
    %broadcast_in_dim3A_940 = vector.broadcast %jit3A_939 : f32 to vector<16xf32>
    %select_n3A_941 = arith.select %ge3A_936, %abs3A_938, %broadcast_in_dim3A_940 : vector<16xi1>, vector<16xf32>
    %swap3A_942 = arith.constant 496 : index
    %swap3A_943 = tpu.vector_load %arg28[%swap3A_942] {strides = array<i32>} : memref<512xf32, #tpu.memory_space<vmem>>, vector<16xf32>,
    tpu.vector_store %arg28[%swap3A_942], %select_n3A_941 {strides = array<i32>} : memref<512xf32, #tpu.memory_space<vmem>>, vector<16xf32>,
    %neg3A_944 = arith.constant 0.000000e+00 : f32
    %neg3A_945 = vector.broadcast %neg3A_944 : f32 to vector<16xf32>
    %neg3A_946 = arith.subf %neg3A_945, %select_n3A_941 : vector<16xf32>
    %exp3A_947 = math.exp %neg3A_946 : vector<16xf32>
    %swap3A_948 = arith.constant 496 : index
    %swap3A_949 = tpu.vector_load %arg27[%swap3A_948] {strides = array<i32>} : memref<512xf32, #tpu.memory_space<vmem>>, vector<16xf32>,
    tpu.vector_store %arg27[%swap3A_948], %exp3A_947 {strides = array<i32>} : memref<512xf32, #tpu.memory_space<vmem>>, vector<16xf32>,
    %dma_start3A_950 = arith.constant 0 : i32
    %dma_start3A_951 = tpu.memref_slice %arg38[%dma_start3A_950] : memref<1024xf32, #tpu.memory_space<vmem_shared>> -> memref<1024xf32, #tpu.memory_space<vmem_shared>>
    tpu.enqueue_indirect_dma source(%arg27 : memref<512xf32, #tpu.memory_space<vmem>>) target(%dma_start3A_951 : memref<1024xf32, #tpu.memory_space<vmem_shared>>) offsets(%arg23 : memref<512xi32, #tpu.memory_space<vmem>>) semaphore(%arg45 : memref<!tpu.dma_semaphore, #tpu.memory_space<semaphore_mem>>) {add = true}
    %dma_start3A_952 = arith.constant 0 : i32
    %dma_start3A_953 = tpu.memref_slice %arg39[%dma_start3A_952] : memref<1024xf32, #tpu.memory_space<vmem_shared>> -> memref<1024xf32, #tpu.memory_space<vmem_shared>>
    tpu.enqueue_indirect_dma source(%arg28 : memref<512xf32, #tpu.memory_space<vmem>>) target(%dma_start3A_953 : memref<1024xf32, #tpu.memory_space<vmem_shared>>) offsets(%arg23 : memref<512xi32, #tpu.memory_space<vmem>>) semaphore(%arg45 : memref<!tpu.dma_semaphore, #tpu.memory_space<semaphore_mem>>) {add = true}
    %dma_start3A_954 = arith.constant 0 : i32
    %dma_start3A_955 = tpu.memref_slice %arg40[%dma_start3A_954] : memref<1024xf32, #tpu.memory_space<vmem_shared>> -> memref<1024xf32, #tpu.memory_space<vmem_shared>>
    tpu.enqueue_indirect_dma source(%arg29 : memref<512xf32, #tpu.memory_space<vmem>>) target(%dma_start3A_955 : memref<1024xf32, #tpu.memory_space<vmem_shared>>) offsets(%arg23 : memref<512xi32, #tpu.memory_space<vmem>>) semaphore(%arg45 : memref<!tpu.dma_semaphore, #tpu.memory_space<semaphore_mem>>) {add = true}
    "tpu.region"() ({
      %run_scoped3A = tpu.sem_alloc : memref<!tpu.dma_semaphore, #tpu.memory_space<semaphore_mem>>
      %dma_start3A_1070 = arith.constant 0 : i32
      %dma_start3A_1071 = tpu.memref_slice %arg14[%add3A, %dma_start3A_1070] : memref<32x512xf32, #tpu.memory_space<hbm>> -> memref<1x512xf32, #tpu.memory_space<hbm>>
      %dma_start3A_1072 = tpu.memref_squeeze %dma_start3A_1071 : memref<1x512xf32, #tpu.memory_space<hbm>> -> memref<512xf32, #tpu.memory_space<hbm>>
      %dma_start3A_1073 = arith.constant 0 : i32
      %dma_start3A_1074 = tpu.memref_slice %arg14[%add3A, %dma_start3A_1073] : memref<32x512xf32, #tpu.memory_space<hbm>> -> memref<1x512xf32, #tpu.memory_space<hbm>>
      %dma_start3A_1075 = tpu.memref_squeeze %dma_start3A_1074 : memref<1x512xf32, #tpu.memory_space<hbm>> -> memref<512xf32, #tpu.memory_space<hbm>>
      tpu.enqueue_dma source(%arg28 : memref<512xf32, #tpu.memory_space<vmem>>) target(%dma_start3A_1075 : memref<512xf32, #tpu.memory_space<hbm>>) target_semaphore(%run_scoped3A : memref<!tpu.dma_semaphore, #tpu.memory_space<semaphore_mem>>)
      %dma_wait3A_1076 = arith.constant 0 : i32
      %dma_wait3A_1077 = tpu.memref_slice %arg14[%add3A, %dma_wait3A_1076] : memref<32x512xf32, #tpu.memory_space<hbm>> -> memref<1x512xf32, #tpu.memory_space<hbm>>
      %dma_wait3A_1078 = tpu.memref_squeeze %dma_wait3A_1077 : memref<1x512xf32, #tpu.memory_space<hbm>> -> memref<512xf32, #tpu.memory_space<hbm>>
      %dma_wait3A_1079 = arith.constant 0 : i32
      %dma_wait3A_1080 = tpu.memref_slice %arg14[%add3A, %dma_wait3A_1079] : memref<32x512xf32, #tpu.memory_space<hbm>> -> memref<1x512xf32, #tpu.memory_space<hbm>>
      %dma_wait3A_1081 = tpu.memref_squeeze %dma_wait3A_1080 : memref<1x512xf32, #tpu.memory_space<hbm>> -> memref<512xf32, #tpu.memory_space<hbm>>
      tpu.wait_dma2 semaphore(%run_scoped3A : memref<!tpu.dma_semaphore, #tpu.memory_space<semaphore_mem>>) src(%arg28 : memref<512xf32, #tpu.memory_space<vmem>>) dst(%dma_wait3A_1081 : memref<512xf32, #tpu.memory_space<hbm>>)
      tpu.yield
    }) : () -> ()
    %dma_wait3A_956 = arith.constant 0 : i32
    %dma_wait3A_957 = arith.constant 0 : i32
    %dma_wait3A_958 = tpu.memref_slice %arg8[%dma_wait3A_956, %dma_wait3A_957] : memref<1024x128xf32, #tpu.memory_space<hbm>> -> memref<1024x128xf32, #tpu.memory_space<hbm>>
    tpu.wait_indirect_dma semaphore(%arg42 : memref<!tpu.dma_semaphore, #tpu.memory_space<semaphore_mem>>) src(%dma_wait3A_958 : memref<1024x128xf32, #tpu.memory_space<hbm>>) dst(%arg31 : memref<128x128xf32, #tpu.memory_space<vmem>>)
    %dma_wait3A_959 = arith.constant 0 : i32
    %dma_wait3A_960 = arith.constant 0 : i32
    %dma_wait3A_961 = arith.constant 0 : i32
    %dma_wait3A_962 = tpu.memref_slice %arg9[%add3A, %dma_wait3A_959, %dma_wait3A_960, %dma_wait3A_961] : memref<32x4x128x128xf32, #tpu.memory_space<hbm>> -> memref<1x1x128x128xf32, #tpu.memory_space<hbm>>
    %dma_wait3A_963 = tpu.memref_squeeze %dma_wait3A_962 : memref<1x1x128x128xf32, #tpu.memory_space<hbm>> -> memref<128x128xf32, #tpu.memory_space<hbm>>
    %dma_wait3A_964 = arith.constant 0 : i32
    %dma_wait3A_965 = arith.constant 0 : i32
    %dma_wait3A_966 = tpu.memref_slice %arg9[%add3A, %dma_wait3A_959, %dma_wait3A_964, %dma_wait3A_965] : memref<32x4x128x128xf32, #tpu.memory_space<hbm>> -> memref<1x1x128x128xf32, #tpu.memory_space<hbm>>
    %dma_wait3A_967 = tpu.memref_squeeze %dma_wait3A_966 : memref<1x1x128x128xf32, #tpu.memory_space<hbm>> -> memref<128x128xf32, #tpu.memory_space<hbm>>
    tpu.wait_dma2 semaphore(%arg42 : memref<!tpu.dma_semaphore, #tpu.memory_space<semaphore_mem>>) src(%dma_wait3A_967 : memref<128x128xf32, #tpu.memory_space<hbm>>) dst(%arg33 : memref<128x128xf32, #tpu.memory_space<vmem>>)
    %parallel_loop3A = arith.constant 0 : i32
    %parallel_loop3A_968 = arith.constant 128 : i32
    %parallel_loop3A_969 = arith.constant 1 : i32
    scf.for %parallel_loop3A_1070 = %parallel_loop3A to %parallel_loop3A_968 step %parallel_loop3A_969  : i32 {
      %parallel_loop3A_1071 = arith.constant 0 : i32
      %parallel_loop3A_1072 = arith.addi %parallel_loop3A_1071, %parallel_loop3A_1070 : i32
      %parallel_loop3A_1073 = vector.broadcast %parallel_loop3A_1072 : i32 to vector<16xi32>
      %parallel_loop3A_1074 = tpu.vector_load_idx %arg27[%parallel_loop3A_1073] : memref<512xf32, #tpu.memory_space<vmem>>[vector<16xi32>], vector<16xf32>,
      %parallel_loop3A_1075 = arith.index_cast %parallel_loop3A_1070 : i32 to index
      %parallel_loop3A_1076 = arith.constant 0 : index
      %parallel_loop3A_1077 = tpu.vector_load %arg31[%parallel_loop3A_1075, %parallel_loop3A_1076] {strides = array<i32>} : memref<128x128xf32, #tpu.memory_space<vmem>>, vector<16xf32>,
      %parallel_loop3A_1078 = arith.index_cast %parallel_loop3A_1070 : i32 to index
      %parallel_loop3A_1079 = arith.constant 0 : index
      %parallel_loop3A_1080 = tpu.vector_load %arg33[%parallel_loop3A_1078, %parallel_loop3A_1079] {strides = array<i32>} : memref<128x128xf32, #tpu.memory_space<vmem>>, vector<16xf32>,
      %parallel_loop3A_1081 = arith.addf %parallel_loop3A_1077, %parallel_loop3A_1080 : vector<16xf32>
      %parallel_loop3A_1082 = arith.constant 0.000000e+00 : f32
      %parallel_loop3A_1083 = vector.broadcast %parallel_loop3A_1082 : f32 to vector<16xf32>
      %parallel_loop3A_1084 = arith.maximumf %parallel_loop3A_1081, %parallel_loop3A_1083 : vector<16xf32>
      %parallel_loop3A_1085 = arith.mulf %parallel_loop3A_1084, %parallel_loop3A_1074 : vector<16xf32>
      %parallel_loop3A_1086 = arith.index_cast %parallel_loop3A_1070 : i32 to index
      %parallel_loop3A_1087 = arith.constant 0 : index
      %parallel_loop3A_1088 = tpu.vector_load %arg33[%parallel_loop3A_1086, %parallel_loop3A_1087] {strides = array<i32>} : memref<128x128xf32, #tpu.memory_space<vmem>>, vector<16xf32>,
      tpu.vector_store %arg33[%parallel_loop3A_1086, %parallel_loop3A_1087], %parallel_loop3A_1085 {strides = array<i32>} : memref<128x128xf32, #tpu.memory_space<vmem>>, vector<16xf32>,
      %parallel_loop3A_1089 = arith.index_cast %parallel_loop3A_1070 : i32 to index
      %parallel_loop3A_1090 = arith.constant 16 : index
      %parallel_loop3A_1091 = tpu.vector_load %arg31[%parallel_loop3A_1089, %parallel_loop3A_1090] {strides = array<i32>} : memref<128x128xf32, #tpu.memory_space<vmem>>, vector<16xf32>,
      %parallel_loop3A_1092 = arith.index_cast %parallel_loop3A_1070 : i32 to index
      %parallel_loop3A_1093 = arith.constant 16 : index
      %parallel_loop3A_1094 = tpu.vector_load %arg33[%parallel_loop3A_1092, %parallel_loop3A_1093] {strides = array<i32>} : memref<128x128xf32, #tpu.memory_space<vmem>>, vector<16xf32>,
      %parallel_loop3A_1095 = arith.addf %parallel_loop3A_1091, %parallel_loop3A_1094 : vector<16xf32>
      %parallel_loop3A_1096 = arith.constant 0.000000e+00 : f32
      %parallel_loop3A_1097 = vector.broadcast %parallel_loop3A_1096 : f32 to vector<16xf32>
      %parallel_loop3A_1098 = arith.maximumf %parallel_loop3A_1095, %parallel_loop3A_1097 : vector<16xf32>
      %parallel_loop3A_1099 = arith.mulf %parallel_loop3A_1098, %parallel_loop3A_1074 : vector<16xf32>
      %parallel_loop3A_1100 = arith.index_cast %parallel_loop3A_1070 : i32 to index
      %parallel_loop3A_1101 = arith.constant 16 : index
      %parallel_loop3A_1102 = tpu.vector_load %arg33[%parallel_loop3A_1100, %parallel_loop3A_1101] {strides = array<i32>} : memref<128x128xf32, #tpu.memory_space<vmem>>, vector<16xf32>,
      tpu.vector_store %arg33[%parallel_loop3A_1100, %parallel_loop3A_1101], %parallel_loop3A_1099 {strides = array<i32>} : memref<128x128xf32, #tpu.memory_space<vmem>>, vector<16xf32>,
      %parallel_loop3A_1103 = arith.index_cast %parallel_loop3A_1070 : i32 to index
      %parallel_loop3A_1104 = arith.constant 32 : index
      %parallel_loop3A_1105 = tpu.vector_load %arg31[%parallel_loop3A_1103, %parallel_loop3A_1104] {strides = array<i32>} : memref<128x128xf32, #tpu.memory_space<vmem>>, vector<16xf32>,
      %parallel_loop3A_1106 = arith.index_cast %parallel_loop3A_1070 : i32 to index
      %parallel_loop3A_1107 = arith.constant 32 : index
      %parallel_loop3A_1108 = tpu.vector_load %arg33[%parallel_loop3A_1106, %parallel_loop3A_1107] {strides = array<i32>} : memref<128x128xf32, #tpu.memory_space<vmem>>, vector<16xf32>,
      %parallel_loop3A_1109 = arith.addf %parallel_loop3A_1105, %parallel_loop3A_1108 : vector<16xf32>
      %parallel_loop3A_1110 = arith.constant 0.000000e+00 : f32
      %parallel_loop3A_1111 = vector.broadcast %parallel_loop3A_1110 : f32 to vector<16xf32>
      %parallel_loop3A_1112 = arith.maximumf %parallel_loop3A_1109, %parallel_loop3A_1111 : vector<16xf32>
      %parallel_loop3A_1113 = arith.mulf %parallel_loop3A_1112, %parallel_loop3A_1074 : vector<16xf32>
      %parallel_loop3A_1114 = arith.index_cast %parallel_loop3A_1070 : i32 to index
      %parallel_loop3A_1115 = arith.constant 32 : index
      %parallel_loop3A_1116 = tpu.vector_load %arg33[%parallel_loop3A_1114, %parallel_loop3A_1115] {strides = array<i32>} : memref<128x128xf32, #tpu.memory_space<vmem>>, vector<16xf32>,
      tpu.vector_store %arg33[%parallel_loop3A_1114, %parallel_loop3A_1115], %parallel_loop3A_1113 {strides = array<i32>} : memref<128x128xf32, #tpu.memory_space<vmem>>, vector<16xf32>,
      %parallel_loop3A_1117 = arith.index_cast %parallel_loop3A_1070 : i32 to index
      %parallel_loop3A_1118 = arith.constant 48 : index
      %parallel_loop3A_1119 = tpu.vector_load %arg31[%parallel_loop3A_1117, %parallel_loop3A_1118] {strides = array<i32>} : memref<128x128xf32, #tpu.memory_space<vmem>>, vector<16xf32>,
      %parallel_loop3A_1120 = arith.index_cast %parallel_loop3A_1070 : i32 to index
      %parallel_loop3A_1121 = arith.constant 48 : index
      %parallel_loop3A_1122 = tpu.vector_load %arg33[%parallel_loop3A_1120, %parallel_loop3A_1121] {strides = array<i32>} : memref<128x128xf32, #tpu.memory_space<vmem>>, vector<16xf32>,
      %parallel_loop3A_1123 = arith.addf %parallel_loop3A_1119, %parallel_loop3A_1122 : vector<16xf32>
      %parallel_loop3A_1124 = arith.constant 0.000000e+00 : f32
      %parallel_loop3A_1125 = vector.broadcast %parallel_loop3A_1124 : f32 to vector<16xf32>
      %parallel_loop3A_1126 = arith.maximumf %parallel_loop3A_1123, %parallel_loop3A_1125 : vector<16xf32>
      %parallel_loop3A_1127 = arith.mulf %parallel_loop3A_1126, %parallel_loop3A_1074 : vector<16xf32>
      %parallel_loop3A_1128 = arith.index_cast %parallel_loop3A_1070 : i32 to index
      %parallel_loop3A_1129 = arith.constant 48 : index
      %parallel_loop3A_1130 = tpu.vector_load %arg33[%parallel_loop3A_1128, %parallel_loop3A_1129] {strides = array<i32>} : memref<128x128xf32, #tpu.memory_space<vmem>>, vector<16xf32>,
      tpu.vector_store %arg33[%parallel_loop3A_1128, %parallel_loop3A_1129], %parallel_loop3A_1127 {strides = array<i32>} : memref<128x128xf32, #tpu.memory_space<vmem>>, vector<16xf32>,
      %parallel_loop3A_1131 = arith.index_cast %parallel_loop3A_1070 : i32 to index
      %parallel_loop3A_1132 = arith.constant 64 : index
      %parallel_loop3A_1133 = tpu.vector_load %arg31[%parallel_loop3A_1131, %parallel_loop3A_1132] {strides = array<i32>} : memref<128x128xf32, #tpu.memory_space<vmem>>, vector<16xf32>,
      %parallel_loop3A_1134 = arith.index_cast %parallel_loop3A_1070 : i32 to index
      %parallel_loop3A_1135 = arith.constant 64 : index
      %parallel_loop3A_1136 = tpu.vector_load %arg33[%parallel_loop3A_1134, %parallel_loop3A_1135] {strides = array<i32>} : memref<128x128xf32, #tpu.memory_space<vmem>>, vector<16xf32>,
      %parallel_loop3A_1137 = arith.addf %parallel_loop3A_1133, %parallel_loop3A_1136 : vector<16xf32>
      %parallel_loop3A_1138 = arith.constant 0.000000e+00 : f32
      %parallel_loop3A_1139 = vector.broadcast %parallel_loop3A_1138 : f32 to vector<16xf32>
      %parallel_loop3A_1140 = arith.maximumf %parallel_loop3A_1137, %parallel_loop3A_1139 : vector<16xf32>
      %parallel_loop3A_1141 = arith.mulf %parallel_loop3A_1140, %parallel_loop3A_1074 : vector<16xf32>
      %parallel_loop3A_1142 = arith.index_cast %parallel_loop3A_1070 : i32 to index
      %parallel_loop3A_1143 = arith.constant 64 : index
      %parallel_loop3A_1144 = tpu.vector_load %arg33[%parallel_loop3A_1142, %parallel_loop3A_1143] {strides = array<i32>} : memref<128x128xf32, #tpu.memory_space<vmem>>, vector<16xf32>,
      tpu.vector_store %arg33[%parallel_loop3A_1142, %parallel_loop3A_1143], %parallel_loop3A_1141 {strides = array<i32>} : memref<128x128xf32, #tpu.memory_space<vmem>>, vector<16xf32>,
      %parallel_loop3A_1145 = arith.index_cast %parallel_loop3A_1070 : i32 to index
      %parallel_loop3A_1146 = arith.constant 80 : index
      %parallel_loop3A_1147 = tpu.vector_load %arg31[%parallel_loop3A_1145, %parallel_loop3A_1146] {strides = array<i32>} : memref<128x128xf32, #tpu.memory_space<vmem>>, vector<16xf32>,
      %parallel_loop3A_1148 = arith.index_cast %parallel_loop3A_1070 : i32 to index
      %parallel_loop3A_1149 = arith.constant 80 : index
      %parallel_loop3A_1150 = tpu.vector_load %arg33[%parallel_loop3A_1148, %parallel_loop3A_1149] {strides = array<i32>} : memref<128x128xf32, #tpu.memory_space<vmem>>, vector<16xf32>,
      %parallel_loop3A_1151 = arith.addf %parallel_loop3A_1147, %parallel_loop3A_1150 : vector<16xf32>
      %parallel_loop3A_1152 = arith.constant 0.000000e+00 : f32
      %parallel_loop3A_1153 = vector.broadcast %parallel_loop3A_1152 : f32 to vector<16xf32>
      %parallel_loop3A_1154 = arith.maximumf %parallel_loop3A_1151, %parallel_loop3A_1153 : vector<16xf32>
      %parallel_loop3A_1155 = arith.mulf %parallel_loop3A_1154, %parallel_loop3A_1074 : vector<16xf32>
      %parallel_loop3A_1156 = arith.index_cast %parallel_loop3A_1070 : i32 to index
      %parallel_loop3A_1157 = arith.constant 80 : index
      %parallel_loop3A_1158 = tpu.vector_load %arg33[%parallel_loop3A_1156, %parallel_loop3A_1157] {strides = array<i32>} : memref<128x128xf32, #tpu.memory_space<vmem>>, vector<16xf32>,
      tpu.vector_store %arg33[%parallel_loop3A_1156, %parallel_loop3A_1157], %parallel_loop3A_1155 {strides = array<i32>} : memref<128x128xf32, #tpu.memory_space<vmem>>, vector<16xf32>,
      %parallel_loop3A_1159 = arith.index_cast %parallel_loop3A_1070 : i32 to index
      %parallel_loop3A_1160 = arith.constant 96 : index
      %parallel_loop3A_1161 = tpu.vector_load %arg31[%parallel_loop3A_1159, %parallel_loop3A_1160] {strides = array<i32>} : memref<128x128xf32, #tpu.memory_space<vmem>>, vector<16xf32>,
      %parallel_loop3A_1162 = arith.index_cast %parallel_loop3A_1070 : i32 to index
      %parallel_loop3A_1163 = arith.constant 96 : index
      %parallel_loop3A_1164 = tpu.vector_load %arg33[%parallel_loop3A_1162, %parallel_loop3A_1163] {strides = array<i32>} : memref<128x128xf32, #tpu.memory_space<vmem>>, vector<16xf32>,
      %parallel_loop3A_1165 = arith.addf %parallel_loop3A_1161, %parallel_loop3A_1164 : vector<16xf32>
      %parallel_loop3A_1166 = arith.constant 0.000000e+00 : f32
      %parallel_loop3A_1167 = vector.broadcast %parallel_loop3A_1166 : f32 to vector<16xf32>
      %parallel_loop3A_1168 = arith.maximumf %parallel_loop3A_1165, %parallel_loop3A_1167 : vector<16xf32>
      %parallel_loop3A_1169 = arith.mulf %parallel_loop3A_1168, %parallel_loop3A_1074 : vector<16xf32>
      %parallel_loop3A_1170 = arith.index_cast %parallel_loop3A_1070 : i32 to index
      %parallel_loop3A_1171 = arith.constant 96 : index
      %parallel_loop3A_1172 = tpu.vector_load %arg33[%parallel_loop3A_1170, %parallel_loop3A_1171] {strides = array<i32>} : memref<128x128xf32, #tpu.memory_space<vmem>>, vector<16xf32>,
      tpu.vector_store %arg33[%parallel_loop3A_1170, %parallel_loop3A_1171], %parallel_loop3A_1169 {strides = array<i32>} : memref<128x128xf32, #tpu.memory_space<vmem>>, vector<16xf32>,
      %parallel_loop3A_1173 = arith.index_cast %parallel_loop3A_1070 : i32 to index
      %parallel_loop3A_1174 = arith.constant 112 : index
      %parallel_loop3A_1175 = tpu.vector_load %arg31[%parallel_loop3A_1173, %parallel_loop3A_1174] {strides = array<i32>} : memref<128x128xf32, #tpu.memory_space<vmem>>, vector<16xf32>,
      %parallel_loop3A_1176 = arith.index_cast %parallel_loop3A_1070 : i32 to index
      %parallel_loop3A_1177 = arith.constant 112 : index
      %parallel_loop3A_1178 = tpu.vector_load %arg33[%parallel_loop3A_1176, %parallel_loop3A_1177] {strides = array<i32>} : memref<128x128xf32, #tpu.memory_space<vmem>>, vector<16xf32>,
      %parallel_loop3A_1179 = arith.addf %parallel_loop3A_1175, %parallel_loop3A_1178 : vector<16xf32>
      %parallel_loop3A_1180 = arith.constant 0.000000e+00 : f32
      %parallel_loop3A_1181 = vector.broadcast %parallel_loop3A_1180 : f32 to vector<16xf32>
      %parallel_loop3A_1182 = arith.maximumf %parallel_loop3A_1179, %parallel_loop3A_1181 : vector<16xf32>
      %parallel_loop3A_1183 = arith.mulf %parallel_loop3A_1182, %parallel_loop3A_1074 : vector<16xf32>
      %parallel_loop3A_1184 = arith.index_cast %parallel_loop3A_1070 : i32 to index
      %parallel_loop3A_1185 = arith.constant 112 : index
      %parallel_loop3A_1186 = tpu.vector_load %arg33[%parallel_loop3A_1184, %parallel_loop3A_1185] {strides = array<i32>} : memref<128x128xf32, #tpu.memory_space<vmem>>, vector<16xf32>,
      tpu.vector_store %arg33[%parallel_loop3A_1184, %parallel_loop3A_1185], %parallel_loop3A_1183 {strides = array<i32>} : memref<128x128xf32, #tpu.memory_space<vmem>>, vector<16xf32>,
    } {sc.loop_unroll_factor = 4 : i64, sc.parallel_access}
    %dma_start3A_970 = arith.constant 0 : i32
    %dma_start3A_971 = arith.constant 0 : i32
    %dma_start3A_972 = tpu.memref_slice %arg37[%dma_start3A_970, %dma_start3A_971] : memref<1024x128xf32, #tpu.memory_space<vmem_shared>> -> memref<1024x128xf32, #tpu.memory_space<vmem_shared>>
    tpu.enqueue_indirect_dma source(%arg33 : memref<128x128xf32, #tpu.memory_space<vmem>>) target(%dma_start3A_972 : memref<1024x128xf32, #tpu.memory_space<vmem_shared>>) offsets(%arg19 : memref<128xi32, #tpu.memory_space<vmem>>) semaphore(%arg45 : memref<!tpu.dma_semaphore, #tpu.memory_space<semaphore_mem>>) {add = true}
    %dma_start3A_973 = arith.constant 0 : i32
    %dma_start3A_974 = arith.constant 0 : i32
    %dma_start3A_975 = tpu.memref_slice %arg8[%dma_start3A_973, %dma_start3A_974] : memref<1024x128xf32, #tpu.memory_space<hbm>> -> memref<1024x128xf32, #tpu.memory_space<hbm>>
    tpu.enqueue_indirect_dma source(%dma_start3A_975 : memref<1024x128xf32, #tpu.memory_space<hbm>>) target(%arg31 : memref<128x128xf32, #tpu.memory_space<vmem>>) offsets(%arg17 : memref<128xi32, #tpu.memory_space<vmem>>) semaphore(%arg42 : memref<!tpu.dma_semaphore, #tpu.memory_space<semaphore_mem>>)
    %dma_start3A_976 = arith.constant 2 : i32
    %dma_start3A_977 = arith.constant 0 : i32
    %dma_start3A_978 = arith.constant 0 : i32
    %dma_start3A_979 = tpu.memref_slice %arg9[%add3A, %dma_start3A_976, %dma_start3A_977, %dma_start3A_978] : memref<32x4x128x128xf32, #tpu.memory_space<hbm>> -> memref<1x1x128x128xf32, #tpu.memory_space<hbm>>
    %dma_start3A_980 = tpu.memref_squeeze %dma_start3A_979 : memref<1x1x128x128xf32, #tpu.memory_space<hbm>> -> memref<128x128xf32, #tpu.memory_space<hbm>>
    %dma_start3A_981 = arith.constant 0 : i32
    %dma_start3A_982 = arith.constant 0 : i32
    %dma_start3A_983 = tpu.memref_slice %arg9[%add3A, %dma_start3A_976, %dma_start3A_981, %dma_start3A_982] : memref<32x4x128x128xf32, #tpu.memory_space<hbm>> -> memref<1x1x128x128xf32, #tpu.memory_space<hbm>>
    %dma_start3A_984 = tpu.memref_squeeze %dma_start3A_983 : memref<1x1x128x128xf32, #tpu.memory_space<hbm>> -> memref<128x128xf32, #tpu.memory_space<hbm>>
    tpu.enqueue_dma source(%dma_start3A_984 : memref<128x128xf32, #tpu.memory_space<hbm>>) target(%arg35 : memref<128x128xf32, #tpu.memory_space<vmem>>) target_semaphore(%arg42 : memref<!tpu.dma_semaphore, #tpu.memory_space<semaphore_mem>>)
    %dma_wait3A_985 = arith.constant 0 : i32
    %dma_wait3A_986 = arith.constant 0 : i32
    %dma_wait3A_987 = tpu.memref_slice %arg8[%dma_wait3A_985, %dma_wait3A_986] : memref<1024x128xf32, #tpu.memory_space<hbm>> -> memref<1024x128xf32, #tpu.memory_space<hbm>>
    tpu.wait_indirect_dma semaphore(%arg43 : memref<!tpu.dma_semaphore, #tpu.memory_space<semaphore_mem>>) src(%dma_wait3A_987 : memref<1024x128xf32, #tpu.memory_space<hbm>>) dst(%arg32 : memref<128x128xf32, #tpu.memory_space<vmem>>)
    %dma_wait3A_988 = arith.constant 1 : i32
    %dma_wait3A_989 = arith.constant 0 : i32
    %dma_wait3A_990 = arith.constant 0 : i32
    %dma_wait3A_991 = tpu.memref_slice %arg9[%add3A, %dma_wait3A_988, %dma_wait3A_989, %dma_wait3A_990] : memref<32x4x128x128xf32, #tpu.memory_space<hbm>> -> memref<1x1x128x128xf32, #tpu.memory_space<hbm>>
    %dma_wait3A_992 = tpu.memref_squeeze %dma_wait3A_991 : memref<1x1x128x128xf32, #tpu.memory_space<hbm>> -> memref<128x128xf32, #tpu.memory_space<hbm>>
    %dma_wait3A_993 = arith.constant 0 : i32
    %dma_wait3A_994 = arith.constant 0 : i32
    %dma_wait3A_995 = tpu.memref_slice %arg9[%add3A, %dma_wait3A_988, %dma_wait3A_993, %dma_wait3A_994] : memref<32x4x128x128xf32, #tpu.memory_space<hbm>> -> memref<1x1x128x128xf32, #tpu.memory_space<hbm>>
    %dma_wait3A_996 = tpu.memref_squeeze %dma_wait3A_995 : memref<1x1x128x128xf32, #tpu.memory_space<hbm>> -> memref<128x128xf32, #tpu.memory_space<hbm>>
    tpu.wait_dma2 semaphore(%arg43 : memref<!tpu.dma_semaphore, #tpu.memory_space<semaphore_mem>>) src(%dma_wait3A_996 : memref<128x128xf32, #tpu.memory_space<hbm>>) dst(%arg34 : memref<128x128xf32, #tpu.memory_space<vmem>>)
    %parallel_loop3A_997 = arith.constant 0 : i32
    %parallel_loop3A_998 = arith.constant 128 : i32
    %parallel_loop3A_999 = arith.constant 1 : i32
    scf.for %parallel_loop3A_1070 = %parallel_loop3A_997 to %parallel_loop3A_998 step %parallel_loop3A_999  : i32 {
      %parallel_loop3A_1071 = arith.constant 128 : i32
      %parallel_loop3A_1072 = arith.addi %parallel_loop3A_1071, %parallel_loop3A_1070 : i32
      %parallel_loop3A_1073 = vector.broadcast %parallel_loop3A_1072 : i32 to vector<16xi32>
      %parallel_loop3A_1074 = tpu.vector_load_idx %arg27[%parallel_loop3A_1073] : memref<512xf32, #tpu.memory_space<vmem>>[vector<16xi32>], vector<16xf32>,
      %parallel_loop3A_1075 = arith.index_cast %parallel_loop3A_1070 : i32 to index
      %parallel_loop3A_1076 = arith.constant 0 : index
      %parallel_loop3A_1077 = tpu.vector_load %arg32[%parallel_loop3A_1075, %parallel_loop3A_1076] {strides = array<i32>} : memref<128x128xf32, #tpu.memory_space<vmem>>, vector<16xf32>,
      %parallel_loop3A_1078 = arith.index_cast %parallel_loop3A_1070 : i32 to index
      %parallel_loop3A_1079 = arith.constant 0 : index
      %parallel_loop3A_1080 = tpu.vector_load %arg34[%parallel_loop3A_1078, %parallel_loop3A_1079] {strides = array<i32>} : memref<128x128xf32, #tpu.memory_space<vmem>>, vector<16xf32>,
      %parallel_loop3A_1081 = arith.addf %parallel_loop3A_1077, %parallel_loop3A_1080 : vector<16xf32>
      %parallel_loop3A_1082 = arith.constant 0.000000e+00 : f32
      %parallel_loop3A_1083 = vector.broadcast %parallel_loop3A_1082 : f32 to vector<16xf32>
      %parallel_loop3A_1084 = arith.maximumf %parallel_loop3A_1081, %parallel_loop3A_1083 : vector<16xf32>
      %parallel_loop3A_1085 = arith.mulf %parallel_loop3A_1084, %parallel_loop3A_1074 : vector<16xf32>
      %parallel_loop3A_1086 = arith.index_cast %parallel_loop3A_1070 : i32 to index
      %parallel_loop3A_1087 = arith.constant 0 : index
      %parallel_loop3A_1088 = tpu.vector_load %arg34[%parallel_loop3A_1086, %parallel_loop3A_1087] {strides = array<i32>} : memref<128x128xf32, #tpu.memory_space<vmem>>, vector<16xf32>,
      tpu.vector_store %arg34[%parallel_loop3A_1086, %parallel_loop3A_1087], %parallel_loop3A_1085 {strides = array<i32>} : memref<128x128xf32, #tpu.memory_space<vmem>>, vector<16xf32>,
      %parallel_loop3A_1089 = arith.index_cast %parallel_loop3A_1070 : i32 to index
      %parallel_loop3A_1090 = arith.constant 16 : index
      %parallel_loop3A_1091 = tpu.vector_load %arg32[%parallel_loop3A_1089, %parallel_loop3A_1090] {strides = array<i32>} : memref<128x128xf32, #tpu.memory_space<vmem>>, vector<16xf32>,
      %parallel_loop3A_1092 = arith.index_cast %parallel_loop3A_1070 : i32 to index
      %parallel_loop3A_1093 = arith.constant 16 : index
      %parallel_loop3A_1094 = tpu.vector_load %arg34[%parallel_loop3A_1092, %parallel_loop3A_1093] {strides = array<i32>} : memref<128x128xf32, #tpu.memory_space<vmem>>, vector<16xf32>,
      %parallel_loop3A_1095 = arith.addf %parallel_loop3A_1091, %parallel_loop3A_1094 : vector<16xf32>
      %parallel_loop3A_1096 = arith.constant 0.000000e+00 : f32
      %parallel_loop3A_1097 = vector.broadcast %parallel_loop3A_1096 : f32 to vector<16xf32>
      %parallel_loop3A_1098 = arith.maximumf %parallel_loop3A_1095, %parallel_loop3A_1097 : vector<16xf32>
      %parallel_loop3A_1099 = arith.mulf %parallel_loop3A_1098, %parallel_loop3A_1074 : vector<16xf32>
      %parallel_loop3A_1100 = arith.index_cast %parallel_loop3A_1070 : i32 to index
      %parallel_loop3A_1101 = arith.constant 16 : index
      %parallel_loop3A_1102 = tpu.vector_load %arg34[%parallel_loop3A_1100, %parallel_loop3A_1101] {strides = array<i32>} : memref<128x128xf32, #tpu.memory_space<vmem>>, vector<16xf32>,
      tpu.vector_store %arg34[%parallel_loop3A_1100, %parallel_loop3A_1101], %parallel_loop3A_1099 {strides = array<i32>} : memref<128x128xf32, #tpu.memory_space<vmem>>, vector<16xf32>,
      %parallel_loop3A_1103 = arith.index_cast %parallel_loop3A_1070 : i32 to index
      %parallel_loop3A_1104 = arith.constant 32 : index
      %parallel_loop3A_1105 = tpu.vector_load %arg32[%parallel_loop3A_1103, %parallel_loop3A_1104] {strides = array<i32>} : memref<128x128xf32, #tpu.memory_space<vmem>>, vector<16xf32>,
      %parallel_loop3A_1106 = arith.index_cast %parallel_loop3A_1070 : i32 to index
      %parallel_loop3A_1107 = arith.constant 32 : index
      %parallel_loop3A_1108 = tpu.vector_load %arg34[%parallel_loop3A_1106, %parallel_loop3A_1107] {strides = array<i32>} : memref<128x128xf32, #tpu.memory_space<vmem>>, vector<16xf32>,
      %parallel_loop3A_1109 = arith.addf %parallel_loop3A_1105, %parallel_loop3A_1108 : vector<16xf32>
      %parallel_loop3A_1110 = arith.constant 0.000000e+00 : f32
      %parallel_loop3A_1111 = vector.broadcast %parallel_loop3A_1110 : f32 to vector<16xf32>
      %parallel_loop3A_1112 = arith.maximumf %parallel_loop3A_1109, %parallel_loop3A_1111 : vector<16xf32>
      %parallel_loop3A_1113 = arith.mulf %parallel_loop3A_1112, %parallel_loop3A_1074 : vector<16xf32>
      %parallel_loop3A_1114 = arith.index_cast %parallel_loop3A_1070 : i32 to index
      %parallel_loop3A_1115 = arith.constant 32 : index
      %parallel_loop3A_1116 = tpu.vector_load %arg34[%parallel_loop3A_1114, %parallel_loop3A_1115] {strides = array<i32>} : memref<128x128xf32, #tpu.memory_space<vmem>>, vector<16xf32>,
      tpu.vector_store %arg34[%parallel_loop3A_1114, %parallel_loop3A_1115], %parallel_loop3A_1113 {strides = array<i32>} : memref<128x128xf32, #tpu.memory_space<vmem>>, vector<16xf32>,
      %parallel_loop3A_1117 = arith.index_cast %parallel_loop3A_1070 : i32 to index
      %parallel_loop3A_1118 = arith.constant 48 : index
      %parallel_loop3A_1119 = tpu.vector_load %arg32[%parallel_loop3A_1117, %parallel_loop3A_1118] {strides = array<i32>} : memref<128x128xf32, #tpu.memory_space<vmem>>, vector<16xf32>,
      %parallel_loop3A_1120 = arith.index_cast %parallel_loop3A_1070 : i32 to index
      %parallel_loop3A_1121 = arith.constant 48 : index
      %parallel_loop3A_1122 = tpu.vector_load %arg34[%parallel_loop3A_1120, %parallel_loop3A_1121] {strides = array<i32>} : memref<128x128xf32, #tpu.memory_space<vmem>>, vector<16xf32>,
      %parallel_loop3A_1123 = arith.addf %parallel_loop3A_1119, %parallel_loop3A_1122 : vector<16xf32>
      %parallel_loop3A_1124 = arith.constant 0.000000e+00 : f32
      %parallel_loop3A_1125 = vector.broadcast %parallel_loop3A_1124 : f32 to vector<16xf32>
      %parallel_loop3A_1126 = arith.maximumf %parallel_loop3A_1123, %parallel_loop3A_1125 : vector<16xf32>
      %parallel_loop3A_1127 = arith.mulf %parallel_loop3A_1126, %parallel_loop3A_1074 : vector<16xf32>
      %parallel_loop3A_1128 = arith.index_cast %parallel_loop3A_1070 : i32 to index
      %parallel_loop3A_1129 = arith.constant 48 : index
      %parallel_loop3A_1130 = tpu.vector_load %arg34[%parallel_loop3A_1128, %parallel_loop3A_1129] {strides = array<i32>} : memref<128x128xf32, #tpu.memory_space<vmem>>, vector<16xf32>,
      tpu.vector_store %arg34[%parallel_loop3A_1128, %parallel_loop3A_1129], %parallel_loop3A_1127 {strides = array<i32>} : memref<128x128xf32, #tpu.memory_space<vmem>>, vector<16xf32>,
      %parallel_loop3A_1131 = arith.index_cast %parallel_loop3A_1070 : i32 to index
      %parallel_loop3A_1132 = arith.constant 64 : index
      %parallel_loop3A_1133 = tpu.vector_load %arg32[%parallel_loop3A_1131, %parallel_loop3A_1132] {strides = array<i32>} : memref<128x128xf32, #tpu.memory_space<vmem>>, vector<16xf32>,
      %parallel_loop3A_1134 = arith.index_cast %parallel_loop3A_1070 : i32 to index
      %parallel_loop3A_1135 = arith.constant 64 : index
      %parallel_loop3A_1136 = tpu.vector_load %arg34[%parallel_loop3A_1134, %parallel_loop3A_1135] {strides = array<i32>} : memref<128x128xf32, #tpu.memory_space<vmem>>, vector<16xf32>,
      %parallel_loop3A_1137 = arith.addf %parallel_loop3A_1133, %parallel_loop3A_1136 : vector<16xf32>
      %parallel_loop3A_1138 = arith.constant 0.000000e+00 : f32
      %parallel_loop3A_1139 = vector.broadcast %parallel_loop3A_1138 : f32 to vector<16xf32>
      %parallel_loop3A_1140 = arith.maximumf %parallel_loop3A_1137, %parallel_loop3A_1139 : vector<16xf32>
      %parallel_loop3A_1141 = arith.mulf %parallel_loop3A_1140, %parallel_loop3A_1074 : vector<16xf32>
      %parallel_loop3A_1142 = arith.index_cast %parallel_loop3A_1070 : i32 to index
      %parallel_loop3A_1143 = arith.constant 64 : index
      %parallel_loop3A_1144 = tpu.vector_load %arg34[%parallel_loop3A_1142, %parallel_loop3A_1143] {strides = array<i32>} : memref<128x128xf32, #tpu.memory_space<vmem>>, vector<16xf32>,
      tpu.vector_store %arg34[%parallel_loop3A_1142, %parallel_loop3A_1143], %parallel_loop3A_1141 {strides = array<i32>} : memref<128x128xf32, #tpu.memory_space<vmem>>, vector<16xf32>,
      %parallel_loop3A_1145 = arith.index_cast %parallel_loop3A_1070 : i32 to index
      %parallel_loop3A_1146 = arith.constant 80 : index
      %parallel_loop3A_1147 = tpu.vector_load %arg32[%parallel_loop3A_1145, %parallel_loop3A_1146] {strides = array<i32>} : memref<128x128xf32, #tpu.memory_space<vmem>>, vector<16xf32>,
      %parallel_loop3A_1148 = arith.index_cast %parallel_loop3A_1070 : i32 to index
      %parallel_loop3A_1149 = arith.constant 80 : index
      %parallel_loop3A_1150 = tpu.vector_load %arg34[%parallel_loop3A_1148, %parallel_loop3A_1149] {strides = array<i32>} : memref<128x128xf32, #tpu.memory_space<vmem>>, vector<16xf32>,
      %parallel_loop3A_1151 = arith.addf %parallel_loop3A_1147, %parallel_loop3A_1150 : vector<16xf32>
      %parallel_loop3A_1152 = arith.constant 0.000000e+00 : f32
      %parallel_loop3A_1153 = vector.broadcast %parallel_loop3A_1152 : f32 to vector<16xf32>
      %parallel_loop3A_1154 = arith.maximumf %parallel_loop3A_1151, %parallel_loop3A_1153 : vector<16xf32>
      %parallel_loop3A_1155 = arith.mulf %parallel_loop3A_1154, %parallel_loop3A_1074 : vector<16xf32>
      %parallel_loop3A_1156 = arith.index_cast %parallel_loop3A_1070 : i32 to index
      %parallel_loop3A_1157 = arith.constant 80 : index
      %parallel_loop3A_1158 = tpu.vector_load %arg34[%parallel_loop3A_1156, %parallel_loop3A_1157] {strides = array<i32>} : memref<128x128xf32, #tpu.memory_space<vmem>>, vector<16xf32>,
      tpu.vector_store %arg34[%parallel_loop3A_1156, %parallel_loop3A_1157], %parallel_loop3A_1155 {strides = array<i32>} : memref<128x128xf32, #tpu.memory_space<vmem>>, vector<16xf32>,
      %parallel_loop3A_1159 = arith.index_cast %parallel_loop3A_1070 : i32 to index
      %parallel_loop3A_1160 = arith.constant 96 : index
      %parallel_loop3A_1161 = tpu.vector_load %arg32[%parallel_loop3A_1159, %parallel_loop3A_1160] {strides = array<i32>} : memref<128x128xf32, #tpu.memory_space<vmem>>, vector<16xf32>,
      %parallel_loop3A_1162 = arith.index_cast %parallel_loop3A_1070 : i32 to index
      %parallel_loop3A_1163 = arith.constant 96 : index
      %parallel_loop3A_1164 = tpu.vector_load %arg34[%parallel_loop3A_1162, %parallel_loop3A_1163] {strides = array<i32>} : memref<128x128xf32, #tpu.memory_space<vmem>>, vector<16xf32>,
      %parallel_loop3A_1165 = arith.addf %parallel_loop3A_1161, %parallel_loop3A_1164 : vector<16xf32>
      %parallel_loop3A_1166 = arith.constant 0.000000e+00 : f32
      %parallel_loop3A_1167 = vector.broadcast %parallel_loop3A_1166 : f32 to vector<16xf32>
      %parallel_loop3A_1168 = arith.maximumf %parallel_loop3A_1165, %parallel_loop3A_1167 : vector<16xf32>
      %parallel_loop3A_1169 = arith.mulf %parallel_loop3A_1168, %parallel_loop3A_1074 : vector<16xf32>
      %parallel_loop3A_1170 = arith.index_cast %parallel_loop3A_1070 : i32 to index
      %parallel_loop3A_1171 = arith.constant 96 : index
      %parallel_loop3A_1172 = tpu.vector_load %arg34[%parallel_loop3A_1170, %parallel_loop3A_1171] {strides = array<i32>} : memref<128x128xf32, #tpu.memory_space<vmem>>, vector<16xf32>,
      tpu.vector_store %arg34[%parallel_loop3A_1170, %parallel_loop3A_1171], %parallel_loop3A_1169 {strides = array<i32>} : memref<128x128xf32, #tpu.memory_space<vmem>>, vector<16xf32>,
      %parallel_loop3A_1173 = arith.index_cast %parallel_loop3A_1070 : i32 to index
      %parallel_loop3A_1174 = arith.constant 112 : index
      %parallel_loop3A_1175 = tpu.vector_load %arg32[%parallel_loop3A_1173, %parallel_loop3A_1174] {strides = array<i32>} : memref<128x128xf32, #tpu.memory_space<vmem>>, vector<16xf32>,
      %parallel_loop3A_1176 = arith.index_cast %parallel_loop3A_1070 : i32 to index
      %parallel_loop3A_1177 = arith.constant 112 : index
      %parallel_loop3A_1178 = tpu.vector_load %arg34[%parallel_loop3A_1176, %parallel_loop3A_1177] {strides = array<i32>} : memref<128x128xf32, #tpu.memory_space<vmem>>, vector<16xf32>,
      %parallel_loop3A_1179 = arith.addf %parallel_loop3A_1175, %parallel_loop3A_1178 : vector<16xf32>
      %parallel_loop3A_1180 = arith.constant 0.000000e+00 : f32
      %parallel_loop3A_1181 = vector.broadcast %parallel_loop3A_1180 : f32 to vector<16xf32>
      %parallel_loop3A_1182 = arith.maximumf %parallel_loop3A_1179, %parallel_loop3A_1181 : vector<16xf32>
      %parallel_loop3A_1183 = arith.mulf %parallel_loop3A_1182, %parallel_loop3A_1074 : vector<16xf32>
      %parallel_loop3A_1184 = arith.index_cast %parallel_loop3A_1070 : i32 to index
      %parallel_loop3A_1185 = arith.constant 112 : index
      %parallel_loop3A_1186 = tpu.vector_load %arg34[%parallel_loop3A_1184, %parallel_loop3A_1185] {strides = array<i32>} : memref<128x128xf32, #tpu.memory_space<vmem>>, vector<16xf32>,
      tpu.vector_store %arg34[%parallel_loop3A_1184, %parallel_loop3A_1185], %parallel_loop3A_1183 {strides = array<i32>} : memref<128x128xf32, #tpu.memory_space<vmem>>, vector<16xf32>,
    } {sc.loop_unroll_factor = 4 : i64, sc.parallel_access}
    %dma_start3A_1000 = arith.constant 0 : i32
    %dma_start3A_1001 = arith.constant 0 : i32
    %dma_start3A_1002 = tpu.memref_slice %arg37[%dma_start3A_1000, %dma_start3A_1001] : memref<1024x128xf32, #tpu.memory_space<vmem_shared>> -> memref<1024x128xf32, #tpu.memory_space<vmem_shared>>
    tpu.enqueue_indirect_dma source(%arg34 : memref<128x128xf32, #tpu.memory_space<vmem>>) target(%dma_start3A_1002 : memref<1024x128xf32, #tpu.memory_space<vmem_shared>>) offsets(%arg20 : memref<128xi32, #tpu.memory_space<vmem>>) semaphore(%arg45 : memref<!tpu.dma_semaphore, #tpu.memory_space<semaphore_mem>>) {add = true}
    %dma_start3A_1003 = arith.constant 0 : i32
    %dma_start3A_1004 = arith.constant 0 : i32
    %dma_start3A_1005 = tpu.memref_slice %arg8[%dma_start3A_1003, %dma_start3A_1004] : memref<1024x128xf32, #tpu.memory_space<hbm>> -> memref<1024x128xf32, #tpu.memory_space<hbm>>
    tpu.enqueue_indirect_dma source(%dma_start3A_1005 : memref<1024x128xf32, #tpu.memory_space<hbm>>) target(%arg32 : memref<128x128xf32, #tpu.memory_space<vmem>>) offsets(%arg18 : memref<128xi32, #tpu.memory_space<vmem>>) semaphore(%arg43 : memref<!tpu.dma_semaphore, #tpu.memory_space<semaphore_mem>>)
    %dma_start3A_1006 = arith.constant 3 : i32
    %dma_start3A_1007 = arith.constant 0 : i32
    %dma_start3A_1008 = arith.constant 0 : i32
    %dma_start3A_1009 = tpu.memref_slice %arg9[%add3A, %dma_start3A_1006, %dma_start3A_1007, %dma_start3A_1008] : memref<32x4x128x128xf32, #tpu.memory_space<hbm>> -> memref<1x1x128x128xf32, #tpu.memory_space<hbm>>
    %dma_start3A_1010 = tpu.memref_squeeze %dma_start3A_1009 : memref<1x1x128x128xf32, #tpu.memory_space<hbm>> -> memref<128x128xf32, #tpu.memory_space<hbm>>
    %dma_start3A_1011 = arith.constant 0 : i32
    %dma_start3A_1012 = arith.constant 0 : i32
    %dma_start3A_1013 = tpu.memref_slice %arg9[%add3A, %dma_start3A_1006, %dma_start3A_1011, %dma_start3A_1012] : memref<32x4x128x128xf32, #tpu.memory_space<hbm>> -> memref<1x1x128x128xf32, #tpu.memory_space<hbm>>
    %dma_start3A_1014 = tpu.memref_squeeze %dma_start3A_1013 : memref<1x1x128x128xf32, #tpu.memory_space<hbm>> -> memref<128x128xf32, #tpu.memory_space<hbm>>
    tpu.enqueue_dma source(%dma_start3A_1014 : memref<128x128xf32, #tpu.memory_space<hbm>>) target(%arg36 : memref<128x128xf32, #tpu.memory_space<vmem>>) target_semaphore(%arg43 : memref<!tpu.dma_semaphore, #tpu.memory_space<semaphore_mem>>)
    %dma_wait3A_1015 = arith.constant 0 : i32
    %dma_wait3A_1016 = arith.constant 0 : i32
    %dma_wait3A_1017 = tpu.memref_slice %arg8[%dma_wait3A_1015, %dma_wait3A_1016] : memref<1024x128xf32, #tpu.memory_space<hbm>> -> memref<1024x128xf32, #tpu.memory_space<hbm>>
    tpu.wait_indirect_dma semaphore(%arg42 : memref<!tpu.dma_semaphore, #tpu.memory_space<semaphore_mem>>) src(%dma_wait3A_1017 : memref<1024x128xf32, #tpu.memory_space<hbm>>) dst(%arg31 : memref<128x128xf32, #tpu.memory_space<vmem>>)
    %dma_wait3A_1018 = arith.constant 2 : i32
    %dma_wait3A_1019 = arith.constant 0 : i32
    %dma_wait3A_1020 = arith.constant 0 : i32
    %dma_wait3A_1021 = tpu.memref_slice %arg9[%add3A, %dma_wait3A_1018, %dma_wait3A_1019, %dma_wait3A_1020] : memref<32x4x128x128xf32, #tpu.memory_space<hbm>> -> memref<1x1x128x128xf32, #tpu.memory_space<hbm>>
    %dma_wait3A_1022 = tpu.memref_squeeze %dma_wait3A_1021 : memref<1x1x128x128xf32, #tpu.memory_space<hbm>> -> memref<128x128xf32, #tpu.memory_space<hbm>>
    %dma_wait3A_1023 = arith.constant 0 : i32
    %dma_wait3A_1024 = arith.constant 0 : i32
    %dma_wait3A_1025 = tpu.memref_slice %arg9[%add3A, %dma_wait3A_1018, %dma_wait3A_1023, %dma_wait3A_1024] : memref<32x4x128x128xf32, #tpu.memory_space<hbm>> -> memref<1x1x128x128xf32, #tpu.memory_space<hbm>>
    %dma_wait3A_1026 = tpu.memref_squeeze %dma_wait3A_1025 : memref<1x1x128x128xf32, #tpu.memory_space<hbm>> -> memref<128x128xf32, #tpu.memory_space<hbm>>
    tpu.wait_dma2 semaphore(%arg42 : memref<!tpu.dma_semaphore, #tpu.memory_space<semaphore_mem>>) src(%dma_wait3A_1026 : memref<128x128xf32, #tpu.memory_space<hbm>>) dst(%arg35 : memref<128x128xf32, #tpu.memory_space<vmem>>)
    %parallel_loop3A_1027 = arith.constant 0 : i32
    %parallel_loop3A_1028 = arith.constant 128 : i32
    %parallel_loop3A_1029 = arith.constant 1 : i32
    scf.for %parallel_loop3A_1070 = %parallel_loop3A_1027 to %parallel_loop3A_1028 step %parallel_loop3A_1029  : i32 {
      %parallel_loop3A_1071 = arith.constant 256 : i32
      %parallel_loop3A_1072 = arith.addi %parallel_loop3A_1071, %parallel_loop3A_1070 : i32
      %parallel_loop3A_1073 = vector.broadcast %parallel_loop3A_1072 : i32 to vector<16xi32>
      %parallel_loop3A_1074 = tpu.vector_load_idx %arg27[%parallel_loop3A_1073] : memref<512xf32, #tpu.memory_space<vmem>>[vector<16xi32>], vector<16xf32>,
      %parallel_loop3A_1075 = arith.index_cast %parallel_loop3A_1070 : i32 to index
      %parallel_loop3A_1076 = arith.constant 0 : index
      %parallel_loop3A_1077 = tpu.vector_load %arg31[%parallel_loop3A_1075, %parallel_loop3A_1076] {strides = array<i32>} : memref<128x128xf32, #tpu.memory_space<vmem>>, vector<16xf32>,
      %parallel_loop3A_1078 = arith.index_cast %parallel_loop3A_1070 : i32 to index
      %parallel_loop3A_1079 = arith.constant 0 : index
      %parallel_loop3A_1080 = tpu.vector_load %arg35[%parallel_loop3A_1078, %parallel_loop3A_1079] {strides = array<i32>} : memref<128x128xf32, #tpu.memory_space<vmem>>, vector<16xf32>,
      %parallel_loop3A_1081 = arith.addf %parallel_loop3A_1077, %parallel_loop3A_1080 : vector<16xf32>
      %parallel_loop3A_1082 = arith.constant 0.000000e+00 : f32
      %parallel_loop3A_1083 = vector.broadcast %parallel_loop3A_1082 : f32 to vector<16xf32>
      %parallel_loop3A_1084 = arith.maximumf %parallel_loop3A_1081, %parallel_loop3A_1083 : vector<16xf32>
      %parallel_loop3A_1085 = arith.mulf %parallel_loop3A_1084, %parallel_loop3A_1074 : vector<16xf32>
      %parallel_loop3A_1086 = arith.index_cast %parallel_loop3A_1070 : i32 to index
      %parallel_loop3A_1087 = arith.constant 0 : index
      %parallel_loop3A_1088 = tpu.vector_load %arg35[%parallel_loop3A_1086, %parallel_loop3A_1087] {strides = array<i32>} : memref<128x128xf32, #tpu.memory_space<vmem>>, vector<16xf32>,
      tpu.vector_store %arg35[%parallel_loop3A_1086, %parallel_loop3A_1087], %parallel_loop3A_1085 {strides = array<i32>} : memref<128x128xf32, #tpu.memory_space<vmem>>, vector<16xf32>,
      %parallel_loop3A_1089 = arith.index_cast %parallel_loop3A_1070 : i32 to index
      %parallel_loop3A_1090 = arith.constant 16 : index
      %parallel_loop3A_1091 = tpu.vector_load %arg31[%parallel_loop3A_1089, %parallel_loop3A_1090] {strides = array<i32>} : memref<128x128xf32, #tpu.memory_space<vmem>>, vector<16xf32>,
      %parallel_loop3A_1092 = arith.index_cast %parallel_loop3A_1070 : i32 to index
      %parallel_loop3A_1093 = arith.constant 16 : index
      %parallel_loop3A_1094 = tpu.vector_load %arg35[%parallel_loop3A_1092, %parallel_loop3A_1093] {strides = array<i32>} : memref<128x128xf32, #tpu.memory_space<vmem>>, vector<16xf32>,
      %parallel_loop3A_1095 = arith.addf %parallel_loop3A_1091, %parallel_loop3A_1094 : vector<16xf32>
      %parallel_loop3A_1096 = arith.constant 0.000000e+00 : f32
      %parallel_loop3A_1097 = vector.broadcast %parallel_loop3A_1096 : f32 to vector<16xf32>
      %parallel_loop3A_1098 = arith.maximumf %parallel_loop3A_1095, %parallel_loop3A_1097 : vector<16xf32>
      %parallel_loop3A_1099 = arith.mulf %parallel_loop3A_1098, %parallel_loop3A_1074 : vector<16xf32>
      %parallel_loop3A_1100 = arith.index_cast %parallel_loop3A_1070 : i32 to index
      %parallel_loop3A_1101 = arith.constant 16 : index
      %parallel_loop3A_1102 = tpu.vector_load %arg35[%parallel_loop3A_1100, %parallel_loop3A_1101] {strides = array<i32>} : memref<128x128xf32, #tpu.memory_space<vmem>>, vector<16xf32>,
      tpu.vector_store %arg35[%parallel_loop3A_1100, %parallel_loop3A_1101], %parallel_loop3A_1099 {strides = array<i32>} : memref<128x128xf32, #tpu.memory_space<vmem>>, vector<16xf32>,
      %parallel_loop3A_1103 = arith.index_cast %parallel_loop3A_1070 : i32 to index
      %parallel_loop3A_1104 = arith.constant 32 : index
      %parallel_loop3A_1105 = tpu.vector_load %arg31[%parallel_loop3A_1103, %parallel_loop3A_1104] {strides = array<i32>} : memref<128x128xf32, #tpu.memory_space<vmem>>, vector<16xf32>,
      %parallel_loop3A_1106 = arith.index_cast %parallel_loop3A_1070 : i32 to index
      %parallel_loop3A_1107 = arith.constant 32 : index
      %parallel_loop3A_1108 = tpu.vector_load %arg35[%parallel_loop3A_1106, %parallel_loop3A_1107] {strides = array<i32>} : memref<128x128xf32, #tpu.memory_space<vmem>>, vector<16xf32>,
      %parallel_loop3A_1109 = arith.addf %parallel_loop3A_1105, %parallel_loop3A_1108 : vector<16xf32>
      %parallel_loop3A_1110 = arith.constant 0.000000e+00 : f32
      %parallel_loop3A_1111 = vector.broadcast %parallel_loop3A_1110 : f32 to vector<16xf32>
      %parallel_loop3A_1112 = arith.maximumf %parallel_loop3A_1109, %parallel_loop3A_1111 : vector<16xf32>
      %parallel_loop3A_1113 = arith.mulf %parallel_loop3A_1112, %parallel_loop3A_1074 : vector<16xf32>
      %parallel_loop3A_1114 = arith.index_cast %parallel_loop3A_1070 : i32 to index
      %parallel_loop3A_1115 = arith.constant 32 : index
      %parallel_loop3A_1116 = tpu.vector_load %arg35[%parallel_loop3A_1114, %parallel_loop3A_1115] {strides = array<i32>} : memref<128x128xf32, #tpu.memory_space<vmem>>, vector<16xf32>,
      tpu.vector_store %arg35[%parallel_loop3A_1114, %parallel_loop3A_1115], %parallel_loop3A_1113 {strides = array<i32>} : memref<128x128xf32, #tpu.memory_space<vmem>>, vector<16xf32>,
      %parallel_loop3A_1117 = arith.index_cast %parallel_loop3A_1070 : i32 to index
      %parallel_loop3A_1118 = arith.constant 48 : index
      %parallel_loop3A_1119 = tpu.vector_load %arg31[%parallel_loop3A_1117, %parallel_loop3A_1118] {strides = array<i32>} : memref<128x128xf32, #tpu.memory_space<vmem>>, vector<16xf32>,
      %parallel_loop3A_1120 = arith.index_cast %parallel_loop3A_1070 : i32 to index
      %parallel_loop3A_1121 = arith.constant 48 : index
      %parallel_loop3A_1122 = tpu.vector_load %arg35[%parallel_loop3A_1120, %parallel_loop3A_1121] {strides = array<i32>} : memref<128x128xf32, #tpu.memory_space<vmem>>, vector<16xf32>,
      %parallel_loop3A_1123 = arith.addf %parallel_loop3A_1119, %parallel_loop3A_1122 : vector<16xf32>
      %parallel_loop3A_1124 = arith.constant 0.000000e+00 : f32
      %parallel_loop3A_1125 = vector.broadcast %parallel_loop3A_1124 : f32 to vector<16xf32>
      %parallel_loop3A_1126 = arith.maximumf %parallel_loop3A_1123, %parallel_loop3A_1125 : vector<16xf32>
      %parallel_loop3A_1127 = arith.mulf %parallel_loop3A_1126, %parallel_loop3A_1074 : vector<16xf32>
      %parallel_loop3A_1128 = arith.index_cast %parallel_loop3A_1070 : i32 to index
      %parallel_loop3A_1129 = arith.constant 48 : index
      %parallel_loop3A_1130 = tpu.vector_load %arg35[%parallel_loop3A_1128, %parallel_loop3A_1129] {strides = array<i32>} : memref<128x128xf32, #tpu.memory_space<vmem>>, vector<16xf32>,
      tpu.vector_store %arg35[%parallel_loop3A_1128, %parallel_loop3A_1129], %parallel_loop3A_1127 {strides = array<i32>} : memref<128x128xf32, #tpu.memory_space<vmem>>, vector<16xf32>,
      %parallel_loop3A_1131 = arith.index_cast %parallel_loop3A_1070 : i32 to index
      %parallel_loop3A_1132 = arith.constant 64 : index
      %parallel_loop3A_1133 = tpu.vector_load %arg31[%parallel_loop3A_1131, %parallel_loop3A_1132] {strides = array<i32>} : memref<128x128xf32, #tpu.memory_space<vmem>>, vector<16xf32>,
      %parallel_loop3A_1134 = arith.index_cast %parallel_loop3A_1070 : i32 to index
      %parallel_loop3A_1135 = arith.constant 64 : index
      %parallel_loop3A_1136 = tpu.vector_load %arg35[%parallel_loop3A_1134, %parallel_loop3A_1135] {strides = array<i32>} : memref<128x128xf32, #tpu.memory_space<vmem>>, vector<16xf32>,
      %parallel_loop3A_1137 = arith.addf %parallel_loop3A_1133, %parallel_loop3A_1136 : vector<16xf32>
      %parallel_loop3A_1138 = arith.constant 0.000000e+00 : f32
      %parallel_loop3A_1139 = vector.broadcast %parallel_loop3A_1138 : f32 to vector<16xf32>
      %parallel_loop3A_1140 = arith.maximumf %parallel_loop3A_1137, %parallel_loop3A_1139 : vector<16xf32>
      %parallel_loop3A_1141 = arith.mulf %parallel_loop3A_1140, %parallel_loop3A_1074 : vector<16xf32>
      %parallel_loop3A_1142 = arith.index_cast %parallel_loop3A_1070 : i32 to index
      %parallel_loop3A_1143 = arith.constant 64 : index
      %parallel_loop3A_1144 = tpu.vector_load %arg35[%parallel_loop3A_1142, %parallel_loop3A_1143] {strides = array<i32>} : memref<128x128xf32, #tpu.memory_space<vmem>>, vector<16xf32>,
      tpu.vector_store %arg35[%parallel_loop3A_1142, %parallel_loop3A_1143], %parallel_loop3A_1141 {strides = array<i32>} : memref<128x128xf32, #tpu.memory_space<vmem>>, vector<16xf32>,
      %parallel_loop3A_1145 = arith.index_cast %parallel_loop3A_1070 : i32 to index
      %parallel_loop3A_1146 = arith.constant 80 : index
      %parallel_loop3A_1147 = tpu.vector_load %arg31[%parallel_loop3A_1145, %parallel_loop3A_1146] {strides = array<i32>} : memref<128x128xf32, #tpu.memory_space<vmem>>, vector<16xf32>,
      %parallel_loop3A_1148 = arith.index_cast %parallel_loop3A_1070 : i32 to index
      %parallel_loop3A_1149 = arith.constant 80 : index
      %parallel_loop3A_1150 = tpu.vector_load %arg35[%parallel_loop3A_1148, %parallel_loop3A_1149] {strides = array<i32>} : memref<128x128xf32, #tpu.memory_space<vmem>>, vector<16xf32>,
      %parallel_loop3A_1151 = arith.addf %parallel_loop3A_1147, %parallel_loop3A_1150 : vector<16xf32>
      %parallel_loop3A_1152 = arith.constant 0.000000e+00 : f32
      %parallel_loop3A_1153 = vector.broadcast %parallel_loop3A_1152 : f32 to vector<16xf32>
      %parallel_loop3A_1154 = arith.maximumf %parallel_loop3A_1151, %parallel_loop3A_1153 : vector<16xf32>
      %parallel_loop3A_1155 = arith.mulf %parallel_loop3A_1154, %parallel_loop3A_1074 : vector<16xf32>
      %parallel_loop3A_1156 = arith.index_cast %parallel_loop3A_1070 : i32 to index
      %parallel_loop3A_1157 = arith.constant 80 : index
      %parallel_loop3A_1158 = tpu.vector_load %arg35[%parallel_loop3A_1156, %parallel_loop3A_1157] {strides = array<i32>} : memref<128x128xf32, #tpu.memory_space<vmem>>, vector<16xf32>,
      tpu.vector_store %arg35[%parallel_loop3A_1156, %parallel_loop3A_1157], %parallel_loop3A_1155 {strides = array<i32>} : memref<128x128xf32, #tpu.memory_space<vmem>>, vector<16xf32>,
      %parallel_loop3A_1159 = arith.index_cast %parallel_loop3A_1070 : i32 to index
      %parallel_loop3A_1160 = arith.constant 96 : index
      %parallel_loop3A_1161 = tpu.vector_load %arg31[%parallel_loop3A_1159, %parallel_loop3A_1160] {strides = array<i32>} : memref<128x128xf32, #tpu.memory_space<vmem>>, vector<16xf32>,
      %parallel_loop3A_1162 = arith.index_cast %parallel_loop3A_1070 : i32 to index
      %parallel_loop3A_1163 = arith.constant 96 : index
      %parallel_loop3A_1164 = tpu.vector_load %arg35[%parallel_loop3A_1162, %parallel_loop3A_1163] {strides = array<i32>} : memref<128x128xf32, #tpu.memory_space<vmem>>, vector<16xf32>,
      %parallel_loop3A_1165 = arith.addf %parallel_loop3A_1161, %parallel_loop3A_1164 : vector<16xf32>
      %parallel_loop3A_1166 = arith.constant 0.000000e+00 : f32
      %parallel_loop3A_1167 = vector.broadcast %parallel_loop3A_1166 : f32 to vector<16xf32>
      %parallel_loop3A_1168 = arith.maximumf %parallel_loop3A_1165, %parallel_loop3A_1167 : vector<16xf32>
      %parallel_loop3A_1169 = arith.mulf %parallel_loop3A_1168, %parallel_loop3A_1074 : vector<16xf32>
      %parallel_loop3A_1170 = arith.index_cast %parallel_loop3A_1070 : i32 to index
      %parallel_loop3A_1171 = arith.constant 96 : index
      %parallel_loop3A_1172 = tpu.vector_load %arg35[%parallel_loop3A_1170, %parallel_loop3A_1171] {strides = array<i32>} : memref<128x128xf32, #tpu.memory_space<vmem>>, vector<16xf32>,
      tpu.vector_store %arg35[%parallel_loop3A_1170, %parallel_loop3A_1171], %parallel_loop3A_1169 {strides = array<i32>} : memref<128x128xf32, #tpu.memory_space<vmem>>, vector<16xf32>,
      %parallel_loop3A_1173 = arith.index_cast %parallel_loop3A_1070 : i32 to index
      %parallel_loop3A_1174 = arith.constant 112 : index
      %parallel_loop3A_1175 = tpu.vector_load %arg31[%parallel_loop3A_1173, %parallel_loop3A_1174] {strides = array<i32>} : memref<128x128xf32, #tpu.memory_space<vmem>>, vector<16xf32>,
      %parallel_loop3A_1176 = arith.index_cast %parallel_loop3A_1070 : i32 to index
      %parallel_loop3A_1177 = arith.constant 112 : index
      %parallel_loop3A_1178 = tpu.vector_load %arg35[%parallel_loop3A_1176, %parallel_loop3A_1177] {strides = array<i32>} : memref<128x128xf32, #tpu.memory_space<vmem>>, vector<16xf32>,
      %parallel_loop3A_1179 = arith.addf %parallel_loop3A_1175, %parallel_loop3A_1178 : vector<16xf32>
      %parallel_loop3A_1180 = arith.constant 0.000000e+00 : f32
      %parallel_loop3A_1181 = vector.broadcast %parallel_loop3A_1180 : f32 to vector<16xf32>
      %parallel_loop3A_1182 = arith.maximumf %parallel_loop3A_1179, %parallel_loop3A_1181 : vector<16xf32>
      %parallel_loop3A_1183 = arith.mulf %parallel_loop3A_1182, %parallel_loop3A_1074 : vector<16xf32>
      %parallel_loop3A_1184 = arith.index_cast %parallel_loop3A_1070 : i32 to index
      %parallel_loop3A_1185 = arith.constant 112 : index
      %parallel_loop3A_1186 = tpu.vector_load %arg35[%parallel_loop3A_1184, %parallel_loop3A_1185] {strides = array<i32>} : memref<128x128xf32, #tpu.memory_space<vmem>>, vector<16xf32>,
      tpu.vector_store %arg35[%parallel_loop3A_1184, %parallel_loop3A_1185], %parallel_loop3A_1183 {strides = array<i32>} : memref<128x128xf32, #tpu.memory_space<vmem>>, vector<16xf32>,
    } {sc.loop_unroll_factor = 4 : i64, sc.parallel_access}
    %dma_start3A_1030 = arith.constant 0 : i32
    %dma_start3A_1031 = arith.constant 0 : i32
    %dma_start3A_1032 = tpu.memref_slice %arg37[%dma_start3A_1030, %dma_start3A_1031] : memref<1024x128xf32, #tpu.memory_space<vmem_shared>> -> memref<1024x128xf32, #tpu.memory_space<vmem_shared>>
    tpu.enqueue_indirect_dma source(%arg35 : memref<128x128xf32, #tpu.memory_space<vmem>>) target(%dma_start3A_1032 : memref<1024x128xf32, #tpu.memory_space<vmem_shared>>) offsets(%arg21 : memref<128xi32, #tpu.memory_space<vmem>>) semaphore(%arg45 : memref<!tpu.dma_semaphore, #tpu.memory_space<semaphore_mem>>) {add = true}
    %dma_wait3A_1033 = arith.constant 0 : i32
    %dma_wait3A_1034 = arith.constant 0 : i32
    %dma_wait3A_1035 = tpu.memref_slice %arg8[%dma_wait3A_1033, %dma_wait3A_1034] : memref<1024x128xf32, #tpu.memory_space<hbm>> -> memref<1024x128xf32, #tpu.memory_space<hbm>>
    tpu.wait_indirect_dma semaphore(%arg43 : memref<!tpu.dma_semaphore, #tpu.memory_space<semaphore_mem>>) src(%dma_wait3A_1035 : memref<1024x128xf32, #tpu.memory_space<hbm>>) dst(%arg32 : memref<128x128xf32, #tpu.memory_space<vmem>>)
    %dma_wait3A_1036 = arith.constant 3 : i32
    %dma_wait3A_1037 = arith.constant 0 : i32
    %dma_wait3A_1038 = arith.constant 0 : i32
    %dma_wait3A_1039 = tpu.memref_slice %arg9[%add3A, %dma_wait3A_1036, %dma_wait3A_1037, %dma_wait3A_1038] : memref<32x4x128x128xf32, #tpu.memory_space<hbm>> -> memref<1x1x128x128xf32, #tpu.memory_space<hbm>>
    %dma_wait3A_1040 = tpu.memref_squeeze %dma_wait3A_1039 : memref<1x1x128x128xf32, #tpu.memory_space<hbm>> -> memref<128x128xf32, #tpu.memory_space<hbm>>
    %dma_wait3A_1041 = arith.constant 0 : i32
    %dma_wait3A_1042 = arith.constant 0 : i32
    %dma_wait3A_1043 = tpu.memref_slice %arg9[%add3A, %dma_wait3A_1036, %dma_wait3A_1041, %dma_wait3A_1042] : memref<32x4x128x128xf32, #tpu.memory_space<hbm>> -> memref<1x1x128x128xf32, #tpu.memory_space<hbm>>
    %dma_wait3A_1044 = tpu.memref_squeeze %dma_wait3A_1043 : memref<1x1x128x128xf32, #tpu.memory_space<hbm>> -> memref<128x128xf32, #tpu.memory_space<hbm>>
    tpu.wait_dma2 semaphore(%arg43 : memref<!tpu.dma_semaphore, #tpu.memory_space<semaphore_mem>>) src(%dma_wait3A_1044 : memref<128x128xf32, #tpu.memory_space<hbm>>) dst(%arg36 : memref<128x128xf32, #tpu.memory_space<vmem>>)
    %parallel_loop3A_1045 = arith.constant 0 : i32
    %parallel_loop3A_1046 = arith.constant 128 : i32
    %parallel_loop3A_1047 = arith.constant 1 : i32
    scf.for %parallel_loop3A_1070 = %parallel_loop3A_1045 to %parallel_loop3A_1046 step %parallel_loop3A_1047  : i32 {
      %parallel_loop3A_1071 = arith.constant 384 : i32
      %parallel_loop3A_1072 = arith.addi %parallel_loop3A_1071, %parallel_loop3A_1070 : i32
      %parallel_loop3A_1073 = vector.broadcast %parallel_loop3A_1072 : i32 to vector<16xi32>
      %parallel_loop3A_1074 = tpu.vector_load_idx %arg27[%parallel_loop3A_1073] : memref<512xf32, #tpu.memory_space<vmem>>[vector<16xi32>], vector<16xf32>,
      %parallel_loop3A_1075 = arith.index_cast %parallel_loop3A_1070 : i32 to index
      %parallel_loop3A_1076 = arith.constant 0 : index
      %parallel_loop3A_1077 = tpu.vector_load %arg32[%parallel_loop3A_1075, %parallel_loop3A_1076] {strides = array<i32>} : memref<128x128xf32, #tpu.memory_space<vmem>>, vector<16xf32>,
      %parallel_loop3A_1078 = arith.index_cast %parallel_loop3A_1070 : i32 to index
      %parallel_loop3A_1079 = arith.constant 0 : index
      %parallel_loop3A_1080 = tpu.vector_load %arg36[%parallel_loop3A_1078, %parallel_loop3A_1079] {strides = array<i32>} : memref<128x128xf32, #tpu.memory_space<vmem>>, vector<16xf32>,
      %parallel_loop3A_1081 = arith.addf %parallel_loop3A_1077, %parallel_loop3A_1080 : vector<16xf32>
      %parallel_loop3A_1082 = arith.constant 0.000000e+00 : f32
      %parallel_loop3A_1083 = vector.broadcast %parallel_loop3A_1082 : f32 to vector<16xf32>
      %parallel_loop3A_1084 = arith.maximumf %parallel_loop3A_1081, %parallel_loop3A_1083 : vector<16xf32>
      %parallel_loop3A_1085 = arith.mulf %parallel_loop3A_1084, %parallel_loop3A_1074 : vector<16xf32>
      %parallel_loop3A_1086 = arith.index_cast %parallel_loop3A_1070 : i32 to index
      %parallel_loop3A_1087 = arith.constant 0 : index
      %parallel_loop3A_1088 = tpu.vector_load %arg36[%parallel_loop3A_1086, %parallel_loop3A_1087] {strides = array<i32>} : memref<128x128xf32, #tpu.memory_space<vmem>>, vector<16xf32>,
      tpu.vector_store %arg36[%parallel_loop3A_1086, %parallel_loop3A_1087], %parallel_loop3A_1085 {strides = array<i32>} : memref<128x128xf32, #tpu.memory_space<vmem>>, vector<16xf32>,
      %parallel_loop3A_1089 = arith.index_cast %parallel_loop3A_1070 : i32 to index
      %parallel_loop3A_1090 = arith.constant 16 : index
      %parallel_loop3A_1091 = tpu.vector_load %arg32[%parallel_loop3A_1089, %parallel_loop3A_1090] {strides = array<i32>} : memref<128x128xf32, #tpu.memory_space<vmem>>, vector<16xf32>,
      %parallel_loop3A_1092 = arith.index_cast %parallel_loop3A_1070 : i32 to index
      %parallel_loop3A_1093 = arith.constant 16 : index
      %parallel_loop3A_1094 = tpu.vector_load %arg36[%parallel_loop3A_1092, %parallel_loop3A_1093] {strides = array<i32>} : memref<128x128xf32, #tpu.memory_space<vmem>>, vector<16xf32>,
      %parallel_loop3A_1095 = arith.addf %parallel_loop3A_1091, %parallel_loop3A_1094 : vector<16xf32>
      %parallel_loop3A_1096 = arith.constant 0.000000e+00 : f32
      %parallel_loop3A_1097 = vector.broadcast %parallel_loop3A_1096 : f32 to vector<16xf32>
      %parallel_loop3A_1098 = arith.maximumf %parallel_loop3A_1095, %parallel_loop3A_1097 : vector<16xf32>
      %parallel_loop3A_1099 = arith.mulf %parallel_loop3A_1098, %parallel_loop3A_1074 : vector<16xf32>
      %parallel_loop3A_1100 = arith.index_cast %parallel_loop3A_1070 : i32 to index
      %parallel_loop3A_1101 = arith.constant 16 : index
      %parallel_loop3A_1102 = tpu.vector_load %arg36[%parallel_loop3A_1100, %parallel_loop3A_1101] {strides = array<i32>} : memref<128x128xf32, #tpu.memory_space<vmem>>, vector<16xf32>,
      tpu.vector_store %arg36[%parallel_loop3A_1100, %parallel_loop3A_1101], %parallel_loop3A_1099 {strides = array<i32>} : memref<128x128xf32, #tpu.memory_space<vmem>>, vector<16xf32>,
      %parallel_loop3A_1103 = arith.index_cast %parallel_loop3A_1070 : i32 to index
      %parallel_loop3A_1104 = arith.constant 32 : index
      %parallel_loop3A_1105 = tpu.vector_load %arg32[%parallel_loop3A_1103, %parallel_loop3A_1104] {strides = array<i32>} : memref<128x128xf32, #tpu.memory_space<vmem>>, vector<16xf32>,
      %parallel_loop3A_1106 = arith.index_cast %parallel_loop3A_1070 : i32 to index
      %parallel_loop3A_1107 = arith.constant 32 : index
      %parallel_loop3A_1108 = tpu.vector_load %arg36[%parallel_loop3A_1106, %parallel_loop3A_1107] {strides = array<i32>} : memref<128x128xf32, #tpu.memory_space<vmem>>, vector<16xf32>,
      %parallel_loop3A_1109 = arith.addf %parallel_loop3A_1105, %parallel_loop3A_1108 : vector<16xf32>
      %parallel_loop3A_1110 = arith.constant 0.000000e+00 : f32
      %parallel_loop3A_1111 = vector.broadcast %parallel_loop3A_1110 : f32 to vector<16xf32>
      %parallel_loop3A_1112 = arith.maximumf %parallel_loop3A_1109, %parallel_loop3A_1111 : vector<16xf32>
      %parallel_loop3A_1113 = arith.mulf %parallel_loop3A_1112, %parallel_loop3A_1074 : vector<16xf32>
      %parallel_loop3A_1114 = arith.index_cast %parallel_loop3A_1070 : i32 to index
      %parallel_loop3A_1115 = arith.constant 32 : index
      %parallel_loop3A_1116 = tpu.vector_load %arg36[%parallel_loop3A_1114, %parallel_loop3A_1115] {strides = array<i32>} : memref<128x128xf32, #tpu.memory_space<vmem>>, vector<16xf32>,
      tpu.vector_store %arg36[%parallel_loop3A_1114, %parallel_loop3A_1115], %parallel_loop3A_1113 {strides = array<i32>} : memref<128x128xf32, #tpu.memory_space<vmem>>, vector<16xf32>,
      %parallel_loop3A_1117 = arith.index_cast %parallel_loop3A_1070 : i32 to index
      %parallel_loop3A_1118 = arith.constant 48 : index
      %parallel_loop3A_1119 = tpu.vector_load %arg32[%parallel_loop3A_1117, %parallel_loop3A_1118] {strides = array<i32>} : memref<128x128xf32, #tpu.memory_space<vmem>>, vector<16xf32>,
      %parallel_loop3A_1120 = arith.index_cast %parallel_loop3A_1070 : i32 to index
      %parallel_loop3A_1121 = arith.constant 48 : index
      %parallel_loop3A_1122 = tpu.vector_load %arg36[%parallel_loop3A_1120, %parallel_loop3A_1121] {strides = array<i32>} : memref<128x128xf32, #tpu.memory_space<vmem>>, vector<16xf32>,
      %parallel_loop3A_1123 = arith.addf %parallel_loop3A_1119, %parallel_loop3A_1122 : vector<16xf32>
      %parallel_loop3A_1124 = arith.constant 0.000000e+00 : f32
      %parallel_loop3A_1125 = vector.broadcast %parallel_loop3A_1124 : f32 to vector<16xf32>
      %parallel_loop3A_1126 = arith.maximumf %parallel_loop3A_1123, %parallel_loop3A_1125 : vector<16xf32>
      %parallel_loop3A_1127 = arith.mulf %parallel_loop3A_1126, %parallel_loop3A_1074 : vector<16xf32>
      %parallel_loop3A_1128 = arith.index_cast %parallel_loop3A_1070 : i32 to index
      %parallel_loop3A_1129 = arith.constant 48 : index
      %parallel_loop3A_1130 = tpu.vector_load %arg36[%parallel_loop3A_1128, %parallel_loop3A_1129] {strides = array<i32>} : memref<128x128xf32, #tpu.memory_space<vmem>>, vector<16xf32>,
      tpu.vector_store %arg36[%parallel_loop3A_1128, %parallel_loop3A_1129], %parallel_loop3A_1127 {strides = array<i32>} : memref<128x128xf32, #tpu.memory_space<vmem>>, vector<16xf32>,
      %parallel_loop3A_1131 = arith.index_cast %parallel_loop3A_1070 : i32 to index
      %parallel_loop3A_1132 = arith.constant 64 : index
      %parallel_loop3A_1133 = tpu.vector_load %arg32[%parallel_loop3A_1131, %parallel_loop3A_1132] {strides = array<i32>} : memref<128x128xf32, #tpu.memory_space<vmem>>, vector<16xf32>,
      %parallel_loop3A_1134 = arith.index_cast %parallel_loop3A_1070 : i32 to index
      %parallel_loop3A_1135 = arith.constant 64 : index
      %parallel_loop3A_1136 = tpu.vector_load %arg36[%parallel_loop3A_1134, %parallel_loop3A_1135] {strides = array<i32>} : memref<128x128xf32, #tpu.memory_space<vmem>>, vector<16xf32>,
      %parallel_loop3A_1137 = arith.addf %parallel_loop3A_1133, %parallel_loop3A_1136 : vector<16xf32>
      %parallel_loop3A_1138 = arith.constant 0.000000e+00 : f32
      %parallel_loop3A_1139 = vector.broadcast %parallel_loop3A_1138 : f32 to vector<16xf32>
      %parallel_loop3A_1140 = arith.maximumf %parallel_loop3A_1137, %parallel_loop3A_1139 : vector<16xf32>
      %parallel_loop3A_1141 = arith.mulf %parallel_loop3A_1140, %parallel_loop3A_1074 : vector<16xf32>
      %parallel_loop3A_1142 = arith.index_cast %parallel_loop3A_1070 : i32 to index
      %parallel_loop3A_1143 = arith.constant 64 : index
      %parallel_loop3A_1144 = tpu.vector_load %arg36[%parallel_loop3A_1142, %parallel_loop3A_1143] {strides = array<i32>} : memref<128x128xf32, #tpu.memory_space<vmem>>, vector<16xf32>,
      tpu.vector_store %arg36[%parallel_loop3A_1142, %parallel_loop3A_1143], %parallel_loop3A_1141 {strides = array<i32>} : memref<128x128xf32, #tpu.memory_space<vmem>>, vector<16xf32>,
      %parallel_loop3A_1145 = arith.index_cast %parallel_loop3A_1070 : i32 to index
      %parallel_loop3A_1146 = arith.constant 80 : index
      %parallel_loop3A_1147 = tpu.vector_load %arg32[%parallel_loop3A_1145, %parallel_loop3A_1146] {strides = array<i32>} : memref<128x128xf32, #tpu.memory_space<vmem>>, vector<16xf32>,
      %parallel_loop3A_1148 = arith.index_cast %parallel_loop3A_1070 : i32 to index
      %parallel_loop3A_1149 = arith.constant 80 : index
      %parallel_loop3A_1150 = tpu.vector_load %arg36[%parallel_loop3A_1148, %parallel_loop3A_1149] {strides = array<i32>} : memref<128x128xf32, #tpu.memory_space<vmem>>, vector<16xf32>,
      %parallel_loop3A_1151 = arith.addf %parallel_loop3A_1147, %parallel_loop3A_1150 : vector<16xf32>
      %parallel_loop3A_1152 = arith.constant 0.000000e+00 : f32
      %parallel_loop3A_1153 = vector.broadcast %parallel_loop3A_1152 : f32 to vector<16xf32>
      %parallel_loop3A_1154 = arith.maximumf %parallel_loop3A_1151, %parallel_loop3A_1153 : vector<16xf32>
      %parallel_loop3A_1155 = arith.mulf %parallel_loop3A_1154, %parallel_loop3A_1074 : vector<16xf32>
      %parallel_loop3A_1156 = arith.index_cast %parallel_loop3A_1070 : i32 to index
      %parallel_loop3A_1157 = arith.constant 80 : index
      %parallel_loop3A_1158 = tpu.vector_load %arg36[%parallel_loop3A_1156, %parallel_loop3A_1157] {strides = array<i32>} : memref<128x128xf32, #tpu.memory_space<vmem>>, vector<16xf32>,
      tpu.vector_store %arg36[%parallel_loop3A_1156, %parallel_loop3A_1157], %parallel_loop3A_1155 {strides = array<i32>} : memref<128x128xf32, #tpu.memory_space<vmem>>, vector<16xf32>,
      %parallel_loop3A_1159 = arith.index_cast %parallel_loop3A_1070 : i32 to index
      %parallel_loop3A_1160 = arith.constant 96 : index
      %parallel_loop3A_1161 = tpu.vector_load %arg32[%parallel_loop3A_1159, %parallel_loop3A_1160] {strides = array<i32>} : memref<128x128xf32, #tpu.memory_space<vmem>>, vector<16xf32>,
      %parallel_loop3A_1162 = arith.index_cast %parallel_loop3A_1070 : i32 to index
      %parallel_loop3A_1163 = arith.constant 96 : index
      %parallel_loop3A_1164 = tpu.vector_load %arg36[%parallel_loop3A_1162, %parallel_loop3A_1163] {strides = array<i32>} : memref<128x128xf32, #tpu.memory_space<vmem>>, vector<16xf32>,
      %parallel_loop3A_1165 = arith.addf %parallel_loop3A_1161, %parallel_loop3A_1164 : vector<16xf32>
      %parallel_loop3A_1166 = arith.constant 0.000000e+00 : f32
      %parallel_loop3A_1167 = vector.broadcast %parallel_loop3A_1166 : f32 to vector<16xf32>
      %parallel_loop3A_1168 = arith.maximumf %parallel_loop3A_1165, %parallel_loop3A_1167 : vector<16xf32>
      %parallel_loop3A_1169 = arith.mulf %parallel_loop3A_1168, %parallel_loop3A_1074 : vector<16xf32>
      %parallel_loop3A_1170 = arith.index_cast %parallel_loop3A_1070 : i32 to index
      %parallel_loop3A_1171 = arith.constant 96 : index
      %parallel_loop3A_1172 = tpu.vector_load %arg36[%parallel_loop3A_1170, %parallel_loop3A_1171] {strides = array<i32>} : memref<128x128xf32, #tpu.memory_space<vmem>>, vector<16xf32>,
      tpu.vector_store %arg36[%parallel_loop3A_1170, %parallel_loop3A_1171], %parallel_loop3A_1169 {strides = array<i32>} : memref<128x128xf32, #tpu.memory_space<vmem>>, vector<16xf32>,
      %parallel_loop3A_1173 = arith.index_cast %parallel_loop3A_1070 : i32 to index
      %parallel_loop3A_1174 = arith.constant 112 : index
      %parallel_loop3A_1175 = tpu.vector_load %arg32[%parallel_loop3A_1173, %parallel_loop3A_1174] {strides = array<i32>} : memref<128x128xf32, #tpu.memory_space<vmem>>, vector<16xf32>,
      %parallel_loop3A_1176 = arith.index_cast %parallel_loop3A_1070 : i32 to index
      %parallel_loop3A_1177 = arith.constant 112 : index
      %parallel_loop3A_1178 = tpu.vector_load %arg36[%parallel_loop3A_1176, %parallel_loop3A_1177] {strides = array<i32>} : memref<128x128xf32, #tpu.memory_space<vmem>>, vector<16xf32>,
      %parallel_loop3A_1179 = arith.addf %parallel_loop3A_1175, %parallel_loop3A_1178 : vector<16xf32>
      %parallel_loop3A_1180 = arith.constant 0.000000e+00 : f32
      %parallel_loop3A_1181 = vector.broadcast %parallel_loop3A_1180 : f32 to vector<16xf32>
      %parallel_loop3A_1182 = arith.maximumf %parallel_loop3A_1179, %parallel_loop3A_1181 : vector<16xf32>
      %parallel_loop3A_1183 = arith.mulf %parallel_loop3A_1182, %parallel_loop3A_1074 : vector<16xf32>
      %parallel_loop3A_1184 = arith.index_cast %parallel_loop3A_1070 : i32 to index
      %parallel_loop3A_1185 = arith.constant 112 : index
      %parallel_loop3A_1186 = tpu.vector_load %arg36[%parallel_loop3A_1184, %parallel_loop3A_1185] {strides = array<i32>} : memref<128x128xf32, #tpu.memory_space<vmem>>, vector<16xf32>,
      tpu.vector_store %arg36[%parallel_loop3A_1184, %parallel_loop3A_1185], %parallel_loop3A_1183 {strides = array<i32>} : memref<128x128xf32, #tpu.memory_space<vmem>>, vector<16xf32>,
    } {sc.loop_unroll_factor = 4 : i64, sc.parallel_access}
    %dma_start3A_1048 = arith.constant 0 : i32
    %dma_start3A_1049 = arith.constant 0 : i32
    %dma_start3A_1050 = tpu.memref_slice %arg37[%dma_start3A_1048, %dma_start3A_1049] : memref<1024x128xf32, #tpu.memory_space<vmem_shared>> -> memref<1024x128xf32, #tpu.memory_space<vmem_shared>>
    tpu.enqueue_indirect_dma source(%arg36 : memref<128x128xf32, #tpu.memory_space<vmem>>) target(%dma_start3A_1050 : memref<1024x128xf32, #tpu.memory_space<vmem_shared>>) offsets(%arg22 : memref<128xi32, #tpu.memory_space<vmem>>) semaphore(%arg45 : memref<!tpu.dma_semaphore, #tpu.memory_space<semaphore_mem>>) {add = true}
    %dma_wait3A_1051 = arith.constant 0 : i32
    %dma_wait3A_1052 = tpu.memref_slice %arg38[%dma_wait3A_1051] : memref<1024xf32, #tpu.memory_space<vmem_shared>> -> memref<1024xf32, #tpu.memory_space<vmem_shared>>
    tpu.wait_indirect_dma semaphore(%arg45 : memref<!tpu.dma_semaphore, #tpu.memory_space<semaphore_mem>>) src(%arg27 : memref<512xf32, #tpu.memory_space<vmem>>) dst(%dma_wait3A_1052 : memref<1024xf32, #tpu.memory_space<vmem_shared>>)
    %dma_wait3A_1053 = arith.constant 0 : i32
    %dma_wait3A_1054 = tpu.memref_slice %arg39[%dma_wait3A_1053] : memref<1024xf32, #tpu.memory_space<vmem_shared>> -> memref<1024xf32, #tpu.memory_space<vmem_shared>>
    tpu.wait_indirect_dma semaphore(%arg45 : memref<!tpu.dma_semaphore, #tpu.memory_space<semaphore_mem>>) src(%arg28 : memref<512xf32, #tpu.memory_space<vmem>>) dst(%dma_wait3A_1054 : memref<1024xf32, #tpu.memory_space<vmem_shared>>)
    %dma_wait3A_1055 = arith.constant 0 : i32
    %dma_wait3A_1056 = tpu.memref_slice %arg40[%dma_wait3A_1055] : memref<1024xf32, #tpu.memory_space<vmem_shared>> -> memref<1024xf32, #tpu.memory_space<vmem_shared>>
    tpu.wait_indirect_dma semaphore(%arg45 : memref<!tpu.dma_semaphore, #tpu.memory_space<semaphore_mem>>) src(%arg29 : memref<512xf32, #tpu.memory_space<vmem>>) dst(%dma_wait3A_1056 : memref<1024xf32, #tpu.memory_space<vmem_shared>>)
    %dma_wait3A_1057 = arith.constant 0 : i32
    %dma_wait3A_1058 = arith.constant 0 : i32
    %dma_wait3A_1059 = tpu.memref_slice %arg37[%dma_wait3A_1057, %dma_wait3A_1058] : memref<1024x128xf32, #tpu.memory_space<vmem_shared>> -> memref<1024x128xf32, #tpu.memory_space<vmem_shared>>
    tpu.wait_indirect_dma semaphore(%arg45 : memref<!tpu.dma_semaphore, #tpu.memory_space<semaphore_mem>>) src(%arg33 : memref<128x128xf32, #tpu.memory_space<vmem>>) dst(%dma_wait3A_1059 : memref<1024x128xf32, #tpu.memory_space<vmem_shared>>)
    %dma_wait3A_1060 = arith.constant 0 : i32
    %dma_wait3A_1061 = arith.constant 0 : i32
    %dma_wait3A_1062 = tpu.memref_slice %arg37[%dma_wait3A_1060, %dma_wait3A_1061] : memref<1024x128xf32, #tpu.memory_space<vmem_shared>> -> memref<1024x128xf32, #tpu.memory_space<vmem_shared>>
    tpu.wait_indirect_dma semaphore(%arg45 : memref<!tpu.dma_semaphore, #tpu.memory_space<semaphore_mem>>) src(%arg34 : memref<128x128xf32, #tpu.memory_space<vmem>>) dst(%dma_wait3A_1062 : memref<1024x128xf32, #tpu.memory_space<vmem_shared>>)
    %dma_wait3A_1063 = arith.constant 0 : i32
    %dma_wait3A_1064 = arith.constant 0 : i32
    %dma_wait3A_1065 = tpu.memref_slice %arg37[%dma_wait3A_1063, %dma_wait3A_1064] : memref<1024x128xf32, #tpu.memory_space<vmem_shared>> -> memref<1024x128xf32, #tpu.memory_space<vmem_shared>>
    tpu.wait_indirect_dma semaphore(%arg45 : memref<!tpu.dma_semaphore, #tpu.memory_space<semaphore_mem>>) src(%arg35 : memref<128x128xf32, #tpu.memory_space<vmem>>) dst(%dma_wait3A_1065 : memref<1024x128xf32, #tpu.memory_space<vmem_shared>>)
    %dma_wait3A_1066 = arith.constant 0 : i32
    %dma_wait3A_1067 = arith.constant 0 : i32
    %dma_wait3A_1068 = tpu.memref_slice %arg37[%dma_wait3A_1066, %dma_wait3A_1067] : memref<1024x128xf32, #tpu.memory_space<vmem_shared>> -> memref<1024x128xf32, #tpu.memory_space<vmem_shared>>
    tpu.wait_indirect_dma semaphore(%arg45 : memref<!tpu.dma_semaphore, #tpu.memory_space<semaphore_mem>>) src(%arg36 : memref<128x128xf32, #tpu.memory_space<vmem>>) dst(%dma_wait3A_1068 : memref<1024x128xf32, #tpu.memory_space<vmem_shared>>)
    %barrier3A_1069 = arith.constant 0 : index
    tpu.barrier barrier_id(%barrier3A_1069)
    "tpu.region"() ({
      %run_scoped3A = tpu.sem_alloc : memref<!tpu.dma_semaphore, #tpu.memory_space<semaphore_mem>>
      %dma_start3A_1070 = arith.constant 0 : i32
      %dma_start3A_1071 = arith.constant 0 : i32
      %dma_start3A_1072 = tpu.memref_slice %arg33[%dma_start3A_1070, %dma_start3A_1071] : memref<128x128xf32, #tpu.memory_space<vmem>> -> memref<64x128xf32, #tpu.memory_space<vmem>>
      %dma_start3A_1073 = arith.constant 0 : i32
      %dma_start3A_1074 = tpu.memref_slice %arg37[%mul3A_75, %dma_start3A_1073] : memref<1024x128xf32, #tpu.memory_space<vmem_shared>> -> memref<64x128xf32, #tpu.memory_space<vmem_shared>>
      %dma_start3A_1075 = arith.constant 0 : i32
      %dma_start3A_1076 = arith.constant 0 : i32
      %dma_start3A_1077 = tpu.memref_slice %arg33[%dma_start3A_1075, %dma_start3A_1076] : memref<128x128xf32, #tpu.memory_space<vmem>> -> memref<64x128xf32, #tpu.memory_space<vmem>>
      %dma_start3A_1078 = arith.constant 0 : i32
      %dma_start3A_1079 = tpu.memref_slice %arg37[%mul3A_75, %dma_start3A_1078] : memref<1024x128xf32, #tpu.memory_space<vmem_shared>> -> memref<64x128xf32, #tpu.memory_space<vmem_shared>>
      tpu.enqueue_dma source(%dma_start3A_1079 : memref<64x128xf32, #tpu.memory_space<vmem_shared>>) target(%dma_start3A_1077 : memref<64x128xf32, #tpu.memory_space<vmem>>) target_semaphore(%run_scoped3A : memref<!tpu.dma_semaphore, #tpu.memory_space<semaphore_mem>>)
      %dma_wait3A_1080 = arith.constant 0 : i32
      %dma_wait3A_1081 = arith.constant 0 : i32
      %dma_wait3A_1082 = tpu.memref_slice %arg33[%dma_wait3A_1080, %dma_wait3A_1081] : memref<128x128xf32, #tpu.memory_space<vmem>> -> memref<64x128xf32, #tpu.memory_space<vmem>>
      %dma_wait3A_1083 = arith.constant 0 : i32
      %dma_wait3A_1084 = tpu.memref_slice %arg37[%mul3A_75, %dma_wait3A_1083] : memref<1024x128xf32, #tpu.memory_space<vmem_shared>> -> memref<64x128xf32, #tpu.memory_space<vmem_shared>>
      %dma_wait3A_1085 = arith.constant 0 : i32
      %dma_wait3A_1086 = arith.constant 0 : i32
      %dma_wait3A_1087 = tpu.memref_slice %arg33[%dma_wait3A_1085, %dma_wait3A_1086] : memref<128x128xf32, #tpu.memory_space<vmem>> -> memref<64x128xf32, #tpu.memory_space<vmem>>
      %dma_wait3A_1088 = arith.constant 0 : i32
      %dma_wait3A_1089 = tpu.memref_slice %arg37[%mul3A_75, %dma_wait3A_1088] : memref<1024x128xf32, #tpu.memory_space<vmem_shared>> -> memref<64x128xf32, #tpu.memory_space<vmem_shared>>
      tpu.wait_dma2 semaphore(%run_scoped3A : memref<!tpu.dma_semaphore, #tpu.memory_space<semaphore_mem>>) src(%dma_wait3A_1089 : memref<64x128xf32, #tpu.memory_space<vmem_shared>>) dst(%dma_wait3A_1087 : memref<64x128xf32, #tpu.memory_space<vmem>>)
      tpu.yield
    }) : () -> ()
    "tpu.region"() ({
      %run_scoped3A = tpu.sem_alloc : memref<!tpu.dma_semaphore, #tpu.memory_space<semaphore_mem>>
      %dma_start3A_1070 = arith.constant 0 : i32
      %dma_start3A_1071 = arith.constant 0 : i32
      %dma_start3A_1072 = tpu.memref_slice %arg33[%dma_start3A_1070, %dma_start3A_1071] : memref<128x128xf32, #tpu.memory_space<vmem>> -> memref<64x128xf32, #tpu.memory_space<vmem>>
      %dma_start3A_1073 = arith.constant 0 : i32
      %dma_start3A_1074 = tpu.memref_slice %arg10[%arg0, %mul3A_75, %dma_start3A_1073] : memref<2x1024x128xf32, #tpu.memory_space<hbm>> -> memref<1x64x128xf32, #tpu.memory_space<hbm>>
      %dma_start3A_1075 = tpu.memref_squeeze %dma_start3A_1074 : memref<1x64x128xf32, #tpu.memory_space<hbm>> -> memref<64x128xf32, #tpu.memory_space<hbm>>
      %dma_start3A_1076 = arith.constant 0 : i32
      %dma_start3A_1077 = tpu.memref_slice %arg10[%arg0, %mul3A_75, %dma_start3A_1076] : memref<2x1024x128xf32, #tpu.memory_space<hbm>> -> memref<1x64x128xf32, #tpu.memory_space<hbm>>
      %dma_start3A_1078 = tpu.memref_squeeze %dma_start3A_1077 : memref<1x64x128xf32, #tpu.memory_space<hbm>> -> memref<64x128xf32, #tpu.memory_space<hbm>>
      %dma_start3A_1079 = arith.constant 0 : i32
      %dma_start3A_1080 = arith.constant 0 : i32
      %dma_start3A_1081 = tpu.memref_slice %arg33[%dma_start3A_1079, %dma_start3A_1080] : memref<128x128xf32, #tpu.memory_space<vmem>> -> memref<64x128xf32, #tpu.memory_space<vmem>>
      tpu.enqueue_dma source(%dma_start3A_1081 : memref<64x128xf32, #tpu.memory_space<vmem>>) target(%dma_start3A_1078 : memref<64x128xf32, #tpu.memory_space<hbm>>) target_semaphore(%run_scoped3A : memref<!tpu.dma_semaphore, #tpu.memory_space<semaphore_mem>>)
      %dma_wait3A_1082 = arith.constant 0 : i32
      %dma_wait3A_1083 = arith.constant 0 : i32
      %dma_wait3A_1084 = tpu.memref_slice %arg33[%dma_wait3A_1082, %dma_wait3A_1083] : memref<128x128xf32, #tpu.memory_space<vmem>> -> memref<64x128xf32, #tpu.memory_space<vmem>>
      %dma_wait3A_1085 = arith.constant 0 : i32
      %dma_wait3A_1086 = tpu.memref_slice %arg10[%arg0, %mul3A_75, %dma_wait3A_1085] : memref<2x1024x128xf32, #tpu.memory_space<hbm>> -> memref<1x64x128xf32, #tpu.memory_space<hbm>>
      %dma_wait3A_1087 = tpu.memref_squeeze %dma_wait3A_1086 : memref<1x64x128xf32, #tpu.memory_space<hbm>> -> memref<64x128xf32, #tpu.memory_space<hbm>>
      %dma_wait3A_1088 = arith.constant 0 : i32
      %dma_wait3A_1089 = tpu.memref_slice %arg10[%arg0, %mul3A_75, %dma_wait3A_1088] : memref<2x1024x128xf32, #tpu.memory_space<hbm>> -> memref<1x64x128xf32, #tpu.memory_space<hbm>>
      %dma_wait3A_1090 = tpu.memref_squeeze %dma_wait3A_1089 : memref<1x64x128xf32, #tpu.memory_space<hbm>> -> memref<64x128xf32, #tpu.memory_space<hbm>>
      %dma_wait3A_1091 = arith.constant 0 : i32
      %dma_wait3A_1092 = arith.constant 0 : i32
      %dma_wait3A_1093 = tpu.memref_slice %arg33[%dma_wait3A_1091, %dma_wait3A_1092] : memref<128x128xf32, #tpu.memory_space<vmem>> -> memref<64x128xf32, #tpu.memory_space<vmem>>
      tpu.wait_dma2 semaphore(%run_scoped3A : memref<!tpu.dma_semaphore, #tpu.memory_space<semaphore_mem>>) src(%dma_wait3A_1093 : memref<64x128xf32, #tpu.memory_space<vmem>>) dst(%dma_wait3A_1090 : memref<64x128xf32, #tpu.memory_space<hbm>>)
      tpu.yield
    }) : () -> ()
    "tpu.region"() ({
      %run_scoped3A = tpu.sem_alloc : memref<!tpu.dma_semaphore, #tpu.memory_space<semaphore_mem>>
      %dma_start3A_1070 = tpu.memref_slice %arg38[%mul3A_75] : memref<1024xf32, #tpu.memory_space<vmem_shared>> -> memref<64xf32, #tpu.memory_space<vmem_shared>>
      %dma_start3A_1071 = tpu.memref_slice %arg38[%mul3A_75] : memref<1024xf32, #tpu.memory_space<vmem_shared>> -> memref<64xf32, #tpu.memory_space<vmem_shared>>
      tpu.enqueue_dma source(%dma_start3A_1071 : memref<64xf32, #tpu.memory_space<vmem_shared>>) target(%arg30 : memref<64xf32, #tpu.memory_space<vmem>>) target_semaphore(%run_scoped3A : memref<!tpu.dma_semaphore, #tpu.memory_space<semaphore_mem>>)
      %dma_wait3A_1072 = tpu.memref_slice %arg38[%mul3A_75] : memref<1024xf32, #tpu.memory_space<vmem_shared>> -> memref<64xf32, #tpu.memory_space<vmem_shared>>
      %dma_wait3A_1073 = tpu.memref_slice %arg38[%mul3A_75] : memref<1024xf32, #tpu.memory_space<vmem_shared>> -> memref<64xf32, #tpu.memory_space<vmem_shared>>
      tpu.wait_dma2 semaphore(%run_scoped3A : memref<!tpu.dma_semaphore, #tpu.memory_space<semaphore_mem>>) src(%dma_wait3A_1073 : memref<64xf32, #tpu.memory_space<vmem_shared>>) dst(%arg30 : memref<64xf32, #tpu.memory_space<vmem>>)
      tpu.yield
    }) : () -> ()
    "tpu.region"() ({
      %run_scoped3A = tpu.sem_alloc : memref<!tpu.dma_semaphore, #tpu.memory_space<semaphore_mem>>
      %dma_start3A_1070 = tpu.memref_slice %arg11[%arg0, %mul3A_75] : memref<2x1024xf32, #tpu.memory_space<hbm>> -> memref<1x64xf32, #tpu.memory_space<hbm>>
      %dma_start3A_1071 = tpu.memref_squeeze %dma_start3A_1070 : memref<1x64xf32, #tpu.memory_space<hbm>> -> memref<64xf32, #tpu.memory_space<hbm>>
      %dma_start3A_1072 = tpu.memref_slice %arg11[%arg0, %mul3A_75] : memref<2x1024xf32, #tpu.memory_space<hbm>> -> memref<1x64xf32, #tpu.memory_space<hbm>>
      %dma_start3A_1073 = tpu.memref_squeeze %dma_start3A_1072 : memref<1x64xf32, #tpu.memory_space<hbm>> -> memref<64xf32, #tpu.memory_space<hbm>>
      tpu.enqueue_dma source(%arg30 : memref<64xf32, #tpu.memory_space<vmem>>) target(%dma_start3A_1073 : memref<64xf32, #tpu.memory_space<hbm>>) target_semaphore(%run_scoped3A : memref<!tpu.dma_semaphore, #tpu.memory_space<semaphore_mem>>)
      %dma_wait3A_1074 = tpu.memref_slice %arg11[%arg0, %mul3A_75] : memref<2x1024xf32, #tpu.memory_space<hbm>> -> memref<1x64xf32, #tpu.memory_space<hbm>>
      %dma_wait3A_1075 = tpu.memref_squeeze %dma_wait3A_1074 : memref<1x64xf32, #tpu.memory_space<hbm>> -> memref<64xf32, #tpu.memory_space<hbm>>
      %dma_wait3A_1076 = tpu.memref_slice %arg11[%arg0, %mul3A_75] : memref<2x1024xf32, #tpu.memory_space<hbm>> -> memref<1x64xf32, #tpu.memory_space<hbm>>
      %dma_wait3A_1077 = tpu.memref_squeeze %dma_wait3A_1076 : memref<1x64xf32, #tpu.memory_space<hbm>> -> memref<64xf32, #tpu.memory_space<hbm>>
      tpu.wait_dma2 semaphore(%run_scoped3A : memref<!tpu.dma_semaphore, #tpu.memory_space<semaphore_mem>>) src(%arg30 : memref<64xf32, #tpu.memory_space<vmem>>) dst(%dma_wait3A_1077 : memref<64xf32, #tpu.memory_space<hbm>>)
      tpu.yield
    }) : () -> ()
    "tpu.region"() ({
      %run_scoped3A = tpu.sem_alloc : memref<!tpu.dma_semaphore, #tpu.memory_space<semaphore_mem>>
      %dma_start3A_1070 = tpu.memref_slice %arg39[%mul3A_75] : memref<1024xf32, #tpu.memory_space<vmem_shared>> -> memref<64xf32, #tpu.memory_space<vmem_shared>>
      %dma_start3A_1071 = tpu.memref_slice %arg39[%mul3A_75] : memref<1024xf32, #tpu.memory_space<vmem_shared>> -> memref<64xf32, #tpu.memory_space<vmem_shared>>
      tpu.enqueue_dma source(%dma_start3A_1071 : memref<64xf32, #tpu.memory_space<vmem_shared>>) target(%arg30 : memref<64xf32, #tpu.memory_space<vmem>>) target_semaphore(%run_scoped3A : memref<!tpu.dma_semaphore, #tpu.memory_space<semaphore_mem>>)
      %dma_wait3A_1072 = tpu.memref_slice %arg39[%mul3A_75] : memref<1024xf32, #tpu.memory_space<vmem_shared>> -> memref<64xf32, #tpu.memory_space<vmem_shared>>
      %dma_wait3A_1073 = tpu.memref_slice %arg39[%mul3A_75] : memref<1024xf32, #tpu.memory_space<vmem_shared>> -> memref<64xf32, #tpu.memory_space<vmem_shared>>
      tpu.wait_dma2 semaphore(%run_scoped3A : memref<!tpu.dma_semaphore, #tpu.memory_space<semaphore_mem>>) src(%dma_wait3A_1073 : memref<64xf32, #tpu.memory_space<vmem_shared>>) dst(%arg30 : memref<64xf32, #tpu.memory_space<vmem>>)
      tpu.yield
    }) : () -> ()
    "tpu.region"() ({
      %run_scoped3A = tpu.sem_alloc : memref<!tpu.dma_semaphore, #tpu.memory_space<semaphore_mem>>
      %dma_start3A_1070 = tpu.memref_slice %arg12[%arg0, %mul3A_75] : memref<2x1024xf32, #tpu.memory_space<hbm>> -> memref<1x64xf32, #tpu.memory_space<hbm>>
      %dma_start3A_1071 = tpu.memref_squeeze %dma_start3A_1070 : memref<1x64xf32, #tpu.memory_space<hbm>> -> memref<64xf32, #tpu.memory_space<hbm>>
      %dma_start3A_1072 = tpu.memref_slice %arg12[%arg0, %mul3A_75] : memref<2x1024xf32, #tpu.memory_space<hbm>> -> memref<1x64xf32, #tpu.memory_space<hbm>>
      %dma_start3A_1073 = tpu.memref_squeeze %dma_start3A_1072 : memref<1x64xf32, #tpu.memory_space<hbm>> -> memref<64xf32, #tpu.memory_space<hbm>>
      tpu.enqueue_dma source(%arg30 : memref<64xf32, #tpu.memory_space<vmem>>) target(%dma_start3A_1073 : memref<64xf32, #tpu.memory_space<hbm>>) target_semaphore(%run_scoped3A : memref<!tpu.dma_semaphore, #tpu.memory_space<semaphore_mem>>)
      %dma_wait3A_1074 = tpu.memref_slice %arg12[%arg0, %mul3A_75] : memref<2x1024xf32, #tpu.memory_space<hbm>> -> memref<1x64xf32, #tpu.memory_space<hbm>>
      %dma_wait3A_1075 = tpu.memref_squeeze %dma_wait3A_1074 : memref<1x64xf32, #tpu.memory_space<hbm>> -> memref<64xf32, #tpu.memory_space<hbm>>
      %dma_wait3A_1076 = tpu.memref_slice %arg12[%arg0, %mul3A_75] : memref<2x1024xf32, #tpu.memory_space<hbm>> -> memref<1x64xf32, #tpu.memory_space<hbm>>
      %dma_wait3A_1077 = tpu.memref_squeeze %dma_wait3A_1076 : memref<1x64xf32, #tpu.memory_space<hbm>> -> memref<64xf32, #tpu.memory_space<hbm>>
      tpu.wait_dma2 semaphore(%run_scoped3A : memref<!tpu.dma_semaphore, #tpu.memory_space<semaphore_mem>>) src(%arg30 : memref<64xf32, #tpu.memory_space<vmem>>) dst(%dma_wait3A_1077 : memref<64xf32, #tpu.memory_space<hbm>>)
      tpu.yield
    }) : () -> ()
    "tpu.region"() ({
      %run_scoped3A = tpu.sem_alloc : memref<!tpu.dma_semaphore, #tpu.memory_space<semaphore_mem>>
      %dma_start3A_1070 = tpu.memref_slice %arg40[%mul3A_75] : memref<1024xf32, #tpu.memory_space<vmem_shared>> -> memref<64xf32, #tpu.memory_space<vmem_shared>>
      %dma_start3A_1071 = tpu.memref_slice %arg40[%mul3A_75] : memref<1024xf32, #tpu.memory_space<vmem_shared>> -> memref<64xf32, #tpu.memory_space<vmem_shared>>
      tpu.enqueue_dma source(%dma_start3A_1071 : memref<64xf32, #tpu.memory_space<vmem_shared>>) target(%arg30 : memref<64xf32, #tpu.memory_space<vmem>>) target_semaphore(%run_scoped3A : memref<!tpu.dma_semaphore, #tpu.memory_space<semaphore_mem>>)
      %dma_wait3A_1072 = tpu.memref_slice %arg40[%mul3A_75] : memref<1024xf32, #tpu.memory_space<vmem_shared>> -> memref<64xf32, #tpu.memory_space<vmem_shared>>
      %dma_wait3A_1073 = tpu.memref_slice %arg40[%mul3A_75] : memref<1024xf32, #tpu.memory_space<vmem_shared>> -> memref<64xf32, #tpu.memory_space<vmem_shared>>
      tpu.wait_dma2 semaphore(%run_scoped3A : memref<!tpu.dma_semaphore, #tpu.memory_space<semaphore_mem>>) src(%dma_wait3A_1073 : memref<64xf32, #tpu.memory_space<vmem_shared>>) dst(%arg30 : memref<64xf32, #tpu.memory_space<vmem>>)
      tpu.yield
    }) : () -> ()
    "tpu.region"() ({
      %run_scoped3A = tpu.sem_alloc : memref<!tpu.dma_semaphore, #tpu.memory_space<semaphore_mem>>
      %dma_start3A_1070 = tpu.memref_slice %arg13[%arg0, %mul3A_75] : memref<2x1024xf32, #tpu.memory_space<hbm>> -> memref<1x64xf32, #tpu.memory_space<hbm>>
      %dma_start3A_1071 = tpu.memref_squeeze %dma_start3A_1070 : memref<1x64xf32, #tpu.memory_space<hbm>> -> memref<64xf32, #tpu.memory_space<hbm>>
      %dma_start3A_1072 = tpu.memref_slice %arg13[%arg0, %mul3A_75] : memref<2x1024xf32, #tpu.memory_space<hbm>> -> memref<1x64xf32, #tpu.memory_space<hbm>>
      %dma_start3A_1073 = tpu.memref_squeeze %dma_start3A_1072 : memref<1x64xf32, #tpu.memory_space<hbm>> -> memref<64xf32, #tpu.memory_space<hbm>>
      tpu.enqueue_dma source(%arg30 : memref<64xf32, #tpu.memory_space<vmem>>) target(%dma_start3A_1073 : memref<64xf32, #tpu.memory_space<hbm>>) target_semaphore(%run_scoped3A : memref<!tpu.dma_semaphore, #tpu.memory_space<semaphore_mem>>)
      %dma_wait3A_1074 = tpu.memref_slice %arg13[%arg0, %mul3A_75] : memref<2x1024xf32, #tpu.memory_space<hbm>> -> memref<1x64xf32, #tpu.memory_space<hbm>>
      %dma_wait3A_1075 = tpu.memref_squeeze %dma_wait3A_1074 : memref<1x64xf32, #tpu.memory_space<hbm>> -> memref<64xf32, #tpu.memory_space<hbm>>
      %dma_wait3A_1076 = tpu.memref_slice %arg13[%arg0, %mul3A_75] : memref<2x1024xf32, #tpu.memory_space<hbm>> -> memref<1x64xf32, #tpu.memory_space<hbm>>
      %dma_wait3A_1077 = tpu.memref_squeeze %dma_wait3A_1076 : memref<1x64xf32, #tpu.memory_space<hbm>> -> memref<64xf32, #tpu.memory_space<hbm>>
      tpu.wait_dma2 semaphore(%run_scoped3A : memref<!tpu.dma_semaphore, #tpu.memory_space<semaphore_mem>>) src(%arg30 : memref<64xf32, #tpu.memory_space<vmem>>) dst(%dma_wait3A_1077 : memref<64xf32, #tpu.memory_space<hbm>>)
      tpu.yield
    }) : () -> ()
    return
  }
}

#map = affine_map<(d0, d1) -> (0)>
#map1 = affine_map<(d0, d1) -> (0, 0)>
module attributes {stable_mosaic.version = 14 : i64} {
  func.func @_adj_body(%arg0: i32, %arg1: i32, %arg2: memref<16384xi32, #tpu.memory_space<hbm>>, %arg3: memref<16384xf32, #tpu.memory_space<hbm>>, %arg4: memref<1024x1024xf32, #tpu.memory_space<hbm>>, %arg5: memref<16384xi32, #tpu.memory_space<vmem>>, %arg6: memref<16384xf32, #tpu.memory_space<vmem>>, %arg7: memref<32x1024xf32, #tpu.memory_space<vmem>>, %arg8: memref<!tpu.dma_semaphore, #tpu.memory_space<semaphore_mem>>) attributes {dimension_semantics = [#tpu.dimension_semantics<core_parallel>, #tpu.dimension_semantics<subcore_parallel>], iteration_bounds = array<i64: 2, 16>, scalar_prefetch = 0 : i64, scratch_operands = 4 : i64, tpu.core_type = #tpu.core_type<sc_vector_subcore>, window_params = [{transform_indices = #map}, {transform_indices = #map}, {transform_indices = #map1}]} {
    %mul3A = arith.constant 16 : i32
    %mul3A_0 = arith.muli %arg0, %mul3A : i32
    %add3A = arith.addi %mul3A_0, %arg1 : i32
    tpu.enqueue_dma source(%arg2 : memref<16384xi32, #tpu.memory_space<hbm>>) target(%arg5 : memref<16384xi32, #tpu.memory_space<vmem>>) target_semaphore(%arg8 : memref<!tpu.dma_semaphore, #tpu.memory_space<semaphore_mem>>)
    tpu.enqueue_dma source(%arg3 : memref<16384xf32, #tpu.memory_space<hbm>>) target(%arg6 : memref<16384xf32, #tpu.memory_space<vmem>>) target_semaphore(%arg8 : memref<!tpu.dma_semaphore, #tpu.memory_space<semaphore_mem>>)
    %broadcast_in_dim3A = arith.constant -1.000000e+00 : f32
    %broadcast_in_dim3A_1 = vector.broadcast %broadcast_in_dim3A : f32 to vector<16xf32>
    %scan3A = arith.constant 0 : i32
    %scan3A_2 = arith.constant 0 : i32
    %scan3A_3 = arith.constant 32 : i32
    %scan3A_4 = arith.addi %scan3A_2, %scan3A_3 : i32
    %scan3A_5 = arith.constant 1 : i32
    scf.for %scan3A_17 = %scan3A_2 to %scan3A_4 step %scan3A_5  : i32 {
      %swap3A = arith.index_cast %scan3A_17 : i32 to index
      %swap3A_18 = arith.constant 0 : index
      %swap3A_19 = tpu.vector_load %arg7[%swap3A, %swap3A_18] {strides = array<i32>} : memref<32x1024xf32, #tpu.memory_space<vmem>>, vector<16xf32>,
      tpu.vector_store %arg7[%swap3A, %swap3A_18], %broadcast_in_dim3A_1 {strides = array<i32>} : memref<32x1024xf32, #tpu.memory_space<vmem>>, vector<16xf32>,
      %swap3A_20 = arith.index_cast %scan3A_17 : i32 to index
      %swap3A_21 = arith.constant 16 : index
      %swap3A_22 = tpu.vector_load %arg7[%swap3A_20, %swap3A_21] {strides = array<i32>} : memref<32x1024xf32, #tpu.memory_space<vmem>>, vector<16xf32>,
      tpu.vector_store %arg7[%swap3A_20, %swap3A_21], %broadcast_in_dim3A_1 {strides = array<i32>} : memref<32x1024xf32, #tpu.memory_space<vmem>>, vector<16xf32>,
      %swap3A_23 = arith.index_cast %scan3A_17 : i32 to index
      %swap3A_24 = arith.constant 32 : index
      %swap3A_25 = tpu.vector_load %arg7[%swap3A_23, %swap3A_24] {strides = array<i32>} : memref<32x1024xf32, #tpu.memory_space<vmem>>, vector<16xf32>,
      tpu.vector_store %arg7[%swap3A_23, %swap3A_24], %broadcast_in_dim3A_1 {strides = array<i32>} : memref<32x1024xf32, #tpu.memory_space<vmem>>, vector<16xf32>,
      %swap3A_26 = arith.index_cast %scan3A_17 : i32 to index
      %swap3A_27 = arith.constant 48 : index
      %swap3A_28 = tpu.vector_load %arg7[%swap3A_26, %swap3A_27] {strides = array<i32>} : memref<32x1024xf32, #tpu.memory_space<vmem>>, vector<16xf32>,
      tpu.vector_store %arg7[%swap3A_26, %swap3A_27], %broadcast_in_dim3A_1 {strides = array<i32>} : memref<32x1024xf32, #tpu.memory_space<vmem>>, vector<16xf32>,
      %swap3A_29 = arith.index_cast %scan3A_17 : i32 to index
      %swap3A_30 = arith.constant 64 : index
      %swap3A_31 = tpu.vector_load %arg7[%swap3A_29, %swap3A_30] {strides = array<i32>} : memref<32x1024xf32, #tpu.memory_space<vmem>>, vector<16xf32>,
      tpu.vector_store %arg7[%swap3A_29, %swap3A_30], %broadcast_in_dim3A_1 {strides = array<i32>} : memref<32x1024xf32, #tpu.memory_space<vmem>>, vector<16xf32>,
      %swap3A_32 = arith.index_cast %scan3A_17 : i32 to index
      %swap3A_33 = arith.constant 80 : index
      %swap3A_34 = tpu.vector_load %arg7[%swap3A_32, %swap3A_33] {strides = array<i32>} : memref<32x1024xf32, #tpu.memory_space<vmem>>, vector<16xf32>,
      tpu.vector_store %arg7[%swap3A_32, %swap3A_33], %broadcast_in_dim3A_1 {strides = array<i32>} : memref<32x1024xf32, #tpu.memory_space<vmem>>, vector<16xf32>,
      %swap3A_35 = arith.index_cast %scan3A_17 : i32 to index
      %swap3A_36 = arith.constant 96 : index
      %swap3A_37 = tpu.vector_load %arg7[%swap3A_35, %swap3A_36] {strides = array<i32>} : memref<32x1024xf32, #tpu.memory_space<vmem>>, vector<16xf32>,
      tpu.vector_store %arg7[%swap3A_35, %swap3A_36], %broadcast_in_dim3A_1 {strides = array<i32>} : memref<32x1024xf32, #tpu.memory_space<vmem>>, vector<16xf32>,
      %swap3A_38 = arith.index_cast %scan3A_17 : i32 to index
      %swap3A_39 = arith.constant 112 : index
      %swap3A_40 = tpu.vector_load %arg7[%swap3A_38, %swap3A_39] {strides = array<i32>} : memref<32x1024xf32, #tpu.memory_space<vmem>>, vector<16xf32>,
      tpu.vector_store %arg7[%swap3A_38, %swap3A_39], %broadcast_in_dim3A_1 {strides = array<i32>} : memref<32x1024xf32, #tpu.memory_space<vmem>>, vector<16xf32>,
      %swap3A_41 = arith.index_cast %scan3A_17 : i32 to index
      %swap3A_42 = arith.constant 128 : index
      %swap3A_43 = tpu.vector_load %arg7[%swap3A_41, %swap3A_42] {strides = array<i32>} : memref<32x1024xf32, #tpu.memory_space<vmem>>, vector<16xf32>,
      tpu.vector_store %arg7[%swap3A_41, %swap3A_42], %broadcast_in_dim3A_1 {strides = array<i32>} : memref<32x1024xf32, #tpu.memory_space<vmem>>, vector<16xf32>,
      %swap3A_44 = arith.index_cast %scan3A_17 : i32 to index
      %swap3A_45 = arith.constant 144 : index
      %swap3A_46 = tpu.vector_load %arg7[%swap3A_44, %swap3A_45] {strides = array<i32>} : memref<32x1024xf32, #tpu.memory_space<vmem>>, vector<16xf32>,
      tpu.vector_store %arg7[%swap3A_44, %swap3A_45], %broadcast_in_dim3A_1 {strides = array<i32>} : memref<32x1024xf32, #tpu.memory_space<vmem>>, vector<16xf32>,
      %swap3A_47 = arith.index_cast %scan3A_17 : i32 to index
      %swap3A_48 = arith.constant 160 : index
      %swap3A_49 = tpu.vector_load %arg7[%swap3A_47, %swap3A_48] {strides = array<i32>} : memref<32x1024xf32, #tpu.memory_space<vmem>>, vector<16xf32>,
      tpu.vector_store %arg7[%swap3A_47, %swap3A_48], %broadcast_in_dim3A_1 {strides = array<i32>} : memref<32x1024xf32, #tpu.memory_space<vmem>>, vector<16xf32>,
      %swap3A_50 = arith.index_cast %scan3A_17 : i32 to index
      %swap3A_51 = arith.constant 176 : index
      %swap3A_52 = tpu.vector_load %arg7[%swap3A_50, %swap3A_51] {strides = array<i32>} : memref<32x1024xf32, #tpu.memory_space<vmem>>, vector<16xf32>,
      tpu.vector_store %arg7[%swap3A_50, %swap3A_51], %broadcast_in_dim3A_1 {strides = array<i32>} : memref<32x1024xf32, #tpu.memory_space<vmem>>, vector<16xf32>,
      %swap3A_53 = arith.index_cast %scan3A_17 : i32 to index
      %swap3A_54 = arith.constant 192 : index
      %swap3A_55 = tpu.vector_load %arg7[%swap3A_53, %swap3A_54] {strides = array<i32>} : memref<32x1024xf32, #tpu.memory_space<vmem>>, vector<16xf32>,
      tpu.vector_store %arg7[%swap3A_53, %swap3A_54], %broadcast_in_dim3A_1 {strides = array<i32>} : memref<32x1024xf32, #tpu.memory_space<vmem>>, vector<16xf32>,
      %swap3A_56 = arith.index_cast %scan3A_17 : i32 to index
      %swap3A_57 = arith.constant 208 : index
      %swap3A_58 = tpu.vector_load %arg7[%swap3A_56, %swap3A_57] {strides = array<i32>} : memref<32x1024xf32, #tpu.memory_space<vmem>>, vector<16xf32>,
      tpu.vector_store %arg7[%swap3A_56, %swap3A_57], %broadcast_in_dim3A_1 {strides = array<i32>} : memref<32x1024xf32, #tpu.memory_space<vmem>>, vector<16xf32>,
      %swap3A_59 = arith.index_cast %scan3A_17 : i32 to index
      %swap3A_60 = arith.constant 224 : index
      %swap3A_61 = tpu.vector_load %arg7[%swap3A_59, %swap3A_60] {strides = array<i32>} : memref<32x1024xf32, #tpu.memory_space<vmem>>, vector<16xf32>,
      tpu.vector_store %arg7[%swap3A_59, %swap3A_60], %broadcast_in_dim3A_1 {strides = array<i32>} : memref<32x1024xf32, #tpu.memory_space<vmem>>, vector<16xf32>,
      %swap3A_62 = arith.index_cast %scan3A_17 : i32 to index
      %swap3A_63 = arith.constant 240 : index
      %swap3A_64 = tpu.vector_load %arg7[%swap3A_62, %swap3A_63] {strides = array<i32>} : memref<32x1024xf32, #tpu.memory_space<vmem>>, vector<16xf32>,
      tpu.vector_store %arg7[%swap3A_62, %swap3A_63], %broadcast_in_dim3A_1 {strides = array<i32>} : memref<32x1024xf32, #tpu.memory_space<vmem>>, vector<16xf32>,
      %swap3A_65 = arith.index_cast %scan3A_17 : i32 to index
      %swap3A_66 = arith.constant 256 : index
      %swap3A_67 = tpu.vector_load %arg7[%swap3A_65, %swap3A_66] {strides = array<i32>} : memref<32x1024xf32, #tpu.memory_space<vmem>>, vector<16xf32>,
      tpu.vector_store %arg7[%swap3A_65, %swap3A_66], %broadcast_in_dim3A_1 {strides = array<i32>} : memref<32x1024xf32, #tpu.memory_space<vmem>>, vector<16xf32>,
      %swap3A_68 = arith.index_cast %scan3A_17 : i32 to index
      %swap3A_69 = arith.constant 272 : index
      %swap3A_70 = tpu.vector_load %arg7[%swap3A_68, %swap3A_69] {strides = array<i32>} : memref<32x1024xf32, #tpu.memory_space<vmem>>, vector<16xf32>,
      tpu.vector_store %arg7[%swap3A_68, %swap3A_69], %broadcast_in_dim3A_1 {strides = array<i32>} : memref<32x1024xf32, #tpu.memory_space<vmem>>, vector<16xf32>,
      %swap3A_71 = arith.index_cast %scan3A_17 : i32 to index
      %swap3A_72 = arith.constant 288 : index
      %swap3A_73 = tpu.vector_load %arg7[%swap3A_71, %swap3A_72] {strides = array<i32>} : memref<32x1024xf32, #tpu.memory_space<vmem>>, vector<16xf32>,
      tpu.vector_store %arg7[%swap3A_71, %swap3A_72], %broadcast_in_dim3A_1 {strides = array<i32>} : memref<32x1024xf32, #tpu.memory_space<vmem>>, vector<16xf32>,
      %swap3A_74 = arith.index_cast %scan3A_17 : i32 to index
      %swap3A_75 = arith.constant 304 : index
      %swap3A_76 = tpu.vector_load %arg7[%swap3A_74, %swap3A_75] {strides = array<i32>} : memref<32x1024xf32, #tpu.memory_space<vmem>>, vector<16xf32>,
      tpu.vector_store %arg7[%swap3A_74, %swap3A_75], %broadcast_in_dim3A_1 {strides = array<i32>} : memref<32x1024xf32, #tpu.memory_space<vmem>>, vector<16xf32>,
      %swap3A_77 = arith.index_cast %scan3A_17 : i32 to index
      %swap3A_78 = arith.constant 320 : index
      %swap3A_79 = tpu.vector_load %arg7[%swap3A_77, %swap3A_78] {strides = array<i32>} : memref<32x1024xf32, #tpu.memory_space<vmem>>, vector<16xf32>,
      tpu.vector_store %arg7[%swap3A_77, %swap3A_78], %broadcast_in_dim3A_1 {strides = array<i32>} : memref<32x1024xf32, #tpu.memory_space<vmem>>, vector<16xf32>,
      %swap3A_80 = arith.index_cast %scan3A_17 : i32 to index
      %swap3A_81 = arith.constant 336 : index
      %swap3A_82 = tpu.vector_load %arg7[%swap3A_80, %swap3A_81] {strides = array<i32>} : memref<32x1024xf32, #tpu.memory_space<vmem>>, vector<16xf32>,
      tpu.vector_store %arg7[%swap3A_80, %swap3A_81], %broadcast_in_dim3A_1 {strides = array<i32>} : memref<32x1024xf32, #tpu.memory_space<vmem>>, vector<16xf32>,
      %swap3A_83 = arith.index_cast %scan3A_17 : i32 to index
      %swap3A_84 = arith.constant 352 : index
      %swap3A_85 = tpu.vector_load %arg7[%swap3A_83, %swap3A_84] {strides = array<i32>} : memref<32x1024xf32, #tpu.memory_space<vmem>>, vector<16xf32>,
      tpu.vector_store %arg7[%swap3A_83, %swap3A_84], %broadcast_in_dim3A_1 {strides = array<i32>} : memref<32x1024xf32, #tpu.memory_space<vmem>>, vector<16xf32>,
      %swap3A_86 = arith.index_cast %scan3A_17 : i32 to index
      %swap3A_87 = arith.constant 368 : index
      %swap3A_88 = tpu.vector_load %arg7[%swap3A_86, %swap3A_87] {strides = array<i32>} : memref<32x1024xf32, #tpu.memory_space<vmem>>, vector<16xf32>,
      tpu.vector_store %arg7[%swap3A_86, %swap3A_87], %broadcast_in_dim3A_1 {strides = array<i32>} : memref<32x1024xf32, #tpu.memory_space<vmem>>, vector<16xf32>,
      %swap3A_89 = arith.index_cast %scan3A_17 : i32 to index
      %swap3A_90 = arith.constant 384 : index
      %swap3A_91 = tpu.vector_load %arg7[%swap3A_89, %swap3A_90] {strides = array<i32>} : memref<32x1024xf32, #tpu.memory_space<vmem>>, vector<16xf32>,
      tpu.vector_store %arg7[%swap3A_89, %swap3A_90], %broadcast_in_dim3A_1 {strides = array<i32>} : memref<32x1024xf32, #tpu.memory_space<vmem>>, vector<16xf32>,
      %swap3A_92 = arith.index_cast %scan3A_17 : i32 to index
      %swap3A_93 = arith.constant 400 : index
      %swap3A_94 = tpu.vector_load %arg7[%swap3A_92, %swap3A_93] {strides = array<i32>} : memref<32x1024xf32, #tpu.memory_space<vmem>>, vector<16xf32>,
      tpu.vector_store %arg7[%swap3A_92, %swap3A_93], %broadcast_in_dim3A_1 {strides = array<i32>} : memref<32x1024xf32, #tpu.memory_space<vmem>>, vector<16xf32>,
      %swap3A_95 = arith.index_cast %scan3A_17 : i32 to index
      %swap3A_96 = arith.constant 416 : index
      %swap3A_97 = tpu.vector_load %arg7[%swap3A_95, %swap3A_96] {strides = array<i32>} : memref<32x1024xf32, #tpu.memory_space<vmem>>, vector<16xf32>,
      tpu.vector_store %arg7[%swap3A_95, %swap3A_96], %broadcast_in_dim3A_1 {strides = array<i32>} : memref<32x1024xf32, #tpu.memory_space<vmem>>, vector<16xf32>,
      %swap3A_98 = arith.index_cast %scan3A_17 : i32 to index
      %swap3A_99 = arith.constant 432 : index
      %swap3A_100 = tpu.vector_load %arg7[%swap3A_98, %swap3A_99] {strides = array<i32>} : memref<32x1024xf32, #tpu.memory_space<vmem>>, vector<16xf32>,
      tpu.vector_store %arg7[%swap3A_98, %swap3A_99], %broadcast_in_dim3A_1 {strides = array<i32>} : memref<32x1024xf32, #tpu.memory_space<vmem>>, vector<16xf32>,
      %swap3A_101 = arith.index_cast %scan3A_17 : i32 to index
      %swap3A_102 = arith.constant 448 : index
      %swap3A_103 = tpu.vector_load %arg7[%swap3A_101, %swap3A_102] {strides = array<i32>} : memref<32x1024xf32, #tpu.memory_space<vmem>>, vector<16xf32>,
      tpu.vector_store %arg7[%swap3A_101, %swap3A_102], %broadcast_in_dim3A_1 {strides = array<i32>} : memref<32x1024xf32, #tpu.memory_space<vmem>>, vector<16xf32>,
      %swap3A_104 = arith.index_cast %scan3A_17 : i32 to index
      %swap3A_105 = arith.constant 464 : index
      %swap3A_106 = tpu.vector_load %arg7[%swap3A_104, %swap3A_105] {strides = array<i32>} : memref<32x1024xf32, #tpu.memory_space<vmem>>, vector<16xf32>,
      tpu.vector_store %arg7[%swap3A_104, %swap3A_105], %broadcast_in_dim3A_1 {strides = array<i32>} : memref<32x1024xf32, #tpu.memory_space<vmem>>, vector<16xf32>,
      %swap3A_107 = arith.index_cast %scan3A_17 : i32 to index
      %swap3A_108 = arith.constant 480 : index
      %swap3A_109 = tpu.vector_load %arg7[%swap3A_107, %swap3A_108] {strides = array<i32>} : memref<32x1024xf32, #tpu.memory_space<vmem>>, vector<16xf32>,
      tpu.vector_store %arg7[%swap3A_107, %swap3A_108], %broadcast_in_dim3A_1 {strides = array<i32>} : memref<32x1024xf32, #tpu.memory_space<vmem>>, vector<16xf32>,
      %swap3A_110 = arith.index_cast %scan3A_17 : i32 to index
      %swap3A_111 = arith.constant 496 : index
      %swap3A_112 = tpu.vector_load %arg7[%swap3A_110, %swap3A_111] {strides = array<i32>} : memref<32x1024xf32, #tpu.memory_space<vmem>>, vector<16xf32>,
      tpu.vector_store %arg7[%swap3A_110, %swap3A_111], %broadcast_in_dim3A_1 {strides = array<i32>} : memref<32x1024xf32, #tpu.memory_space<vmem>>, vector<16xf32>,
      %swap3A_113 = arith.index_cast %scan3A_17 : i32 to index
      %swap3A_114 = arith.constant 512 : index
      %swap3A_115 = tpu.vector_load %arg7[%swap3A_113, %swap3A_114] {strides = array<i32>} : memref<32x1024xf32, #tpu.memory_space<vmem>>, vector<16xf32>,
      tpu.vector_store %arg7[%swap3A_113, %swap3A_114], %broadcast_in_dim3A_1 {strides = array<i32>} : memref<32x1024xf32, #tpu.memory_space<vmem>>, vector<16xf32>,
      %swap3A_116 = arith.index_cast %scan3A_17 : i32 to index
      %swap3A_117 = arith.constant 528 : index
      %swap3A_118 = tpu.vector_load %arg7[%swap3A_116, %swap3A_117] {strides = array<i32>} : memref<32x1024xf32, #tpu.memory_space<vmem>>, vector<16xf32>,
      tpu.vector_store %arg7[%swap3A_116, %swap3A_117], %broadcast_in_dim3A_1 {strides = array<i32>} : memref<32x1024xf32, #tpu.memory_space<vmem>>, vector<16xf32>,
      %swap3A_119 = arith.index_cast %scan3A_17 : i32 to index
      %swap3A_120 = arith.constant 544 : index
      %swap3A_121 = tpu.vector_load %arg7[%swap3A_119, %swap3A_120] {strides = array<i32>} : memref<32x1024xf32, #tpu.memory_space<vmem>>, vector<16xf32>,
      tpu.vector_store %arg7[%swap3A_119, %swap3A_120], %broadcast_in_dim3A_1 {strides = array<i32>} : memref<32x1024xf32, #tpu.memory_space<vmem>>, vector<16xf32>,
      %swap3A_122 = arith.index_cast %scan3A_17 : i32 to index
      %swap3A_123 = arith.constant 560 : index
      %swap3A_124 = tpu.vector_load %arg7[%swap3A_122, %swap3A_123] {strides = array<i32>} : memref<32x1024xf32, #tpu.memory_space<vmem>>, vector<16xf32>,
      tpu.vector_store %arg7[%swap3A_122, %swap3A_123], %broadcast_in_dim3A_1 {strides = array<i32>} : memref<32x1024xf32, #tpu.memory_space<vmem>>, vector<16xf32>,
      %swap3A_125 = arith.index_cast %scan3A_17 : i32 to index
      %swap3A_126 = arith.constant 576 : index
      %swap3A_127 = tpu.vector_load %arg7[%swap3A_125, %swap3A_126] {strides = array<i32>} : memref<32x1024xf32, #tpu.memory_space<vmem>>, vector<16xf32>,
      tpu.vector_store %arg7[%swap3A_125, %swap3A_126], %broadcast_in_dim3A_1 {strides = array<i32>} : memref<32x1024xf32, #tpu.memory_space<vmem>>, vector<16xf32>,
      %swap3A_128 = arith.index_cast %scan3A_17 : i32 to index
      %swap3A_129 = arith.constant 592 : index
      %swap3A_130 = tpu.vector_load %arg7[%swap3A_128, %swap3A_129] {strides = array<i32>} : memref<32x1024xf32, #tpu.memory_space<vmem>>, vector<16xf32>,
      tpu.vector_store %arg7[%swap3A_128, %swap3A_129], %broadcast_in_dim3A_1 {strides = array<i32>} : memref<32x1024xf32, #tpu.memory_space<vmem>>, vector<16xf32>,
      %swap3A_131 = arith.index_cast %scan3A_17 : i32 to index
      %swap3A_132 = arith.constant 608 : index
      %swap3A_133 = tpu.vector_load %arg7[%swap3A_131, %swap3A_132] {strides = array<i32>} : memref<32x1024xf32, #tpu.memory_space<vmem>>, vector<16xf32>,
      tpu.vector_store %arg7[%swap3A_131, %swap3A_132], %broadcast_in_dim3A_1 {strides = array<i32>} : memref<32x1024xf32, #tpu.memory_space<vmem>>, vector<16xf32>,
      %swap3A_134 = arith.index_cast %scan3A_17 : i32 to index
      %swap3A_135 = arith.constant 624 : index
      %swap3A_136 = tpu.vector_load %arg7[%swap3A_134, %swap3A_135] {strides = array<i32>} : memref<32x1024xf32, #tpu.memory_space<vmem>>, vector<16xf32>,
      tpu.vector_store %arg7[%swap3A_134, %swap3A_135], %broadcast_in_dim3A_1 {strides = array<i32>} : memref<32x1024xf32, #tpu.memory_space<vmem>>, vector<16xf32>,
      %swap3A_137 = arith.index_cast %scan3A_17 : i32 to index
      %swap3A_138 = arith.constant 640 : index
      %swap3A_139 = tpu.vector_load %arg7[%swap3A_137, %swap3A_138] {strides = array<i32>} : memref<32x1024xf32, #tpu.memory_space<vmem>>, vector<16xf32>,
      tpu.vector_store %arg7[%swap3A_137, %swap3A_138], %broadcast_in_dim3A_1 {strides = array<i32>} : memref<32x1024xf32, #tpu.memory_space<vmem>>, vector<16xf32>,
      %swap3A_140 = arith.index_cast %scan3A_17 : i32 to index
      %swap3A_141 = arith.constant 656 : index
      %swap3A_142 = tpu.vector_load %arg7[%swap3A_140, %swap3A_141] {strides = array<i32>} : memref<32x1024xf32, #tpu.memory_space<vmem>>, vector<16xf32>,
      tpu.vector_store %arg7[%swap3A_140, %swap3A_141], %broadcast_in_dim3A_1 {strides = array<i32>} : memref<32x1024xf32, #tpu.memory_space<vmem>>, vector<16xf32>,
      %swap3A_143 = arith.index_cast %scan3A_17 : i32 to index
      %swap3A_144 = arith.constant 672 : index
      %swap3A_145 = tpu.vector_load %arg7[%swap3A_143, %swap3A_144] {strides = array<i32>} : memref<32x1024xf32, #tpu.memory_space<vmem>>, vector<16xf32>,
      tpu.vector_store %arg7[%swap3A_143, %swap3A_144], %broadcast_in_dim3A_1 {strides = array<i32>} : memref<32x1024xf32, #tpu.memory_space<vmem>>, vector<16xf32>,
      %swap3A_146 = arith.index_cast %scan3A_17 : i32 to index
      %swap3A_147 = arith.constant 688 : index
      %swap3A_148 = tpu.vector_load %arg7[%swap3A_146, %swap3A_147] {strides = array<i32>} : memref<32x1024xf32, #tpu.memory_space<vmem>>, vector<16xf32>,
      tpu.vector_store %arg7[%swap3A_146, %swap3A_147], %broadcast_in_dim3A_1 {strides = array<i32>} : memref<32x1024xf32, #tpu.memory_space<vmem>>, vector<16xf32>,
      %swap3A_149 = arith.index_cast %scan3A_17 : i32 to index
      %swap3A_150 = arith.constant 704 : index
      %swap3A_151 = tpu.vector_load %arg7[%swap3A_149, %swap3A_150] {strides = array<i32>} : memref<32x1024xf32, #tpu.memory_space<vmem>>, vector<16xf32>,
      tpu.vector_store %arg7[%swap3A_149, %swap3A_150], %broadcast_in_dim3A_1 {strides = array<i32>} : memref<32x1024xf32, #tpu.memory_space<vmem>>, vector<16xf32>,
      %swap3A_152 = arith.index_cast %scan3A_17 : i32 to index
      %swap3A_153 = arith.constant 720 : index
      %swap3A_154 = tpu.vector_load %arg7[%swap3A_152, %swap3A_153] {strides = array<i32>} : memref<32x1024xf32, #tpu.memory_space<vmem>>, vector<16xf32>,
      tpu.vector_store %arg7[%swap3A_152, %swap3A_153], %broadcast_in_dim3A_1 {strides = array<i32>} : memref<32x1024xf32, #tpu.memory_space<vmem>>, vector<16xf32>,
      %swap3A_155 = arith.index_cast %scan3A_17 : i32 to index
      %swap3A_156 = arith.constant 736 : index
      %swap3A_157 = tpu.vector_load %arg7[%swap3A_155, %swap3A_156] {strides = array<i32>} : memref<32x1024xf32, #tpu.memory_space<vmem>>, vector<16xf32>,
      tpu.vector_store %arg7[%swap3A_155, %swap3A_156], %broadcast_in_dim3A_1 {strides = array<i32>} : memref<32x1024xf32, #tpu.memory_space<vmem>>, vector<16xf32>,
      %swap3A_158 = arith.index_cast %scan3A_17 : i32 to index
      %swap3A_159 = arith.constant 752 : index
      %swap3A_160 = tpu.vector_load %arg7[%swap3A_158, %swap3A_159] {strides = array<i32>} : memref<32x1024xf32, #tpu.memory_space<vmem>>, vector<16xf32>,
      tpu.vector_store %arg7[%swap3A_158, %swap3A_159], %broadcast_in_dim3A_1 {strides = array<i32>} : memref<32x1024xf32, #tpu.memory_space<vmem>>, vector<16xf32>,
      %swap3A_161 = arith.index_cast %scan3A_17 : i32 to index
      %swap3A_162 = arith.constant 768 : index
      %swap3A_163 = tpu.vector_load %arg7[%swap3A_161, %swap3A_162] {strides = array<i32>} : memref<32x1024xf32, #tpu.memory_space<vmem>>, vector<16xf32>,
      tpu.vector_store %arg7[%swap3A_161, %swap3A_162], %broadcast_in_dim3A_1 {strides = array<i32>} : memref<32x1024xf32, #tpu.memory_space<vmem>>, vector<16xf32>,
      %swap3A_164 = arith.index_cast %scan3A_17 : i32 to index
      %swap3A_165 = arith.constant 784 : index
      %swap3A_166 = tpu.vector_load %arg7[%swap3A_164, %swap3A_165] {strides = array<i32>} : memref<32x1024xf32, #tpu.memory_space<vmem>>, vector<16xf32>,
      tpu.vector_store %arg7[%swap3A_164, %swap3A_165], %broadcast_in_dim3A_1 {strides = array<i32>} : memref<32x1024xf32, #tpu.memory_space<vmem>>, vector<16xf32>,
      %swap3A_167 = arith.index_cast %scan3A_17 : i32 to index
      %swap3A_168 = arith.constant 800 : index
      %swap3A_169 = tpu.vector_load %arg7[%swap3A_167, %swap3A_168] {strides = array<i32>} : memref<32x1024xf32, #tpu.memory_space<vmem>>, vector<16xf32>,
      tpu.vector_store %arg7[%swap3A_167, %swap3A_168], %broadcast_in_dim3A_1 {strides = array<i32>} : memref<32x1024xf32, #tpu.memory_space<vmem>>, vector<16xf32>,
      %swap3A_170 = arith.index_cast %scan3A_17 : i32 to index
      %swap3A_171 = arith.constant 816 : index
      %swap3A_172 = tpu.vector_load %arg7[%swap3A_170, %swap3A_171] {strides = array<i32>} : memref<32x1024xf32, #tpu.memory_space<vmem>>, vector<16xf32>,
      tpu.vector_store %arg7[%swap3A_170, %swap3A_171], %broadcast_in_dim3A_1 {strides = array<i32>} : memref<32x1024xf32, #tpu.memory_space<vmem>>, vector<16xf32>,
      %swap3A_173 = arith.index_cast %scan3A_17 : i32 to index
      %swap3A_174 = arith.constant 832 : index
      %swap3A_175 = tpu.vector_load %arg7[%swap3A_173, %swap3A_174] {strides = array<i32>} : memref<32x1024xf32, #tpu.memory_space<vmem>>, vector<16xf32>,
      tpu.vector_store %arg7[%swap3A_173, %swap3A_174], %broadcast_in_dim3A_1 {strides = array<i32>} : memref<32x1024xf32, #tpu.memory_space<vmem>>, vector<16xf32>,
      %swap3A_176 = arith.index_cast %scan3A_17 : i32 to index
      %swap3A_177 = arith.constant 848 : index
      %swap3A_178 = tpu.vector_load %arg7[%swap3A_176, %swap3A_177] {strides = array<i32>} : memref<32x1024xf32, #tpu.memory_space<vmem>>, vector<16xf32>,
      tpu.vector_store %arg7[%swap3A_176, %swap3A_177], %broadcast_in_dim3A_1 {strides = array<i32>} : memref<32x1024xf32, #tpu.memory_space<vmem>>, vector<16xf32>,
      %swap3A_179 = arith.index_cast %scan3A_17 : i32 to index
      %swap3A_180 = arith.constant 864 : index
      %swap3A_181 = tpu.vector_load %arg7[%swap3A_179, %swap3A_180] {strides = array<i32>} : memref<32x1024xf32, #tpu.memory_space<vmem>>, vector<16xf32>,
      tpu.vector_store %arg7[%swap3A_179, %swap3A_180], %broadcast_in_dim3A_1 {strides = array<i32>} : memref<32x1024xf32, #tpu.memory_space<vmem>>, vector<16xf32>,
      %swap3A_182 = arith.index_cast %scan3A_17 : i32 to index
      %swap3A_183 = arith.constant 880 : index
      %swap3A_184 = tpu.vector_load %arg7[%swap3A_182, %swap3A_183] {strides = array<i32>} : memref<32x1024xf32, #tpu.memory_space<vmem>>, vector<16xf32>,
      tpu.vector_store %arg7[%swap3A_182, %swap3A_183], %broadcast_in_dim3A_1 {strides = array<i32>} : memref<32x1024xf32, #tpu.memory_space<vmem>>, vector<16xf32>,
      %swap3A_185 = arith.index_cast %scan3A_17 : i32 to index
      %swap3A_186 = arith.constant 896 : index
      %swap3A_187 = tpu.vector_load %arg7[%swap3A_185, %swap3A_186] {strides = array<i32>} : memref<32x1024xf32, #tpu.memory_space<vmem>>, vector<16xf32>,
      tpu.vector_store %arg7[%swap3A_185, %swap3A_186], %broadcast_in_dim3A_1 {strides = array<i32>} : memref<32x1024xf32, #tpu.memory_space<vmem>>, vector<16xf32>,
      %swap3A_188 = arith.index_cast %scan3A_17 : i32 to index
      %swap3A_189 = arith.constant 912 : index
      %swap3A_190 = tpu.vector_load %arg7[%swap3A_188, %swap3A_189] {strides = array<i32>} : memref<32x1024xf32, #tpu.memory_space<vmem>>, vector<16xf32>,
      tpu.vector_store %arg7[%swap3A_188, %swap3A_189], %broadcast_in_dim3A_1 {strides = array<i32>} : memref<32x1024xf32, #tpu.memory_space<vmem>>, vector<16xf32>,
      %swap3A_191 = arith.index_cast %scan3A_17 : i32 to index
      %swap3A_192 = arith.constant 928 : index
      %swap3A_193 = tpu.vector_load %arg7[%swap3A_191, %swap3A_192] {strides = array<i32>} : memref<32x1024xf32, #tpu.memory_space<vmem>>, vector<16xf32>,
      tpu.vector_store %arg7[%swap3A_191, %swap3A_192], %broadcast_in_dim3A_1 {strides = array<i32>} : memref<32x1024xf32, #tpu.memory_space<vmem>>, vector<16xf32>,
      %swap3A_194 = arith.index_cast %scan3A_17 : i32 to index
      %swap3A_195 = arith.constant 944 : index
      %swap3A_196 = tpu.vector_load %arg7[%swap3A_194, %swap3A_195] {strides = array<i32>} : memref<32x1024xf32, #tpu.memory_space<vmem>>, vector<16xf32>,
      tpu.vector_store %arg7[%swap3A_194, %swap3A_195], %broadcast_in_dim3A_1 {strides = array<i32>} : memref<32x1024xf32, #tpu.memory_space<vmem>>, vector<16xf32>,
      %swap3A_197 = arith.index_cast %scan3A_17 : i32 to index
      %swap3A_198 = arith.constant 960 : index
      %swap3A_199 = tpu.vector_load %arg7[%swap3A_197, %swap3A_198] {strides = array<i32>} : memref<32x1024xf32, #tpu.memory_space<vmem>>, vector<16xf32>,
      tpu.vector_store %arg7[%swap3A_197, %swap3A_198], %broadcast_in_dim3A_1 {strides = array<i32>} : memref<32x1024xf32, #tpu.memory_space<vmem>>, vector<16xf32>,
      %swap3A_200 = arith.index_cast %scan3A_17 : i32 to index
      %swap3A_201 = arith.constant 976 : index
      %swap3A_202 = tpu.vector_load %arg7[%swap3A_200, %swap3A_201] {strides = array<i32>} : memref<32x1024xf32, #tpu.memory_space<vmem>>, vector<16xf32>,
      tpu.vector_store %arg7[%swap3A_200, %swap3A_201], %broadcast_in_dim3A_1 {strides = array<i32>} : memref<32x1024xf32, #tpu.memory_space<vmem>>, vector<16xf32>,
      %swap3A_203 = arith.index_cast %scan3A_17 : i32 to index
      %swap3A_204 = arith.constant 992 : index
      %swap3A_205 = tpu.vector_load %arg7[%swap3A_203, %swap3A_204] {strides = array<i32>} : memref<32x1024xf32, #tpu.memory_space<vmem>>, vector<16xf32>,
      tpu.vector_store %arg7[%swap3A_203, %swap3A_204], %broadcast_in_dim3A_1 {strides = array<i32>} : memref<32x1024xf32, #tpu.memory_space<vmem>>, vector<16xf32>,
      %swap3A_206 = arith.index_cast %scan3A_17 : i32 to index
      %swap3A_207 = arith.constant 1008 : index
      %swap3A_208 = tpu.vector_load %arg7[%swap3A_206, %swap3A_207] {strides = array<i32>} : memref<32x1024xf32, #tpu.memory_space<vmem>>, vector<16xf32>,
      tpu.vector_store %arg7[%swap3A_206, %swap3A_207], %broadcast_in_dim3A_1 {strides = array<i32>} : memref<32x1024xf32, #tpu.memory_space<vmem>>, vector<16xf32>,
    }
    %scan3A_6 = arith.constant 32 : i32
    tpu.wait_dma2 semaphore(%arg8 : memref<!tpu.dma_semaphore, #tpu.memory_space<semaphore_mem>>) src(%arg2 : memref<16384xi32, #tpu.memory_space<hbm>>) dst(%arg5 : memref<16384xi32, #tpu.memory_space<vmem>>)
    tpu.wait_dma2 semaphore(%arg8 : memref<!tpu.dma_semaphore, #tpu.memory_space<semaphore_mem>>) src(%arg3 : memref<16384xf32, #tpu.memory_space<hbm>>) dst(%arg6 : memref<16384xf32, #tpu.memory_space<vmem>>)
    %mul3A_7 = arith.constant 32 : i32
    %mul3A_8 = arith.muli %add3A, %mul3A_7 : i32
    %scan3A_9 = arith.constant 0 : i32
    %scan3A_10 = arith.constant 0 : i32
    %scan3A_11 = arith.constant 64 : i32
    %scan3A_12 = arith.addi %scan3A_10, %scan3A_11 : i32
    %scan3A_13 = arith.constant 1 : i32
    scf.for %scan3A_17 = %scan3A_10 to %scan3A_12 step %scan3A_13  : i32 {
      %mul3A_18 = arith.constant 256 : i32
      %mul3A_19 = arith.muli %scan3A_17, %mul3A_18 : i32
      %add3A_20 = arith.constant 0 : i32
      %add3A_21 = arith.addi %mul3A_19, %add3A_20 : i32
      %get3A = arith.index_cast %add3A_21 : i32 to index
      %get3A_22 = tpu.vector_load %arg5[%get3A] {strides = array<i32>} : memref<16384xi32, #tpu.memory_space<vmem>>, vector<16xi32>,
      %get3A_23 = arith.index_cast %add3A_21 : i32 to index
      %get3A_24 = tpu.vector_load %arg6[%get3A_23] {strides = array<i32>} : memref<16384xf32, #tpu.memory_space<vmem>>, vector<16xf32>,
      %shift_right_arithmetic3A = arith.constant 10 : i32
      %shift_right_arithmetic3A_25 = vector.broadcast %shift_right_arithmetic3A : i32 to vector<16xi32>
      %shift_right_arithmetic3A_26 = arith.shrsi %get3A_22, %shift_right_arithmetic3A_25 : vector<16xi32>
      %sub3A = vector.broadcast %mul3A_8 : i32 to vector<16xi32>
      %sub3A_27 = arith.subi %shift_right_arithmetic3A_26, %sub3A : vector<16xi32>
      %ge3A = arith.constant 0 : i32
      %ge3A_28 = vector.broadcast %ge3A : i32 to vector<16xi32>
      %ge3A_29 = arith.cmpi sge, %sub3A_27, %ge3A_28 : vector<16xi32>
      %lt3A = arith.constant 32 : i32
      %lt3A_30 = vector.broadcast %lt3A : i32 to vector<16xi32>
      %lt3A_31 = arith.cmpi slt, %sub3A_27, %lt3A_30 : vector<16xi32>
      %and3A = arith.andi %ge3A_29, %lt3A_31 : vector<16xi1>
      %and3A_32 = arith.constant 1023 : i32
      %and3A_33 = vector.broadcast %and3A_32 : i32 to vector<16xi32>
      %and3A_34 = arith.andi %get3A_22, %and3A_33 : vector<16xi32>
      tpu.vector_store_idx %arg7[%sub3A_27, %and3A_34], %get3A_24 masked %and3A : memref<32x1024xf32, #tpu.memory_space<vmem>>[vector<16xi32>, vector<16xi32>], vector<16xf32>, vector<16xi1>
      %mul3A_35 = arith.constant 256 : i32
      %mul3A_36 = arith.muli %scan3A_17, %mul3A_35 : i32
      %add3A_37 = arith.constant 16 : i32
      %add3A_38 = arith.addi %mul3A_36, %add3A_37 : i32
      %get3A_39 = arith.index_cast %add3A_38 : i32 to index
      %get3A_40 = tpu.vector_load %arg5[%get3A_39] {strides = array<i32>} : memref<16384xi32, #tpu.memory_space<vmem>>, vector<16xi32>,
      %get3A_41 = arith.index_cast %add3A_38 : i32 to index
      %get3A_42 = tpu.vector_load %arg6[%get3A_41] {strides = array<i32>} : memref<16384xf32, #tpu.memory_space<vmem>>, vector<16xf32>,
      %shift_right_arithmetic3A_43 = arith.constant 10 : i32
      %shift_right_arithmetic3A_44 = vector.broadcast %shift_right_arithmetic3A_43 : i32 to vector<16xi32>
      %shift_right_arithmetic3A_45 = arith.shrsi %get3A_40, %shift_right_arithmetic3A_44 : vector<16xi32>
      %sub3A_46 = vector.broadcast %mul3A_8 : i32 to vector<16xi32>
      %sub3A_47 = arith.subi %shift_right_arithmetic3A_45, %sub3A_46 : vector<16xi32>
      %ge3A_48 = arith.constant 0 : i32
      %ge3A_49 = vector.broadcast %ge3A_48 : i32 to vector<16xi32>
      %ge3A_50 = arith.cmpi sge, %sub3A_47, %ge3A_49 : vector<16xi32>
      %lt3A_51 = arith.constant 32 : i32
      %lt3A_52 = vector.broadcast %lt3A_51 : i32 to vector<16xi32>
      %lt3A_53 = arith.cmpi slt, %sub3A_47, %lt3A_52 : vector<16xi32>
      %and3A_54 = arith.andi %ge3A_50, %lt3A_53 : vector<16xi1>
      %and3A_55 = arith.constant 1023 : i32
      %and3A_56 = vector.broadcast %and3A_55 : i32 to vector<16xi32>
      %and3A_57 = arith.andi %get3A_40, %and3A_56 : vector<16xi32>
      tpu.vector_store_idx %arg7[%sub3A_47, %and3A_57], %get3A_42 masked %and3A_54 : memref<32x1024xf32, #tpu.memory_space<vmem>>[vector<16xi32>, vector<16xi32>], vector<16xf32>, vector<16xi1>
      %mul3A_58 = arith.constant 256 : i32
      %mul3A_59 = arith.muli %scan3A_17, %mul3A_58 : i32
      %add3A_60 = arith.constant 32 : i32
      %add3A_61 = arith.addi %mul3A_59, %add3A_60 : i32
      %get3A_62 = arith.index_cast %add3A_61 : i32 to index
      %get3A_63 = tpu.vector_load %arg5[%get3A_62] {strides = array<i32>} : memref<16384xi32, #tpu.memory_space<vmem>>, vector<16xi32>,
      %get3A_64 = arith.index_cast %add3A_61 : i32 to index
      %get3A_65 = tpu.vector_load %arg6[%get3A_64] {strides = array<i32>} : memref<16384xf32, #tpu.memory_space<vmem>>, vector<16xf32>,
      %shift_right_arithmetic3A_66 = arith.constant 10 : i32
      %shift_right_arithmetic3A_67 = vector.broadcast %shift_right_arithmetic3A_66 : i32 to vector<16xi32>
      %shift_right_arithmetic3A_68 = arith.shrsi %get3A_63, %shift_right_arithmetic3A_67 : vector<16xi32>
      %sub3A_69 = vector.broadcast %mul3A_8 : i32 to vector<16xi32>
      %sub3A_70 = arith.subi %shift_right_arithmetic3A_68, %sub3A_69 : vector<16xi32>
      %ge3A_71 = arith.constant 0 : i32
      %ge3A_72 = vector.broadcast %ge3A_71 : i32 to vector<16xi32>
      %ge3A_73 = arith.cmpi sge, %sub3A_70, %ge3A_72 : vector<16xi32>
      %lt3A_74 = arith.constant 32 : i32
      %lt3A_75 = vector.broadcast %lt3A_74 : i32 to vector<16xi32>
      %lt3A_76 = arith.cmpi slt, %sub3A_70, %lt3A_75 : vector<16xi32>
      %and3A_77 = arith.andi %ge3A_73, %lt3A_76 : vector<16xi1>
      %and3A_78 = arith.constant 1023 : i32
      %and3A_79 = vector.broadcast %and3A_78 : i32 to vector<16xi32>
      %and3A_80 = arith.andi %get3A_63, %and3A_79 : vector<16xi32>
      tpu.vector_store_idx %arg7[%sub3A_70, %and3A_80], %get3A_65 masked %and3A_77 : memref<32x1024xf32, #tpu.memory_space<vmem>>[vector<16xi32>, vector<16xi32>], vector<16xf32>, vector<16xi1>
      %mul3A_81 = arith.constant 256 : i32
      %mul3A_82 = arith.muli %scan3A_17, %mul3A_81 : i32
      %add3A_83 = arith.constant 48 : i32
      %add3A_84 = arith.addi %mul3A_82, %add3A_83 : i32
      %get3A_85 = arith.index_cast %add3A_84 : i32 to index
      %get3A_86 = tpu.vector_load %arg5[%get3A_85] {strides = array<i32>} : memref<16384xi32, #tpu.memory_space<vmem>>, vector<16xi32>,
      %get3A_87 = arith.index_cast %add3A_84 : i32 to index
      %get3A_88 = tpu.vector_load %arg6[%get3A_87] {strides = array<i32>} : memref<16384xf32, #tpu.memory_space<vmem>>, vector<16xf32>,
      %shift_right_arithmetic3A_89 = arith.constant 10 : i32
      %shift_right_arithmetic3A_90 = vector.broadcast %shift_right_arithmetic3A_89 : i32 to vector<16xi32>
      %shift_right_arithmetic3A_91 = arith.shrsi %get3A_86, %shift_right_arithmetic3A_90 : vector<16xi32>
      %sub3A_92 = vector.broadcast %mul3A_8 : i32 to vector<16xi32>
      %sub3A_93 = arith.subi %shift_right_arithmetic3A_91, %sub3A_92 : vector<16xi32>
      %ge3A_94 = arith.constant 0 : i32
      %ge3A_95 = vector.broadcast %ge3A_94 : i32 to vector<16xi32>
      %ge3A_96 = arith.cmpi sge, %sub3A_93, %ge3A_95 : vector<16xi32>
      %lt3A_97 = arith.constant 32 : i32
      %lt3A_98 = vector.broadcast %lt3A_97 : i32 to vector<16xi32>
      %lt3A_99 = arith.cmpi slt, %sub3A_93, %lt3A_98 : vector<16xi32>
      %and3A_100 = arith.andi %ge3A_96, %lt3A_99 : vector<16xi1>
      %and3A_101 = arith.constant 1023 : i32
      %and3A_102 = vector.broadcast %and3A_101 : i32 to vector<16xi32>
      %and3A_103 = arith.andi %get3A_86, %and3A_102 : vector<16xi32>
      tpu.vector_store_idx %arg7[%sub3A_93, %and3A_103], %get3A_88 masked %and3A_100 : memref<32x1024xf32, #tpu.memory_space<vmem>>[vector<16xi32>, vector<16xi32>], vector<16xf32>, vector<16xi1>
      %mul3A_104 = arith.constant 256 : i32
      %mul3A_105 = arith.muli %scan3A_17, %mul3A_104 : i32
      %add3A_106 = arith.constant 64 : i32
      %add3A_107 = arith.addi %mul3A_105, %add3A_106 : i32
      %get3A_108 = arith.index_cast %add3A_107 : i32 to index
      %get3A_109 = tpu.vector_load %arg5[%get3A_108] {strides = array<i32>} : memref<16384xi32, #tpu.memory_space<vmem>>, vector<16xi32>,
      %get3A_110 = arith.index_cast %add3A_107 : i32 to index
      %get3A_111 = tpu.vector_load %arg6[%get3A_110] {strides = array<i32>} : memref<16384xf32, #tpu.memory_space<vmem>>, vector<16xf32>,
      %shift_right_arithmetic3A_112 = arith.constant 10 : i32
      %shift_right_arithmetic3A_113 = vector.broadcast %shift_right_arithmetic3A_112 : i32 to vector<16xi32>
      %shift_right_arithmetic3A_114 = arith.shrsi %get3A_109, %shift_right_arithmetic3A_113 : vector<16xi32>
      %sub3A_115 = vector.broadcast %mul3A_8 : i32 to vector<16xi32>
      %sub3A_116 = arith.subi %shift_right_arithmetic3A_114, %sub3A_115 : vector<16xi32>
      %ge3A_117 = arith.constant 0 : i32
      %ge3A_118 = vector.broadcast %ge3A_117 : i32 to vector<16xi32>
      %ge3A_119 = arith.cmpi sge, %sub3A_116, %ge3A_118 : vector<16xi32>
      %lt3A_120 = arith.constant 32 : i32
      %lt3A_121 = vector.broadcast %lt3A_120 : i32 to vector<16xi32>
      %lt3A_122 = arith.cmpi slt, %sub3A_116, %lt3A_121 : vector<16xi32>
      %and3A_123 = arith.andi %ge3A_119, %lt3A_122 : vector<16xi1>
      %and3A_124 = arith.constant 1023 : i32
      %and3A_125 = vector.broadcast %and3A_124 : i32 to vector<16xi32>
      %and3A_126 = arith.andi %get3A_109, %and3A_125 : vector<16xi32>
      tpu.vector_store_idx %arg7[%sub3A_116, %and3A_126], %get3A_111 masked %and3A_123 : memref<32x1024xf32, #tpu.memory_space<vmem>>[vector<16xi32>, vector<16xi32>], vector<16xf32>, vector<16xi1>
      %mul3A_127 = arith.constant 256 : i32
      %mul3A_128 = arith.muli %scan3A_17, %mul3A_127 : i32
      %add3A_129 = arith.constant 80 : i32
      %add3A_130 = arith.addi %mul3A_128, %add3A_129 : i32
      %get3A_131 = arith.index_cast %add3A_130 : i32 to index
      %get3A_132 = tpu.vector_load %arg5[%get3A_131] {strides = array<i32>} : memref<16384xi32, #tpu.memory_space<vmem>>, vector<16xi32>,
      %get3A_133 = arith.index_cast %add3A_130 : i32 to index
      %get3A_134 = tpu.vector_load %arg6[%get3A_133] {strides = array<i32>} : memref<16384xf32, #tpu.memory_space<vmem>>, vector<16xf32>,
      %shift_right_arithmetic3A_135 = arith.constant 10 : i32
      %shift_right_arithmetic3A_136 = vector.broadcast %shift_right_arithmetic3A_135 : i32 to vector<16xi32>
      %shift_right_arithmetic3A_137 = arith.shrsi %get3A_132, %shift_right_arithmetic3A_136 : vector<16xi32>
      %sub3A_138 = vector.broadcast %mul3A_8 : i32 to vector<16xi32>
      %sub3A_139 = arith.subi %shift_right_arithmetic3A_137, %sub3A_138 : vector<16xi32>
      %ge3A_140 = arith.constant 0 : i32
      %ge3A_141 = vector.broadcast %ge3A_140 : i32 to vector<16xi32>
      %ge3A_142 = arith.cmpi sge, %sub3A_139, %ge3A_141 : vector<16xi32>
      %lt3A_143 = arith.constant 32 : i32
      %lt3A_144 = vector.broadcast %lt3A_143 : i32 to vector<16xi32>
      %lt3A_145 = arith.cmpi slt, %sub3A_139, %lt3A_144 : vector<16xi32>
      %and3A_146 = arith.andi %ge3A_142, %lt3A_145 : vector<16xi1>
      %and3A_147 = arith.constant 1023 : i32
      %and3A_148 = vector.broadcast %and3A_147 : i32 to vector<16xi32>
      %and3A_149 = arith.andi %get3A_132, %and3A_148 : vector<16xi32>
      tpu.vector_store_idx %arg7[%sub3A_139, %and3A_149], %get3A_134 masked %and3A_146 : memref<32x1024xf32, #tpu.memory_space<vmem>>[vector<16xi32>, vector<16xi32>], vector<16xf32>, vector<16xi1>
      %mul3A_150 = arith.constant 256 : i32
      %mul3A_151 = arith.muli %scan3A_17, %mul3A_150 : i32
      %add3A_152 = arith.constant 96 : i32
      %add3A_153 = arith.addi %mul3A_151, %add3A_152 : i32
      %get3A_154 = arith.index_cast %add3A_153 : i32 to index
      %get3A_155 = tpu.vector_load %arg5[%get3A_154] {strides = array<i32>} : memref<16384xi32, #tpu.memory_space<vmem>>, vector<16xi32>,
      %get3A_156 = arith.index_cast %add3A_153 : i32 to index
      %get3A_157 = tpu.vector_load %arg6[%get3A_156] {strides = array<i32>} : memref<16384xf32, #tpu.memory_space<vmem>>, vector<16xf32>,
      %shift_right_arithmetic3A_158 = arith.constant 10 : i32
      %shift_right_arithmetic3A_159 = vector.broadcast %shift_right_arithmetic3A_158 : i32 to vector<16xi32>
      %shift_right_arithmetic3A_160 = arith.shrsi %get3A_155, %shift_right_arithmetic3A_159 : vector<16xi32>
      %sub3A_161 = vector.broadcast %mul3A_8 : i32 to vector<16xi32>
      %sub3A_162 = arith.subi %shift_right_arithmetic3A_160, %sub3A_161 : vector<16xi32>
      %ge3A_163 = arith.constant 0 : i32
      %ge3A_164 = vector.broadcast %ge3A_163 : i32 to vector<16xi32>
      %ge3A_165 = arith.cmpi sge, %sub3A_162, %ge3A_164 : vector<16xi32>
      %lt3A_166 = arith.constant 32 : i32
      %lt3A_167 = vector.broadcast %lt3A_166 : i32 to vector<16xi32>
      %lt3A_168 = arith.cmpi slt, %sub3A_162, %lt3A_167 : vector<16xi32>
      %and3A_169 = arith.andi %ge3A_165, %lt3A_168 : vector<16xi1>
      %and3A_170 = arith.constant 1023 : i32
      %and3A_171 = vector.broadcast %and3A_170 : i32 to vector<16xi32>
      %and3A_172 = arith.andi %get3A_155, %and3A_171 : vector<16xi32>
      tpu.vector_store_idx %arg7[%sub3A_162, %and3A_172], %get3A_157 masked %and3A_169 : memref<32x1024xf32, #tpu.memory_space<vmem>>[vector<16xi32>, vector<16xi32>], vector<16xf32>, vector<16xi1>
      %mul3A_173 = arith.constant 256 : i32
      %mul3A_174 = arith.muli %scan3A_17, %mul3A_173 : i32
      %add3A_175 = arith.constant 112 : i32
      %add3A_176 = arith.addi %mul3A_174, %add3A_175 : i32
      %get3A_177 = arith.index_cast %add3A_176 : i32 to index
      %get3A_178 = tpu.vector_load %arg5[%get3A_177] {strides = array<i32>} : memref<16384xi32, #tpu.memory_space<vmem>>, vector<16xi32>,
      %get3A_179 = arith.index_cast %add3A_176 : i32 to index
      %get3A_180 = tpu.vector_load %arg6[%get3A_179] {strides = array<i32>} : memref<16384xf32, #tpu.memory_space<vmem>>, vector<16xf32>,
      %shift_right_arithmetic3A_181 = arith.constant 10 : i32
      %shift_right_arithmetic3A_182 = vector.broadcast %shift_right_arithmetic3A_181 : i32 to vector<16xi32>
      %shift_right_arithmetic3A_183 = arith.shrsi %get3A_178, %shift_right_arithmetic3A_182 : vector<16xi32>
      %sub3A_184 = vector.broadcast %mul3A_8 : i32 to vector<16xi32>
      %sub3A_185 = arith.subi %shift_right_arithmetic3A_183, %sub3A_184 : vector<16xi32>
      %ge3A_186 = arith.constant 0 : i32
      %ge3A_187 = vector.broadcast %ge3A_186 : i32 to vector<16xi32>
      %ge3A_188 = arith.cmpi sge, %sub3A_185, %ge3A_187 : vector<16xi32>
      %lt3A_189 = arith.constant 32 : i32
      %lt3A_190 = vector.broadcast %lt3A_189 : i32 to vector<16xi32>
      %lt3A_191 = arith.cmpi slt, %sub3A_185, %lt3A_190 : vector<16xi32>
      %and3A_192 = arith.andi %ge3A_188, %lt3A_191 : vector<16xi1>
      %and3A_193 = arith.constant 1023 : i32
      %and3A_194 = vector.broadcast %and3A_193 : i32 to vector<16xi32>
      %and3A_195 = arith.andi %get3A_178, %and3A_194 : vector<16xi32>
      tpu.vector_store_idx %arg7[%sub3A_185, %and3A_195], %get3A_180 masked %and3A_192 : memref<32x1024xf32, #tpu.memory_space<vmem>>[vector<16xi32>, vector<16xi32>], vector<16xf32>, vector<16xi1>
      %mul3A_196 = arith.constant 256 : i32
      %mul3A_197 = arith.muli %scan3A_17, %mul3A_196 : i32
      %add3A_198 = arith.constant 128 : i32
      %add3A_199 = arith.addi %mul3A_197, %add3A_198 : i32
      %get3A_200 = arith.index_cast %add3A_199 : i32 to index
      %get3A_201 = tpu.vector_load %arg5[%get3A_200] {strides = array<i32>} : memref<16384xi32, #tpu.memory_space<vmem>>, vector<16xi32>,
      %get3A_202 = arith.index_cast %add3A_199 : i32 to index
      %get3A_203 = tpu.vector_load %arg6[%get3A_202] {strides = array<i32>} : memref<16384xf32, #tpu.memory_space<vmem>>, vector<16xf32>,
      %shift_right_arithmetic3A_204 = arith.constant 10 : i32
      %shift_right_arithmetic3A_205 = vector.broadcast %shift_right_arithmetic3A_204 : i32 to vector<16xi32>
      %shift_right_arithmetic3A_206 = arith.shrsi %get3A_201, %shift_right_arithmetic3A_205 : vector<16xi32>
      %sub3A_207 = vector.broadcast %mul3A_8 : i32 to vector<16xi32>
      %sub3A_208 = arith.subi %shift_right_arithmetic3A_206, %sub3A_207 : vector<16xi32>
      %ge3A_209 = arith.constant 0 : i32
      %ge3A_210 = vector.broadcast %ge3A_209 : i32 to vector<16xi32>
      %ge3A_211 = arith.cmpi sge, %sub3A_208, %ge3A_210 : vector<16xi32>
      %lt3A_212 = arith.constant 32 : i32
      %lt3A_213 = vector.broadcast %lt3A_212 : i32 to vector<16xi32>
      %lt3A_214 = arith.cmpi slt, %sub3A_208, %lt3A_213 : vector<16xi32>
      %and3A_215 = arith.andi %ge3A_211, %lt3A_214 : vector<16xi1>
      %and3A_216 = arith.constant 1023 : i32
      %and3A_217 = vector.broadcast %and3A_216 : i32 to vector<16xi32>
      %and3A_218 = arith.andi %get3A_201, %and3A_217 : vector<16xi32>
      tpu.vector_store_idx %arg7[%sub3A_208, %and3A_218], %get3A_203 masked %and3A_215 : memref<32x1024xf32, #tpu.memory_space<vmem>>[vector<16xi32>, vector<16xi32>], vector<16xf32>, vector<16xi1>
      %mul3A_219 = arith.constant 256 : i32
      %mul3A_220 = arith.muli %scan3A_17, %mul3A_219 : i32
      %add3A_221 = arith.constant 144 : i32
      %add3A_222 = arith.addi %mul3A_220, %add3A_221 : i32
      %get3A_223 = arith.index_cast %add3A_222 : i32 to index
      %get3A_224 = tpu.vector_load %arg5[%get3A_223] {strides = array<i32>} : memref<16384xi32, #tpu.memory_space<vmem>>, vector<16xi32>,
      %get3A_225 = arith.index_cast %add3A_222 : i32 to index
      %get3A_226 = tpu.vector_load %arg6[%get3A_225] {strides = array<i32>} : memref<16384xf32, #tpu.memory_space<vmem>>, vector<16xf32>,
      %shift_right_arithmetic3A_227 = arith.constant 10 : i32
      %shift_right_arithmetic3A_228 = vector.broadcast %shift_right_arithmetic3A_227 : i32 to vector<16xi32>
      %shift_right_arithmetic3A_229 = arith.shrsi %get3A_224, %shift_right_arithmetic3A_228 : vector<16xi32>
      %sub3A_230 = vector.broadcast %mul3A_8 : i32 to vector<16xi32>
      %sub3A_231 = arith.subi %shift_right_arithmetic3A_229, %sub3A_230 : vector<16xi32>
      %ge3A_232 = arith.constant 0 : i32
      %ge3A_233 = vector.broadcast %ge3A_232 : i32 to vector<16xi32>
      %ge3A_234 = arith.cmpi sge, %sub3A_231, %ge3A_233 : vector<16xi32>
      %lt3A_235 = arith.constant 32 : i32
      %lt3A_236 = vector.broadcast %lt3A_235 : i32 to vector<16xi32>
      %lt3A_237 = arith.cmpi slt, %sub3A_231, %lt3A_236 : vector<16xi32>
      %and3A_238 = arith.andi %ge3A_234, %lt3A_237 : vector<16xi1>
      %and3A_239 = arith.constant 1023 : i32
      %and3A_240 = vector.broadcast %and3A_239 : i32 to vector<16xi32>
      %and3A_241 = arith.andi %get3A_224, %and3A_240 : vector<16xi32>
      tpu.vector_store_idx %arg7[%sub3A_231, %and3A_241], %get3A_226 masked %and3A_238 : memref<32x1024xf32, #tpu.memory_space<vmem>>[vector<16xi32>, vector<16xi32>], vector<16xf32>, vector<16xi1>
      %mul3A_242 = arith.constant 256 : i32
      %mul3A_243 = arith.muli %scan3A_17, %mul3A_242 : i32
      %add3A_244 = arith.constant 160 : i32
      %add3A_245 = arith.addi %mul3A_243, %add3A_244 : i32
      %get3A_246 = arith.index_cast %add3A_245 : i32 to index
      %get3A_247 = tpu.vector_load %arg5[%get3A_246] {strides = array<i32>} : memref<16384xi32, #tpu.memory_space<vmem>>, vector<16xi32>,
      %get3A_248 = arith.index_cast %add3A_245 : i32 to index
      %get3A_249 = tpu.vector_load %arg6[%get3A_248] {strides = array<i32>} : memref<16384xf32, #tpu.memory_space<vmem>>, vector<16xf32>,
      %shift_right_arithmetic3A_250 = arith.constant 10 : i32
      %shift_right_arithmetic3A_251 = vector.broadcast %shift_right_arithmetic3A_250 : i32 to vector<16xi32>
      %shift_right_arithmetic3A_252 = arith.shrsi %get3A_247, %shift_right_arithmetic3A_251 : vector<16xi32>
      %sub3A_253 = vector.broadcast %mul3A_8 : i32 to vector<16xi32>
      %sub3A_254 = arith.subi %shift_right_arithmetic3A_252, %sub3A_253 : vector<16xi32>
      %ge3A_255 = arith.constant 0 : i32
      %ge3A_256 = vector.broadcast %ge3A_255 : i32 to vector<16xi32>
      %ge3A_257 = arith.cmpi sge, %sub3A_254, %ge3A_256 : vector<16xi32>
      %lt3A_258 = arith.constant 32 : i32
      %lt3A_259 = vector.broadcast %lt3A_258 : i32 to vector<16xi32>
      %lt3A_260 = arith.cmpi slt, %sub3A_254, %lt3A_259 : vector<16xi32>
      %and3A_261 = arith.andi %ge3A_257, %lt3A_260 : vector<16xi1>
      %and3A_262 = arith.constant 1023 : i32
      %and3A_263 = vector.broadcast %and3A_262 : i32 to vector<16xi32>
      %and3A_264 = arith.andi %get3A_247, %and3A_263 : vector<16xi32>
      tpu.vector_store_idx %arg7[%sub3A_254, %and3A_264], %get3A_249 masked %and3A_261 : memref<32x1024xf32, #tpu.memory_space<vmem>>[vector<16xi32>, vector<16xi32>], vector<16xf32>, vector<16xi1>
      %mul3A_265 = arith.constant 256 : i32
      %mul3A_266 = arith.muli %scan3A_17, %mul3A_265 : i32
      %add3A_267 = arith.constant 176 : i32
      %add3A_268 = arith.addi %mul3A_266, %add3A_267 : i32
      %get3A_269 = arith.index_cast %add3A_268 : i32 to index
      %get3A_270 = tpu.vector_load %arg5[%get3A_269] {strides = array<i32>} : memref<16384xi32, #tpu.memory_space<vmem>>, vector<16xi32>,
      %get3A_271 = arith.index_cast %add3A_268 : i32 to index
      %get3A_272 = tpu.vector_load %arg6[%get3A_271] {strides = array<i32>} : memref<16384xf32, #tpu.memory_space<vmem>>, vector<16xf32>,
      %shift_right_arithmetic3A_273 = arith.constant 10 : i32
      %shift_right_arithmetic3A_274 = vector.broadcast %shift_right_arithmetic3A_273 : i32 to vector<16xi32>
      %shift_right_arithmetic3A_275 = arith.shrsi %get3A_270, %shift_right_arithmetic3A_274 : vector<16xi32>
      %sub3A_276 = vector.broadcast %mul3A_8 : i32 to vector<16xi32>
      %sub3A_277 = arith.subi %shift_right_arithmetic3A_275, %sub3A_276 : vector<16xi32>
      %ge3A_278 = arith.constant 0 : i32
      %ge3A_279 = vector.broadcast %ge3A_278 : i32 to vector<16xi32>
      %ge3A_280 = arith.cmpi sge, %sub3A_277, %ge3A_279 : vector<16xi32>
      %lt3A_281 = arith.constant 32 : i32
      %lt3A_282 = vector.broadcast %lt3A_281 : i32 to vector<16xi32>
      %lt3A_283 = arith.cmpi slt, %sub3A_277, %lt3A_282 : vector<16xi32>
      %and3A_284 = arith.andi %ge3A_280, %lt3A_283 : vector<16xi1>
      %and3A_285 = arith.constant 1023 : i32
      %and3A_286 = vector.broadcast %and3A_285 : i32 to vector<16xi32>
      %and3A_287 = arith.andi %get3A_270, %and3A_286 : vector<16xi32>
      tpu.vector_store_idx %arg7[%sub3A_277, %and3A_287], %get3A_272 masked %and3A_284 : memref<32x1024xf32, #tpu.memory_space<vmem>>[vector<16xi32>, vector<16xi32>], vector<16xf32>, vector<16xi1>
      %mul3A_288 = arith.constant 256 : i32
      %mul3A_289 = arith.muli %scan3A_17, %mul3A_288 : i32
      %add3A_290 = arith.constant 192 : i32
      %add3A_291 = arith.addi %mul3A_289, %add3A_290 : i32
      %get3A_292 = arith.index_cast %add3A_291 : i32 to index
      %get3A_293 = tpu.vector_load %arg5[%get3A_292] {strides = array<i32>} : memref<16384xi32, #tpu.memory_space<vmem>>, vector<16xi32>,
      %get3A_294 = arith.index_cast %add3A_291 : i32 to index
      %get3A_295 = tpu.vector_load %arg6[%get3A_294] {strides = array<i32>} : memref<16384xf32, #tpu.memory_space<vmem>>, vector<16xf32>,
      %shift_right_arithmetic3A_296 = arith.constant 10 : i32
      %shift_right_arithmetic3A_297 = vector.broadcast %shift_right_arithmetic3A_296 : i32 to vector<16xi32>
      %shift_right_arithmetic3A_298 = arith.shrsi %get3A_293, %shift_right_arithmetic3A_297 : vector<16xi32>
      %sub3A_299 = vector.broadcast %mul3A_8 : i32 to vector<16xi32>
      %sub3A_300 = arith.subi %shift_right_arithmetic3A_298, %sub3A_299 : vector<16xi32>
      %ge3A_301 = arith.constant 0 : i32
      %ge3A_302 = vector.broadcast %ge3A_301 : i32 to vector<16xi32>
      %ge3A_303 = arith.cmpi sge, %sub3A_300, %ge3A_302 : vector<16xi32>
      %lt3A_304 = arith.constant 32 : i32
      %lt3A_305 = vector.broadcast %lt3A_304 : i32 to vector<16xi32>
      %lt3A_306 = arith.cmpi slt, %sub3A_300, %lt3A_305 : vector<16xi32>
      %and3A_307 = arith.andi %ge3A_303, %lt3A_306 : vector<16xi1>
      %and3A_308 = arith.constant 1023 : i32
      %and3A_309 = vector.broadcast %and3A_308 : i32 to vector<16xi32>
      %and3A_310 = arith.andi %get3A_293, %and3A_309 : vector<16xi32>
      tpu.vector_store_idx %arg7[%sub3A_300, %and3A_310], %get3A_295 masked %and3A_307 : memref<32x1024xf32, #tpu.memory_space<vmem>>[vector<16xi32>, vector<16xi32>], vector<16xf32>, vector<16xi1>
      %mul3A_311 = arith.constant 256 : i32
      %mul3A_312 = arith.muli %scan3A_17, %mul3A_311 : i32
      %add3A_313 = arith.constant 208 : i32
      %add3A_314 = arith.addi %mul3A_312, %add3A_313 : i32
      %get3A_315 = arith.index_cast %add3A_314 : i32 to index
      %get3A_316 = tpu.vector_load %arg5[%get3A_315] {strides = array<i32>} : memref<16384xi32, #tpu.memory_space<vmem>>, vector<16xi32>,
      %get3A_317 = arith.index_cast %add3A_314 : i32 to index
      %get3A_318 = tpu.vector_load %arg6[%get3A_317] {strides = array<i32>} : memref<16384xf32, #tpu.memory_space<vmem>>, vector<16xf32>,
      %shift_right_arithmetic3A_319 = arith.constant 10 : i32
      %shift_right_arithmetic3A_320 = vector.broadcast %shift_right_arithmetic3A_319 : i32 to vector<16xi32>
      %shift_right_arithmetic3A_321 = arith.shrsi %get3A_316, %shift_right_arithmetic3A_320 : vector<16xi32>
      %sub3A_322 = vector.broadcast %mul3A_8 : i32 to vector<16xi32>
      %sub3A_323 = arith.subi %shift_right_arithmetic3A_321, %sub3A_322 : vector<16xi32>
      %ge3A_324 = arith.constant 0 : i32
      %ge3A_325 = vector.broadcast %ge3A_324 : i32 to vector<16xi32>
      %ge3A_326 = arith.cmpi sge, %sub3A_323, %ge3A_325 : vector<16xi32>
      %lt3A_327 = arith.constant 32 : i32
      %lt3A_328 = vector.broadcast %lt3A_327 : i32 to vector<16xi32>
      %lt3A_329 = arith.cmpi slt, %sub3A_323, %lt3A_328 : vector<16xi32>
      %and3A_330 = arith.andi %ge3A_326, %lt3A_329 : vector<16xi1>
      %and3A_331 = arith.constant 1023 : i32
      %and3A_332 = vector.broadcast %and3A_331 : i32 to vector<16xi32>
      %and3A_333 = arith.andi %get3A_316, %and3A_332 : vector<16xi32>
      tpu.vector_store_idx %arg7[%sub3A_323, %and3A_333], %get3A_318 masked %and3A_330 : memref<32x1024xf32, #tpu.memory_space<vmem>>[vector<16xi32>, vector<16xi32>], vector<16xf32>, vector<16xi1>
      %mul3A_334 = arith.constant 256 : i32
      %mul3A_335 = arith.muli %scan3A_17, %mul3A_334 : i32
      %add3A_336 = arith.constant 224 : i32
      %add3A_337 = arith.addi %mul3A_335, %add3A_336 : i32
      %get3A_338 = arith.index_cast %add3A_337 : i32 to index
      %get3A_339 = tpu.vector_load %arg5[%get3A_338] {strides = array<i32>} : memref<16384xi32, #tpu.memory_space<vmem>>, vector<16xi32>,
      %get3A_340 = arith.index_cast %add3A_337 : i32 to index
      %get3A_341 = tpu.vector_load %arg6[%get3A_340] {strides = array<i32>} : memref<16384xf32, #tpu.memory_space<vmem>>, vector<16xf32>,
      %shift_right_arithmetic3A_342 = arith.constant 10 : i32
      %shift_right_arithmetic3A_343 = vector.broadcast %shift_right_arithmetic3A_342 : i32 to vector<16xi32>
      %shift_right_arithmetic3A_344 = arith.shrsi %get3A_339, %shift_right_arithmetic3A_343 : vector<16xi32>
      %sub3A_345 = vector.broadcast %mul3A_8 : i32 to vector<16xi32>
      %sub3A_346 = arith.subi %shift_right_arithmetic3A_344, %sub3A_345 : vector<16xi32>
      %ge3A_347 = arith.constant 0 : i32
      %ge3A_348 = vector.broadcast %ge3A_347 : i32 to vector<16xi32>
      %ge3A_349 = arith.cmpi sge, %sub3A_346, %ge3A_348 : vector<16xi32>
      %lt3A_350 = arith.constant 32 : i32
      %lt3A_351 = vector.broadcast %lt3A_350 : i32 to vector<16xi32>
      %lt3A_352 = arith.cmpi slt, %sub3A_346, %lt3A_351 : vector<16xi32>
      %and3A_353 = arith.andi %ge3A_349, %lt3A_352 : vector<16xi1>
      %and3A_354 = arith.constant 1023 : i32
      %and3A_355 = vector.broadcast %and3A_354 : i32 to vector<16xi32>
      %and3A_356 = arith.andi %get3A_339, %and3A_355 : vector<16xi32>
      tpu.vector_store_idx %arg7[%sub3A_346, %and3A_356], %get3A_341 masked %and3A_353 : memref<32x1024xf32, #tpu.memory_space<vmem>>[vector<16xi32>, vector<16xi32>], vector<16xf32>, vector<16xi1>
      %mul3A_357 = arith.constant 256 : i32
      %mul3A_358 = arith.muli %scan3A_17, %mul3A_357 : i32
      %add3A_359 = arith.constant 240 : i32
      %add3A_360 = arith.addi %mul3A_358, %add3A_359 : i32
      %get3A_361 = arith.index_cast %add3A_360 : i32 to index
      %get3A_362 = tpu.vector_load %arg5[%get3A_361] {strides = array<i32>} : memref<16384xi32, #tpu.memory_space<vmem>>, vector<16xi32>,
      %get3A_363 = arith.index_cast %add3A_360 : i32 to index
      %get3A_364 = tpu.vector_load %arg6[%get3A_363] {strides = array<i32>} : memref<16384xf32, #tpu.memory_space<vmem>>, vector<16xf32>,
      %shift_right_arithmetic3A_365 = arith.constant 10 : i32
      %shift_right_arithmetic3A_366 = vector.broadcast %shift_right_arithmetic3A_365 : i32 to vector<16xi32>
      %shift_right_arithmetic3A_367 = arith.shrsi %get3A_362, %shift_right_arithmetic3A_366 : vector<16xi32>
      %sub3A_368 = vector.broadcast %mul3A_8 : i32 to vector<16xi32>
      %sub3A_369 = arith.subi %shift_right_arithmetic3A_367, %sub3A_368 : vector<16xi32>
      %ge3A_370 = arith.constant 0 : i32
      %ge3A_371 = vector.broadcast %ge3A_370 : i32 to vector<16xi32>
      %ge3A_372 = arith.cmpi sge, %sub3A_369, %ge3A_371 : vector<16xi32>
      %lt3A_373 = arith.constant 32 : i32
      %lt3A_374 = vector.broadcast %lt3A_373 : i32 to vector<16xi32>
      %lt3A_375 = arith.cmpi slt, %sub3A_369, %lt3A_374 : vector<16xi32>
      %and3A_376 = arith.andi %ge3A_372, %lt3A_375 : vector<16xi1>
      %and3A_377 = arith.constant 1023 : i32
      %and3A_378 = vector.broadcast %and3A_377 : i32 to vector<16xi32>
      %and3A_379 = arith.andi %get3A_362, %and3A_378 : vector<16xi32>
      tpu.vector_store_idx %arg7[%sub3A_369, %and3A_379], %get3A_364 masked %and3A_376 : memref<32x1024xf32, #tpu.memory_space<vmem>>[vector<16xi32>, vector<16xi32>], vector<16xf32>, vector<16xi1>
    }
    %scan3A_14 = arith.constant 64 : i32
    %mul3A_15 = arith.constant 32 : i32
    %mul3A_16 = arith.muli %add3A, %mul3A_15 : i32
    "tpu.region"() ({
      %run_scoped3A = tpu.sem_alloc : memref<!tpu.dma_semaphore, #tpu.memory_space<semaphore_mem>>
      %dma_start3A = arith.constant 0 : i32
      %dma_start3A_17 = tpu.memref_slice %arg4[%mul3A_16, %dma_start3A] : memref<1024x1024xf32, #tpu.memory_space<hbm>> -> memref<32x1024xf32, #tpu.memory_space<hbm>>
      %dma_start3A_18 = arith.constant 0 : i32
      %dma_start3A_19 = tpu.memref_slice %arg4[%mul3A_16, %dma_start3A_18] : memref<1024x1024xf32, #tpu.memory_space<hbm>> -> memref<32x1024xf32, #tpu.memory_space<hbm>>
      tpu.enqueue_dma source(%arg7 : memref<32x1024xf32, #tpu.memory_space<vmem>>) target(%dma_start3A_19 : memref<32x1024xf32, #tpu.memory_space<hbm>>) target_semaphore(%run_scoped3A : memref<!tpu.dma_semaphore, #tpu.memory_space<semaphore_mem>>)
      %dma_wait3A = arith.constant 0 : i32
      %dma_wait3A_20 = tpu.memref_slice %arg4[%mul3A_16, %dma_wait3A] : memref<1024x1024xf32, #tpu.memory_space<hbm>> -> memref<32x1024xf32, #tpu.memory_space<hbm>>
      %dma_wait3A_21 = arith.constant 0 : i32
      %dma_wait3A_22 = tpu.memref_slice %arg4[%mul3A_16, %dma_wait3A_21] : memref<1024x1024xf32, #tpu.memory_space<hbm>> -> memref<32x1024xf32, #tpu.memory_space<hbm>>
      tpu.wait_dma2 semaphore(%run_scoped3A : memref<!tpu.dma_semaphore, #tpu.memory_space<semaphore_mem>>) src(%arg7 : memref<32x1024xf32, #tpu.memory_space<vmem>>) dst(%dma_wait3A_22 : memref<32x1024xf32, #tpu.memory_space<hbm>>)
      tpu.yield
    }) : () -> ()
    return
  }
}

module attributes {stable_mosaic.version = 14 : i64} {
  func.func @_twohop_body(%arg0: memref<1024x1024xf32, #tpu.memory_space<vmem>>, %arg1: memref<1048576xf32, #tpu.memory_space<vmem>>) attributes {dimension_semantics = [], scalar_prefetch = 0 : i64, scratch_operands = 0 : i64, tpu.core_type = #tpu.core_type<tc>} {
    %get3A = arith.constant 0 : index
    %get3A_0 = arith.constant 0 : index
    %get3A_1 = vector.load %arg0[%get3A, %get3A_0] : memref<1024x1024xf32, #tpu.memory_space<vmem>>, vector<1024x1024xf32>
    %ge3A = arith.constant 0.000000e+00 : f32
    %ge3A_2 = vector.broadcast %ge3A : f32 to vector<1024x1024xf32>
    %ge3A_3 = arith.cmpf oge, %get3A_1, %ge3A_2 : vector<1024x1024xf32>
    %convert_element_type3A = arith.extui %ge3A_3 : vector<1024x1024xi1> to vector<1024x1024xi32>
    %convert_element_type3A_4 = arith.sitofp %convert_element_type3A : vector<1024x1024xi32> to vector<1024x1024xf32>
    %convert_element_type3A_5 = arith.truncf %convert_element_type3A_4 : vector<1024x1024xf32> to vector<1024x1024xbf16>
    %max3A = arith.constant 0.000000e+00 : f32
    %max3A_6 = vector.broadcast %max3A : f32 to vector<1024x1024xf32>
    %max3A_7 = arith.maximumf %get3A_1, %max3A_6 : vector<1024x1024xf32>
    %convert_element_type3A_8 = arith.truncf %max3A_7 : vector<1024x1024xf32> to vector<1024x1024xbf16>
    %dot_general3A = arith.constant dense<0.000000e+00> : vector<1024x1024xf32>
    %dot_general3A_9 = tpu.matmul %convert_element_type3A_5, %convert_element_type3A_5, %dot_general3A {dimension_numbers = #tpu.dot_dimension_numbers<[1], [0], [0], [1], [0, 0, 1, 1], [], []>, transpose_lhs_hint = false} : vector<1024x1024xbf16>, vector<1024x1024xbf16>, vector<1024x1024xf32> -> vector<1024x1024xf32>
    %dot_general3A_10 = arith.constant dense<0.000000e+00> : vector<1024x1024xf32>
    %dot_general3A_11 = tpu.matmul %convert_element_type3A_8, %convert_element_type3A_5, %dot_general3A_10 {dimension_numbers = #tpu.dot_dimension_numbers<[1], [0], [0], [1], [0, 0, 1, 1], [], []>, transpose_lhs_hint = false} : vector<1024x1024xbf16>, vector<1024x1024xbf16>, vector<1024x1024xf32> -> vector<1024x1024xf32>
    %dot_general3A_12 = arith.constant dense<0.000000e+00> : vector<1024x1024xf32>
    %dot_general3A_13 = tpu.matmul %convert_element_type3A_5, %convert_element_type3A_8, %dot_general3A_12 {dimension_numbers = #tpu.dot_dimension_numbers<[1], [0], [0], [1], [0, 0, 1, 1], [], []>, transpose_lhs_hint = false} : vector<1024x1024xbf16>, vector<1024x1024xbf16>, vector<1024x1024xf32> -> vector<1024x1024xf32>
    %add3A = arith.addf %dot_general3A_11, %dot_general3A_13 : vector<1024x1024xf32>
    %gt3A = arith.constant 0.000000e+00 : f32
    %gt3A_14 = vector.broadcast %gt3A : f32 to vector<1024x1024xf32>
    %gt3A_15 = arith.cmpf ogt, %dot_general3A_9, %gt3A_14 : vector<1024x1024xf32>
    %max3A_16 = arith.constant 1.000000e+00 : f32
    %max3A_17 = vector.broadcast %max3A_16 : f32 to vector<1024x1024xf32>
    %max3A_18 = arith.maximumf %dot_general3A_9, %max3A_17 : vector<1024x1024xf32>
    %div3A = arith.divf %add3A, %max3A_18 : vector<1024x1024xf32>
    %jit3A = arith.constant -1.000000e+00 : f32
    %broadcast_in_dim3A = vector.broadcast %jit3A : f32 to vector<1024x1024xf32>
    %select_n3A = arith.select %gt3A_15, %div3A, %broadcast_in_dim3A : vector<1024x1024xi1>, vector<1024x1024xf32>
    %reshape3A = vector.shape_cast %select_n3A : vector<1024x1024xf32> to vector<1048576xf32>
    %swap3A = arith.constant 0 : index
    %swap3A_19 = vector.load %arg1[%swap3A] : memref<1048576xf32, #tpu.memory_space<vmem>>, vector<1048576xf32>
    tpu.vector_store %arg1[%swap3A], %reshape3A {strides = array<i32>} : memref<1048576xf32, #tpu.memory_space<vmem>>, vector<1048576xf32>,
    return
  }
}

module attributes {stable_mosaic.version = 14 : i64} {
  func.func @_proj_body(%arg0: memref<1024x128xf32, #tpu.memory_space<vmem>>, %arg1: memref<1024x128xf32, #tpu.memory_space<vmem>>, %arg2: memref<16384x4xf32, #tpu.memory_space<vmem>>, %arg3: memref<260x128xf32, #tpu.memory_space<vmem>>, %arg4: memref<1x128xf32, #tpu.memory_space<vmem>>, %arg5: memref<1024x128xf32, #tpu.memory_space<vmem>>, %arg6: memref<32x4x128x128xf32, #tpu.memory_space<vmem>>) attributes {dimension_semantics = [], scalar_prefetch = 0 : i64, scratch_operands = 0 : i64, tpu.core_type = #tpu.core_type<tc>} {
    %get3A = arith.constant 0 : index
    %get3A_0 = arith.constant 0 : index
    %get3A_1 = vector.load %arg3[%get3A, %get3A_0] : memref<260x128xf32, #tpu.memory_space<vmem>>, vector<128x128xf32>
    %get3A_2 = arith.constant 128 : index
    %get3A_3 = arith.constant 0 : index
    %get3A_4 = vector.load %arg3[%get3A_2, %get3A_3] : memref<260x128xf32, #tpu.memory_space<vmem>>, vector<128x128xf32>
    %get3A_5 = arith.constant 0 : index
    %get3A_6 = arith.constant 0 : index
    %get3A_7 = vector.load %arg0[%get3A_5, %get3A_6] : memref<1024x128xf32, #tpu.memory_space<vmem>>, vector<1024x128xf32>
    %dot_general3A = arith.constant dense<0.000000e+00> : vector<1024x128xf32>
    %dot_general3A_8 = tpu.matmul %get3A_7, %get3A_1, %dot_general3A {dimension_numbers = #tpu.dot_dimension_numbers<[1], [0], [0], [1], [0, 0, 1, 1], [], []>, transpose_lhs_hint = false} : vector<1024x128xf32>, vector<128x128xf32>, vector<1024x128xf32> -> vector<1024x128xf32>
    %get3A_9 = arith.constant 0 : index
    %get3A_10 = arith.constant 0 : index
    %get3A_11 = vector.load %arg1[%get3A_9, %get3A_10] : memref<1024x128xf32, #tpu.memory_space<vmem>>, vector<1024x128xf32>
    %dot_general3A_12 = arith.constant dense<0.000000e+00> : vector<1024x128xf32>
    %dot_general3A_13 = tpu.matmul %get3A_11, %get3A_4, %dot_general3A_12 {dimension_numbers = #tpu.dot_dimension_numbers<[1], [0], [0], [1], [0, 0, 1, 1], [], []>, transpose_lhs_hint = false} : vector<1024x128xf32>, vector<128x128xf32>, vector<1024x128xf32> -> vector<1024x128xf32>
    %add3A = arith.addf %dot_general3A_8, %dot_general3A_13 : vector<1024x128xf32>
    %get3A_14 = arith.constant 0 : index
    %get3A_15 = arith.constant 0 : index
    %get3A_16 = vector.load %arg4[%get3A_14, %get3A_15] : memref<1x128xf32, #tpu.memory_space<vmem>>, vector<1x128xf32>
    %add3A_17 = vector.broadcast %get3A_16 : vector<1x128xf32> to vector<1024x128xf32>
    %add3A_18 = arith.addf %add3A, %add3A_17 : vector<1024x128xf32>
    %swap3A = arith.constant 0 : index
    %swap3A_19 = arith.constant 0 : index
    %swap3A_20 = vector.load %arg5[%swap3A, %swap3A_19] : memref<1024x128xf32, #tpu.memory_space<vmem>>, vector<1024x128xf32>
    tpu.vector_store %arg5[%swap3A, %swap3A_19], %add3A_18 {strides = array<i32>} : memref<1024x128xf32, #tpu.memory_space<vmem>>, vector<1024x128xf32>,
    %get3A_21 = arith.constant 0 : index
    %get3A_22 = arith.constant 0 : index
    %get3A_23 = vector.load %arg2[%get3A_21, %get3A_22] : memref<16384x4xf32, #tpu.memory_space<vmem>>, vector<16384x4xf32>
    %get3A_24 = arith.constant 256 : index
    %get3A_25 = arith.constant 0 : index
    %get3A_26 = vector.load %arg3[%get3A_24, %get3A_25] : memref<260x128xf32, #tpu.memory_space<vmem>>, vector<4x128xf32>
    %dot_general3A_27 = arith.constant dense<0.000000e+00> : vector<16384x128xf32>
    %dot_general3A_28 = tpu.matmul %get3A_23, %get3A_26, %dot_general3A_27 {dimension_numbers = #tpu.dot_dimension_numbers<[1], [0], [0], [1], [0, 0, 1, 1], [], []>, transpose_lhs_hint = false} : vector<16384x4xf32>, vector<4x128xf32>, vector<16384x128xf32> -> vector<16384x128xf32>
    %reshape3A = vector.shape_cast %dot_general3A_28 : vector<16384x128xf32> to vector<32x4x128x128xf32>
    %swap3A_29 = arith.constant 0 : index
    %swap3A_30 = arith.constant 0 : index
    %swap3A_31 = arith.constant 0 : index
    %swap3A_32 = arith.constant 0 : index
    %swap3A_33 = vector.load %arg6[%swap3A_29, %swap3A_30, %swap3A_31, %swap3A_32] : memref<32x4x128x128xf32, #tpu.memory_space<vmem>>, vector<32x4x128x128xf32>
    tpu.vector_store %arg6[%swap3A_29, %swap3A_30, %swap3A_31, %swap3A_32], %reshape3A {strides = array<i32>} : memref<32x4x128x128xf32, #tpu.memory_space<vmem>>, vector<32x4x128x128xf32>,
    return
  }
}

module attributes {stable_mosaic.version = 14 : i64} {
  func.func @_final_body(%arg0: memref<2x1024x128xf32, #tpu.memory_space<vmem>>, %arg1: memref<2x1024xf32, #tpu.memory_space<vmem>>, %arg2: memref<2x1024xf32, #tpu.memory_space<vmem>>, %arg3: memref<2x1024xf32, #tpu.memory_space<vmem>>, %arg4: memref<1024x128xf32, #tpu.memory_space<vmem>>, %arg5: memref<128x128xf32, #tpu.memory_space<vmem>>, %arg6: memref<1x128xf32, #tpu.memory_space<vmem>>, %arg7: memref<128x128xf32, #tpu.memory_space<vmem>>, %arg8: memref<1x128xf32, #tpu.memory_space<vmem>>, %arg9: memref<128x128xf32, #tpu.memory_space<vmem>>, %arg10: memref<1x128xf32, #tpu.memory_space<vmem>>, %arg11: memref<129x128xf32, #tpu.memory_space<vmem>>, %arg12: memref<1x128xf32, #tpu.memory_space<vmem>>, %arg13: memref<128x128xf32, #tpu.memory_space<vmem>>, %arg14: memref<1x128xf32, #tpu.memory_space<vmem>>, %arg15: memref<1024x128xf32, #tpu.memory_space<vmem>>, %arg16: memref<1024x128xf32, #tpu.memory_space<vmem>>) attributes {dimension_semantics = [], scalar_prefetch = 0 : i64, scratch_operands = 0 : i64, tpu.core_type = #tpu.core_type<tc>} {
    %get3A = arith.constant 0 : index
    %get3A_0 = arith.constant 0 : index
    %get3A_1 = arith.constant 0 : index
    %get3A_2 = vector.load %arg0[%get3A, %get3A_0, %get3A_1] : memref<2x1024x128xf32, #tpu.memory_space<vmem>>, vector<1x1024x128xf32>
    %get3A_3 = vector.shape_cast %get3A_2 : vector<1x1024x128xf32> to vector<1024x128xf32>
    %get3A_4 = arith.constant 1 : index
    %get3A_5 = arith.constant 0 : index
    %get3A_6 = arith.constant 0 : index
    %get3A_7 = vector.load %arg0[%get3A_4, %get3A_5, %get3A_6] : memref<2x1024x128xf32, #tpu.memory_space<vmem>>, vector<1x1024x128xf32>
    %get3A_8 = vector.shape_cast %get3A_7 : vector<1x1024x128xf32> to vector<1024x128xf32>
    %add3A = arith.addf %get3A_3, %get3A_8 : vector<1024x128xf32>
    %get3A_9 = arith.constant 0 : index
    %get3A_10 = arith.constant 0 : index
    %get3A_11 = vector.load %arg1[%get3A_9, %get3A_10] : memref<2x1024xf32, #tpu.memory_space<vmem>>, vector<1x1024xf32>
    %get3A_12 = vector.shape_cast %get3A_11 : vector<1x1024xf32> to vector<1024xf32>
    %get3A_13 = arith.constant 1 : index
    %get3A_14 = arith.constant 0 : index
    %get3A_15 = vector.load %arg1[%get3A_13, %get3A_14] : memref<2x1024xf32, #tpu.memory_space<vmem>>, vector<1x1024xf32>
    %get3A_16 = vector.shape_cast %get3A_15 : vector<1x1024xf32> to vector<1024xf32>
    %add3A_17 = arith.addf %get3A_12, %get3A_16 : vector<1024xf32>
    %reshape3A = vector.shape_cast %add3A_17 : vector<1024xf32> to vector<1024x1xf32>
    %get3A_18 = arith.constant 0 : index
    %get3A_19 = arith.constant 0 : index
    %get3A_20 = vector.load %arg2[%get3A_18, %get3A_19] : memref<2x1024xf32, #tpu.memory_space<vmem>>, vector<1x1024xf32>
    %get3A_21 = vector.shape_cast %get3A_20 : vector<1x1024xf32> to vector<1024xf32>
    %get3A_22 = arith.constant 1 : index
    %get3A_23 = arith.constant 0 : index
    %get3A_24 = vector.load %arg2[%get3A_22, %get3A_23] : memref<2x1024xf32, #tpu.memory_space<vmem>>, vector<1x1024xf32>
    %get3A_25 = vector.shape_cast %get3A_24 : vector<1x1024xf32> to vector<1024xf32>
    %add3A_26 = arith.addf %get3A_21, %get3A_25 : vector<1024xf32>
    %reshape3A_27 = vector.shape_cast %add3A_26 : vector<1024xf32> to vector<1024x1xf32>
    %get3A_28 = arith.constant 0 : index
    %get3A_29 = arith.constant 0 : index
    %get3A_30 = vector.load %arg3[%get3A_28, %get3A_29] : memref<2x1024xf32, #tpu.memory_space<vmem>>, vector<1x1024xf32>
    %get3A_31 = vector.shape_cast %get3A_30 : vector<1x1024xf32> to vector<1024xf32>
    %get3A_32 = arith.constant 1 : index
    %get3A_33 = arith.constant 0 : index
    %get3A_34 = vector.load %arg3[%get3A_32, %get3A_33] : memref<2x1024xf32, #tpu.memory_space<vmem>>, vector<1x1024xf32>
    %get3A_35 = vector.shape_cast %get3A_34 : vector<1x1024xf32> to vector<1024xf32>
    %add3A_36 = arith.addf %get3A_31, %get3A_35 : vector<1024xf32>
    %reshape3A_37 = vector.shape_cast %add3A_36 : vector<1024xf32> to vector<1024x1xf32>
    %get3A_38 = arith.constant 0 : index
    %get3A_39 = arith.constant 0 : index
    %get3A_40 = vector.load %arg5[%get3A_38, %get3A_39] : memref<128x128xf32, #tpu.memory_space<vmem>>, vector<128x128xf32>
    %dot_general3A = arith.constant dense<0.000000e+00> : vector<1024x128xf32>
    %dot_general3A_41 = tpu.matmul %add3A, %get3A_40, %dot_general3A {dimension_numbers = #tpu.dot_dimension_numbers<[1], [0], [0], [1], [0, 0, 1, 1], [], []>, transpose_lhs_hint = false} : vector<1024x128xf32>, vector<128x128xf32>, vector<1024x128xf32> -> vector<1024x128xf32>
    %get3A_42 = arith.constant 0 : index
    %get3A_43 = arith.constant 0 : index
    %get3A_44 = vector.load %arg6[%get3A_42, %get3A_43] : memref<1x128xf32, #tpu.memory_space<vmem>>, vector<1x128xf32>
    %mul3A = vector.broadcast %reshape3A : vector<1024x1xf32> to vector<1024x128xf32>
    %mul3A_45 = vector.broadcast %get3A_44 : vector<1x128xf32> to vector<1024x128xf32>
    %mul3A_46 = arith.mulf %mul3A, %mul3A_45 : vector<1024x128xf32>
    %add3A_47 = arith.addf %dot_general3A_41, %mul3A_46 : vector<1024x128xf32>
    %max3A = arith.constant 9.99999993E-9 : f32
    %max3A_48 = vector.broadcast %max3A : f32 to vector<1024x1xf32>
    %max3A_49 = arith.maximumf %reshape3A, %max3A_48 : vector<1024x1xf32>
    %div3A = vector.broadcast %max3A_49 : vector<1024x1xf32> to vector<1024x128xf32>
    %div3A_50 = arith.divf %add3A_47, %div3A : vector<1024x128xf32>
    %get3A_51 = arith.constant 0 : index
    %get3A_52 = arith.constant 0 : index
    %get3A_53 = vector.load %arg7[%get3A_51, %get3A_52] : memref<128x128xf32, #tpu.memory_space<vmem>>, vector<128x128xf32>
    %dot_general3A_54 = arith.constant dense<0.000000e+00> : vector<1024x128xf32>
    %dot_general3A_55 = tpu.matmul %div3A_50, %get3A_53, %dot_general3A_54 {dimension_numbers = #tpu.dot_dimension_numbers<[1], [0], [0], [1], [0, 0, 1, 1], [], []>, transpose_lhs_hint = false} : vector<1024x128xf32>, vector<128x128xf32>, vector<1024x128xf32> -> vector<1024x128xf32>
    %get3A_56 = arith.constant 0 : index
    %get3A_57 = arith.constant 0 : index
    %get3A_58 = vector.load %arg8[%get3A_56, %get3A_57] : memref<1x128xf32, #tpu.memory_space<vmem>>, vector<1x128xf32>
    %add3A_59 = vector.broadcast %get3A_58 : vector<1x128xf32> to vector<1024x128xf32>
    %add3A_60 = arith.addf %dot_general3A_55, %add3A_59 : vector<1024x128xf32>
    %max3A_61 = arith.constant 0.000000e+00 : f32
    %max3A_62 = vector.broadcast %max3A_61 : f32 to vector<1024x128xf32>
    %max3A_63 = arith.maximumf %add3A_60, %max3A_62 : vector<1024x128xf32>
    %get3A_64 = arith.constant 0 : index
    %get3A_65 = arith.constant 0 : index
    %get3A_66 = vector.load %arg4[%get3A_64, %get3A_65] : memref<1024x128xf32, #tpu.memory_space<vmem>>, vector<1024x128xf32>
    %get3A_67 = arith.constant 0 : index
    %get3A_68 = arith.constant 0 : index
    %get3A_69 = vector.load %arg9[%get3A_67, %get3A_68] : memref<128x128xf32, #tpu.memory_space<vmem>>, vector<128x128xf32>
    %dot_general3A_70 = arith.constant dense<0.000000e+00> : vector<1024x128xf32>
    %dot_general3A_71 = tpu.matmul %max3A_63, %get3A_69, %dot_general3A_70 {dimension_numbers = #tpu.dot_dimension_numbers<[1], [0], [0], [1], [0, 0, 1, 1], [], []>, transpose_lhs_hint = false} : vector<1024x128xf32>, vector<128x128xf32>, vector<1024x128xf32> -> vector<1024x128xf32>
    %add3A_72 = arith.addf %get3A_66, %dot_general3A_71 : vector<1024x128xf32>
    %get3A_73 = arith.constant 0 : index
    %get3A_74 = arith.constant 0 : index
    %get3A_75 = vector.load %arg10[%get3A_73, %get3A_74] : memref<1x128xf32, #tpu.memory_space<vmem>>, vector<1x128xf32>
    %add3A_76 = vector.broadcast %get3A_75 : vector<1x128xf32> to vector<1024x128xf32>
    %add3A_77 = arith.addf %add3A_72, %add3A_76 : vector<1024x128xf32>
    %swap3A = arith.constant 0 : index
    %swap3A_78 = arith.constant 0 : index
    %swap3A_79 = vector.load %arg15[%swap3A, %swap3A_78] : memref<1024x128xf32, #tpu.memory_space<vmem>>, vector<1024x128xf32>
    tpu.vector_store %arg15[%swap3A, %swap3A_78], %add3A_77 {strides = array<i32>} : memref<1024x128xf32, #tpu.memory_space<vmem>>, vector<1024x128xf32>,
    %max3A_80 = arith.constant 1.000000e+00 : f32
    %max3A_81 = vector.broadcast %max3A_80 : f32 to vector<1024x1xf32>
    %max3A_82 = arith.maximumf %reshape3A_37, %max3A_81 : vector<1024x1xf32>
    %div3A_83 = arith.divf %reshape3A_27, %max3A_82 : vector<1024x1xf32>
    %get3A_84 = arith.constant 0 : index
    %get3A_85 = arith.constant 0 : index
    %get3A_86 = vector.load %arg11[%get3A_84, %get3A_85] : memref<129x128xf32, #tpu.memory_space<vmem>>, vector<128x128xf32>
    %get3A_87 = arith.constant 128 : index
    %get3A_88 = arith.constant 0 : index
    %get3A_89 = vector.load %arg11[%get3A_87, %get3A_88] : memref<129x128xf32, #tpu.memory_space<vmem>>, vector<1x128xf32>
    %dot_general3A_90 = arith.constant dense<0.000000e+00> : vector<1024x128xf32>
    %dot_general3A_91 = tpu.matmul %div3A_50, %get3A_86, %dot_general3A_90 {dimension_numbers = #tpu.dot_dimension_numbers<[1], [0], [0], [1], [0, 0, 1, 1], [], []>, transpose_lhs_hint = false} : vector<1024x128xf32>, vector<128x128xf32>, vector<1024x128xf32> -> vector<1024x128xf32>
    %mul3A_92 = vector.broadcast %div3A_83 : vector<1024x1xf32> to vector<1024x128xf32>
    %mul3A_93 = vector.broadcast %get3A_89 : vector<1x128xf32> to vector<1024x128xf32>
    %mul3A_94 = arith.mulf %mul3A_92, %mul3A_93 : vector<1024x128xf32>
    %add3A_95 = arith.addf %dot_general3A_91, %mul3A_94 : vector<1024x128xf32>
    %get3A_96 = arith.constant 0 : index
    %get3A_97 = arith.constant 0 : index
    %get3A_98 = vector.load %arg12[%get3A_96, %get3A_97] : memref<1x128xf32, #tpu.memory_space<vmem>>, vector<1x128xf32>
    %add3A_99 = vector.broadcast %get3A_98 : vector<1x128xf32> to vector<1024x128xf32>
    %add3A_100 = arith.addf %add3A_95, %add3A_99 : vector<1024x128xf32>
    %max3A_101 = arith.constant 0.000000e+00 : f32
    %max3A_102 = vector.broadcast %max3A_101 : f32 to vector<1024x128xf32>
    %max3A_103 = arith.maximumf %add3A_100, %max3A_102 : vector<1024x128xf32>
    %get3A_104 = arith.constant 0 : index
    %get3A_105 = arith.constant 0 : index
    %get3A_106 = vector.load %arg13[%get3A_104, %get3A_105] : memref<128x128xf32, #tpu.memory_space<vmem>>, vector<128x128xf32>
    %dot_general3A_107 = arith.constant dense<0.000000e+00> : vector<1024x128xf32>
    %dot_general3A_108 = tpu.matmul %max3A_103, %get3A_106, %dot_general3A_107 {dimension_numbers = #tpu.dot_dimension_numbers<[1], [0], [0], [1], [0, 0, 1, 1], [], []>, transpose_lhs_hint = false} : vector<1024x128xf32>, vector<128x128xf32>, vector<1024x128xf32> -> vector<1024x128xf32>
    %get3A_109 = arith.constant 0 : index
    %get3A_110 = arith.constant 0 : index
    %get3A_111 = vector.load %arg14[%get3A_109, %get3A_110] : memref<1x128xf32, #tpu.memory_space<vmem>>, vector<1x128xf32>
    %add3A_112 = vector.broadcast %get3A_111 : vector<1x128xf32> to vector<1024x128xf32>
    %add3A_113 = arith.addf %dot_general3A_108, %add3A_112 : vector<1024x128xf32>
    %max3A_114 = arith.constant 0.000000e+00 : f32
    %max3A_115 = vector.broadcast %max3A_114 : f32 to vector<1024x128xf32>
    %max3A_116 = arith.maximumf %add3A_113, %max3A_115 : vector<1024x128xf32>
    %abs3A = math.absf %add3A_113 : vector<1024x128xf32>
    %neg3A = arith.constant 0.000000e+00 : f32
    %neg3A_117 = vector.broadcast %neg3A : f32 to vector<1024x128xf32>
    %neg3A_118 = arith.subf %neg3A_117, %abs3A : vector<1024x128xf32>
    %exp3A = math.exp %neg3A_118 : vector<1024x128xf32>
    %log1p3A = math.log1p %exp3A : vector<1024x128xf32>
    %add3A_119 = arith.addf %max3A_116, %log1p3A : vector<1024x128xf32>
    %swap3A_120 = arith.constant 0 : index
    %swap3A_121 = arith.constant 0 : index
    %swap3A_122 = vector.load %arg16[%swap3A_120, %swap3A_121] : memref<1024x128xf32, #tpu.memory_space<vmem>>, vector<1024x128xf32>
    tpu.vector_store %arg16[%swap3A_120, %swap3A_121], %add3A_119 {strides = array<i32>} : memref<1024x128xf32, #tpu.memory_space<vmem>>, vector<1024x128xf32>,
    return
  }
}

</mosaic_0001>

<sc_bundles>
// kernel: kernel.10.cloned.1.call-start
scs
__scs_entry_jumppad:
0x0: {  	(pc) =	sbr.rel $0x88, $3  }
0x1: {  	(tag) =	ssettag $0x0;
	lr =	simm.s32 $0x1  }
0x2: {  	[smem:$0x3F8E] =	sst lr;
	_ =	strace $0xD0000000  }
0x3: {  	_ = 	snop  }
0x4: {  	_ = 	snop  }
0x5: {  	_ = 	snop  }
0x6: {  	_ = 	snop  }
0x7: {  	_ = 	snop  }
__scs_overlays_trampoline_lowered:
0x8: {  	[smem:$0x3F9D] =	sst s0  }
0x9: {  	[smem:$0x3F9E] =	sst s1  }
0xa: {  	[smem:$0x3F9F] =	sst s2  }
0xb: {  	[smem:$0x3FA0] =	sst s3  }
0xc: {  	[smem:$0x3FA1] =	sst s4  }
0xd: {  	[smem:$0x3FA2] =	sst s5  }
0xe: {  	[smem:$0x3FA3] =	sst s6  }
0xf: {  	[smem:$0x3FA4] =	sst s7  }
0x10: {  	[smem:$0x3FA5] =	sst s8  }
0x11: {  	[smem:$0x3FA6] =	sst s9;
	s0 =	simm.s32 @!p0 $0x0  }
0x12: {  	s1 =	sld [smem:$0x3F8C];
	s0 =	simm.s32 @p0 $0x1  }
0x13: {  	[smem:$0x3FA7] =	sst s0;
	s0 =	simm.s32 @!p1 $0x0  }
0x14: {  	s2 =	sld [smem:$0x3F8B];
	s0 =	simm.s32 @p1 $0x1  }
0x15: {  	[smem:$0x3FA8] =	sst s0;
	s0 =	simm.s32 @!p2 $0x0  }
0x16: {  	s3 =	sld [smem:$0x3FDB];
	s0 =	simm.s32 @p2 $0x1  }
0x17: {  	s4 =	simm.s32 $0x1BF5;
	[smem:$0x3FAA] =	sst s0  }
0x18: {  	s0 =	sld [smem:$0x3F8D];
	_ =	swait.ge [sflag:s4], $0x0  }
0x19: {  	s7 =	sld [smem:$0x3F8E]  }
0x1a: {  	s8 =	sadd.s32 $0xFFFFE003, lr  }
0x1b: {  	s9 =	sadd.s32 $0xFFFFFEF7, lr;
	s5 =	simm.s32 $0xFFFFFFFF;
	p2 =	slt.u32 s8, $0xFFFFF086  }
0x1c: {  	p1 =	slt.u32 s9, $0xF7A;
	s5 =	simm.s32 @!p2 $0x0  }
0x1d: {  	s5 =	simm.s32 @p1 $0x1;
	p0 =	seq.s32 s7, s2  }
0x1e: {  	s7 =	smul.u32 @!p0 $0xF7A, s2;
	p2 =	seq.s32 @!p0 s5, $0x0  }
0x1f: {  	s9 =	smul.u32 $0xF7A, s1;
	s8 =	simm.s32 @!p0 $0x1BF5;
	p2 =	por !p2, p0  }
0x20: {  	[sflag:s8] =	ssyncset.s32 @!p0 $0xFFFFF086;
	s6 =	sadd.s32 @!p0 s3, s7;
	s7 =	simm.s32 @!p0 $0x108  }
0x21: {  	s3 =	sadd.s32 s3, s9;
	s6 =	sadd.s32 @!p0 $0x88, s6;
	s7 =	simm.s32 @p2 $0x1082  }
0x22: {  	[simem:s7], [sflag:s8] =	dma.local @!p0 [hbm:s6], $0xF7A  }
0x23: {  	s9 =	sor.u32 $0xD0000000, s2;
	s6 =	simm.s32 $0x108;
	_ =	swait.ge @!p0 [sflag:s8], $0x0  }
0x24: {  	s3 =	sadd.s32 $0x88, s3;
	s6 =	simm.s32 @!p1 $0x1082;
	[sflag:s4] =	ssyncset.s32 $0xFFFFF086  }
0x25: {  	[simem:s6], [sflag:s4] =	dma.local [hbm:s3], $0xF7A  }
0x26: {  	[smem:$0x3F8E] =	sst s1;
	(tag) =	ssettag s2;
	_ =	strace s9  }
0x27: {  	s1 =	sld [smem:$0x3F9E]  }
0x28: {  	s2 =	sld [smem:$0x3F9F]  }
0x29: {  	s4 =	sld [smem:$0x3FA1]  }
0x2a: {  	p0 =	seq.s32 s5, $0x0;
	s5 =	sld [smem:$0x3FA2]  }
0x2b: {  	s6 =	sld [smem:$0x3FA3]  }
0x2c: {  	s7 =	sld [smem:$0x3FA4]  }
0x2d: {  	s3 =	simm.s32 $0x108;
	s8 =	sld [smem:$0x3FA5]  }
0x2e: {  	s3 =	simm.s32 @!p0 $0x1082;
	s9 =	sld [smem:$0x3FA6]  }
0x2f: {  	lr =	sadd.s32 s0, s3;
	s0 =	sld [smem:$0x3F9D]  }
0x30: {  	s3 =	sld [smem:$0x3FA0]  }
0x31: {  	[smem:$0x3FA9] =	sst s10  }
0x32: {  	s10 =	sld [smem:$0x3FA7];
	_ =	sdelay $0x3  }
0x33: {  	p0 =	seq.s32 s10, $0x1;
	s10 =	sld [smem:$0x3FA9];
	_ =	sdelay $0x3  }
0x34: {  	[smem:$0x3FA9] =	sst s10  }
0x35: {  	s10 =	sld [smem:$0x3FA8];
	_ =	sdelay $0x3  }
0x36: {  	p1 =	seq.s32 s10, $0x1;
	s10 =	sld [smem:$0x3FA9];
	_ =	sdelay $0x3  }
0x37: {  	[smem:$0x3FA9] =	sst s10  }
0x38: {  	s10 =	sld [smem:$0x3FAA]  }
0x39: {  	_ = 	snop;
	(pc) =	sbr.ind lr, $3  }
0x3a: {  	_ = 	snop  }
0x3b: {  	_ = 	snop  }
0x3c: {  	p2 =	seq.s32 s10, $0x1;
	s10 =	sld [smem:$0x3FA9]  }
0x3d: {  	_ =	shalt  }
0x3e: {  	_ =	shalt  }
0x3f: {  	_ =	shalt  }
0x40: {  	_ =	shalt  }
0x41: {  	_ =	shalt  }
0x42: {  	_ =	shalt  }
0x43: {  	_ =	shalt  }
0x44: {  	_ =	shalt  }
0x45: {  	_ =	shalt  }
0x46: {  	_ =	shalt  }
0x47: {  	_ =	shalt  }
0x48: {  	_ =	shalt  }
0x49: {  	_ =	shalt  }
0x4a: {  	_ =	shalt  }
0x4b: {  	_ =	shalt  }
0x4c: {  	_ =	shalt  }
0x4d: {  	_ =	shalt  }
0x4e: {  	_ =	shalt  }
0x4f: {  	_ =	shalt  }
0x50: {  	_ =	shalt  }
0x51: {  	_ =	shalt  }
0x52: {  	_ =	shalt  }
0x53: {  	_ =	shalt  }
0x54: {  	_ =	shalt  }
0x55: {  	_ =	shalt  }
0x56: {  	_ =	shalt  }
0x57: {  	_ =	shalt  }
0x58: {  	_ =	shalt  }
0x59: {  	_ =	shalt  }
0x5a: {  	_ =	shalt  }
0x5b: {  	_ =	shalt  }
0x5c: {  	_ =	shalt  }
0x5d: {  	_ =	shalt  }
0x5e: {  	_ =	shalt  }
0x5f: {  	_ =	shalt  }
0x60: {  	_ =	shalt  }
0x61: {  	_ =	shalt  }
0x62: {  	_ =	shalt  }
0x63: {  	_ =	shalt  }
0x64: {  	_ =	shalt  }
0x65: {  	_ =	shalt  }
0x66: {  	_ =	shalt  }
0x67: {  	_ =	shalt  }
0x68: {  	_ =	shalt  }
0x69: {  	_ =	shalt  }
0x6a: {  	_ =	shalt  }
0x6b: {  	_ =	shalt  }
0x6c: {  	_ =	shalt  }
0x6d: {  	_ =	shalt  }
0x6e: {  	_ =	shalt  }
0x6f: {  	_ =	shalt  }
0x70: {  	_ =	shalt  }
0x71: {  	_ =	shalt  }
0x72: {  	_ =	shalt  }
0x73: {  	_ =	shalt  }
0x74: {  	_ =	shalt  }
0x75: {  	_ =	shalt  }
0x76: {  	_ =	shalt  }
0x77: {  	_ =	shalt  }
0x78: {  	_ =	shalt  }
0x79: {  	_ =	shalt  }
0x7a: {  	_ =	shalt  }
0x7b: {  	_ =	shalt  }
0x7c: {  	_ =	shalt  }
0x7d: {  	_ =	shalt  }
0x7e: {  	_ =	shalt  }
0x7f: {  	_ =	shalt  }
0x80: {  	_ =	shalt  }
0x81: {  	_ =	shalt  }
0x82: {  	_ =	shalt  }
0x83: {  	_ =	shalt  }
0x84: {  	_ =	shalt  }
0x85: {  	_ =	shalt  }
0x86: {  	_ =	shalt  }
0x87: {  	_ =	shalt  }
.Lfunc_end0:
.L_simem_size_0:
called_computation.1_lowered:
.L_overlay_start_0:
0x88: {  	s2 =	sld [smem:$0x3FD9]  }
0x89: {  	s3 =	sld [smem:$0x3FFE];
	_ =	sdelay $0x1  }
0x8a: {  	s1 =	srdreg.scid  }
0x8b: {  	s0 =	sand.u32 $0x1, s1  }
0x8c: {  	s14 =	sshll.u32 s0, $0xA;
	s2 =	sadd.s32 s3, s2  }
0x8d: {  	s2 =	sadd.s32 s2, s14  }
0x8e: {  	[smem:$0x3FB5] =	sst s2  }
0x8f: {  	_ = 	snop  }
0x90: {  	s2 =	sld [smem:$0x3FD0];
	_ =	sdelay $0x2  }
0x91: {  	s15 =	simm.s32 $0xA;
	s4 =	simm.s32 $0x10  }
0x92: {  	[smem:s4], [sflag:s15] =	dma.local [hbm:s2], $0x1  }
0x93: {  	_ =	swait.eq [sflag:s15], $0x1  }
0x94: {  	[sflag:s15] =	ssyncset.done $0x0  }
0x95: {  	s16 =	sld [smem:$0x10];
	[sflag:s15] =	ssyncadd.s32 $0xFFFFFFFF  }
0x96: {  	s17 =	sld [smem:$0x11];
	(tm) =	ssettm $0x1  }
0x97: {  	s18 =	sld [smem:$0x3FFB];
	_ =	sdelay $0x3  }
0x98: {  	_ =	strace s18  }
0x99: {  	s4 =	sld [smem:$0x3FFC];
	_ =	sdelay $0x3  }
0x9a: {  	_ =	strace s4  }
0x9b: {  	s4 =	sld [smem:$0x3FFD];
	_ =	sdelay $0x3  }
0x9c: {  	_ =	strace s4  }
0x9d: {  	_ =	strace $0x8FFFFFFF  }
0x9e: {  	s19 =	sld [smem:$0x3FDB];
	_ =	sdelay $0x1  }
0x9f: {  	s5 =	simm.s32 $_scs_section_size  }
0xa0: {  	s6 =	simm.s32 $_size__tile_overlayer_lowered;
	s7 =	simm.s32 $_tile_overlayer_lowered  }
0xa1: {  	s22 =	simm.s32 $0x1BFF;
	s21 =	sshll.u32 s7, $0x1;
	s4 =	sadd.s32 s5, s19  }
0xa2: {  	s8 =	simm.s32 $0x0;
	s20 =	sshll.u32 s6, $0x1;
	s6 =	sadd.s32 s21, s4  }
0xa3: {  	[timem:s8], [sflag:s22] =	dma.local [hbm:s6], s20  }
0xa4: {  	_ =	swait.ge [sflag:s22], s20  }
0xa5: {  	s5 =	ssub.s32 $0x0, s20;
	[sflag:s22] =	ssyncset.done $0x0  }
0xa6: {  	[sflag:s22] =	ssyncadd.s32 s5;
	_ =	sdelay $0x1  }
0xa7: {  	s23 =	simm.s32 $0x1B8B  }
0xa8: {  	_ =	swait.ge [sflag:s23], $0x1  }
0xa9: {  	[sflag:s23] =	ssyncset.done $0x0  }
0xaa: {  	s25 =	simm.s32 $0x1B8E;
	s24 =	sld [smem:$0x3FFE];
	[sflag:s23] =	ssyncadd.s32 $0xFFFFFFFF  }
0xab: {  	s26 =	simm.s32 $execute0_lowered;
	[smem:$0x3FD2] =	sst s25  }
0xac: {  	s6 =	sshll.u32 s26, $0x1;
	_ =	strace $0x80000049;
	[dreg:$0x1] =	wrdreg $0xFFFFFFFF  }
0xad: {  	s28 =	simm.s32 $_size_execute0_lowered;
	s4 =	sadd.s32 s4, s6;
	[dreg:$0x0] =	wrdreg $0x0  }
0xae: {  	s6 =	sshll.u32 s28, $0x1;
	[dreg:$0x2] =	wrdreg s4  }
0xaf: {  	[dreg:$0x3] =	wrdreg s6  }
0xb0: {  	[dreg:$0x4] =	wrdreg $0xC0  }
0xb1: {  	_ =	task [dreg:s8], $0x5FFFF  }
0xb2: {  	[dreg:$0x1] =	wrdreg $0xFFFFFFFF  }
0xb3: {  	[dreg:$0x0] =	wrdreg $0x60  }
0xb4: {  	[dreg:$0x2] =	wrdreg s24  }
0xb5: {  	[dreg:$0x3] =	wrdreg s16  }
0xb6: {  	[dreg:$0x4] =	wrdreg s17  }
0xb7: {  	[dreg:$0x5] =	wrdreg $0x192800  }
0xb8: {  	[dreg:$0x6] =	wrdreg $0x1B2800  }
0xb9: {  	[dreg:$0x7] =	wrdreg $0x1B2C00  }
0xba: {  	[dreg:$0x8] =	wrdreg $0x1B3000  }
0xbb: {  	[dreg:$0x9] =	wrdreg $0x9  }
0xbc: {  	_ =	task.clear_ibuf [dreg:s8], $0xAFFFF;
	_ =	strace $0x90000049  }
0xbd: {  	s29 =	simm.s32 $0x9;
	_ =	strace $0x8000004B  }
0xbe: {  	_ =	swait.ge [sflag:s29], $0x1  }
0xbf: {  	[sflag:s29] =	ssyncadd.s32 $0xFFFFFFFF  }
0xc0: {  	_ =	strace $0x9000004B  }
0xc1: {  	_ =	sfence  }
0xc2: {  	s30 =	sld [smem:$0x0];
	_ =	sdelay $0x2  }
0xc3: {  	s31 =	sshll.u32 s1, $0xD;
	s1 =	sshrl.u32 s1, $0x2  }
0xc4: {  	s3 =	sand.u32 $0x4000, s31;
	s1 =	sadd.s32 s1, s30  }
0xc5: {  	s0 =	sor.u32 s3, s0;
	s1 =	sshll.u32 s1, $0x11  }
0xc6: {  	s0 =	sor.u32 s1, s0  }
0xc7: {  	s0 =	sadd.s32 $0x8F2B, s0  }
0xc8: {  	[sflag:s0] =	ssyncadd.remote.s32 $0x1  }
0xc9: {  	_ =	sfence.sel $0xFFFF  }
0xca: {  	[dreg:$0x0] =	wrdreg $0xFFFFFFFF;
	(pc) =	sbr.abs _section_cstart, $3  }
0xcb: {  	[dreg:$0x1] =	wrdreg $0xFFFFFFFF  }
0xcc: {  	_ =	task.clear_ibuf [dreg:s8], $0x2FFFF;
	_ =	strace $0x9FFFFFFF  }
0xcd: {  	(tm) =	ssettm $0x7FFFFFFF  }
tec
execute0_lowered:
.L_overlay_start_1:
0x0: {  	(tag) =	ssettag $0x1  }
0x1: {  	s0 =	rddreg [dreg:$0x0]  }
0x2: {  	s3 =	rddreg [dreg:$0x1]  }
0x3: {  	s1 =	rddreg [dreg:$0x2]  }
0x4: {  	s2 =	rddreg [dreg:$0x3]  }
0x5: {  	s15 =	rddreg [dreg:$0x4]  }
0x6: {  	s16 =	rddreg [dreg:$0x5]  }
0x7: {  	s20 =	rddreg [dreg:$0x6];
	s4 =	srdreg.scid  }
0x8: {  	s7 =	simm.s32 $0x0;
	s17 =	stileid.u32;
	s4 =	sand.u32 $0x1, s4  }
0x9: {  	[smem:$0x7FF] =	sst s7;
	s6 =	sadd.s32 $0x3800, s0;
	s8 =	sadd.s32 $0x4000, s0  }
0xa: {  	s9 =	sshll.u32 s17, $0xA;
	s10 =	sshll.u32 s17, $0x7;
	s11 =	sshll.u32 s17, $0x6  }
0xb: {  	s5 =	sshll.u32 s4, $0x4;
	_ =	strace $0x8000004A;
	[dreg:$0x8] =	wrdreg s8  }
0xc: {  	s12 =	sand.u32 $0x700, s10;
	s13 =	sshll.u32 s4, $0x7;
	s19 =	sand.u32 $0x40, s11  }
0xd: {  	s10 =	sand.u32 $0x380, s10;
	s9 =	sadd.s32 s9, s0;
	s22 =	ssub.s32 $0x2, s4  }
0xe: {  	s20 =	sadd.s32 s11, s20;
	s5 =	sor.u32 s17, s5;
	s12 =	sor.u32 s13, s12  }
0xf: {  	s23 =	sshrl.u32 s22, $0x1;
	s18 =	sshll.u32 s5, $0xD;
	s14 =	sshll.u32 s5, $0x9  }
0x10: {  	s12 =	sor.u32 s19, s12;
	s5 =	sshll.u32 s5, $0x6;
	s19 =	sshll.u32 s17, $0xD  }
0x11: {  	s8 =	sadd.s32 s18, s0;
	s21 =	sand.u32 $0x3000, s14;
	s12 =	sshrl.u32 s12, $0x3  }
0x12: {  	s24 =	sadd.s32 s6, s5;
	s25 =	sor.u32 $0x10, s5;
	s26 =	sadd.s32 s3, s5  }
0x13: {  	s29 =	sor.u32 $0x20, s5;
	s5 =	sor.u32 $0x30, s5;
	s17 =	sadd.s32 s19, s2  }
0x14: {  	s19 =	sadd.s32 s11, s16;
	s14 =	simm.s32 $0xC00;
	[dreg:$0x9] =	wrdreg s24  }
0x15: {  	s16 =	simm.s32 $0x3;
	[dreg:$0xa] =	wrdreg s26;
	s28 =	sadd.s32 s6, s25  }
0x16: {  	s10 =	sor.u32 s10, s21;
	s13 =	sadd.s32 s3, s25;
	[dreg:$0xb] =	wrdreg s28  }
0x17: {  	s12 =	sadd.s32 s12, s0;
	s30 =	sadd.s32 s6, s29;
	[dreg:$0xc] =	wrdreg s13  }
0x18: {  	s18 =	sadd.s32 s3, s29;
	s6 =	sadd.s32 s6, s5;
	[dreg:$0xd] =	wrdreg s30  }
0x19: {  	s3 =	sadd.s32 s3, s5;
	s21 =	sshll.u32 s4, $0xE;
	[dreg:$0xe] =	wrdreg s18  }
0x1a: {  	s25 =	sadd.s32 $0x25800, s8;
	s26 =	sadd.s32 $0x26000, s8;
	[dreg:$0xf] =	wrdreg s6  }
0x1b: {  	s29 =	sadd.s32 $0x27000, s8;
	s4 =	simm.s32 $0x200;
	[dreg:$0x10] =	wrdreg s3  }
0x1c: {  	s5 =	simm.s32 $0x80;
	s10 =	sshrl.u32 s10, $0x3;
	[dreg:$0x15] =	wrdreg s25  }
0x1d: {  	s18 =	sadd.s32 s11, s15;
	s3 =	sadd.s32 s21, s9;
	[dreg:$0x16] =	wrdreg s26  }
0x1e: {  	s28 =	sadd.s32 $0x26800, s8;
	[dreg:$0x18] =	wrdreg s29;
	s31 =	sadd.s32 $0x6E000, s12  }
0x1f: {  	s6 =	sadd.s32 $0x6E400, s12;
	s25 =	simm.s32 $0x380;
	s8 =	simm.s32 $0x400  }
0x20: {  	s26 =	simm.s32 $0x600;
	s9 =	simm.s32 $0x9280;
	s11 =	simm.s32 $0x1200  }
0x21: {  	s0 =	sadd.s32 s10, s0;
	[dreg:$0x17] =	wrdreg s28;
	s30 =	sadd.s32 $0x66000, s3  }
0x22: {  	s10 =	ssub.s32 s22, s23;
	s22 =	sadd.s32 $0x24000, s0;
	[dreg:$0x19] =	wrdreg s30  }
0x23: {  	s13 =	simm.s32 $0x4;
	s23 =	sadd.s32 $0x25000, s0;
	[dreg:$0x11] =	wrdreg s22  }
0x24: {  	s15 =	simm.s32 $0x2;
	s24 =	sadd.s32 $0x24800, s0;
	[dreg:$0x12] =	wrdreg s23  }
0x25: {  	s21 =	simm.s32 $0x5;
	s0 =	sadd.s32 $0x65800, s0;
	[dreg:$0x13] =	wrdreg s24  }
0x26: {  	s3 =	smax.u32 s10, $0x1;
	s10 =	simm.s32 $0x6;
	[dreg:$0x14] =	wrdreg s0  }
0x27: {  	v0 =	vimm.f32 $0.0e+00;
	v1 =	vimm.f32 $1.000000000e+00;
	s0 =	sadd.s32 $0x6E200, s12;
	s12 =	simm.s32 $0x1;
	s22 =	simm.s32 $0x0  }
.LBB2_1:
0x28: {  	s23 =	rddreg [dreg:$0x9]  }
0x29: {  	[tilespmem:s7], [sflag:$0x1] =	stream.linear.gather [hbm4b:s23+s7], $0x80, $0x38;
	[tilespmem:$0x1B340] =	vst v63  }
0x2a: {  	s30 =	rddreg [dreg:$0xa]  }
0x2b: {  	[tilespmem:s4], [sflag:$0x1] =	stream.linear.gather [hbm4b:s30+s7], $0x80, $0x38;
	[tilespmem:$0x1B340] =	vst v63  }
0x2c: {  	s24 =	rddreg [dreg:$0xb]  }
0x2d: {  	[tilespmem:s5], [sflag:$0x1] =	stream.linear.gather [hbm4b:s24+s7], $0x80, $0x38;
	[tilespmem:$0x1B340] =	vst v63  }
0x2e: {  	s28 =	rddreg [dreg:$0xc];
	s24 =	simm.s32 $0x280  }
0x2f: {  	[tilespmem:s24], [sflag:$0x1] =	stream.linear.gather [hbm4b:s28+s7], $0x80, $0x38;
	[tilespmem:$0x1B340] =	vst v63  }
0x30: {  	s29 =	rddreg [dreg:$0xd];
	s30 =	simm.s32 $0x100  }
0x31: {  	[tilespmem:s30], [sflag:$0x1] =	stream.linear.gather [hbm4b:s29+s7], $0x80, $0x38;
	[tilespmem:$0x1B340] =	vst v63  }
0x32: {  	s24 =	rddreg [dreg:$0xe];
	s28 =	simm.s32 $0x300  }
0x33: {  	[tilespmem:s28], [sflag:$0x1] =	stream.linear.gather [hbm4b:s24+s7], $0x80, $0x38;
	[tilespmem:$0x1B340] =	vst v63  }
0x34: {  	s29 =	rddreg [dreg:$0xf];
	s30 =	simm.s32 $0x180  }
0x35: {  	[tilespmem:s30], [sflag:$0x1] =	stream.linear.gather [hbm4b:s29+s7], $0x80, $0x38;
	[tilespmem:$0x1B340] =	vst v63  }
0x36: {  	s24 =	rddreg [dreg:$0x10]  }
0x37: {  	[tilespmem:s25], [sflag:$0x1] =	stream.linear.gather [hbm4b:s24+s7], $0x80, $0x38;
	[tilespmem:$0x1B340] =	vst v63  }
0x38: {  	s25 =	rddreg [dreg:$0x11]  }
0x39: {  	[tilespmem:s8], [sflag:$0x1] =	stream.strided.gather [hbm4b:s25+s5], $0x200, s8, s5, $0x38;
	[tilespmem:$0x1B340] =	vst v63  }
0x3a: {  	s23 =	simm.s32 $0x0;
	s28 =	rddreg [dreg:$0x12]  }
0x3b: {  	[tilespmem:s26], [sflag:$0x1] =	stream.strided.gather [hbm4b:s28+s5], $0x200, s8, s5, $0x38;
	[tilespmem:$0x1B340] =	vst v63  }
0x3c: {  	s29 =	rddreg [dreg:$0x13];
	s30 =	simm.s32 $0x800;
	s24 =	simm.s32 $0x200  }
0x3d: {  	[tilespmem:s30], [sflag:$0x1] =	stream.strided.gather [hbm4b:s29+s5], $0x200, s8, s5, $0x38;
	[tilespmem:$0x1B340] =	vst v63  }
.LBB2_2:
0x3e: {  	p0 =	sne.s32 s24, $0x7E00;
	[tilespmem:s23+$0x92F0] =	vst v0  }
0x3f: {  	[tilespmem:s23+$0x9280] =	vst v0  }
0x40: {  	[tilespmem:s23+$0x9290] =	vst v0  }
.Ltmp0:
0x41: {  	[tilespmem:s23+$0x92A0] =	vst v0;
	(pc) =	sbr.rel @p0 .LBB2_2-.Ltmp0, $4  }
0x42: {  	[tilespmem:s23+$0x92B0] =	vst v0  }
0x43: {  	[tilespmem:s23+$0x92C0] =	vst v0  }
0x44: {  	[tilespmem:s23+$0x92D0] =	vst v0  }
0x45: {  	[tilespmem:s23+$0x92E0] =	vst v0;
	s23 =	sshra.s32 s24, $0x2;
	s24 =	sadd.s32 $0x200, s24  }
0x46: {  	[tilespmem:s23+$0x92F0] =	vst v0  }
0x47: {  	[tilespmem:s23+$0x9280] =	vst v0  }
0x48: {  	[tilespmem:s23+$0x9290] =	vst v0  }
0x49: {  	[tilespmem:s23+$0x92A0] =	vst v0  }
0x4a: {  	[tilespmem:s23+$0x92B0] =	vst v0  }
0x4b: {  	[tilespmem:s23+$0x92C0] =	vst v0  }
0x4c: {  	[tilespmem:s23+$0x92D0] =	vst v0  }
0x4d: {  	[tilespmem:s23+$0x92E0] =	vst v0  }
0x4e: {  	[tilespmem:$0x1200] =	vst v0  }
0x4f: {  	[tilespmem:$0x1210] =	vst v0  }
0x50: {  	[tilespmem:$0x1220] =	vst v0  }
0x51: {  	[tilespmem:$0x1230] =	vst v0  }
0x52: {  	[tilespmem:$0x1000] =	vst v1  }
0x53: {  	[tilespmem:$0x1010] =	vst v1  }
0x54: {  	[tilespmem:$0x1020] =	vst v1  }
0x55: {  	[tilespmem:$0x1030] =	vst v1  }
0x56: {  	[tilespmem:$0x1040] =	vst v1  }
0x57: {  	[tilespmem:$0x1050] =	vst v1  }
0x58: {  	[tilespmem:$0x1060] =	vst v1  }
0x59: {  	[tilespmem:$0x1070] =	vst v1  }
0x5a: {  	[tilespmem:$0x1080] =	vst v1  }
0x5b: {  	[tilespmem:$0x1090] =	vst v1  }
0x5c: {  	[tilespmem:$0x10A0] =	vst v1  }
0x5d: {  	[tilespmem:$0x10B0] =	vst v1  }
0x5e: {  	[tilespmem:$0x10C0] =	vst v1  }
0x5f: {  	[tilespmem:$0x10D0] =	vst v1  }
0x60: {  	[tilespmem:$0x10E0] =	vst v1  }
0x61: {  	[tilespmem:$0x10F0] =	vst v1  }
0x62: {  	[tilespmem:$0x1100] =	vst v1  }
0x63: {  	[tilespmem:$0x1110] =	vst v1  }
0x64: {  	[tilespmem:$0x1120] =	vst v1  }
0x65: {  	[tilespmem:$0x1130] =	vst v1  }
0x66: {  	[tilespmem:$0x1140] =	vst v1  }
0x67: {  	[tilespmem:$0x1150] =	vst v1  }
0x68: {  	[tilespmem:$0x1160] =	vst v1  }
0x69: {  	[tilespmem:$0x1170] =	vst v1  }
0x6a: {  	[tilespmem:$0x1180] =	vst v1  }
0x6b: {  	[tilespmem:$0x1190] =	vst v1  }
0x6c: {  	[tilespmem:$0x11A0] =	vst v1  }
0x6d: {  	[tilespmem:$0x11B0] =	vst v1  }
0x6e: {  	[tilespmem:$0x11C0] =	vst v1  }
0x6f: {  	[tilespmem:$0x11D0] =	vst v1  }
0x70: {  	[tilespmem:$0x11E0] =	vst v1  }
0x71: {  	[tilespmem:$0x11F0] =	vst v1  }
0x72: {  	[spmem:s17] =	stream.linear.scatter [tilespmem:s9], [sflag:$0x6], $0x2000, $0x38;
	[tilespmem:$0x1B340] =	vst v63  }
0x73: {  	_ =	swait.ge [sflag:s10], $0x2000  }
0x74: {  	[sflag:s10] =	ssyncset.done $0x0  }
0x75: {  	[sflag:s10] =	ssyncadd.s32 $0xFFFFE000  }
0x76: {  	[spmem:s18] =	stream.linear.scatter [tilespmem:s11], [sflag:$0x6], $0x40, $0x38;
	[tilespmem:$0x1B340] =	vst v63  }
0x77: {  	_ =	swait.ge [sflag:s10], $0x40  }
0x78: {  	[sflag:s10] =	ssyncset.done $0x0  }
0x79: {  	[sflag:s10] =	ssyncadd.s32 $0xFFFFFFC0  }
0x7a: {  	[spmem:s19] =	stream.linear.scatter [tilespmem:s11], [sflag:$0x6], $0x40, $0x38;
	[tilespmem:$0x1B340] =	vst v63  }
0x7b: {  	_ =	swait.ge [sflag:s10], $0x40  }
0x7c: {  	[sflag:s10] =	ssyncset.done $0x0  }
0x7d: {  	[sflag:s10] =	ssyncadd.s32 $0xFFFFFFC0  }
0x7e: {  	[spmem:s20] =	stream.linear.scatter [tilespmem:s11], [sflag:$0x6], $0x40, $0x38;
	[tilespmem:$0x1B340] =	vst v63  }
0x7f: {  	_ =	swait.ge [sflag:s10], $0x40  }
0x80: {  	[sflag:s10] =	ssyncset.done $0x0  }
0x81: {  	[sflag:s10] =	ssyncadd.s32 $0xFFFFFFC0  }
0x82: {  	[bflag:$0x0] =	sbarrier.arrive $0xFFFF  }
0x83: {  	_ =	swait.ge [sflag:s12], $0x80  }
0x84: {  	[sflag:s12] =	ssyncset.done $0x0  }
0x85: {  	[sflag:s12] =	ssyncadd.s32 $0xFFFFFF80  }
0x86: {  	_ =	swait.ge [sflag:s12], $0x80  }
0x87: {  	[sflag:s12] =	ssyncset.done $0x0  }
0x88: {  	[sflag:s12] =	ssyncadd.s32 $0xFFFFFF80  }
0x89: {  	_ =	swait.ge [sflag:s12], $0x80  }
0x8a: {  	[sflag:s12] =	ssyncset.done $0x0  }
0x8b: {  	[sflag:s12] =	ssyncadd.s32 $0xFFFFFF80  }
0x8c: {  	_ =	swait.ge [sflag:s12], $0x80  }
0x8d: {  	[sflag:s12] =	ssyncset.done $0x0  }
0x8e: {  	[sflag:s12] =	ssyncadd.s32 $0xFFFFFF80  }
0x8f: {  	_ =	swait.ge [sflag:s12], $0x80  }
0x90: {  	[sflag:s12] =	ssyncset.done $0x0  }
0x91: {  	[sflag:s12] =	ssyncadd.s32 $0xFFFFFF80  }
0x92: {  	_ =	swait.ge [sflag:s12], $0x80  }
0x93: {  	[sflag:s12] =	ssyncset.done $0x0  }
0x94: {  	[sflag:s12] =	ssyncadd.s32 $0xFFFFFF80  }
0x95: {  	_ =	swait.ge [sflag:s12], $0x80  }
0x96: {  	[sflag:s12] =	ssyncset.done $0x0  }
0x97: {  	[sflag:s12] =	ssyncadd.s32 $0xFFFFFF80  }
0x98: {  	_ =	swait.ge [sflag:s12], $0x80  }
0x99: {  	[sflag:s12] =	ssyncset.done $0x0  }
0x9a: {  	[sflag:s12] =	ssyncadd.s32 $0xFFFFFF80  }
0x9b: {  	_ =	swait.ge [sflag:s12], $0x200  }
0x9c: {  	[sflag:s12] =	ssyncset.done $0x0  }
0x9d: {  	[sflag:s12] =	ssyncadd.s32 $0xFFFFFE00  }
0x9e: {  	_ =	swait.ge [sflag:s12], $0x200  }
0x9f: {  	[sflag:s12] =	ssyncset.done $0x0  }
0xa0: {  	[sflag:s12] =	ssyncadd.s32 $0xFFFFFE00  }
0xa1: {  	_ =	swait.ge [sflag:s12], $0x200  }
0xa2: {  	[sflag:s12] =	ssyncset.done $0x0  }
0xa3: {  	s24 =	simm.s32 $0xA00;
	s25 =	rddreg [dreg:$0x8];
	[sflag:s12] =	ssyncadd.s32 $0xFFFFFE00  }
0xa4: {  	[tilespmem:s24], [sflag:$0x4] =	stream.indirect.gather [hbm4b:s25+s4], $0x1, s26, s4, $0xb8;
	[tilespmem:$0x1B340] =	vst v63  }
0xa5: {  	s23 =	simm.s32 $0x0;
	s30 =	simm.s32 $0x1280  }
0xa6: {  	[tilespmem:s30], [sflag:$0x2] =	stream.indirect.gather [hbm4b:s1+s5], $0x80, s23, s5, $0xb8;
	[tilespmem:$0x1B340] =	vst v63  }
0xa7: {  	s25 =	rddreg [dreg:$0x15]  }
0xa8: {  	[tilespmem:s9], [sflag:$0x2] =	stream.linear.gather [hbm4b:s25+s23], $0x4000, $0x38;
	[tilespmem:$0x1B340] =	vst v63  }
0xa9: {  	s26 =	simm.s32 $0x5280  }
0xaa: {  	[tilespmem:s26], [sflag:$0x3] =	stream.indirect.gather [hbm4b:s1+s5], $0x80, s5, s5, $0xb8;
	[tilespmem:$0x1B340] =	vst v63  }
0xab: {  	s30 =	rddreg [dreg:$0x16];
	s25 =	simm.s32 $0xD280  }
0xac: {  	[tilespmem:s25], [sflag:$0x3] =	stream.linear.gather [hbm4b:s30+s23], $0x4000, $0x38;
	[tilespmem:$0x1B340] =	vst v63  }
0xad: {  	_ =	swait.ge [sflag:s13], $0x200  }
0xae: {  	[sflag:s13] =	ssyncset.done $0x0  }
0xaf: {  	[sflag:s13] =	ssyncadd.s32 $0xFFFFFE00  }
0xb0: {  	v2 =	vld [tilespmem:$0xA00]  }
0xb1: {  	v3 =	vld [tilespmem:$0x800]  }
0xb2: {  	v4 =	vld [tilespmem:$0xA10]  }
0xb3: {  	v5 =	vld [tilespmem:$0x810]  }
0xb4: {  	v6 =	vld [tilespmem:$0xA20]  }
0xb5: {  	v7 =	vld [tilespmem:$0x820]  }
0xb6: {  	v8 =	vld [tilespmem:$0xA30]  }
0xb7: {  	v10 =	vld [tilespmem:$0x840];
	v3 =	vsub.f32 v3, v2  }
0xb8: {  	v12 =	vld [tilespmem:$0xA50];
	v5 =	vsub.f32 v5, v4  }
0xb9: {  	vm0 =	vge.f32 v2, $0.0e+00;
	v2 =	vand.u32 $0x7FFFFFFF, v3;
	v3 =	vld [tilespmem:$0x830]  }
0xba: {  	vm9 =	vge.f32 v4, $0.0e+00;
	v4 =	vand.u32 $0x7FFFFFFF, v5;
	v5 =	vld [tilespmem:$0xA40]  }
0xbb: {  	v7 =	vsub.f32 v7, v6;
	v2 =	vnsel vm0, $0x0, v2  }
0xbc: {  	v13 =	vld [tilespmem:$0x850];
	vm10 =	vge.f32 v6, $0.0e+00;
	v4 =	vnsel vm9, $0x0, v4;
	v9 =	vsub.f32 $0.0e+00, v2  }
0xbd: {  	vm11 =	vge.f32 v8, $0.0e+00;
	vm13 =	vge.f32 v12, $0.0e+00;
	v11 =	vsub.f32 $0.0e+00, v4  }
0xbe: {  	v16 =	vld [tilespmem:$0x880];
	v6 =	vand.u32 $0x7FFFFFFF, v7;
	v9 =	vmul.f32 $1.442695020e+00, v9;
	v3 =	vsub.f32 v3, v8  }
0xbf: {  	v6 =	vnsel vm10, $0x0, v6;
	v11 =	vmul.f32 $1.442695020e+00, v11;
	v8 =	vsub.f32 v10, v5;
	v10 =	vld [tilespmem:$0x860]  }
0xc0: {  	v7 =	vsub.f32 $0.0e+00, v6;
	(erf) = vpow2.f32 v9;
	v9 =	vld [tilespmem:$0xA60];
	v3 =	vand.u32 $0x7FFFFFFF, v3  }
0xc1: {  	(erf) = vpow2.f32 v11;
	v11 =	vsub.f32 v13, v12;
	v13 =	vld [tilespmem:$0xA70];
	v3 =	vnsel vm11, $0x0, v3  }
0xc2: {  	vm12 =	vge.f32 v5, $0.0e+00;
	v5 =	vand.u32 $0x7FFFFFFF, v8;
	v8 =	vld [tilespmem:$0x870];
	v14 =	vsub.f32 $0.0e+00, v3  }
0xc3: {  	v7 =	vmul.f32 $1.442695020e+00, v7;
	v12 =	vld [tilespmem:$0xA80];
	v5 =	vnsel vm12, $0x0, v5;
	v11 =	vand.u32 $0x7FFFFFFF, v11  }
0xc4: {  	v15 =	vsub.f32 $0.0e+00, v5;
	v11 =	vnsel vm13, $0x0, v11;
	v14 =	vmul.f32 $1.442695020e+00, v14  }
0xc5: {  	v17 =	vld [tilespmem:$0xA90];
	(erf) = vpow2.f32 v7;
	v7 =	vsub.f32 $0.0e+00, v11  }
0xc6: {  	v10 =	vsub.f32 v10, v9;
	(erf) = vpow2.f32 v14;
	v14 =	vmul.f32 $1.442695020e+00, v15;
	v15 =	vld [tilespmem:$0x890]  }
0xc7: {  	v20 =	vld [tilespmem:$0x8C0];
	vm14 =	vge.f32 v9, $0.0e+00;
	v8 =	vsub.f32 v8, v13;
	vm15 =	vge.f32 v13, $0.0e+00  }
0xc8: {  	v13 =	vsub.f32 v16, v12;
	v16 =	vld [tilespmem:$0xAB0];
	vm4 =	vge.f32 v12, $0.0e+00;
	v9 =	vand.u32 $0x7FFFFFFF, v10  }
0xc9: {  	v7 =	vmul.f32 $1.442695020e+00, v7;
	v10 =	vld [tilespmem:$0xAA0];
	v9 =	vnsel vm14, $0x0, v9;
	v8 =	vand.u32 $0x7FFFFFFF, v8  }
0xca: {  	v12 =	vand.u32 $0x7FFFFFFF, v13;
	(erf) = vpow2.f32 v14;
	v14 =	vld [tilespmem:$0x8A0];
	v8 =	vnsel vm15, $0x0, v8  }
0xcb: {  	v21 =	vld [tilespmem:$0xAD0];
	(erf) = vpow2.f32 v7;
	v7 =	vsub.f32 $0.0e+00, v9;
	v15 =	vsub.f32 v15, v17  }
0xcc: {  	vm5 =	vge.f32 v17, $0.0e+00;
	v13 =	vld [tilespmem:$0x8B0];
	v12 =	vnsel vm4, $0x0, v12;
	v18 =	vsub.f32 $0.0e+00, v8  }
0xcd: {  	v19 =	vsub.f32 $0.0e+00, v12;
	v7 =	vmul.f32 $1.442695020e+00, v7;
	v17 =	vld [tilespmem:$0xAC0];
	v15 =	vand.u32 $0x7FFFFFFF, v15  }
0xce: {  	v23 =	vld [tilespmem:$0xB10];
	vm7 =	vge.f32 v16, $0.0e+00;
	v18 =	vmul.f32 $1.442695020e+00, v18;
	v15 =	vnsel vm5, $0x0, v15  }
0xcf: {  	[tilespmem:$0xE50] =	vst v11;
	v11 =	vld [tilespmem:$0xB30];
	(erf) = vpow2.f32 v7;
	v14 =	vsub.f32 v14, v10;
	v7 =	vsub.f32 $0.0e+00, v15  }
0xd0: {  	vm6 =	vge.f32 v10, $0.0e+00;
	(erf) = vpow2.f32 v18;
	v18 =	vmul.f32 $1.442695020e+00, v19;
	v19 =	vld [tilespmem:$0x8D0]  }
0xd1: {  	v13 =	vsub.f32 v13, v16;
	v10 =	vand.u32 $0x7FFFFFFF, v14;
	v14 =	vld [tilespmem:$0xAE0];
	v7 =	vmul.f32 $1.442695020e+00, v7  }
0xd2: {  	[tilespmem:$0xE00] =	vst v2;
	(erf) = vpow2.f32 v18;
	v10 =	vnsel vm6, $0x0, v10;
	v16 =	vsub.f32 v20, v17;
	v18 =	vld [tilespmem:$0x8E0];
	v20 =	vpop (erf)  }
0xd3: {  	v22 =	vld [tilespmem:$0x900];
	[tilespmem:$0xE10] =	vst v4;
	v4 =	vpop (erf);
	(erf) = vpow2.f32 v7;
	v7 =	vsub.f32 $0.0e+00, v10  }
0xd4: {  	vm9 =	vge.f32 v21, $0.0e+00;
	[tilespmem:$0xE20] =	vst v6;
	v13 =	vand.u32 $0x7FFFFFFF, v13;
	vm8 =	vge.f32 v17, $0.0e+00;
	v17 =	vld [tilespmem:$0x8F0];
	v6 =	vpop (erf)  }
0xd5: {  	vm13 =	vge.f32 v23, $0.0e+00;
	[tilespmem:$0xC20] =	vst v6;
	v6 =	vld [tilespmem:$0x910];
	v2 =	vmul.f32 $1.442695020e+00, v7;
	v7 =	vnsel vm7, $0x0, v13  }
0xd6: {  	[tilespmem:$0xC00] =	vst v20;
	v16 =	vand.u32 $0x7FFFFFFF, v16;
	v13 =	vsub.f32 v19, v21;
	v19 =	vld [tilespmem:$0xAF0];
	v20 =	vsub.f32 $0.0e+00, v7  }
0xd7: {  	[tilespmem:$0xE30] =	vst v3;
	vm15 =	vge.f32 v11, $0.0e+00;
	v16 =	vnsel vm8, $0x0, v16;
	v21 =	vld [tilespmem:$0xB00];
	v18 =	vsub.f32 v18, v14  }
0xd8: {  	[tilespmem:$0xC10] =	vst v4;
	vm10 =	vge.f32 v14, $0.0e+00;
	v4 =	vmul.f32 $1.442695020e+00, v20;
	v20 =	vsub.f32 $0.0e+00, v16  }
0xd9: {  	[tilespmem:$0xE40] =	vst v5;
	v13 =	vand.u32 $0x7FFFFFFF, v13;
	(erf) = vpow2.f32 v2;
	v14 =	vand.u32 $0x7FFFFFFF, v18  }
0xda: {  	[tilespmem:$0xE60] =	vst v9;
	v3 =	vpop (erf);
	v13 =	vnsel vm9, $0x0, v13;
	(erf) = vpow2.f32 v4;
	v4 =	vmul.f32 $1.442695020e+00, v20  }
0xdb: {  	[tilespmem:$0xC30] =	vst v3;
	v5 =	vpop (erf);
	v3 =	vnsel vm10, $0x0, v14;
	v14 =	vld [tilespmem:$0xB20];
	v6 =	vsub.f32 v6, v23;
	v2 =	vsub.f32 $0.0e+00, v13  }
0xdc: {  	[tilespmem:$0xC40] =	vst v5;
	v5 =	vsub.f32 v22, v21;
	(erf) = vpow2.f32 v4;
	v4 =	vsub.f32 v17, v19;
	v17 =	vld [tilespmem:$0x920]  }
0xdd: {  	[tilespmem:$0xE70] =	vst v8;
	vm11 =	vge.f32 v19, $0.0e+00;
	vm12 =	vge.f32 v21, $0.0e+00;
	v2 =	vmul.f32 $1.442695020e+00, v2;
	v19 =	vld [tilespmem:$0x930]  }
0xde: {  	[tilespmem:$0xE80] =	vst v12;
	v18 =	vpop (erf);
	v6 =	vand.u32 $0x7FFFFFFF, v6;
	v5 =	vand.u32 $0x7FFFFFFF, v5;
	v4 =	vand.u32 $0x7FFFFFFF, v4  }
0xdf: {  	[tilespmem:$0xE90] =	vst v15;
	v9 =	vpop (erf);
	(erf) = vpow2.f32 v2;
	v2 =	vsub.f32 $0.0e+00, v3;
	v4 =	vnsel vm11, $0x0, v4  }
0xe0: {  	v15 =	vld [tilespmem:$0xB60];
	[tilespmem:$0xC50] =	vst v18;
	v6 =	vnsel vm13, $0x0, v6;
	v8 =	vpop (erf);
	v5 =	vnsel vm12, $0x0, v5;
	v18 =	vsub.f32 $0.0e+00, v4  }
0xe1: {  	v20 =	vld [tilespmem:$0xB40];
	[tilespmem:$0xC60] =	vst v9;
	v12 =	vpop (erf);
	vm14 =	vge.f32 v14, $0.0e+00;
	v2 =	vmul.f32 $1.442695020e+00, v2;
	v17 =	vsub.f32 v17, v14  }
0xe2: {  	v21 =	vld [tilespmem:$0x940];
	[tilespmem:$0xC80] =	vst v12;
	v12 =	vsub.f32 v19, v11;
	v9 =	vmul.f32 $1.442695020e+00, v18;
	v18 =	vsub.f32 $0.0e+00, v5  }
0xe3: {  	[tilespmem:$0xEA0] =	vst v10;
	v22 =	vld [tilespmem:$0xB50];
	(erf) = vpow2.f32 v2;
	v2 =	vsub.f32 $0.0e+00, v6;
	v14 =	vand.u32 $0x7FFFFFFF, v17  }
0xe4: {  	[tilespmem:$0xC70] =	vst v8;
	v11 =	vand.u32 $0x7FFFFFFF, v12;
	(erf) = vpow2.f32 v9;
	v8 =	vmul.f32 $1.442695020e+00, v18;
	v9 =	vld [tilespmem:$0x950]  }
0xe5: {  	[tilespmem:$0xEC0] =	vst v16;
	v10 =	vnsel vm15, $0x0, v11;
	v11 =	vld [tilespmem:$0xB70]  }
0xe6: {  	[tilespmem:$0xEB0] =	vst v7;
	v2 =	vmul.f32 $1.442695020e+00, v2;
	v18 =	vld [tilespmem:$0x970];
	(erf) = vpow2.f32 v8;
	v8 =	vnsel vm14, $0x0, v14;
	v14 =	vpop (erf)  }
0xe7: {  	vm6 =	vge.f32 v15, $0.0e+00;
	vm4 =	vge.f32 v20, $0.0e+00;
	v12 =	vsub.f32 v21, v20;
	[tilespmem:$0xC90] =	vst v14;
	v14 =	vld [tilespmem:$0x960]  }
0xe8: {  	[tilespmem:$0xED0] =	vst v13;
	vm5 =	vge.f32 v22, $0.0e+00;
	v19 =	vld [tilespmem:$0xB80];
	(erf) = vpow2.f32 v2;
	v2 =	vsub.f32 $0.0e+00, v8;
	v17 =	vpop (erf)  }
0xe9: {  	v20 =	vld [tilespmem:$0x980];
	v12 =	vand.u32 $0x7FFFFFFF, v12;
	[tilespmem:$0xCA0] =	vst v17;
	v17 =	vsub.f32 $0.0e+00, v10;
	v7 =	vpop (erf);
	v9 =	vsub.f32 v9, v22  }
0xea: {  	v21 =	vld [tilespmem:$0xB90];
	v12 =	vnsel vm4, $0x0, v12;
	v2 =	vmul.f32 $1.442695020e+00, v2;
	[tilespmem:$0xCB0] =	vst v7;
	v16 =	vpop (erf);
	vm7 =	vge.f32 v11, $0.0e+00  }
0xeb: {  	v7 =	vmul.f32 $1.442695020e+00, v17;
	v17 =	vsub.f32 $0.0e+00, v12;
	[tilespmem:$0xCC0] =	vst v16;
	v16 =	vld [tilespmem:$0x990];
	v13 =	vpop (erf);
	v9 =	vand.u32 $0x7FFFFFFF, v9  }
0xec: {  	(erf) = vpow2.f32 v2;
	[tilespmem:$0xCD0] =	vst v13;
	v13 =	vsub.f32 v18, v11;
	v14 =	vsub.f32 v14, v15  }
0xed: {  	[tilespmem:$0xEE0] =	vst v3;
	v3 =	vpop (erf);
	v9 =	vnsel vm5, $0x0, v9;
	(erf) = vpow2.f32 v7;
	v7 =	vmul.f32 $1.442695020e+00, v17;
	v15 =	vld [tilespmem:$0x9A0]  }
0xee: {  	[tilespmem:$0xCE0] =	vst v3;
	v2 =	vsub.f32 $0.0e+00, v9;
	v3 =	vand.u32 $0x7FFFFFFF, v13;
	v13 =	vld [tilespmem:$0xBB0];
	v14 =	vand.u32 $0x7FFFFFFF, v14  }
0xef: {  	v11 =	vsub.f32 v20, v19;
	(erf) = vpow2.f32 v7;
	v7 =	vnsel vm6, $0x0, v14;
	v14 =	vld [tilespmem:$0xBA0]  }
0xf0: {  	[tilespmem:$0xEF0] =	vst v4;
	v17 =	vpop (erf);
	v3 =	vnsel vm7, $0x0, v3;
	v2 =	vmul.f32 $1.442695020e+00, v2;
	v4 =	vsub.f32 v16, v21;
	v16 =	vld [tilespmem:$0x9B0]  }
0xf1: {  	vm8 =	vge.f32 v19, $0.0e+00;
	vm9 =	vge.f32 v21, $0.0e+00;
	[tilespmem:$0xCF0] =	vst v17;
	v17 =	vsub.f32 $0.0e+00, v3  }
0xf2: {  	[tilespmem:$0xF00] =	vst v5;
	v11 =	vand.u32 $0x7FFFFFFF, v11;
	v5 =	vpop (erf);
	(erf) = vpow2.f32 v2;
	v2 =	vsub.f32 $0.0e+00, v7  }
0xf3: {  	v18 =	vld [tilespmem:$0xBC0];
	v11 =	vnsel vm8, $0x0, v11;
	[tilespmem:$0xD00] =	vst v5;
	v4 =	vand.u32 $0x7FFFFFFF, v4;
	v5 =	vmul.f32 $1.442695020e+00, v17  }
0xf4: {  	[tilespmem:$0xF10] =	vst v6;
	v19 =	vld [tilespmem:$0x9C0];
	v6 =	vpop (erf);
	v17 =	vsub.f32 $0.0e+00, v11;
	v4 =	vnsel vm9, $0x0, v4;
	v2 =	vmul.f32 $1.442695020e+00, v2  }
0xf5: {  	v20 =	vld [tilespmem:$0xBD0];
	[tilespmem:$0xD10] =	vst v6;
	vm11 =	vge.f32 v13, $0.0e+00;
	v15 =	vsub.f32 v15, v14;
	v6 =	vsub.f32 v16, v13  }
0xf6: {  	v16 =	vld [tilespmem:$0x9D0];
	vm10 =	vge.f32 v14, $0.0e+00;
	(erf) = vpow2.f32 v2;
	v2 =	vsub.f32 $0.0e+00, v4  }
0xf7: {  	[tilespmem:$0xF20] =	vst v8;
	v8 =	vpop (erf);
	(erf) = vpow2.f32 v5;
	v5 =	vmul.f32 $1.442695020e+00, v17;
	v14 =	vand.u32 $0x7FFFFFFF, v15  }
0xf8: {  	v13 =	vld [tilespmem:$0xBE0];
	[tilespmem:$0xD20] =	vst v8;
	v6 =	vand.u32 $0x7FFFFFFF, v6;
	v2 =	vmul.f32 $1.442695020e+00, v2;
	v8 =	vnsel vm10, $0x0, v14  }
0xf9: {  	[tilespmem:$0xF30] =	vst v10;
	v14 =	vld [tilespmem:$0x9E0];
	(erf) = vpow2.f32 v5;
	v5 =	vnsel vm11, $0x0, v6;
	v6 =	vsub.f32 v19, v18  }
0xfa: {  	[tilespmem:$0xF40] =	vst v12;
	vm12 =	vge.f32 v18, $0.0e+00;
	v10 =	vpop (erf);
	v15 =	vld [tilespmem:$0xBF0];
	(erf) = vpow2.f32 v2;
	v2 =	vsub.f32 $0.0e+00, v8  }
0xfb: {  	[tilespmem:$0xD30] =	vst v10;
	v10 =	vsub.f32 $0.0e+00, v5;
	v12 =	vsub.f32 v16, v20;
	v16 =	vld [tilespmem:$0x9F0];
	v6 =	vand.u32 $0x7FFFFFFF, v6  }
0xfc: {  	[tilespmem:$0xF50] =	vst v9;
	vm13 =	vge.f32 v20, $0.0e+00;
	v17 =	vpop (erf);
	v2 =	vmul.f32 $1.442695020e+00, v2;
	v6 =	vnsel vm12, $0x0, v6  }
0xfd: {  	[tilespmem:$0xD40] =	vst v17;
	vm14 =	vge.f32 v13, $0.0e+00;
	v9 =	vpop (erf);
	v10 =	vmul.f32 $1.442695020e+00, v10;
	v17 =	vsub.f32 $0.0e+00, v6  }
0xfe: {  	v12 =	vand.u32 $0x7FFFFFFF, v12;
	[tilespmem:$0xD50] =	vst v9;
	v9 =	vsub.f32 v14, v13;
	(erf) = vpow2.f32 v2  }
0xff: {  	[tilespmem:$0xF60] =	vst v7;
	v2 =	vnsel vm13, $0x0, v12;
	v7 =	vpop (erf);
	(erf) = vpow2.f32 v10;
	v10 =	vmul.f32 $1.442695020e+00, v17  }
0x100: {  	v12 =	vsub.f32 $0.0e+00, v2;
	[tilespmem:$0xD60] =	vst v7;
	v7 =	vand.u32 $0x7FFFFFFF, v9;
	v9 =	vsub.f32 v16, v15  }
0x101: {  	[tilespmem:$0xF70] =	vst v3;
	vm15 =	vge.f32 v15, $0.0e+00;
	v3 =	vpop (erf);
	(erf) = vpow2.f32 v10;
	v7 =	vnsel vm14, $0x0, v7  }
0x102: {  	v10 =	vmul.f32 $1.442695020e+00, v12;
	[tilespmem:$0xD70] =	vst v3;
	v3 =	vsub.f32 $0.0e+00, v7;
	v9 =	vand.u32 $0x7FFFFFFF, v9  }
0x103: {  	[tilespmem:$0xF80] =	vst v11;
	v9 =	vnsel vm15, $0x0, v9  }
0x104: {  	[tilespmem:$0xF90] =	vst v4;
	(erf) = vpow2.f32 v10;
	v3 =	vmul.f32 $1.442695020e+00, v3;
	v10 =	vsub.f32 $0.0e+00, v9  }
0x105: {  	[tilespmem:$0xFA0] =	vst v8  }
0x106: {  	[tilespmem:$0xFB0] =	vst v5;
	v11 =	vpop (erf);
	(erf) = vpow2.f32 v3;
	v3 =	vmul.f32 $1.442695020e+00, v10  }
0x107: {  	[tilespmem:$0xFC0] =	vst v6;
	v4 =	vpop (erf)  }
0x108: {  	[tilespmem:$0xD90] =	vst v4;
	v4 =	vpop (erf);
	(erf) = vpow2.f32 v3  }
0x109: {  	[tilespmem:$0xFD0] =	vst v2  }
0x10a: {  	[tilespmem:$0xFE0] =	vst v7  }
0x10b: {  	[tilespmem:$0xD80] =	vst v11  }
0x10c: {  	[tilespmem:$0xFF0] =	vst v9  }
0x10d: {  	[tilespmem:$0xDA0] =	vst v4;
	v3 =	vpop (erf)  }
0x10e: {  	[tilespmem:$0xDB0] =	vst v3;
	v3 =	vpop (erf)  }
0x10f: {  	[tilespmem:$0xDC0] =	vst v3;
	v3 =	vpop (erf)  }
0x110: {  	[tilespmem:$0xDD0] =	vst v3;
	v2 =	vpop (erf)  }
0x111: {  	[tilespmem:$0xDE0] =	vst v2;
	v2 =	vpop (erf)  }
0x112: {  	s26 =	rddreg [dreg:$0x4];
	[tilespmem:$0xDF0] =	vst v2  }
0x113: {  	[spmem:s26] =	stream.indirect.scatter.add.f32 [tilespmem:s14], [sflag:$0x5], $0x1, s8, s4, $0xb8;
	[tilespmem:$0x1B340] =	vst v63  }
0x114: {  	s25 =	simm.s32 $0xE00;
	s30 =	rddreg [dreg:$0x5]  }
0x115: {  	[spmem:s30] =	stream.indirect.scatter.add.f32 [tilespmem:s25], [sflag:$0x5], $0x1, s8, s4, $0xb8;
	[tilespmem:$0x1B340] =	vst v63  }
0x116: {  	s26 =	rddreg [dreg:$0x6];
	s30 =	simm.s32 $0x1000  }
0x117: {  	[spmem:s26] =	stream.indirect.scatter.add.f32 [tilespmem:s30], [sflag:$0x5], $0x1, s8, s4, $0xb8;
	[tilespmem:$0x1B340] =	vst v63  }
0x118: {  	s30 =	rddreg [dreg:$0x14]  }
0x119: {  	[hbm4b:s30+s5] =	stream.strided.scatter [tilespmem:s25], [sflag:$0x6], $0x200, s8, s5, $0x38;
	[tilespmem:$0x1B340] =	vst v63  }
0x11a: {  	_ =	swait.ge [sflag:s10], $0x200  }
0x11b: {  	[sflag:s10] =	ssyncset.done $0x0  }
0x11c: {  	[sflag:s10] =	ssyncadd.s32 $0xFFFFFE00  }
0x11d: {  	_ =	swait.ge [sflag:s15], $0x4000  }
0x11e: {  	[sflag:s15] =	ssyncset.done $0x0  }
0x11f: {  	s26 =	simm.s32 $0x2;
	[sflag:s15] =	ssyncadd.s32 $0xFFFFC000  }
0x120: {  	v2 =	vmov s26;
	_ =	swait.ge [sflag:s15], $0x4000  }
0x121: {  	v2 =	vand.u32 $0xFFFFFFFE, v2;
	[sflag:s15] =	ssyncset.done $0x0  }
0x122: {  	v3 =	vmov s23;
	s26 =	simm.s32 $0x1380;
	v2 =	vbroadcast v2, $0x0;
	[sflag:s15] =	ssyncadd.s32 $0xFFFFC000  }
0x123: {  	s23 =	simm.s32 $0x9380;
	v3 =	vand.u32 $0xFFFFFFFC, v3;
	v4 =	vld [tilespmem:s26+$0x0]  }
0x124: {  	v3 =	vbroadcast v3, $0x0;
	v5 =	vld [tilespmem:s23+$0x0];
	_ =	sdelay $0x3  }
0x125: {  	s30 =	simm.s32 $0x1;
	v9 =	vld.idx.msk [tilespmem:v2+s14+$0x0], $0xffff  }
0x126: {  	v2 =	vadd.f32 v5, v4;
	v4 =	vmov s30  }
0x127: {  	v6 =	vld.idx.msk [tilespmem:v3+s14+$0x0], $0xffff;
	v3 =	vand.u32 $0xFFFFFFFD, v4  }
0x128: {  	v5 =	vld [tilespmem:s23+$0xFFFFFF00];
	v3 =	vbroadcast v3, $0x0  }
0x129: {  	v4 =	vld [tilespmem:s26+$0xFFFFFF00];
	v2 =	vmax.f32 v2, $0.0e+00  }
0x12a: {  	v7 =	vld [tilespmem:s26+$0xFFFFFF80];
	v2 =	vmul.f32 v2, v9  }
0x12b: {  	v10 =	vld [tilespmem:s23+$0xFFFFFF80]  }
0x12c: {  	s25 =	simm.s32 $0x3;
	[tilespmem:s23+$0x0] =	vst v2;
	v2 =	vld [tilespmem:s23+$0x10]  }
0x12d: {  	v11 =	vmov s25;
	v12 =	vld [tilespmem:s26+$0x10]  }
0x12e: {  	v8 =	vld.idx.msk [tilespmem:v3+s14+$0x0], $0xffff;
	v3 =	vadd.f32 v5, v4;
	_ =	sdelay $0x1  }
0x12f: {  	v7 =	vadd.f32 v10, v7;
	v4 =	vld [tilespmem:s26+$0x80];
	v3 =	vmax.f32 v3, $0.0e+00  }
0x130: {  	v5 =	vld [tilespmem:s23+$0x80];
	v3 =	vmul.f32 v3, v6  }
0x131: {  	v16 =	vld.idx.msk [tilespmem:v11+s14+$0x0], $0xffff;
	v7 =	vmax.f32 v7, $0.0e+00  }
0x132: {  	v10 =	vld [tilespmem:s23+$0xFFFFFF10];
	v2 =	vadd.f32 v2, v12;
	[tilespmem:s23+$0xFFFFFF00] =	vst v3;
	v3 =	vmul.f32 v7, v8  }
0x133: {  	v11 =	vld [tilespmem:s26+$0xFFFFFF10]  }
0x134: {  	v7 =	vld [tilespmem:s23+$0xFFFFFF90];
	v2 =	vmax.f32 v2, $0.0e+00;
	[tilespmem:s23+$0xFFFFFF80] =	vst v3  }
0x135: {  	v4 =	vadd.f32 v5, v4;
	v2 =	vmul.f32 v2, v9;
	v3 =	vld [tilespmem:s26+$0xFFFFFF90];
	_ =	sdelay $0x1  }
0x136: {  	[tilespmem:s23+$0x10] =	vst v2;
	v2 =	vmax.f32 v4, $0.0e+00;
	v4 =	vld [tilespmem:s23+$0x20]  }
0x137: {  	v2 =	vmul.f32 v2, v16;
	v5 =	vld [tilespmem:s26+$0x20];
	v10 =	vadd.f32 v10, v11;
	_ =	sdelay $0x1  }
0x138: {  	v12 =	vld [tilespmem:s23+$0x90];
	[tilespmem:s23+$0x80] =	vst v2;
	v10 =	vmax.f32 v10, $0.0e+00;
	v3 =	vadd.f32 v7, v3  }
0x139: {  	v2 =	vld [tilespmem:s26+$0x90];
	v10 =	vmul.f32 v10, v6  }
0x13a: {  	v15 =	vld [tilespmem:s23+$0xFFFFFF30];
	v3 =	vmax.f32 v3, $0.0e+00  }
0x13b: {  	v11 =	vld [tilespmem:s23+$0xFFFFFF20];
	v4 =	vadd.f32 v4, v5;
	[tilespmem:s23+$0xFFFFFF10] =	vst v10;
	v3 =	vmul.f32 v3, v8  }
0x13c: {  	v10 =	vld [tilespmem:s26+$0xFFFFFF20]  }
0x13d: {  	v7 =	vld [tilespmem:s23+$0xFFFFFFA0];
	v4 =	vmax.f32 v4, $0.0e+00;
	[tilespmem:s23+$0xFFFFFF90] =	vst v3  }
0x13e: {  	v2 =	vadd.f32 v12, v2;
	v3 =	vmul.f32 v4, v9;
	v4 =	vld [tilespmem:s26+$0xFFFFFFA0]  }
0x13f: {  	v14 =	vld [tilespmem:s23+$0xA0]  }
0x140: {  	v18 =	vld [tilespmem:s23+$0xFFFFFF40];
	v2 =	vmax.f32 v2, $0.0e+00  }
0x141: {  	[tilespmem:s23+$0x20] =	vst v3;
	v2 =	vmul.f32 v2, v16;
	v3 =	vld [tilespmem:s23+$0x30];
	v10 =	vadd.f32 v11, v10  }
0x142: {  	v17 =	vld [tilespmem:s26+$0x30]  }
0x143: {  	v20 =	vld [tilespmem:s23+$0xFFFFFFC0];
	[tilespmem:s23+$0x90] =	vst v2;
	v10 =	vmax.f32 v10, $0.0e+00;
	v4 =	vadd.f32 v7, v4  }
0x144: {  	v2 =	vld [tilespmem:s26+$0xA0];
	v7 =	vmul.f32 v10, v6  }
0x145: {  	v13 =	vld [tilespmem:s23+$0xFFFFFFD0];
	v4 =	vmax.f32 v4, $0.0e+00  }
0x146: {  	v21 =	vld [tilespmem:s23+$0xC0];
	[tilespmem:s23+$0xFFFFFF20] =	vst v7;
	v4 =	vmul.f32 v4, v8  }
0x147: {  	v3 =	vadd.f32 v3, v17;
	v7 =	vld [tilespmem:s26+$0xFFFFFF30]  }
0x148: {  	v5 =	vld [tilespmem:s23+$0xFFFFFFB0];
	[tilespmem:s23+$0xFFFFFFA0] =	vst v4  }
0x149: {  	v3 =	vmax.f32 v3, $0.0e+00;
	v2 =	vadd.f32 v14, v2;
	v4 =	vld [tilespmem:s26+$0xFFFFFFB0]  }
0x14a: {  	s24 =	simm.s32 $0x9580;
	v19 =	vld [tilespmem:s23+$0xE0];
	v3 =	vmul.f32 v3, v9  }
0x14b: {  	v25 =	vld [tilespmem:s24+$0x0];
	v2 =	vmax.f32 v2, $0.0e+00  }
0x14c: {  	v12 =	vld [tilespmem:s23+$0xB0];
	[tilespmem:s23+$0x30] =	vst v3;
	v2 =	vmul.f32 v2, v16;
	v3 =	vadd.f32 v15, v7  }
0x14d: {  	v17 =	vld [tilespmem:s26+$0x40]  }
0x14e: {  	v15 =	vld [tilespmem:s23+$0x40];
	[tilespmem:s23+$0xA0] =	vst v2;
	v2 =	vmax.f32 v3, $0.0e+00;
	v3 =	vadd.f32 v5, v4  }
0x14f: {  	v4 =	vld [tilespmem:s26+$0xB0];
	v2 =	vmul.f32 v2, v6  }
0x150: {  	v52 =	vld [tilespmem:s24+$0xFFFFFF00];
	v3 =	vmax.f32 v3, $0.0e+00  }
0x151: {  	v29 =	vld [tilespmem:s24+$0x80];
	[tilespmem:s23+$0xFFFFFF30] =	vst v2;
	v2 =	vmul.f32 v3, v8  }
0x152: {  	v3 =	vld [tilespmem:s26+$0xFFFFFF40]  }
0x153: {  	v53 =	vld [tilespmem:s24+$0x10];
	v5 =	vadd.f32 v15, v17;
	[tilespmem:s23+$0xFFFFFFB0] =	vst v2  }
0x154: {  	v2 =	vadd.f32 v12, v4;
	v4 =	vld [tilespmem:s26+$0xFFFFFFC0]  }
0x155: {  	v55 =	vld [tilespmem:s23+$0x70];
	v5 =	vmax.f32 v5, $0.0e+00  }
0x156: {  	v56 =	vld [tilespmem:s24+$0xFFFFFF10];
	v5 =	vmul.f32 v5, v9;
	v2 =	vmax.f32 v2, $0.0e+00  }
0x157: {  	v57 =	vld [tilespmem:s24+$0xFFFFFF90];
	s30 =	simm.s32 $0x4;
	v2 =	vmul.f32 v2, v16;
	v3 =	vadd.f32 v18, v3  }
0x158: {  	v15 =	vld [tilespmem:s23+$0x50];
	[tilespmem:s23+$0x40] =	vst v5;
	v5 =	vmov s30  }
0x159: {  	[tilespmem:s23+$0xB0] =	vst v2;
	v2 =	vand.u32 $0xFFFFFFFC, v5;
	v5 =	vld [tilespmem:s26+$0x50];
	v3 =	vmax.f32 v3, $0.0e+00;
	v4 =	vadd.f32 v20, v4  }
0x15a: {  	s25 =	simm.s32 $0x5;
	v60 =	vld [tilespmem:s24+$0xFFFFFF20];
	v3 =	vmul.f32 v3, v6  }
0x15b: {  	v62 =	vld [tilespmem:s24+$0x20];
	v12 =	vmov s25;
	v4 =	vmax.f32 v4, $0.0e+00  }
0x15c: {  	v31 =	vld [tilespmem:s24+$0xFFFFFFA0];
	s30 =	simm.s32 $0x6;
	v18 =	vand.u32 $0xFFFFFFFD, v12;
	[tilespmem:s23+$0xFFFFFF40] =	vst v3;
	v3 =	vmul.f32 v4, v8  }
0x15d: {  	v36 =	vld [tilespmem:s24+$0xA0];
	v23 =	vmov s30;
	v4 =	vbroadcast v18, $0x0  }
0x15e: {  	v32 =	vld [tilespmem:s24+$0xFFFFFF30];
	[tilespmem:s23+$0xFFFFFFC0] =	vst v3;
	v3 =	vadd.f32 v15, v5;
	v5 =	vand.u32 $0xFFFFFFFE, v23  }
0x15f: {  	v37 =	vld [tilespmem:s24+$0xFFFFFFB0];
	v5 =	vbroadcast v5, $0x0  }
0x160: {  	v33 =	vld [tilespmem:s24+$0xFFFFFF40];
	s25 =	simm.s32 $0x1580  }
0x161: {  	v24 =	vld [tilespmem:s25+$0x0];
	v3 =	vmax.f32 v3, $0.0e+00  }
0x162: {  	v20 =	vld [tilespmem:s26+$0xC0];
	v23 =	vmul.f32 v3, v9  }
0x163: {  	v3 =	vld.idx.msk [tilespmem:v4+s14+$0x0], $0xffff  }
0x164: {  	v2 =	vbroadcast v2, $0x0;
	[tilespmem:s23+$0x50] =	vst v23;
	v23 =	vld [tilespmem:s23+$0x60]  }
0x165: {  	v4 =	vld.idx.msk [tilespmem:v5+s14+$0x0], $0xffff  }
0x166: {  	v5 =	vld [tilespmem:s26+$0x60]  }
0x167: {  	v26 =	vld [tilespmem:s25+$0xFFFFFF00]  }
0x168: {  	s28 =	simm.s32 $0x7;
	v27 =	vld [tilespmem:s25+$0xFFFFFF80]  }
0x169: {  	v28 =	vmov s28;
	v24 =	vadd.f32 v25, v24;
	v20 =	vadd.f32 v21, v20;
	v21 =	vld [tilespmem:s24+$0xFFFFFF80]  }
0x16a: {  	v2 =	vld.idx.msk [tilespmem:v2+s14+$0x0], $0xffff  }
0x16b: {  	v24 =	vmax.f32 v24, $0.0e+00;
	v5 =	vadd.f32 v23, v5;
	v23 =	vld [tilespmem:s25+$0x80]  }
0x16c: {  	v41 =	vld [tilespmem:s24+$0xFFFFFFC0];
	v25 =	vadd.f32 v52, v26;
	v24 =	vmul.f32 v24, v4  }
0x16d: {  	v11 =	vld [tilespmem:s23+$0xFFFFFF50];
	v5 =	vmax.f32 v5, $0.0e+00  }
0x16e: {  	v25 =	vmax.f32 v25, $0.0e+00;
	v21 =	vadd.f32 v21, v27;
	[tilespmem:s24+$0x0] =	vst v24;
	v30 =	vmul.f32 v5, v9;
	v5 =	vld.idx.msk [tilespmem:v28+s14+$0x0], $0xffff  }
0x16f: {  	v20 =	vmax.f32 v20, $0.0e+00;
	v25 =	vmul.f32 v25, v2;
	v54 =	vld [tilespmem:s25+$0x10]  }
0x170: {  	v14 =	vld [tilespmem:s23+$0xD0];
	v20 =	vmul.f32 v20, v16;
	v21 =	vmax.f32 v21, $0.0e+00;
	v23 =	vadd.f32 v29, v23  }
0x171: {  	v22 =	vld [tilespmem:s26+$0xFFFFFF50];
	[tilespmem:s24+$0xFFFFFF00] =	vst v25;
	v21 =	vmul.f32 v21, v3  }
0x172: {  	[tilespmem:s23+$0xC0] =	vst v20;
	v58 =	vld [tilespmem:s25+$0xFFFFFF10];
	v23 =	vmax.f32 v23, $0.0e+00  }
0x173: {  	v20 =	vld [tilespmem:s26+$0xD0];
	[tilespmem:s24+$0xFFFFFF80] =	vst v21;
	v21 =	vmul.f32 v23, v5  }
0x174: {  	v59 =	vld [tilespmem:s25+$0xFFFFFF90];
	v24 =	vadd.f32 v53, v54  }
0x175: {  	v23 =	vld [tilespmem:s24+$0x90];
	[tilespmem:s24+$0x80] =	vst v21  }
0x176: {  	v11 =	vadd.f32 v11, v22;
	v24 =	vmax.f32 v24, $0.0e+00;
	v21 =	vld [tilespmem:s25+$0x90]  }
0x177: {  	v34 =	vld [tilespmem:s24+$0xC0];
	v61 =	vadd.f32 v56, v58;
	v24 =	vmul.f32 v24, v4  }
0x178: {  	v10 =	vld [tilespmem:s23+$0xFFFFFFE0];
	v11 =	vmax.f32 v11, $0.0e+00;
	v20 =	vadd.f32 v14, v20  }
0x179: {  	v7 =	vld [tilespmem:s23+$0xFFFFFF60];
	v11 =	vmul.f32 v11, v6;
	v25 =	vadd.f32 v57, v59;
	[tilespmem:s24+$0x10] =	vst v24;
	v24 =	vmax.f32 v61, $0.0e+00  }
0x17a: {  	v20 =	vmax.f32 v20, $0.0e+00;
	v63 =	vld [tilespmem:s25+$0x20];
	v24 =	vmul.f32 v24, v2  }
0x17b: {  	v17 =	vld [tilespmem:s23+$0xFFFFFF70];
	[tilespmem:s23+$0xFFFFFF50] =	vst v11;
	v20 =	vmul.f32 v20, v16;
	v25 =	vmax.f32 v25, $0.0e+00;
	v21 =	vadd.f32 v23, v21  }
0x17c: {  	v15 =	vld [tilespmem:s26+$0xFFFFFFD0];
	[tilespmem:s24+$0xFFFFFF10] =	vst v24;
	v23 =	vmul.f32 v25, v3  }
0x17d: {  	[tilespmem:s23+$0xD0] =	vst v20;
	v38 =	vld [tilespmem:s25+$0xFFFFFF20];
	v21 =	vmax.f32 v21, $0.0e+00  }
0x17e: {  	v20 =	vld [tilespmem:s26+$0xFFFFFF60];
	[tilespmem:s24+$0xFFFFFF90] =	vst v23;
	v21 =	vmul.f32 v21, v5  }
0x17f: {  	v26 =	vadd.f32 v62, v63;
	v39 =	vld [tilespmem:s25+$0xFFFFFFA0]  }
0x180: {  	v12 =	vld [tilespmem:s23+$0xFFFFFFF0];
	[tilespmem:s24+$0x90] =	vst v21  }
0x181: {  	v15 =	vadd.f32 v13, v15;
	v26 =	vmax.f32 v26, $0.0e+00;
	v40 =	vld [tilespmem:s25+$0xA0]  }
0x182: {  	v18 =	vld [tilespmem:s23+$0xF0];
	v21 =	vmul.f32 v26, v4;
	v25 =	vadd.f32 v60, v38  }
0x183: {  	v13 =	vld [tilespmem:s24+$0xFFFFFF50];
	v22 =	vmax.f32 v15, $0.0e+00;
	v20 =	vadd.f32 v7, v20  }
0x184: {  	v22 =	vmul.f32 v22, v8;
	[tilespmem:s24+$0x20] =	vst v21;
	v21 =	vld [tilespmem:s24+$0x30];
	v25 =	vmax.f32 v25, $0.0e+00;
	v28 =	vadd.f32 v31, v39  }
0x185: {  	v20 =	vmax.f32 v20, $0.0e+00;
	v42 =	vld [tilespmem:s25+$0x30];
	v25 =	vmul.f32 v25, v2  }
0x186: {  	[tilespmem:s23+$0xFFFFFFD0] =	vst v22;
	v48 =	vld [tilespmem:s26+$0xE0];
	v20 =	vmul.f32 v20, v6;
	v28 =	vmax.f32 v28, $0.0e+00;
	v26 =	vadd.f32 v36, v40  }
0x187: {  	v46 =	vld [tilespmem:s26+$0xFFFFFFE0];
	[tilespmem:s24+$0xFFFFFF20] =	vst v25;
	v43 =	vmul.f32 v28, v3  }
0x188: {  	[tilespmem:s23+$0xFFFFFF60] =	vst v20;
	v44 =	vld [tilespmem:s25+$0xFFFFFF30];
	v14 =	vmax.f32 v26, $0.0e+00  }
0x189: {  	v56 =	vld [tilespmem:s26+$0xFFFFFF70];
	[tilespmem:s24+$0xFFFFFFA0] =	vst v43;
	v45 =	vmul.f32 v14, v5  }
0x18a: {  	v21 =	vadd.f32 v21, v42;
	v22 =	vld [tilespmem:s25+$0xFFFFFFB0]  }
0x18b: {  	v19 =	vadd.f32 v19, v48;
	v23 =	vld [tilespmem:s24+$0xB0];
	[tilespmem:s24+$0xA0] =	vst v45  }
0x18c: {  	v21 =	vmax.f32 v21, $0.0e+00;
	v11 =	vld [tilespmem:s25+$0xB0]  }
0x18d: {  	v15 =	vld [tilespmem:s24+$0xFFFFFFD0];
	[tilespmem:s23+$0x60] =	vst v30;
	v19 =	vmax.f32 v19, $0.0e+00;
	v21 =	vmul.f32 v21, v4;
	v47 =	vadd.f32 v32, v44  }
0x18e: {  	s29 =	simm.s32 $0xB;
	v50 =	vld [tilespmem:s26+$0x70];
	v19 =	vmul.f32 v19, v16  }
0x18f: {  	v59 =	vmov s29;
	[tilespmem:s24+$0x30] =	vst v21;
	v21 =	vld [tilespmem:s24+$0x40];
	v26 =	vmax.f32 v47, $0.0e+00;
	v22 =	vadd.f32 v37, v22  }
0x190: {  	[tilespmem:s23+$0xE0] =	vst v19;
	v25 =	vadd.f32 v10, v46;
	v49 =	vld [tilespmem:s25+$0x40];
	v10 =	vmul.f32 v26, v2  }
0x191: {  	v58 =	vld [tilespmem:s26+$0xF0];
	v17 =	vadd.f32 v17, v56;
	v22 =	vmax.f32 v22, $0.0e+00;
	v23 =	vadd.f32 v23, v11  }
0x192: {  	v60 =	vld [tilespmem:s24+$0x50];
	v7 =	vmax.f32 v25, $0.0e+00;
	[tilespmem:s24+$0xFFFFFF30] =	vst v10;
	v22 =	vmul.f32 v22, v3  }
0x193: {  	v17 =	vmax.f32 v17, $0.0e+00;
	v52 =	vmul.f32 v7, v8;
	v51 =	vld [tilespmem:s25+$0xFFFFFF40];
	v23 =	vmax.f32 v23, $0.0e+00  }
0x194: {  	v17 =	vmul.f32 v17, v6;
	v6 =	vld.idx.msk [tilespmem:v59+s14+$0x0], $0xffff;
	[tilespmem:s24+$0xFFFFFFB0] =	vst v22;
	v22 =	vmul.f32 v23, v5  }
0x195: {  	[tilespmem:s23+$0xFFFFFFE0] =	vst v52;
	v21 =	vadd.f32 v21, v49;
	v23 =	vld [tilespmem:s25+$0xFFFFFFC0]  }
0x196: {  	s28 =	simm.s32 $0x8;
	v53 =	vadd.f32 v55, v50;
	[tilespmem:s24+$0xB0] =	vst v22;
	v22 =	vld [tilespmem:s26+$0xFFFFFFF0]  }
0x197: {  	v55 =	vmov s28;
	v21 =	vmax.f32 v21, $0.0e+00;
	v54 =	vld [tilespmem:s25+$0xC0]  }
0x198: {  	s28 =	simm.s32 $0x9;
	v14 =	vld [tilespmem:s24+$0xD0];
	v20 =	vmul.f32 v21, v4;
	v21 =	vmax.f32 v53, $0.0e+00;
	v25 =	vadd.f32 v33, v51  }
0x199: {  	v57 =	vmov s28;
	v7 =	vld [tilespmem:s24+$0xE0];
	v21 =	vmul.f32 v21, v9  }
0x19a: {  	v11 =	vld [tilespmem:s24+$0xFFFFFF60];
	v9 =	vand.u32 $0xFFFFFFFC, v55;
	[tilespmem:s24+$0x40] =	vst v20;
	v20 =	vmax.f32 v25, $0.0e+00;
	v23 =	vadd.f32 v41, v23  }
0x19b: {  	v19 =	vbroadcast v9, $0x0;
	v9 =	vmul.f32 v20, v2;
	v61 =	vld [tilespmem:s25+$0x50];
	v20 =	vadd.f32 v12, v22  }
0x19c: {  	v18 =	vadd.f32 v18, v58;
	v10 =	vld [tilespmem:s24+$0xFFFFFFE0];
	v23 =	vmax.f32 v23, $0.0e+00;
	v62 =	vadd.f32 v34, v54  }
0x19d: {  	v22 =	vand.u32 $0xFFFFFFFD, v57;
	v12 =	vld [tilespmem:s24+$0xFFFFFF70];
	[tilespmem:s24+$0xFFFFFF40] =	vst v9;
	v23 =	vmul.f32 v23, v3;
	v20 =	vmax.f32 v20, $0.0e+00  }
0x19e: {  	[tilespmem:s23+$0x70] =	vst v21;
	v21 =	vld [tilespmem:s25+$0xFFFFFF50];
	v24 =	vmax.f32 v62, $0.0e+00;
	v63 =	vmul.f32 v20, v8;
	v20 =	vbroadcast v22, $0x0  }
0x19f: {  	v9 =	vld [tilespmem:s24+$0xFFFFFFF0];
	[tilespmem:s24+$0xFFFFFFC0] =	vst v23;
	v24 =	vmul.f32 v24, v5  }
0x1a0: {  	v18 =	vmax.f32 v18, $0.0e+00;
	v22 =	vld [tilespmem:s25+$0xFFFFFFD0];
	v23 =	vadd.f32 v60, v61;
	[tilespmem:s23+$0xFFFFFFF0] =	vst v63  }
0x1a1: {  	s29 =	simm.s32 $0xA;
	s28 =	simm.s32 $0xC;
	v18 =	vmul.f32 v18, v16;
	s26 =	simm.s32 $0x1580;
	v8 =	vld [tilespmem:s24+$0xF0];
	[tilespmem:s24+$0xC0] =	vst v24  }
.LBB2_4:
0x1a2: {  	p0 =	slt.u32 s28, $0x7C;
	v24 =	vmov s29;
	v23 =	vmax.f32 v23, $0.0e+00;
	v25 =	vld [tilespmem:s25+$0xD0];
	[tilespmem:s23+$0xFFFFFF70] =	vst v17  }
0x1a3: {  	v16 =	vld.idx.msk [tilespmem:v19+s14+$0x0], $0xffff;
	v19 =	vand.u32 $0xFFFFFFFE, v24;
	v13 =	vadd.f32 v13, v21;
	v21 =	vmul.f32 v23, v4;
	[tilespmem:s23+$0xF0] =	vst v18;
	s23 =	smov.u32 s24  }
0x1a4: {  	v17 =	vld.idx.msk [tilespmem:v20+s14+$0x0], $0xffff;
	v18 =	vbroadcast v19, $0x0  }
0x1a5: {  	v13 =	vmax.f32 v13, $0.0e+00;
	v15 =	vadd.f32 v15, v22;
	[tilespmem:s24+$0x50] =	vst v21;
	v19 =	vld [tilespmem:s24+$0x60]  }
0x1a6: {  	s25 =	sadd.s32 $0x200, s25;
	v13 =	vmul.f32 v13, v2;
	v20 =	vld [tilespmem:s26+$0x60]  }
0x1a7: {  	s24 =	sadd.s32 $0x200, s24;
	v21 =	vld [tilespmem:s25+$0x0];
	v15 =	vmax.f32 v15, $0.0e+00;
	v14 =	vadd.f32 v14, v25  }
0x1a8: {  	v22 =	vld [tilespmem:s24+$0x0];
	[tilespmem:s23+$0xFFFFFF50] =	vst v13;
	v13 =	vmul.f32 v15, v3  }
0x1a9: {  	v15 =	vld [tilespmem:s25+$0xFFFFFF00];
	v14 =	vmax.f32 v14, $0.0e+00  }
0x1aa: {  	v18 =	vld.idx.msk [tilespmem:v18+s14+$0x0], $0xffff;
	[tilespmem:s23+$0xFFFFFFD0] =	vst v13;
	v13 =	vmul.f32 v14, v5  }
0x1ab: {  	v14 =	vld [tilespmem:s24+$0xFFFFFF00];
	v19 =	vadd.f32 v19, v20  }
0x1ac: {  	v20 =	vld [tilespmem:s25+$0xFFFFFF80];
	[tilespmem:s23+$0xD0] =	vst v13  }
0x1ad: {  	v13 =	vld [tilespmem:s24+$0xFFFFFF80];
	v21 =	vadd.f32 v22, v21;
	v19 =	vmax.f32 v19, $0.0e+00  }
0x1ae: {  	v22 =	vld [tilespmem:s25+$0x80];
	v19 =	vmul.f32 v19, v4  }
0x1af: {  	v21 =	vmax.f32 v21, $0.0e+00;
	v23 =	vld [tilespmem:s24+$0x80]  }
0x1b0: {  	v14 =	vadd.f32 v14, v15;
	v15 =	vmul.f32 v21, v18;
	[tilespmem:s23+$0x60] =	vst v19;
	v19 =	vld [tilespmem:s23+$0x70]  }
0x1b1: {  	v21 =	vld [tilespmem:s26+$0x70]  }
0x1b2: {  	v14 =	vmax.f32 v14, $0.0e+00;
	v13 =	vadd.f32 v13, v20;
	[tilespmem:s24+$0x0] =	vst v15;
	v15 =	vld [tilespmem:s24+$0x10]  }
0x1b3: {  	v14 =	vmul.f32 v14, v16;
	v20 =	vld [tilespmem:s25+$0x10]  }
0x1b4: {  	v24 =	vld [tilespmem:s24+$0xFFFFFF10];
	v13 =	vmax.f32 v13, $0.0e+00;
	v22 =	vadd.f32 v23, v22  }
0x1b5: {  	[tilespmem:s24+$0xFFFFFF00] =	vst v14;
	v13 =	vmul.f32 v13, v17;
	v14 =	vld [tilespmem:s24+$0xFFFFFF90]  }
0x1b6: {  	v23 =	vld [tilespmem:s25+$0xFFFFFF10];
	v22 =	vmax.f32 v22, $0.0e+00;
	v19 =	vadd.f32 v19, v21  }
0x1b7: {  	[tilespmem:s24+$0xFFFFFF80] =	vst v13;
	v13 =	vmul.f32 v22, v6;
	v21 =	vld [tilespmem:s24+$0x90]  }
0x1b8: {  	v22 =	vld [tilespmem:s25+$0xFFFFFF90];
	v15 =	vadd.f32 v15, v20;
	v19 =	vmax.f32 v19, $0.0e+00  }
0x1b9: {  	v20 =	vld [tilespmem:s24+$0xFFFFFF20];
	[tilespmem:s24+$0x80] =	vst v13;
	v13 =	vmul.f32 v19, v4;
	v4 =	vmov v18  }
0x1ba: {  	v15 =	vmax.f32 v15, $0.0e+00;
	v18 =	vld [tilespmem:s25+$0x90]  }
0x1bb: {  	v19 =	vadd.f32 v24, v23;
	v23 =	vld [tilespmem:s24+$0xFFFFFFA0];
	v15 =	vmul.f32 v15, v4;
	[tilespmem:s23+$0x70] =	vst v13  }
0x1bc: {  	v24 =	vld [tilespmem:s24+$0xA0]  }
0x1bd: {  	v13 =	vmax.f32 v19, $0.0e+00;
	v14 =	vadd.f32 v14, v22;
	[tilespmem:s24+$0x10] =	vst v15;
	v15 =	vld [tilespmem:s24+$0x20]  }
0x1be: {  	v13 =	vmul.f32 v13, v16;
	v19 =	vld [tilespmem:s25+$0x20]  }
0x1bf: {  	v22 =	vld [tilespmem:s24+$0xFFFFFF30];
	v14 =	vmax.f32 v14, $0.0e+00;
	v18 =	vadd.f32 v21, v18  }
0x1c0: {  	[tilespmem:s24+$0xFFFFFF10] =	vst v13;
	v13 =	vmul.f32 v14, v17;
	v21 =	vld [tilespmem:s24+$0xFFFFFFB0]  }
0x1c1: {  	v14 =	vld [tilespmem:s25+$0xFFFFFF20];
	v18 =	vmax.f32 v18, $0.0e+00  }
0x1c2: {  	[tilespmem:s24+$0xFFFFFF90] =	vst v13;
	v13 =	vmul.f32 v18, v6;
	v18 =	vld [tilespmem:s24+$0xB0]  }
0x1c3: {  	v25 =	vld [tilespmem:s25+$0xFFFFFFA0];
	v15 =	vadd.f32 v15, v19  }
0x1c4: {  	v19 =	vld [tilespmem:s24+$0xFFFFFF40];
	[tilespmem:s24+$0x90] =	vst v13  }
0x1c5: {  	v13 =	vmax.f32 v15, $0.0e+00;
	v15 =	vld [tilespmem:s25+$0xA0]  }
0x1c6: {  	v14 =	vadd.f32 v20, v14;
	v20 =	vld [tilespmem:s24+$0xFFFFFFC0];
	v13 =	vmul.f32 v13, v4  }
0x1c7: {  	v26 =	vld [tilespmem:s24+$0xC0]  }
0x1c8: {  	v14 =	vmax.f32 v14, $0.0e+00;
	v23 =	vadd.f32 v23, v25;
	[tilespmem:s24+$0x20] =	vst v13;
	v25 =	vld [tilespmem:s24+$0x30]  }
0x1c9: {  	v14 =	vmul.f32 v14, v16;
	v27 =	vld [tilespmem:s25+$0x30]  }
0x1ca: {  	v13 =	vld [tilespmem:s24+$0xFFFFFF50];
	v23 =	vmax.f32 v23, $0.0e+00;
	v24 =	vadd.f32 v24, v15  }
0x1cb: {  	[tilespmem:s24+$0xFFFFFF20] =	vst v14;
	v14 =	vmul.f32 v23, v17;
	v15 =	vld [tilespmem:s24+$0xFFFFFFD0]  }
0x1cc: {  	v23 =	vld [tilespmem:s25+$0xFFFFFF30];
	v24 =	vmax.f32 v24, $0.0e+00  }
0x1cd: {  	[tilespmem:s24+$0xFFFFFFA0] =	vst v14;
	v24 =	vmul.f32 v24, v6;
	v14 =	vld [tilespmem:s24+$0xD0]  }
0x1ce: {  	v28 =	vld [tilespmem:s25+$0xFFFFFFB0];
	v25 =	vadd.f32 v25, v27  }
0x1cf: {  	[tilespmem:s24+$0xA0] =	vst v24;
	v24 =	vld [tilespmem:s26+$0xFFFFFFE0]  }
0x1d0: {  	v25 =	vmax.f32 v25, $0.0e+00;
	v27 =	vld [tilespmem:s25+$0xB0]  }
0x1d1: {  	v22 =	vadd.f32 v22, v23;
	v23 =	vmul.f32 v25, v4;
	v25 =	vld [tilespmem:s26+$0xFFFFFF60]  }
0x1d2: {  	v29 =	vld [tilespmem:s26+$0xE0]  }
0x1d3: {  	v22 =	vmax.f32 v22, $0.0e+00;
	v21 =	vadd.f32 v21, v28;
	[tilespmem:s24+$0x30] =	vst v23;
	v23 =	vld [tilespmem:s24+$0x40]  }
0x1d4: {  	v22 =	vmul.f32 v22, v16;
	v28 =	vld [tilespmem:s25+$0x40];
	v24 =	vadd.f32 v10, v24  }
0x1d5: {  	v30 =	vld [tilespmem:s24+$0xFFFFFF60];
	v10 =	vmax.f32 v21, $0.0e+00;
	v18 =	vadd.f32 v18, v27  }
0x1d6: {  	[tilespmem:s24+$0xFFFFFF30] =	vst v22;
	v21 =	vmul.f32 v10, v17;
	v10 =	vld [tilespmem:s24+$0xFFFFFFE0];
	v11 =	vadd.f32 v11, v25;
	v22 =	vmax.f32 v24, $0.0e+00  }
0x1d7: {  	v24 =	vld [tilespmem:s25+$0xFFFFFF40];
	v18 =	vmax.f32 v18, $0.0e+00;
	v22 =	vmul.f32 v22, v3;
	v25 =	vadd.f32 v7, v29  }
0x1d8: {  	[tilespmem:s24+$0xFFFFFFB0] =	vst v21;
	v18 =	vmul.f32 v18, v6;
	v7 =	vld [tilespmem:s24+$0xE0];
	v29 =	vmax.f32 v11, $0.0e+00  }
0x1d9: {  	v21 =	vld [tilespmem:s25+$0xFFFFFFC0];
	v23 =	vadd.f32 v23, v28;
	v27 =	vmul.f32 v29, v2;
	[tilespmem:s23+$0xFFFFFFE0] =	vst v22;
	v25 =	vmax.f32 v25, $0.0e+00  }
0x1da: {  	[tilespmem:s24+$0xB0] =	vst v18;
	v18 =	vld [tilespmem:s26+$0xFFFFFFF0];
	v22 =	vmul.f32 v25, v5;
	v11 =	vmov v30  }
0x1db: {  	v23 =	vmax.f32 v23, $0.0e+00;
	v25 =	vld [tilespmem:s25+$0xC0];
	[tilespmem:s23+$0xFFFFFF60] =	vst v27  }
0x1dc: {  	s29 =	sadd.s32 $0x1, s28;
	s30 =	sadd.s32 $0x3, s28;
	v27 =	vmov s28;
	v24 =	vadd.f32 v19, v24;
	v23 =	vmul.f32 v23, v4;
	v28 =	vld [tilespmem:s26+$0xFFFFFF70];
	[tilespmem:s23+$0xE0] =	vst v22  }
0x1dd: {  	v19 =	vand.u32 $0xFFFFFFFC, v27;
	v22 =	vmov s29;
	v27 =	vmov s30;
	v29 =	vld [tilespmem:s26+$0xF0];
	s26 =	smov.u32 s25  }
0x1de: {  	v19 =	vbroadcast v19, $0x0;
	v24 =	vmax.f32 v24, $0.0e+00;
	v21 =	vadd.f32 v20, v21;
	[tilespmem:s24+$0x40] =	vst v23;
	v23 =	vld [tilespmem:s24+$0x50]  }
0x1df: {  	v20 =	vand.u32 $0xFFFFFFFD, v22;
	v22 =	vmul.f32 v24, v16;
	v24 =	vld [tilespmem:s25+$0x50];
	v18 =	vadd.f32 v9, v18  }
0x1e0: {  	v20 =	vbroadcast v20, $0x0;
	v30 =	vld [tilespmem:s24+$0xFFFFFF70];
	v9 =	vmax.f32 v21, $0.0e+00;
	v25 =	vadd.f32 v26, v25  }
.Ltmp1:
0x1e1: {  	[tilespmem:s24+$0xFFFFFF40] =	vst v22;
	v22 =	vmul.f32 v9, v17;
	v9 =	vld [tilespmem:s24+$0xFFFFFFF0];
	v12 =	vadd.f32 v12, v28;
	v18 =	vmax.f32 v18, $0.0e+00;
	(pc) =	sbr.rel @p0 .LBB2_4-.Ltmp1, $4  }
0x1e2: {  	v21 =	vld [tilespmem:s25+$0xFFFFFF50];
	v25 =	vmax.f32 v25, $0.0e+00;
	v18 =	vmul.f32 v18, v3;
	v26 =	vadd.f32 v8, v29;
	v3 =	vmovc v17  }
0x1e3: {  	[tilespmem:s24+$0xFFFFFFC0] =	vst v22;
	v25 =	vmul.f32 v25, v6;
	v8 =	vld [tilespmem:s24+$0xF0];
	v28 =	vmax.f32 v12, $0.0e+00  }
0x1e4: {  	v22 =	vld [tilespmem:s25+$0xFFFFFFD0];
	v23 =	vadd.f32 v23, v24;
	v17 =	vmul.f32 v28, v2;
	[tilespmem:s23+$0xFFFFFFF0] =	vst v18;
	v24 =	vmax.f32 v26, $0.0e+00;
	v2 =	vmovc v16  }
0x1e5: {  	s29 =	sadd.s32 $0x2, s28;
	s28 =	sadd.s32 $0x4, s28;
	[tilespmem:s24+$0xC0] =	vst v25;
	v18 =	vmul.f32 v24, v5;
	v12 =	vmov v30;
	v5 =	vmov v6;
	v6 =	vld.idx.msk [tilespmem:v27+s14+$0x0], $0xffff  }
0x1e6: {  	v16 =	vmov s29  }
0x1e7: {  	v16 =	vand.u32 $0xFFFFFFFE, v16  }
0x1e8: {  	s30 =	sadd.s32 $0x200, s25;
	v24 =	vbroadcast v16, $0x0  }
0x1e9: {  	s28 =	sadd.s32 $0x200, s24;
	v25 =	vld [tilespmem:s30+$0x0]  }
0x1ea: {  	v26 =	vld [tilespmem:s28+$0x0]  }
0x1eb: {  	v27 =	vld [tilespmem:s30+$0xFFFFFF00]  }
0x1ec: {  	v28 =	vld [tilespmem:s30+$0xFFFFFF80]  }
0x1ed: {  	v16 =	vld.idx.msk [tilespmem:v19+s14+$0x0], $0xffff  }
0x1ee: {  	v19 =	vld.idx.msk [tilespmem:v24+s14+$0x0], $0xffff  }
0x1ef: {  	v24 =	vld [tilespmem:s28+$0xFFFFFF00]  }
0x1f0: {  	v29 =	vld [tilespmem:s28+$0xFFFFFF80]  }
0x1f1: {  	v30 =	vld [tilespmem:s28+$0x80]  }
0x1f2: {  	v25 =	vadd.f32 v26, v25;
	v26 =	vld [tilespmem:s30+$0x80]  }
0x1f3: {  	v20 =	vld.idx.msk [tilespmem:v20+s14+$0x0], $0xffff  }
0x1f4: {  	v24 =	vadd.f32 v24, v27  }
0x1f5: {  	v25 =	vmax.f32 v25, $0.0e+00;
	v27 =	vadd.f32 v29, v28  }
0x1f6: {  	v57 =	vld [tilespmem:s28+$0xFFFFFF10];
	v25 =	vmul.f32 v25, v19;
	v24 =	vmax.f32 v24, $0.0e+00  }
0x1f7: {  	v31 =	vld [tilespmem:s28+$0x90];
	v26 =	vadd.f32 v30, v26;
	v27 =	vmax.f32 v27, $0.0e+00;
	v24 =	vmul.f32 v24, v16  }
0x1f8: {  	[tilespmem:s28+$0x0] =	vst v25;
	v25 =	vld [tilespmem:s28+$0x10];
	v27 =	vmul.f32 v27, v20  }
0x1f9: {  	v26 =	vmax.f32 v26, $0.0e+00;
	v56 =	vld [tilespmem:s30+$0x10];
	[tilespmem:s28+$0xFFFFFF00] =	vst v24  }
0x1fa: {  	v26 =	vmul.f32 v26, v6;
	v24 =	vld [tilespmem:s28+$0xFFFFFF90];
	[tilespmem:s28+$0xFFFFFF80] =	vst v27  }
0x1fb: {  	v27 =	vld [tilespmem:s30+$0xFFFFFF90]  }
0x1fc: {  	[tilespmem:s28+$0x80] =	vst v26;
	v58 =	vld [tilespmem:s30+$0xFFFFFF10]  }
0x1fd: {  	v26 =	vld [tilespmem:s30+$0x90];
	_ =	sdelay $0x1  }
0x1fe: {  	v25 =	vadd.f32 v25, v56  }
0x1ff: {  	v24 =	vadd.f32 v24, v27  }
0x200: {  	v60 =	vld [tilespmem:s28+$0xFFFFFFA0];
	v25 =	vmax.f32 v25, $0.0e+00;
	v59 =	vadd.f32 v57, v58  }
0x201: {  	v61 =	vld [tilespmem:s28+$0xA0];
	v26 =	vadd.f32 v31, v26;
	v25 =	vmul.f32 v25, v19;
	v24 =	vmax.f32 v24, $0.0e+00  }
0x202: {  	v27 =	vld [tilespmem:s28+$0xFFFFFF20];
	v28 =	vmax.f32 v59, $0.0e+00;
	v24 =	vmul.f32 v24, v20  }
0x203: {  	v26 =	vmax.f32 v26, $0.0e+00;
	[tilespmem:s28+$0x10] =	vst v25;
	v25 =	vld [tilespmem:s28+$0x20];
	v28 =	vmul.f32 v28, v16  }
0x204: {  	v62 =	vld [tilespmem:s30+$0x20];
	[tilespmem:s28+$0xFFFFFF90] =	vst v24;
	v24 =	vmul.f32 v26, v6  }
0x205: {  	[tilespmem:s28+$0xFFFFFF10] =	vst v28;
	v26 =	vld [tilespmem:s30+$0xFFFFFFA0]  }
0x206: {  	v28 =	vld [tilespmem:s30+$0xFFFFFF20];
	[tilespmem:s28+$0x90] =	vst v24  }
0x207: {  	v24 =	vld [tilespmem:s30+$0xA0];
	_ =	sdelay $0x1  }
0x208: {  	v25 =	vadd.f32 v25, v62  }
0x209: {  	v26 =	vadd.f32 v60, v26  }
0x20a: {  	v63 =	vld [tilespmem:s28+$0xFFFFFF30];
	v25 =	vmax.f32 v25, $0.0e+00;
	v27 =	vadd.f32 v27, v28  }
0x20b: {  	v36 =	vld [tilespmem:s28+$0xFFFFFFB0];
	v25 =	vmul.f32 v25, v19;
	v26 =	vmax.f32 v26, $0.0e+00;
	v24 =	vadd.f32 v61, v24  }
0x20c: {  	v37 =	vld [tilespmem:s28+$0xB0];
	v27 =	vmax.f32 v27, $0.0e+00;
	v26 =	vmul.f32 v26, v20  }
0x20d: {  	[tilespmem:s28+$0x20] =	vst v25;
	v25 =	vld [tilespmem:s28+$0x30];
	v27 =	vmul.f32 v27, v16;
	v24 =	vmax.f32 v24, $0.0e+00  }
0x20e: {  	v23 =	vmax.f32 v23, $0.0e+00;
	v38 =	vld [tilespmem:s30+$0x30];
	[tilespmem:s28+$0xFFFFFFA0] =	vst v26;
	v24 =	vmul.f32 v24, v6  }
0x20f: {  	v23 =	vmul.f32 v23, v4;
	[tilespmem:s28+$0xFFFFFF20] =	vst v27;
	v26 =	vld [tilespmem:s30+$0xFFFFFFB0]  }
0x210: {  	v27 =	vld [tilespmem:s30+$0xFFFFFF30];
	[tilespmem:s28+$0xA0] =	vst v24  }
0x211: {  	[tilespmem:s24+$0x50] =	vst v23;
	v23 =	vld [tilespmem:s30+$0xB0];
	_ =	sdelay $0x1  }
0x212: {  	v43 =	vld [tilespmem:s25+$0xD0];
	v25 =	vadd.f32 v25, v38  }
0x213: {  	v39 =	vld [tilespmem:s28+$0xFFFFFF40];
	v26 =	vadd.f32 v36, v26  }
0x214: {  	v40 =	vld [tilespmem:s28+$0xFFFFFFC0];
	v25 =	vmax.f32 v25, $0.0e+00;
	v27 =	vadd.f32 v63, v27  }
0x215: {  	v41 =	vld [tilespmem:s28+$0xC0];
	v25 =	vmul.f32 v25, v19;
	v26 =	vmax.f32 v26, $0.0e+00;
	v23 =	vadd.f32 v37, v23  }
0x216: {  	v45 =	vld [tilespmem:s28+$0xFFFFFF50];
	v27 =	vmax.f32 v27, $0.0e+00;
	v26 =	vmul.f32 v26, v20  }
0x217: {  	[tilespmem:s28+$0x30] =	vst v25;
	v25 =	vld [tilespmem:s28+$0x40];
	v27 =	vmul.f32 v27, v16;
	v23 =	vmax.f32 v23, $0.0e+00  }
0x218: {  	v42 =	vld [tilespmem:s30+$0x40];
	[tilespmem:s28+$0xFFFFFFB0] =	vst v26;
	v23 =	vmul.f32 v23, v6  }
0x219: {  	v13 =	vadd.f32 v13, v21;
	[tilespmem:s28+$0xFFFFFF30] =	vst v27;
	v26 =	vld [tilespmem:s30+$0xFFFFFFC0]  }
0x21a: {  	v15 =	vadd.f32 v15, v22;
	v27 =	vld [tilespmem:s30+$0xFFFFFF40];
	[tilespmem:s28+$0xB0] =	vst v23  }
0x21b: {  	v13 =	vmax.f32 v13, $0.0e+00;
	v14 =	vadd.f32 v14, v43;
	v23 =	vld [tilespmem:s30+$0xC0]  }
0x21c: {  	v46 =	vld [tilespmem:s28+$0xFFFFFFD0];
	v13 =	vmul.f32 v13, v2;
	v15 =	vmax.f32 v15, $0.0e+00  }
0x21d: {  	v21 =	vld [tilespmem:s28+$0x50];
	v15 =	vmul.f32 v15, v3;
	v14 =	vmax.f32 v14, $0.0e+00;
	v25 =	vadd.f32 v25, v42  }
0x21e: {  	v22 =	vld [tilespmem:s28+$0xD0];
	[tilespmem:s24+$0xFFFFFF50] =	vst v13;
	v14 =	vmul.f32 v14, v5;
	v26 =	vadd.f32 v40, v26  }
0x21f: {  	v32 =	vld [tilespmem:s26+$0x60];
	[tilespmem:s24+$0xFFFFFFD0] =	vst v15;
	v25 =	vmax.f32 v25, $0.0e+00;
	v27 =	vadd.f32 v39, v27  }
0x220: {  	[tilespmem:s24+$0xD0] =	vst v14;
	v14 =	vld [tilespmem:s26+$0xFFFFFF60];
	v25 =	vmul.f32 v25, v19;
	v26 =	vmax.f32 v26, $0.0e+00;
	v23 =	vadd.f32 v41, v23  }
0x221: {  	v13 =	vld [tilespmem:s26+$0xFFFFFFE0];
	v27 =	vmax.f32 v27, $0.0e+00;
	v26 =	vmul.f32 v26, v20  }
0x222: {  	v24 =	vld [tilespmem:s24+$0x60];
	[tilespmem:s28+$0x40] =	vst v25;
	v25 =	vmul.f32 v27, v16;
	v23 =	vmax.f32 v23, $0.0e+00  }
0x223: {  	v27 =	vld [tilespmem:s30+$0x50];
	[tilespmem:s28+$0xFFFFFFC0] =	vst v26;
	v23 =	vmul.f32 v23, v6  }
0x224: {  	[tilespmem:s28+$0xFFFFFF40] =	vst v25;
	v25 =	vld [tilespmem:s30+$0xFFFFFFD0]  }
0x225: {  	v11 =	vadd.f32 v11, v14;
	v26 =	vld [tilespmem:s30+$0xFFFFFF50];
	[tilespmem:s28+$0xC0] =	vst v23  }
0x226: {  	v15 =	vld [tilespmem:s30+$0xD0]  }
0x227: {  	v47 =	vld [tilespmem:s28+$0xFFFFFFE0];
	v11 =	vmax.f32 v11, $0.0e+00;
	v24 =	vadd.f32 v24, v32  }
0x228: {  	v10 =	vadd.f32 v10, v13;
	v13 =	vld [tilespmem:s28+$0xE0];
	v11 =	vmul.f32 v11, v2;
	v21 =	vadd.f32 v21, v27  }
0x229: {  	v24 =	vmax.f32 v24, $0.0e+00;
	v23 =	vld [tilespmem:s26+$0xE0];
	v25 =	vadd.f32 v46, v25  }
0x22a: {  	v14 =	vld [tilespmem:s28+$0x60];
	[tilespmem:s24+$0xFFFFFF60] =	vst v11;
	v24 =	vmul.f32 v24, v4;
	v21 =	vmax.f32 v21, $0.0e+00;
	v26 =	vadd.f32 v45, v26  }
0x22b: {  	v11 =	vld [tilespmem:s26+$0xFFFFFF70];
	v21 =	vmul.f32 v21, v19;
	v25 =	vmax.f32 v25, $0.0e+00;
	v15 =	vadd.f32 v22, v15  }
0x22c: {  	[tilespmem:s24+$0x60] =	vst v24;
	v24 =	vld [tilespmem:s24+$0x70];
	v22 =	vmax.f32 v26, $0.0e+00;
	v25 =	vmul.f32 v25, v20  }
0x22d: {  	v27 =	vld [tilespmem:s28+$0xFFFFFF60];
	[tilespmem:s28+$0x50] =	vst v21;
	v21 =	vmul.f32 v22, v16;
	v15 =	vmax.f32 v15, $0.0e+00  }
0x22e: {  	v10 =	vmax.f32 v10, $0.0e+00;
	v7 =	vadd.f32 v7, v23;
	v22 =	vld [tilespmem:s30+$0x60];
	[tilespmem:s28+$0xFFFFFFD0] =	vst v25;
	v15 =	vmul.f32 v15, v6  }
0x22f: {  	v10 =	vmul.f32 v10, v3;
	[tilespmem:s28+$0xFFFFFF50] =	vst v21;
	v21 =	vld [tilespmem:s30+$0xFFFFFFE0]  }
0x230: {  	v7 =	vmax.f32 v7, $0.0e+00;
	[tilespmem:s28+$0xD0] =	vst v15;
	v15 =	vld [tilespmem:s30+$0xFFFFFF60]  }
0x231: {  	[tilespmem:s24+$0xFFFFFFE0] =	vst v10;
	v7 =	vmul.f32 v7, v5;
	v10 =	vld [tilespmem:s30+$0xE0]  }
0x232: {  	v44 =	vld [tilespmem:s26+$0x70]  }
0x233: {  	v23 =	vld [tilespmem:s26+$0xFFFFFFF0];
	[tilespmem:s24+$0xE0] =	vst v7;
	v7 =	vadd.f32 v14, v22  }
0x234: {  	v25 =	vld [tilespmem:s28+$0xFFFFFFF0];
	v21 =	vadd.f32 v47, v21  }
0x235: {  	v14 =	vld [tilespmem:s26+$0xF0];
	v7 =	vmax.f32 v7, $0.0e+00;
	v15 =	vadd.f32 v27, v15  }
0x236: {  	v22 =	vld [tilespmem:s28+$0xFFFFFF70];
	v7 =	vmul.f32 v7, v19;
	v21 =	vmax.f32 v21, $0.0e+00;
	v10 =	vadd.f32 v13, v10  }
0x237: {  	v13 =	vld [tilespmem:s28+$0xF0];
	v21 =	vmul.f32 v21, v20;
	v15 =	vmax.f32 v15, $0.0e+00  }
0x238: {  	[tilespmem:s28+$0x60] =	vst v7;
	v7 =	vld [tilespmem:s28+$0x70];
	v15 =	vmul.f32 v15, v16;
	v10 =	vmax.f32 v10, $0.0e+00  }
0x239: {  	v26 =	vld [tilespmem:s30+$0x70];
	[tilespmem:s28+$0xFFFFFFE0] =	vst v21;
	v10 =	vmul.f32 v10, v6  }
0x23a: {  	v21 =	vadd.f32 v24, v44;
	v24 =	vld [tilespmem:s30+$0xFFFFFFF0];
	[tilespmem:s28+$0xFFFFFF60] =	vst v15  }
0x23b: {  	v9 =	vadd.f32 v9, v23;
	v15 =	vld [tilespmem:s30+$0xFFFFFF70];
	[tilespmem:s28+$0xE0] =	vst v10  }
0x23c: {  	v11 =	vadd.f32 v12, v11;
	v10 =	vmax.f32 v21, $0.0e+00;
	v12 =	vld [tilespmem:s30+$0xF0]  }
0x23d: {  	[tilespmem:s23+$0xFFFFFF70] =	vst v17;
	v9 =	vmax.f32 v9, $0.0e+00;
	v8 =	vadd.f32 v8, v14;
	v4 =	vmul.f32 v10, v4  }
0x23e: {  	[tilespmem:s23+$0xF0] =	vst v18;
	v3 =	vmul.f32 v9, v3;
	v9 =	vmax.f32 v11, $0.0e+00;
	v7 =	vadd.f32 v7, v26  }
0x23f: {  	v2 =	vmul.f32 v9, v2;
	[tilespmem:s24+$0x70] =	vst v4;
	v4 =	vmax.f32 v8, $0.0e+00;
	v8 =	vadd.f32 v25, v24  }
0x240: {  	[tilespmem:s24+$0xFFFFFFF0] =	vst v3;
	v3 =	vmul.f32 v4, v5;
	v4 =	vmax.f32 v7, $0.0e+00;
	v5 =	vadd.f32 v22, v15  }
0x241: {  	[tilespmem:s24+$0xFFFFFF70] =	vst v2;
	v2 =	vmul.f32 v4, v19;
	v4 =	vmax.f32 v8, $0.0e+00;
	v7 =	vadd.f32 v13, v12  }
0x242: {  	[tilespmem:s24+$0xF0] =	vst v3;
	v3 =	vmul.f32 v4, v20;
	v4 =	vmax.f32 v5, $0.0e+00  }
0x243: {  	[tilespmem:s28+$0x70] =	vst v2;
	v2 =	vmul.f32 v4, v16;
	v4 =	vmax.f32 v7, $0.0e+00  }
0x244: {  	[tilespmem:s28+$0xFFFFFFF0] =	vst v3;
	v3 =	vmul.f32 v4, v6  }
0x245: {  	[tilespmem:s28+$0xFFFFFF70] =	vst v2  }
0x246: {  	[tilespmem:s28+$0xF0] =	vst v3  }
0x247: {  	[spmem:s2] =	stream.indirect.scatter.add.f32 [tilespmem:s9], [sflag:$0x5], $0x80, s4, s5, $0xb8;
	[tilespmem:$0x1B340] =	vst v63  }
0x248: {  	s25 =	simm.s32 $0x100;
	s26 =	simm.s32 $0x1280  }
0x249: {  	[tilespmem:s26], [sflag:$0x2] =	stream.indirect.gather [hbm4b:s1+s5], $0x80, s25, s5, $0xb8;
	[tilespmem:$0x1B340] =	vst v63  }
0x24a: {  	s30 =	simm.s32 $0x11280;
	s29 =	rddreg [dreg:$0x17]  }
0x24b: {  	[tilespmem:s30], [sflag:$0x2] =	stream.linear.gather [hbm4b:s29+s7], $0x4000, $0x38;
	[tilespmem:$0x1B340] =	vst v63  }
0x24c: {  	_ =	swait.ge [sflag:s16], $0x4000  }
0x24d: {  	[sflag:s16] =	ssyncset.done $0x0  }
0x24e: {  	s24 =	simm.s32 $0x82;
	[sflag:s16] =	ssyncadd.s32 $0xFFFFC000  }
0x24f: {  	v2 =	vmov s24;
	_ =	swait.ge [sflag:s16], $0x4000  }
0x250: {  	v2 =	vand.u32 $0xFFFFFFFE, v2;
	s25 =	simm.s32 $0x80;
	[sflag:s16] =	ssyncset.done $0x0  }
0x251: {  	s24 =	simm.s32 $0x5380;
	v2 =	vbroadcast v2, $0x0;
	v3 =	vmov s25;
	[sflag:s16] =	ssyncadd.s32 $0xFFFFC000  }
0x252: {  	s23 =	simm.s32 $0xD380;
	v3 =	vand.u32 $0xFFFFFFFC, v3;
	v4 =	vld [tilespmem:s24+$0x0]  }
0x253: {  	v3 =	vbroadcast v3, $0x0;
	v5 =	vld [tilespmem:s23+$0x0];
	_ =	sdelay $0x3  }
0x254: {  	s26 =	simm.s32 $0x81;
	v12 =	vld.idx.msk [tilespmem:v2+s14+$0x0], $0xffff  }
0x255: {  	v4 =	vadd.f32 v5, v4;
	v5 =	vmov s26  }
0x256: {  	v2 =	vld.idx.msk [tilespmem:v3+s14+$0x0], $0xffff;
	v3 =	vand.u32 $0xFFFFFFFD, v5  }
0x257: {  	v6 =	vld [tilespmem:s23+$0xFFFFFF00];
	v3 =	vbroadcast v3, $0x0  }
0x258: {  	v5 =	vld [tilespmem:s24+$0xFFFFFF00];
	v4 =	vmax.f32 v4, $0.0e+00  }
0x259: {  	v7 =	vld [tilespmem:s24+$0xFFFFFF80];
	v4 =	vmul.f32 v4, v12  }
0x25a: {  	v8 =	vld [tilespmem:s23+$0xFFFFFF80]  }
0x25b: {  	s29 =	simm.s32 $0x83;
	v9 =	vld [tilespmem:s23+$0x10];
	[tilespmem:s23+$0x0] =	vst v4  }
0x25c: {  	v4 =	vmov s29;
	v10 =	vld [tilespmem:s24+$0x10]  }
0x25d: {  	v5 =	vadd.f32 v6, v5;
	v3 =	vld.idx.msk [tilespmem:v3+s14+$0x0], $0xffff  }
0x25e: {  	v11 =	vld [tilespmem:s23+$0x80]  }
0x25f: {  	v7 =	vadd.f32 v8, v7;
	v6 =	vld [tilespmem:s24+$0x80];
	v5 =	vmax.f32 v5, $0.0e+00  }
0x260: {  	v5 =	vmul.f32 v5, v2  }
0x261: {  	v7 =	vmax.f32 v7, $0.0e+00;
	v4 =	vld.idx.msk [tilespmem:v4+s14+$0x0], $0xffff  }
0x262: {  	v8 =	vadd.f32 v9, v10;
	v9 =	vld [tilespmem:s23+$0xFFFFFF10];
	[tilespmem:s23+$0xFFFFFF00] =	vst v5;
	v5 =	vmul.f32 v7, v3  }
0x263: {  	v10 =	vld [tilespmem:s24+$0xFFFFFF10]  }
0x264: {  	v6 =	vadd.f32 v11, v6;
	v7 =	vld [tilespmem:s23+$0xFFFFFF90];
	v8 =	vmax.f32 v8, $0.0e+00;
	[tilespmem:s23+$0xFFFFFF80] =	vst v5  }
0x265: {  	v8 =	vmul.f32 v8, v12;
	v5 =	vld [tilespmem:s24+$0xFFFFFF90]  }
0x266: {  	v6 =	vmax.f32 v6, $0.0e+00  }
0x267: {  	v6 =	vmul.f32 v6, v4;
	[tilespmem:s23+$0x10] =	vst v8;
	v8 =	vld [tilespmem:s23+$0x20]  }
0x268: {  	v11 =	vld [tilespmem:s24+$0x20];
	v9 =	vadd.f32 v9, v10  }
0x269: {  	v13 =	vld [tilespmem:s23+$0x90];
	[tilespmem:s23+$0x80] =	vst v6  }
0x26a: {  	v6 =	vld [tilespmem:s24+$0x90];
	v9 =	vmax.f32 v9, $0.0e+00;
	v5 =	vadd.f32 v7, v5  }
0x26b: {  	v9 =	vmul.f32 v9, v2  }
0x26c: {  	v5 =	vmax.f32 v5, $0.0e+00  }
0x26d: {  	v10 =	vld [tilespmem:s23+$0xFFFFFF20];
	v8 =	vadd.f32 v8, v11;
	[tilespmem:s23+$0xFFFFFF10] =	vst v9;
	v5 =	vmul.f32 v5, v3  }
0x26e: {  	v11 =	vld [tilespmem:s24+$0xFFFFFF20]  }
0x26f: {  	v7 =	vld [tilespmem:s23+$0xFFFFFFA0];
	v6 =	vadd.f32 v13, v6;
	v8 =	vmax.f32 v8, $0.0e+00;
	[tilespmem:s23+$0xFFFFFF90] =	vst v5  }
0x270: {  	v5 =	vmul.f32 v8, v12;
	v8 =	vld [tilespmem:s24+$0xFFFFFFA0]  }
0x271: {  	v6 =	vmax.f32 v6, $0.0e+00  }
0x272: {  	v17 =	vld [tilespmem:s23+$0xA0];
	[tilespmem:s23+$0x20] =	vst v5;
	v5 =	vmul.f32 v6, v4  }
0x273: {  	v6 =	vld [tilespmem:s23+$0x30];
	v10 =	vadd.f32 v10, v11  }
0x274: {  	v11 =	vld [tilespmem:s24+$0x30];
	[tilespmem:s23+$0x90] =	vst v5  }
0x275: {  	v10 =	vmax.f32 v10, $0.0e+00;
	v5 =	vld [tilespmem:s24+$0xA0];
	v7 =	vadd.f32 v7, v8  }
0x276: {  	v14 =	vld [tilespmem:s23+$0xFFFFFF30];
	v10 =	vmul.f32 v10, v2  }
0x277: {  	v18 =	vld [tilespmem:s23+$0xB0];
	v7 =	vmax.f32 v7, $0.0e+00  }
0x278: {  	v19 =	vld [tilespmem:s23+$0xFFFFFF40];
	[tilespmem:s23+$0xFFFFFF20] =	vst v10;
	v7 =	vmul.f32 v7, v3  }
0x279: {  	v6 =	vadd.f32 v6, v11;
	v10 =	vld [tilespmem:s24+$0xFFFFFF30]  }
0x27a: {  	v9 =	vld [tilespmem:s23+$0xFFFFFFB0];
	v5 =	vadd.f32 v17, v5;
	[tilespmem:s23+$0xFFFFFFA0] =	vst v7  }
0x27b: {  	v6 =	vmax.f32 v6, $0.0e+00;
	v7 =	vld [tilespmem:s24+$0xFFFFFFB0]  }
0x27c: {  	v15 =	vld [tilespmem:s23+$0xFFFFFF50];
	v6 =	vmul.f32 v6, v12;
	v5 =	vmax.f32 v5, $0.0e+00  }
0x27d: {  	v16 =	vld [tilespmem:s23+$0xFFFFFFD0];
	v5 =	vmul.f32 v5, v4  }
0x27e: {  	[tilespmem:s23+$0x30] =	vst v6;
	v6 =	vadd.f32 v14, v10;
	v10 =	vld [tilespmem:s23+$0x40]  }
0x27f: {  	v11 =	vld [tilespmem:s24+$0x40];
	[tilespmem:s23+$0xA0] =	vst v5  }
0x280: {  	v5 =	vmax.f32 v6, $0.0e+00;
	v6 =	vadd.f32 v9, v7;
	v7 =	vld [tilespmem:s24+$0xB0]  }
0x281: {  	v20 =	vld [tilespmem:s23+$0xC0];
	v5 =	vmul.f32 v5, v2  }
0x282: {  	s25 =	simm.s32 $0xD580;
	v21 =	vld [tilespmem:s23+$0xE0];
	v6 =	vmax.f32 v6, $0.0e+00  }
0x283: {  	v25 =	vld [tilespmem:s25+$0x0];
	[tilespmem:s23+$0xFFFFFF30] =	vst v5;
	v5 =	vmul.f32 v6, v3  }
0x284: {  	v26 =	vld [tilespmem:s23+$0x60];
	v9 =	vadd.f32 v10, v11  }
0x285: {  	v8 =	vld [tilespmem:s23+$0xFFFFFFC0];
	[tilespmem:s23+$0xFFFFFFB0] =	vst v5;
	v5 =	vadd.f32 v18, v7  }
0x286: {  	v9 =	vmax.f32 v9, $0.0e+00;
	v7 =	vld [tilespmem:s24+$0xFFFFFFC0]  }
0x287: {  	v6 =	vld [tilespmem:s24+$0xFFFFFF40];
	v9 =	vmul.f32 v9, v12;
	v5 =	vmax.f32 v5, $0.0e+00  }
0x288: {  	v49 =	vld [tilespmem:s25+$0x80];
	v5 =	vmul.f32 v5, v4  }
0x289: {  	s30 =	simm.s32 $0x84;
	v50 =	vld [tilespmem:s23+$0x70];
	[tilespmem:s23+$0x40] =	vst v9  }
0x28a: {  	v9 =	vld [tilespmem:s23+$0x50];
	[tilespmem:s23+$0xB0] =	vst v5;
	v5 =	vmov s30  }
0x28b: {  	s26 =	simm.s32 $0x87;
	v10 =	vld [tilespmem:s24+$0x50];
	v8 =	vadd.f32 v8, v7;
	v5 =	vand.u32 $0xFFFFFFFC, v5  }
0x28c: {  	v51 =	vld [tilespmem:s25+$0x90];
	v11 =	vmov s26;
	v6 =	vadd.f32 v19, v6;
	v19 =	vbroadcast v5, $0x0  }
0x28d: {  	v53 =	vld [tilespmem:s25+$0xFFFFFF20];
	v5 =	vmax.f32 v8, $0.0e+00  }
0x28e: {  	v54 =	vld [tilespmem:s25+$0xFFFFFFA0];
	v5 =	vmul.f32 v5, v3  }
0x28f: {  	v55 =	vld [tilespmem:s25+$0xA0];
	s29 =	simm.s32 $0x86;
	s30 =	simm.s32 $0x85  }
0x290: {  	v33 =	vld [tilespmem:s25+$0xFFFFFF30];
	v9 =	vadd.f32 v9, v10;
	v10 =	vmov s30;
	[tilespmem:s23+$0xFFFFFFC0] =	vst v5;
	v5 =	vmov s29  }
0x291: {  	v10 =	vand.u32 $0xFFFFFFFD, v10;
	v24 =	vand.u32 $0xFFFFFFFE, v5;
	v5 =	vld.idx.msk [tilespmem:v11+s14+$0x0], $0xffff  }
0x292: {  	s26 =	simm.s32 $0x5580;
	v11 =	vbroadcast v24, $0x0;
	v24 =	vbroadcast v10, $0x0;
	v10 =	vld.idx.msk [tilespmem:v19+s14+$0x0], $0xffff  }
0x293: {  	v9 =	vmax.f32 v9, $0.0e+00;
	v19 =	vld [tilespmem:s26+$0x0]  }
0x294: {  	v56 =	vld [tilespmem:s25+$0xFFFFFFB0];
	v9 =	vmul.f32 v9, v12  }
0x295: {  	v18 =	vld [tilespmem:s24+$0xC0]  }
0x296: {  	v57 =	vld [tilespmem:s25+$0x30];
	[tilespmem:s23+$0x50] =	vst v9  }
0x297: {  	v27 =	vld [tilespmem:s24+$0x60]  }
0x298: {  	v19 =	vadd.f32 v25, v19;
	v25 =	vld [tilespmem:s25+$0xFFFFFF00]  }
0x299: {  	v9 =	vld.idx.msk [tilespmem:v11+s14+$0x0], $0xffff  }
0x29a: {  	v18 =	vadd.f32 v20, v18;
	v11 =	vld.idx.msk [tilespmem:v24+s14+$0x0], $0xffff  }
0x29b: {  	v24 =	vld [tilespmem:s26+$0xFFFFFF00]  }
0x29c: {  	v20 =	vld [tilespmem:s26+$0xFFFFFF80];
	v18 =	vmax.f32 v18, $0.0e+00  }
0x29d: {  	v18 =	vmul.f32 v18, v4;
	v26 =	vadd.f32 v26, v27;
	v27 =	vld [tilespmem:s25+$0xFFFFFF80];
	v19 =	vmax.f32 v19, $0.0e+00  }
0x29e: {  	v62 =	vld [tilespmem:s25+$0x40];
	v19 =	vmul.f32 v19, v9  }
0x29f: {  	v48 =	vld [tilespmem:s26+$0x80];
	[tilespmem:s23+$0xC0] =	vst v18;
	v26 =	vmax.f32 v26, $0.0e+00  }
0x2a0: {  	v18 =	vadd.f32 v25, v24;
	[tilespmem:s25+$0x0] =	vst v19;
	v19 =	vmul.f32 v26, v12;
	v26 =	vld [tilespmem:s25+$0x10]  }
0x2a1: {  	v24 =	vld [tilespmem:s26+$0x10]  }
0x2a2: {  	v13 =	vld [tilespmem:s23+$0xFFFFFF60];
	v18 =	vmax.f32 v18, $0.0e+00;
	[tilespmem:s23+$0x60] =	vst v19;
	v19 =	vadd.f32 v27, v20  }
0x2a3: {  	v17 =	vld [tilespmem:s23+$0xD0];
	v18 =	vmul.f32 v18, v10  }
0x2a4: {  	v14 =	vld [tilespmem:s23+$0xFFFFFFE0];
	v28 =	vadd.f32 v49, v48;
	v19 =	vmax.f32 v19, $0.0e+00  }
0x2a5: {  	v20 =	vld [tilespmem:s25+$0xFFFFFF10];
	[tilespmem:s25+$0xFFFFFF00] =	vst v18;
	v18 =	vmul.f32 v19, v11  }
0x2a6: {  	v28 =	vmax.f32 v28, $0.0e+00;
	v24 =	vadd.f32 v26, v24;
	v26 =	vld [tilespmem:s26+$0xFFFFFF10]  }
0x2a7: {  	v6 =	vmax.f32 v6, $0.0e+00;
	v19 =	vld [tilespmem:s25+$0xFFFFFF90];
	[tilespmem:s25+$0xFFFFFF80] =	vst v18;
	v18 =	vmul.f32 v28, v5  }
0x2a8: {  	v6 =	vmul.f32 v6, v2;
	v52 =	vld [tilespmem:s26+$0xFFFFFF90]  }
0x2a9: {  	v7 =	vld [tilespmem:s23+$0xFFFFFF70];
	[tilespmem:s25+$0x80] =	vst v18  }
0x2aa: {  	[tilespmem:s23+$0xFFFFFF40] =	vst v6;
	v24 =	vmax.f32 v24, $0.0e+00;
	v18 =	vld [tilespmem:s26+$0x90]  }
0x2ab: {  	v22 =	vld [tilespmem:s24+$0xFFFFFF50];
	v24 =	vmul.f32 v24, v9;
	v20 =	vadd.f32 v20, v26  }
0x2ac: {  	v23 =	vld [tilespmem:s24+$0xFFFFFFD0]  }
0x2ad: {  	[tilespmem:s25+$0x10] =	vst v24;
	v24 =	vld [tilespmem:s25+$0x20];
	v20 =	vmax.f32 v20, $0.0e+00;
	v19 =	vadd.f32 v19, v52  }
0x2ae: {  	v26 =	vld [tilespmem:s26+$0x20];
	v20 =	vmul.f32 v20, v10  }
0x2af: {  	v25 =	vld [tilespmem:s24+$0xD0];
	v19 =	vmax.f32 v19, $0.0e+00;
	v18 =	vadd.f32 v51, v18  }
0x2b0: {  	v6 =	vld [tilespmem:s23+$0xFFFFFFF0];
	v22 =	vadd.f32 v15, v22;
	[tilespmem:s25+$0xFFFFFF10] =	vst v20;
	v19 =	vmul.f32 v19, v11  }
0x2b1: {  	v34 =	vld [tilespmem:s26+$0xFFFFFF20];
	v18 =	vmax.f32 v18, $0.0e+00  }
0x2b2: {  	v22 =	vmax.f32 v22, $0.0e+00;
	v23 =	vadd.f32 v16, v23;
	v27 =	vld [tilespmem:s24+$0x70];
	[tilespmem:s25+$0xFFFFFF90] =	vst v19;
	v18 =	vmul.f32 v18, v5  }
0x2b3: {  	v22 =	vmul.f32 v22, v2;
	v20 =	vadd.f32 v24, v26;
	v26 =	vld [tilespmem:s26+$0xFFFFFFA0]  }
0x2b4: {  	v8 =	vld [tilespmem:s23+$0xF0];
	v23 =	vmax.f32 v23, $0.0e+00;
	v25 =	vadd.f32 v17, v25;
	[tilespmem:s25+$0x90] =	vst v18  }
0x2b5: {  	[tilespmem:s23+$0xFFFFFF50] =	vst v22;
	v22 =	vmul.f32 v23, v3;
	v19 =	vmax.f32 v20, $0.0e+00;
	v35 =	vld [tilespmem:s26+$0xA0]  }
0x2b6: {  	v15 =	vld [tilespmem:s25+$0xFFFFFF50];
	v23 =	vmax.f32 v25, $0.0e+00;
	v18 =	vmul.f32 v19, v9;
	v31 =	vadd.f32 v53, v34  }
0x2b7: {  	v16 =	vld [tilespmem:s25+$0xFFFFFFD0];
	[tilespmem:s23+$0xFFFFFFD0] =	vst v22;
	v23 =	vmul.f32 v23, v4  }
0x2b8: {  	v60 =	vld [tilespmem:s24+$0xFFFFFFE0];
	v27 =	vadd.f32 v50, v27;
	[tilespmem:s25+$0x20] =	vst v18;
	v31 =	vmax.f32 v31, $0.0e+00;
	v26 =	vadd.f32 v54, v26  }
0x2b9: {  	[tilespmem:s23+$0xD0] =	vst v23;
	v58 =	vld [tilespmem:s26+$0x30];
	v31 =	vmul.f32 v31, v10  }
0x2ba: {  	v61 =	vld [tilespmem:s24+$0xE0];
	v27 =	vmax.f32 v27, $0.0e+00;
	v29 =	vadd.f32 v55, v35;
	v26 =	vmax.f32 v26, $0.0e+00  }
0x2bb: {  	v27 =	vmul.f32 v27, v12;
	v12 =	vld [tilespmem:s25+$0xFFFFFF60];
	[tilespmem:s25+$0xFFFFFF20] =	vst v31;
	v26 =	vmul.f32 v26, v11  }
0x2bc: {  	v31 =	vld [tilespmem:s26+$0xFFFFFF30];
	v17 =	vmax.f32 v29, $0.0e+00  }
0x2bd: {  	v24 =	vld [tilespmem:s25+$0xB0];
	[tilespmem:s25+$0xFFFFFFA0] =	vst v26;
	v26 =	vmul.f32 v17, v5  }
0x2be: {  	v59 =	vadd.f32 v57, v58;
	v25 =	vld [tilespmem:s26+$0xFFFFFFB0]  }
0x2bf: {  	[tilespmem:s25+$0xA0] =	vst v26;
	v26 =	vld [tilespmem:s24+$0xFFFFFF60]  }
0x2c0: {  	v29 =	vmax.f32 v59, $0.0e+00;
	v22 =	vld [tilespmem:s26+$0xB0]  }
0x2c1: {  	v20 =	vld [tilespmem:s25+$0xFFFFFF40];
	v29 =	vmul.f32 v29, v9;
	v23 =	vadd.f32 v33, v31  }
0x2c2: {  	v19 =	vld [tilespmem:s25+$0xFFFFFFC0]  }
0x2c3: {  	v18 =	vld [tilespmem:s25+$0xC0];
	[tilespmem:s25+$0x30] =	vst v29;
	v23 =	vmax.f32 v23, $0.0e+00;
	v25 =	vadd.f32 v56, v25  }
0x2c4: {  	v63 =	vld [tilespmem:s26+$0x40];
	v23 =	vmul.f32 v23, v10;
	v26 =	vadd.f32 v13, v26  }
0x2c5: {  	v17 =	vld [tilespmem:s25+$0xD0];
	v22 =	vadd.f32 v24, v22;
	v13 =	vmax.f32 v25, $0.0e+00  }
0x2c6: {  	[tilespmem:s25+$0xFFFFFF30] =	vst v23;
	v23 =	vmul.f32 v13, v11;
	v13 =	vld [tilespmem:s25+$0xFFFFFFE0];
	v25 =	vmax.f32 v26, $0.0e+00;
	v26 =	vadd.f32 v14, v60  }
0x2c7: {  	[tilespmem:s23+$0x70] =	vst v27;
	v21 =	vadd.f32 v21, v61;
	v24 =	vld [tilespmem:s26+$0xFFFFFF40];
	v14 =	vmax.f32 v22, $0.0e+00;
	v22 =	vmul.f32 v25, v2  }
0x2c8: {  	[tilespmem:s25+$0xFFFFFFB0] =	vst v23;
	v27 =	vmul.f32 v14, v5;
	v14 =	vld [tilespmem:s25+$0xE0];
	v23 =	vmax.f32 v26, $0.0e+00  }
0x2c9: {  	v26 =	vadd.f32 v62, v63;
	v25 =	vld [tilespmem:s26+$0xFFFFFFC0];
	[tilespmem:s23+$0xFFFFFF60] =	vst v22;
	v22 =	vmax.f32 v21, $0.0e+00;
	v23 =	vmul.f32 v23, v3  }
0x2ca: {  	s28 =	simm.s32 $0x4;
	[tilespmem:s25+$0xB0] =	vst v27;
	v21 =	vld [tilespmem:s24+$0xFFFFFF70];
	v22 =	vmul.f32 v22, v4  }
.LBB2_6:
0x2cb: {  	s29 =	sadd.s32 $0x84, s28;
	v26 =	vmax.f32 v26, $0.0e+00;
	v27 =	vld [tilespmem:s26+$0xC0];
	[tilespmem:s23+$0xFFFFFFE0] =	vst v23  }
0x2cc: {  	s30 =	sadd.s32 $0x87, s28;
	v23 =	vmov s29;
	s29 =	sadd.s32 $0x85, s28;
	v20 =	vadd.f32 v20, v24;
	v24 =	vmul.f32 v26, v9;
	v26 =	vld [tilespmem:s24+$0xFFFFFFF0];
	[tilespmem:s23+$0xE0] =	vst v22  }
0x2cd: {  	v28 =	vmov s30;
	v22 =	vand.u32 $0xFFFFFFFC, v23;
	v23 =	vmov s29;
	v29 =	vld [tilespmem:s24+$0xF0];
	s24 =	smov.u32 s26  }
0x2ce: {  	v23 =	vand.u32 $0xFFFFFFFD, v23;
	v20 =	vmax.f32 v20, $0.0e+00;
	v19 =	vadd.f32 v19, v25;
	[tilespmem:s25+$0x40] =	vst v24;
	v24 =	vld [tilespmem:s25+$0x50]  }
0x2cf: {  	v22 =	vbroadcast v22, $0x0;
	v20 =	vmul.f32 v20, v10;
	v25 =	vld [tilespmem:s26+$0x50];
	v21 =	vadd.f32 v7, v21  }
0x2d0: {  	v23 =	vbroadcast v23, $0x0;
	v7 =	vld [tilespmem:s25+$0xFFFFFF70];
	v19 =	vmax.f32 v19, $0.0e+00;
	v18 =	vadd.f32 v18, v27  }
0x2d1: {  	[tilespmem:s25+$0xFFFFFF40] =	vst v20;
	v19 =	vmul.f32 v19, v11;
	v20 =	vmax.f32 v21, $0.0e+00;
	v21 =	vadd.f32 v6, v26;
	v6 =	vld [tilespmem:s25+$0xFFFFFFF0]  }
0x2d2: {  	v26 =	vld [tilespmem:s26+$0xFFFFFF50];
	v18 =	vmax.f32 v18, $0.0e+00;
	v20 =	vmul.f32 v20, v2;
	v27 =	vadd.f32 v8, v29;
	v2 =	vmovc v10  }
0x2d3: {  	[tilespmem:s25+$0xFFFFFFC0] =	vst v19;
	v10 =	vmul.f32 v18, v5;
	v8 =	vld [tilespmem:s25+$0xF0];
	v18 =	vmax.f32 v21, $0.0e+00  }
0x2d4: {  	v19 =	vld [tilespmem:s26+$0xFFFFFFD0];
	v21 =	vadd.f32 v24, v25;
	[tilespmem:s23+$0xFFFFFF70] =	vst v20;
	v18 =	vmul.f32 v18, v3;
	v20 =	vmax.f32 v27, $0.0e+00;
	v3 =	vmovc v11  }
0x2d5: {  	s29 =	sadd.s32 $0x86, s28;
	s28 =	sadd.s32 $0x4, s28;
	[tilespmem:s25+$0xC0] =	vst v10;
	v11 =	vmul.f32 v20, v4;
	v4 =	vmov v5;
	v5 =	vld.idx.msk [tilespmem:v28+s14+$0x0], $0xffff  }
0x2d6: {  	p0 =	slt.u32 s28, $0x7C;
	v20 =	vmov s29;
	v21 =	vmax.f32 v21, $0.0e+00;
	v24 =	vld [tilespmem:s26+$0xD0];
	[tilespmem:s23+$0xFFFFFFF0] =	vst v18  }
0x2d7: {  	v18 =	vand.u32 $0xFFFFFFFE, v20;
	v10 =	vld.idx.msk [tilespmem:v22+s14+$0x0], $0xffff;
	v15 =	vadd.f32 v15, v26;
	v20 =	vmul.f32 v21, v9;
	[tilespmem:s23+$0xF0] =	vst v11;
	s23 =	smov.u32 s25  }
0x2d8: {  	v18 =	vbroadcast v18, $0x0;
	v11 =	vld.idx.msk [tilespmem:v23+s14+$0x0], $0xffff  }
0x2d9: {  	v15 =	vmax.f32 v15, $0.0e+00;
	v16 =	vadd.f32 v16, v19;
	[tilespmem:s25+$0x50] =	vst v20;
	v19 =	vld [tilespmem:s25+$0x60]  }
0x2da: {  	s26 =	sadd.s32 $0x200, s26;
	v15 =	vmul.f32 v15, v2;
	v20 =	vld [tilespmem:s24+$0x60]  }
0x2db: {  	s25 =	sadd.s32 $0x200, s25;
	v21 =	vld [tilespmem:s26+$0x0];
	v16 =	vmax.f32 v16, $0.0e+00;
	v17 =	vadd.f32 v17, v24  }
0x2dc: {  	v22 =	vld [tilespmem:s25+$0x0];
	[tilespmem:s23+$0xFFFFFF50] =	vst v15;
	v15 =	vmul.f32 v16, v3  }
0x2dd: {  	v16 =	vld [tilespmem:s26+$0xFFFFFF00];
	v17 =	vmax.f32 v17, $0.0e+00  }
0x2de: {  	v18 =	vld.idx.msk [tilespmem:v18+s14+$0x0], $0xffff;
	[tilespmem:s23+$0xFFFFFFD0] =	vst v15;
	v15 =	vmul.f32 v17, v4  }
0x2df: {  	v17 =	vld [tilespmem:s25+$0xFFFFFF00];
	v19 =	vadd.f32 v19, v20  }
0x2e0: {  	v20 =	vld [tilespmem:s26+$0xFFFFFF80];
	[tilespmem:s23+$0xD0] =	vst v15  }
0x2e1: {  	v15 =	vld [tilespmem:s25+$0xFFFFFF80];
	v21 =	vadd.f32 v22, v21;
	v19 =	vmax.f32 v19, $0.0e+00  }
0x2e2: {  	v22 =	vld [tilespmem:s26+$0x80];
	v19 =	vmul.f32 v19, v9  }
0x2e3: {  	v21 =	vmax.f32 v21, $0.0e+00;
	v23 =	vld [tilespmem:s25+$0x80]  }
0x2e4: {  	v16 =	vadd.f32 v17, v16;
	v17 =	vmul.f32 v21, v18;
	[tilespmem:s23+$0x60] =	vst v19;
	v19 =	vld [tilespmem:s23+$0x70]  }
0x2e5: {  	v21 =	vld [tilespmem:s24+$0x70]  }
0x2e6: {  	v16 =	vmax.f32 v16, $0.0e+00;
	v15 =	vadd.f32 v15, v20;
	[tilespmem:s25+$0x0] =	vst v17;
	v17 =	vld [tilespmem:s25+$0x10]  }
0x2e7: {  	v16 =	vmul.f32 v16, v10;
	v20 =	vld [tilespmem:s26+$0x10]  }
0x2e8: {  	v24 =	vld [tilespmem:s25+$0xFFFFFF10];
	v15 =	vmax.f32 v15, $0.0e+00;
	v22 =	vadd.f32 v23, v22  }
0x2e9: {  	[tilespmem:s25+$0xFFFFFF00] =	vst v16;
	v15 =	vmul.f32 v15, v11;
	v16 =	vld [tilespmem:s25+$0xFFFFFF90]  }
0x2ea: {  	v23 =	vld [tilespmem:s26+$0xFFFFFF10];
	v22 =	vmax.f32 v22, $0.0e+00;
	v19 =	vadd.f32 v19, v21  }
0x2eb: {  	[tilespmem:s25+$0xFFFFFF80] =	vst v15;
	v15 =	vmul.f32 v22, v5;
	v21 =	vld [tilespmem:s25+$0x90]  }
0x2ec: {  	v22 =	vld [tilespmem:s26+$0xFFFFFF90];
	v17 =	vadd.f32 v17, v20;
	v19 =	vmax.f32 v19, $0.0e+00  }
0x2ed: {  	v25 =	vld [tilespmem:s25+$0xFFFFFF20];
	[tilespmem:s25+$0x80] =	vst v15;
	v15 =	vmul.f32 v19, v9;
	v9 =	vmov v18  }
0x2ee: {  	v17 =	vmax.f32 v17, $0.0e+00;
	v18 =	vld [tilespmem:s26+$0x90]  }
0x2ef: {  	v19 =	vadd.f32 v24, v23;
	v23 =	vld [tilespmem:s25+$0xFFFFFFA0];
	v17 =	vmul.f32 v17, v9;
	[tilespmem:s23+$0x70] =	vst v15  }
0x2f0: {  	v24 =	vld [tilespmem:s25+$0xA0]  }
0x2f1: {  	v15 =	vmax.f32 v19, $0.0e+00;
	v16 =	vadd.f32 v16, v22;
	[tilespmem:s25+$0x10] =	vst v17;
	v17 =	vld [tilespmem:s25+$0x20]  }
0x2f2: {  	v15 =	vmul.f32 v15, v10;
	v19 =	vld [tilespmem:s26+$0x20]  }
0x2f3: {  	v22 =	vld [tilespmem:s25+$0xFFFFFF30];
	v16 =	vmax.f32 v16, $0.0e+00;
	v18 =	vadd.f32 v21, v18  }
0x2f4: {  	[tilespmem:s25+$0xFFFFFF10] =	vst v15;
	v15 =	vmul.f32 v16, v11;
	v21 =	vld [tilespmem:s25+$0xFFFFFFB0]  }
0x2f5: {  	v16 =	vld [tilespmem:s26+$0xFFFFFF20];
	v18 =	vmax.f32 v18, $0.0e+00  }
0x2f6: {  	[tilespmem:s25+$0xFFFFFF90] =	vst v15;
	v15 =	vmul.f32 v18, v5;
	v26 =	vld [tilespmem:s25+$0xB0]  }
0x2f7: {  	v27 =	vld [tilespmem:s26+$0xFFFFFFA0];
	v17 =	vadd.f32 v17, v19  }
0x2f8: {  	v20 =	vld [tilespmem:s25+$0xFFFFFF40];
	[tilespmem:s25+$0x90] =	vst v15  }
0x2f9: {  	v15 =	vmax.f32 v17, $0.0e+00;
	v17 =	vld [tilespmem:s26+$0xA0]  }
0x2fa: {  	v16 =	vadd.f32 v25, v16;
	v19 =	vld [tilespmem:s25+$0xFFFFFFC0];
	v15 =	vmul.f32 v15, v9  }
0x2fb: {  	v18 =	vld [tilespmem:s25+$0xC0]  }
0x2fc: {  	v16 =	vmax.f32 v16, $0.0e+00;
	v23 =	vadd.f32 v23, v27;
	[tilespmem:s25+$0x20] =	vst v15;
	v25 =	vld [tilespmem:s25+$0x30]  }
0x2fd: {  	v16 =	vmul.f32 v16, v10;
	v27 =	vld [tilespmem:s26+$0x30]  }
0x2fe: {  	v15 =	vld [tilespmem:s25+$0xFFFFFF50];
	v23 =	vmax.f32 v23, $0.0e+00;
	v17 =	vadd.f32 v24, v17  }
0x2ff: {  	[tilespmem:s25+$0xFFFFFF20] =	vst v16;
	v23 =	vmul.f32 v23, v11;
	v16 =	vld [tilespmem:s25+$0xFFFFFFD0]  }
0x300: {  	v24 =	vld [tilespmem:s26+$0xFFFFFF30];
	v17 =	vmax.f32 v17, $0.0e+00  }
0x301: {  	[tilespmem:s25+$0xFFFFFFA0] =	vst v23;
	v23 =	vmul.f32 v17, v5;
	v17 =	vld [tilespmem:s25+$0xD0]  }
0x302: {  	v28 =	vld [tilespmem:s26+$0xFFFFFFB0];
	v25 =	vadd.f32 v25, v27  }
0x303: {  	[tilespmem:s25+$0xA0] =	vst v23;
	v23 =	vld [tilespmem:s24+$0xFFFFFF60]  }
0x304: {  	v25 =	vmax.f32 v25, $0.0e+00;
	v27 =	vld [tilespmem:s26+$0xB0]  }
0x305: {  	v22 =	vadd.f32 v22, v24;
	v24 =	vmul.f32 v25, v9;
	v25 =	vld [tilespmem:s24+$0xFFFFFFE0]  }
0x306: {  	v29 =	vld [tilespmem:s24+$0xE0]  }
0x307: {  	v22 =	vmax.f32 v22, $0.0e+00;
	v21 =	vadd.f32 v21, v28;
	[tilespmem:s25+$0x30] =	vst v24;
	v28 =	vld [tilespmem:s25+$0x40]  }
0x308: {  	v22 =	vmul.f32 v22, v10;
	v30 =	vld [tilespmem:s26+$0x40];
	v23 =	vadd.f32 v12, v23  }
0x309: {  	v12 =	vld [tilespmem:s25+$0xFFFFFF60];
	v21 =	vmax.f32 v21, $0.0e+00;
	v26 =	vadd.f32 v26, v27  }
.Ltmp2:
0x30a: {  	[tilespmem:s25+$0xFFFFFF30] =	vst v22;
	v21 =	vmul.f32 v21, v11;
	v22 =	vmax.f32 v23, $0.0e+00;
	v23 =	vadd.f32 v13, v25;
	v13 =	vld [tilespmem:s25+$0xFFFFFFE0];
	(pc) =	sbr.rel @p0 .LBB2_6-.Ltmp2, $4  }
0x30b: {  	v24 =	vld [tilespmem:s26+$0xFFFFFF40];
	v25 =	vmax.f32 v26, $0.0e+00;
	v22 =	vmul.f32 v22, v2;
	v27 =	vadd.f32 v14, v29  }
0x30c: {  	[tilespmem:s25+$0xFFFFFFB0] =	vst v21;
	v21 =	vmul.f32 v25, v5;
	v14 =	vld [tilespmem:s25+$0xE0];
	v23 =	vmax.f32 v23, $0.0e+00  }
0x30d: {  	v25 =	vld [tilespmem:s26+$0xFFFFFFC0];
	v26 =	vadd.f32 v28, v30;
	[tilespmem:s23+$0xFFFFFF60] =	vst v22;
	v23 =	vmul.f32 v23, v3;
	v22 =	vmax.f32 v27, $0.0e+00  }
0x30e: {  	[tilespmem:s25+$0xB0] =	vst v21;
	v21 =	vld [tilespmem:s24+$0xFFFFFF70];
	v22 =	vmul.f32 v22, v4  }
0x30f: {  	v27 =	vld [tilespmem:s26+$0xC0];
	_ =	sdelay $0x1  }
0x310: {  	v26 =	vmax.f32 v26, $0.0e+00  }
0x311: {  	v26 =	vmul.f32 v26, v9;
	v20 =	vadd.f32 v20, v24  }
0x312: {  	v19 =	vadd.f32 v19, v25  }
0x313: {  	v24 =	vld [tilespmem:s25+$0x50];
	[tilespmem:s25+$0x40] =	vst v26;
	v20 =	vmax.f32 v20, $0.0e+00;
	v18 =	vadd.f32 v18, v27  }
0x314: {  	v20 =	vmul.f32 v20, v10;
	v25 =	vld [tilespmem:s26+$0x50];
	v19 =	vmax.f32 v19, $0.0e+00  }
0x315: {  	v19 =	vmul.f32 v19, v11;
	v18 =	vmax.f32 v18, $0.0e+00  }
0x316: {  	[tilespmem:s25+$0xFFFFFF40] =	vst v20;
	v18 =	vmul.f32 v18, v5  }
0x317: {  	v27 =	vld [tilespmem:s26+$0xFFFFFF50];
	[tilespmem:s25+$0xFFFFFFC0] =	vst v19  }
0x318: {  	v28 =	vld [tilespmem:s26+$0xFFFFFFD0];
	[tilespmem:s25+$0xC0] =	vst v18  }
0x319: {  	v18 =	vadd.f32 v24, v25;
	v24 =	vld [tilespmem:s26+$0xD0];
	_ =	sdelay $0x2  }
0x31a: {  	v18 =	vmax.f32 v18, $0.0e+00;
	v15 =	vadd.f32 v15, v27  }
0x31b: {  	v18 =	vmul.f32 v18, v9;
	v16 =	vadd.f32 v16, v28  }
0x31c: {  	v15 =	vmax.f32 v15, $0.0e+00;
	v17 =	vadd.f32 v17, v24  }
0x31d: {  	[tilespmem:s25+$0x50] =	vst v18;
	v18 =	vld [tilespmem:s25+$0x60];
	v15 =	vmul.f32 v15, v10;
	v16 =	vmax.f32 v16, $0.0e+00  }
0x31e: {  	v24 =	vld [tilespmem:s26+$0x60];
	v16 =	vmul.f32 v16, v11;
	v17 =	vmax.f32 v17, $0.0e+00  }
0x31f: {  	[tilespmem:s25+$0xFFFFFF50] =	vst v15;
	v15 =	vmul.f32 v17, v5  }
0x320: {  	[tilespmem:s25+$0xFFFFFFD0] =	vst v16;
	v16 =	vld [tilespmem:s26+$0xFFFFFF60]  }
0x321: {  	[tilespmem:s25+$0xD0] =	vst v15;
	v15 =	vld [tilespmem:s26+$0xFFFFFFE0]  }
0x322: {  	v17 =	vld [tilespmem:s26+$0xE0]  }
0x323: {  	v18 =	vadd.f32 v18, v24  }
0x324: {  	v26 =	vld [tilespmem:s25+$0xFFFFFF70]  }
0x325: {  	v20 =	vld [tilespmem:s25+$0xFFFFFFF0];
	v18 =	vmax.f32 v18, $0.0e+00;
	v12 =	vadd.f32 v12, v16  }
0x326: {  	[tilespmem:s23+$0xFFFFFFE0] =	vst v23;
	v19 =	vld [tilespmem:s25+$0xF0];
	v16 =	vmul.f32 v18, v9;
	v13 =	vadd.f32 v13, v15  }
0x327: {  	[tilespmem:s23+$0xE0] =	vst v22;
	v15 =	vld [tilespmem:s24+$0xFFFFFFF0];
	v12 =	vmax.f32 v12, $0.0e+00;
	v14 =	vadd.f32 v14, v17  }
0x328: {  	[tilespmem:s25+$0x60] =	vst v16;
	v16 =	vld [tilespmem:s25+$0x70];
	v12 =	vmul.f32 v12, v10;
	v13 =	vmax.f32 v13, $0.0e+00  }
0x329: {  	v17 =	vld [tilespmem:s24+$0xF0];
	v13 =	vmul.f32 v13, v11;
	v14 =	vmax.f32 v14, $0.0e+00  }
0x32a: {  	v18 =	vld [tilespmem:s26+$0x70];
	[tilespmem:s25+$0xFFFFFF60] =	vst v12;
	v12 =	vmul.f32 v14, v5  }
0x32b: {  	v14 =	vld [tilespmem:s26+$0xFFFFFF70];
	[tilespmem:s25+$0xFFFFFFE0] =	vst v13  }
0x32c: {  	v7 =	vadd.f32 v7, v21;
	v13 =	vld [tilespmem:s26+$0xFFFFFFF0];
	[tilespmem:s25+$0xE0] =	vst v12  }
0x32d: {  	v6 =	vadd.f32 v6, v15;
	v12 =	vld [tilespmem:s26+$0xF0]  }
0x32e: {  	v7 =	vmax.f32 v7, $0.0e+00;
	v8 =	vadd.f32 v8, v17  }
0x32f: {  	v2 =	vmul.f32 v7, v2;
	v7 =	vadd.f32 v16, v18;
	v6 =	vmax.f32 v6, $0.0e+00  }
0x330: {  	v3 =	vmul.f32 v6, v3;
	v6 =	vmax.f32 v8, $0.0e+00;
	v8 =	vadd.f32 v26, v14  }
0x331: {  	[tilespmem:s23+$0xFFFFFF70] =	vst v2;
	v2 =	vmul.f32 v6, v4;
	v4 =	vmax.f32 v7, $0.0e+00;
	v6 =	vadd.f32 v20, v13  }
0x332: {  	[tilespmem:s23+$0xFFFFFFF0] =	vst v3;
	v3 =	vmul.f32 v4, v9;
	v4 =	vmax.f32 v8, $0.0e+00;
	v7 =	vadd.f32 v19, v12  }
0x333: {  	[tilespmem:s23+$0xF0] =	vst v2;
	v2 =	vmul.f32 v4, v10;
	v4 =	vmax.f32 v6, $0.0e+00  }
0x334: {  	[tilespmem:s25+$0x70] =	vst v3;
	v3 =	vmul.f32 v4, v11;
	v4 =	vmax.f32 v7, $0.0e+00  }
0x335: {  	[tilespmem:s25+$0xFFFFFF70] =	vst v2;
	v2 =	vmul.f32 v4, v5  }
0x336: {  	[tilespmem:s25+$0xFFFFFFF0] =	vst v3  }
0x337: {  	s29 =	simm.s32 $0x280;
	s30 =	simm.s32 $0xD280;
	[tilespmem:s25+$0xF0] =	vst v2  }
0x338: {  	[spmem:s2] =	stream.indirect.scatter.add.f32 [tilespmem:s30], [sflag:$0x5], $0x80, s29, s5, $0xb8;
	[tilespmem:$0x1B340] =	vst v63  }
0x339: {  	s26 =	simm.s32 $0x5280;
	s25 =	simm.s32 $0x180  }
0x33a: {  	[tilespmem:s26], [sflag:$0x3] =	stream.indirect.gather [hbm4b:s1+s5], $0x80, s25, s5, $0xb8;
	[tilespmem:$0x1B340] =	vst v63  }
0x33b: {  	s29 =	rddreg [dreg:$0x18];
	s30 =	simm.s32 $0x15280  }
0x33c: {  	[tilespmem:s30], [sflag:$0x3] =	stream.linear.gather [hbm4b:s29+s7], $0x4000, $0x38;
	[tilespmem:$0x1B340] =	vst v63  }
0x33d: {  	_ =	swait.ge [sflag:s15], $0x4000  }
0x33e: {  	[sflag:s15] =	ssyncset.done $0x0  }
0x33f: {  	s24 =	simm.s32 $0x102;
	[sflag:s15] =	ssyncadd.s32 $0xFFFFC000  }
0x340: {  	v2 =	vmov s24;
	_ =	swait.ge [sflag:s15], $0x4000  }
0x341: {  	v2 =	vand.u32 $0xFFFFFFFE, v2;
	s25 =	simm.s32 $0x100;
	[sflag:s15] =	ssyncset.done $0x0  }
0x342: {  	s24 =	simm.s32 $0x1380;
	v2 =	vbroadcast v2, $0x0;
	v3 =	vmov s25;
	[sflag:s15] =	ssyncadd.s32 $0xFFFFC000  }
0x343: {  	s23 =	simm.s32 $0x11380;
	v3 =	vand.u32 $0xFFFFFFFC, v3;
	v4 =	vld [tilespmem:s24+$0x0]  }
0x344: {  	v3 =	vbroadcast v3, $0x0;
	v5 =	vld [tilespmem:s23+$0x0];
	_ =	sdelay $0x3  }
0x345: {  	s26 =	simm.s32 $0x101;
	v12 =	vld.idx.msk [tilespmem:v2+s14+$0x0], $0xffff  }
0x346: {  	v4 =	vadd.f32 v5, v4;
	v5 =	vmov s26  }
0x347: {  	v2 =	vld.idx.msk [tilespmem:v3+s14+$0x0], $0xffff;
	v3 =	vand.u32 $0xFFFFFFFD, v5  }
0x348: {  	v6 =	vld [tilespmem:s23+$0xFFFFFF00];
	v3 =	vbroadcast v3, $0x0  }
0x349: {  	v5 =	vld [tilespmem:s24+$0xFFFFFF00];
	v4 =	vmax.f32 v4, $0.0e+00  }
0x34a: {  	v7 =	vld [tilespmem:s24+$0xFFFFFF80];
	v4 =	vmul.f32 v4, v12  }
0x34b: {  	v8 =	vld [tilespmem:s23+$0xFFFFFF80]  }
0x34c: {  	s29 =	simm.s32 $0x103;
	v9 =	vld [tilespmem:s23+$0x10];
	[tilespmem:s23+$0x0] =	vst v4  }
0x34d: {  	v4 =	vmov s29;
	v10 =	vld [tilespmem:s24+$0x10]  }
0x34e: {  	v5 =	vadd.f32 v6, v5;
	v3 =	vld.idx.msk [tilespmem:v3+s14+$0x0], $0xffff  }
0x34f: {  	v11 =	vld [tilespmem:s23+$0x80]  }
0x350: {  	v7 =	vadd.f32 v8, v7;
	v6 =	vld [tilespmem:s24+$0x80];
	v5 =	vmax.f32 v5, $0.0e+00  }
0x351: {  	v5 =	vmul.f32 v5, v2  }
0x352: {  	v7 =	vmax.f32 v7, $0.0e+00;
	v4 =	vld.idx.msk [tilespmem:v4+s14+$0x0], $0xffff  }
0x353: {  	v8 =	vadd.f32 v9, v10;
	v9 =	vld [tilespmem:s23+$0xFFFFFF10];
	[tilespmem:s23+$0xFFFFFF00] =	vst v5;
	v5 =	vmul.f32 v7, v3  }
0x354: {  	v10 =	vld [tilespmem:s24+$0xFFFFFF10]  }
0x355: {  	v6 =	vadd.f32 v11, v6;
	v7 =	vld [tilespmem:s23+$0xFFFFFF90];
	v8 =	vmax.f32 v8, $0.0e+00;
	[tilespmem:s23+$0xFFFFFF80] =	vst v5  }
0x356: {  	v8 =	vmul.f32 v8, v12;
	v5 =	vld [tilespmem:s24+$0xFFFFFF90]  }
0x357: {  	v6 =	vmax.f32 v6, $0.0e+00  }
0x358: {  	v6 =	vmul.f32 v6, v4;
	[tilespmem:s23+$0x10] =	vst v8;
	v8 =	vld [tilespmem:s23+$0x20]  }
0x359: {  	v11 =	vld [tilespmem:s24+$0x20];
	v9 =	vadd.f32 v9, v10  }
0x35a: {  	v13 =	vld [tilespmem:s23+$0x90];
	[tilespmem:s23+$0x80] =	vst v6  }
0x35b: {  	v6 =	vld [tilespmem:s24+$0x90];
	v9 =	vmax.f32 v9, $0.0e+00;
	v5 =	vadd.f32 v7, v5  }
0x35c: {  	v9 =	vmul.f32 v9, v2  }
0x35d: {  	v5 =	vmax.f32 v5, $0.0e+00  }
0x35e: {  	v10 =	vld [tilespmem:s23+$0xFFFFFF20];
	v8 =	vadd.f32 v8, v11;
	[tilespmem:s23+$0xFFFFFF10] =	vst v9;
	v5 =	vmul.f32 v5, v3  }
0x35f: {  	v11 =	vld [tilespmem:s24+$0xFFFFFF20]  }
0x360: {  	v7 =	vld [tilespmem:s23+$0xFFFFFFA0];
	v6 =	vadd.f32 v13, v6;
	v8 =	vmax.f32 v8, $0.0e+00;
	[tilespmem:s23+$0xFFFFFF90] =	vst v5  }
0x361: {  	v5 =	vmul.f32 v8, v12;
	v8 =	vld [tilespmem:s24+$0xFFFFFFA0]  }
0x362: {  	v6 =	vmax.f32 v6, $0.0e+00  }
0x363: {  	v17 =	vld [tilespmem:s23+$0xA0];
	[tilespmem:s23+$0x20] =	vst v5;
	v5 =	vmul.f32 v6, v4  }
0x364: {  	v6 =	vld [tilespmem:s23+$0x30];
	v10 =	vadd.f32 v10, v11  }
0x365: {  	v11 =	vld [tilespmem:s24+$0x30];
	[tilespmem:s23+$0x90] =	vst v5  }
0x366: {  	v10 =	vmax.f32 v10, $0.0e+00;
	v5 =	vld [tilespmem:s24+$0xA0];
	v7 =	vadd.f32 v7, v8  }
0x367: {  	v14 =	vld [tilespmem:s23+$0xFFFFFF30];
	v10 =	vmul.f32 v10, v2  }
0x368: {  	v18 =	vld [tilespmem:s23+$0xB0];
	v7 =	vmax.f32 v7, $0.0e+00  }
0x369: {  	v19 =	vld [tilespmem:s23+$0xFFFFFF40];
	[tilespmem:s23+$0xFFFFFF20] =	vst v10;
	v7 =	vmul.f32 v7, v3  }
0x36a: {  	v6 =	vadd.f32 v6, v11;
	v10 =	vld [tilespmem:s24+$0xFFFFFF30]  }
0x36b: {  	v9 =	vld [tilespmem:s23+$0xFFFFFFB0];
	v5 =	vadd.f32 v17, v5;
	[tilespmem:s23+$0xFFFFFFA0] =	vst v7  }
0x36c: {  	v6 =	vmax.f32 v6, $0.0e+00;
	v7 =	vld [tilespmem:s24+$0xFFFFFFB0]  }
0x36d: {  	v15 =	vld [tilespmem:s23+$0xFFFFFF50];
	v6 =	vmul.f32 v6, v12;
	v5 =	vmax.f32 v5, $0.0e+00  }
0x36e: {  	v16 =	vld [tilespmem:s23+$0xFFFFFFD0];
	v5 =	vmul.f32 v5, v4  }
0x36f: {  	[tilespmem:s23+$0x30] =	vst v6;
	v6 =	vadd.f32 v14, v10;
	v10 =	vld [tilespmem:s23+$0x40]  }
0x370: {  	v11 =	vld [tilespmem:s24+$0x40];
	[tilespmem:s23+$0xA0] =	vst v5  }
0x371: {  	v5 =	vmax.f32 v6, $0.0e+00;
	v6 =	vadd.f32 v9, v7;
	v7 =	vld [tilespmem:s24+$0xB0]  }
0x372: {  	v20 =	vld [tilespmem:s23+$0xC0];
	v5 =	vmul.f32 v5, v2  }
0x373: {  	s25 =	simm.s32 $0x11580;
	v21 =	vld [tilespmem:s23+$0xE0];
	v6 =	vmax.f32 v6, $0.0e+00  }
0x374: {  	v25 =	vld [tilespmem:s25+$0x0];
	[tilespmem:s23+$0xFFFFFF30] =	vst v5;
	v5 =	vmul.f32 v6, v3  }
0x375: {  	v26 =	vld [tilespmem:s23+$0x60];
	v9 =	vadd.f32 v10, v11  }
0x376: {  	v8 =	vld [tilespmem:s23+$0xFFFFFFC0];
	[tilespmem:s23+$0xFFFFFFB0] =	vst v5;
	v5 =	vadd.f32 v18, v7  }
0x377: {  	v9 =	vmax.f32 v9, $0.0e+00;
	v7 =	vld [tilespmem:s24+$0xFFFFFFC0]  }
0x378: {  	v6 =	vld [tilespmem:s24+$0xFFFFFF40];
	v9 =	vmul.f32 v9, v12;
	v5 =	vmax.f32 v5, $0.0e+00  }
0x379: {  	v29 =	vld [tilespmem:s25+$0x80];
	v5 =	vmul.f32 v5, v4  }
0x37a: {  	s30 =	simm.s32 $0x104;
	v30 =	vld [tilespmem:s23+$0x70];
	[tilespmem:s23+$0x40] =	vst v9  }
0x37b: {  	v9 =	vld [tilespmem:s23+$0x50];
	[tilespmem:s23+$0xB0] =	vst v5;
	v5 =	vmov s30  }
0x37c: {  	s26 =	simm.s32 $0x107;
	v10 =	vld [tilespmem:s24+$0x50];
	v8 =	vadd.f32 v8, v7;
	v5 =	vand.u32 $0xFFFFFFFC, v5  }
0x37d: {  	v53 =	vld [tilespmem:s25+$0x90];
	v11 =	vmov s26;
	v6 =	vadd.f32 v19, v6;
	v19 =	vbroadcast v5, $0x0  }
0x37e: {  	v31 =	vld [tilespmem:s25+$0xFFFFFF20];
	v5 =	vmax.f32 v8, $0.0e+00  }
0x37f: {  	v32 =	vld [tilespmem:s25+$0xFFFFFFA0];
	v5 =	vmul.f32 v5, v3  }
0x380: {  	v55 =	vld [tilespmem:s25+$0xA0];
	s29 =	simm.s32 $0x106;
	s30 =	simm.s32 $0x105  }
0x381: {  	v33 =	vld [tilespmem:s25+$0xFFFFFF30];
	v9 =	vadd.f32 v9, v10;
	v10 =	vmov s30;
	[tilespmem:s23+$0xFFFFFFC0] =	vst v5;
	v5 =	vmov s29  }
0x382: {  	v10 =	vand.u32 $0xFFFFFFFD, v10;
	v24 =	vand.u32 $0xFFFFFFFE, v5;
	v5 =	vld.idx.msk [tilespmem:v11+s14+$0x0], $0xffff  }
0x383: {  	s26 =	simm.s32 $0x1580;
	v11 =	vbroadcast v24, $0x0;
	v24 =	vbroadcast v10, $0x0;
	v10 =	vld.idx.msk [tilespmem:v19+s14+$0x0], $0xffff  }
0x384: {  	v9 =	vmax.f32 v9, $0.0e+00;
	v19 =	vld [tilespmem:s26+$0x0]  }
0x385: {  	v56 =	vld [tilespmem:s25+$0xFFFFFFB0];
	v9 =	vmul.f32 v9, v12  }
0x386: {  	v18 =	vld [tilespmem:s24+$0xC0]  }
0x387: {  	v57 =	vld [tilespmem:s25+$0x30];
	[tilespmem:s23+$0x50] =	vst v9  }
0x388: {  	v27 =	vld [tilespmem:s24+$0x60]  }
0x389: {  	v19 =	vadd.f32 v25, v19;
	v25 =	vld [tilespmem:s25+$0xFFFFFF00]  }
0x38a: {  	v9 =	vld.idx.msk [tilespmem:v11+s14+$0x0], $0xffff  }
0x38b: {  	v18 =	vadd.f32 v20, v18;
	v11 =	vld.idx.msk [tilespmem:v24+s14+$0x0], $0xffff  }
0x38c: {  	v24 =	vld [tilespmem:s26+$0xFFFFFF00]  }
0x38d: {  	v20 =	vld [tilespmem:s26+$0xFFFFFF80];
	v18 =	vmax.f32 v18, $0.0e+00  }
0x38e: {  	v18 =	vmul.f32 v18, v4;
	v26 =	vadd.f32 v26, v27;
	v27 =	vld [tilespmem:s25+$0xFFFFFF80];
	v19 =	vmax.f32 v19, $0.0e+00  }
0x38f: {  	v62 =	vld [tilespmem:s25+$0x40];
	v19 =	vmul.f32 v19, v9  }
0x390: {  	v52 =	vld [tilespmem:s26+$0x80];
	[tilespmem:s23+$0xC0] =	vst v18;
	v26 =	vmax.f32 v26, $0.0e+00  }
0x391: {  	v18 =	vadd.f32 v25, v24;
	[tilespmem:s25+$0x0] =	vst v19;
	v19 =	vmul.f32 v26, v12;
	v26 =	vld [tilespmem:s25+$0x10]  }
0x392: {  	v24 =	vld [tilespmem:s26+$0x10]  }
0x393: {  	v13 =	vld [tilespmem:s23+$0xFFFFFF60];
	v18 =	vmax.f32 v18, $0.0e+00;
	[tilespmem:s23+$0x60] =	vst v19;
	v19 =	vadd.f32 v27, v20  }
0x394: {  	v17 =	vld [tilespmem:s23+$0xD0];
	v18 =	vmul.f32 v18, v10  }
0x395: {  	v14 =	vld [tilespmem:s23+$0xFFFFFFE0];
	v28 =	vadd.f32 v29, v52;
	v19 =	vmax.f32 v19, $0.0e+00  }
0x396: {  	v20 =	vld [tilespmem:s25+$0xFFFFFF10];
	[tilespmem:s25+$0xFFFFFF00] =	vst v18;
	v18 =	vmul.f32 v19, v11  }
0x397: {  	v28 =	vmax.f32 v28, $0.0e+00;
	v24 =	vadd.f32 v26, v24;
	v26 =	vld [tilespmem:s26+$0xFFFFFF10]  }
0x398: {  	v6 =	vmax.f32 v6, $0.0e+00;
	v19 =	vld [tilespmem:s25+$0xFFFFFF90];
	[tilespmem:s25+$0xFFFFFF80] =	vst v18;
	v18 =	vmul.f32 v28, v5  }
0x399: {  	v6 =	vmul.f32 v6, v2;
	v54 =	vld [tilespmem:s26+$0xFFFFFF90]  }
0x39a: {  	v7 =	vld [tilespmem:s23+$0xFFFFFF70];
	[tilespmem:s25+$0x80] =	vst v18  }
0x39b: {  	[tilespmem:s23+$0xFFFFFF40] =	vst v6;
	v24 =	vmax.f32 v24, $0.0e+00;
	v18 =	vld [tilespmem:s26+$0x90]  }
0x39c: {  	v22 =	vld [tilespmem:s24+$0xFFFFFF50];
	v24 =	vmul.f32 v24, v9;
	v20 =	vadd.f32 v20, v26  }
0x39d: {  	v23 =	vld [tilespmem:s24+$0xFFFFFFD0]  }
0x39e: {  	[tilespmem:s25+$0x10] =	vst v24;
	v24 =	vld [tilespmem:s25+$0x20];
	v20 =	vmax.f32 v20, $0.0e+00;
	v19 =	vadd.f32 v19, v54  }
0x39f: {  	v26 =	vld [tilespmem:s26+$0x20];
	v20 =	vmul.f32 v20, v10  }
0x3a0: {  	v25 =	vld [tilespmem:s24+$0xD0];
	v19 =	vmax.f32 v19, $0.0e+00;
	v18 =	vadd.f32 v53, v18  }
0x3a1: {  	v6 =	vld [tilespmem:s23+$0xFFFFFFF0];
	v22 =	vadd.f32 v15, v22;
	[tilespmem:s25+$0xFFFFFF10] =	vst v20;
	v19 =	vmul.f32 v19, v11  }
0x3a2: {  	v34 =	vld [tilespmem:s26+$0xFFFFFF20];
	v18 =	vmax.f32 v18, $0.0e+00  }
0x3a3: {  	v22 =	vmax.f32 v22, $0.0e+00;
	v23 =	vadd.f32 v16, v23;
	v27 =	vld [tilespmem:s24+$0x70];
	[tilespmem:s25+$0xFFFFFF90] =	vst v19;
	v18 =	vmul.f32 v18, v5  }
0x3a4: {  	v22 =	vmul.f32 v22, v2;
	v20 =	vadd.f32 v24, v26;
	v26 =	vld [tilespmem:s26+$0xFFFFFFA0]  }
0x3a5: {  	v8 =	vld [tilespmem:s23+$0xF0];
	v23 =	vmax.f32 v23, $0.0e+00;
	v25 =	vadd.f32 v17, v25;
	[tilespmem:s25+$0x90] =	vst v18  }
0x3a6: {  	[tilespmem:s23+$0xFFFFFF50] =	vst v22;
	v22 =	vmul.f32 v23, v3;
	v19 =	vmax.f32 v20, $0.0e+00;
	v35 =	vld [tilespmem:s26+$0xA0]  }
0x3a7: {  	v15 =	vld [tilespmem:s25+$0xFFFFFF50];
	v23 =	vmax.f32 v25, $0.0e+00;
	v18 =	vmul.f32 v19, v9;
	v31 =	vadd.f32 v31, v34  }
0x3a8: {  	v16 =	vld [tilespmem:s25+$0xFFFFFFD0];
	[tilespmem:s23+$0xFFFFFFD0] =	vst v22;
	v23 =	vmul.f32 v23, v4  }
0x3a9: {  	v60 =	vld [tilespmem:s24+$0xFFFFFFE0];
	v27 =	vadd.f32 v30, v27;
	[tilespmem:s25+$0x20] =	vst v18;
	v31 =	vmax.f32 v31, $0.0e+00;
	v26 =	vadd.f32 v32, v26  }
0x3aa: {  	[tilespmem:s23+$0xD0] =	vst v23;
	v58 =	vld [tilespmem:s26+$0x30];
	v31 =	vmul.f32 v31, v10  }
0x3ab: {  	v61 =	vld [tilespmem:s24+$0xE0];
	v27 =	vmax.f32 v27, $0.0e+00;
	v29 =	vadd.f32 v55, v35;
	v26 =	vmax.f32 v26, $0.0e+00  }
0x3ac: {  	v27 =	vmul.f32 v27, v12;
	v12 =	vld [tilespmem:s25+$0xFFFFFF60];
	[tilespmem:s25+$0xFFFFFF20] =	vst v31;
	v26 =	vmul.f32 v26, v11  }
0x3ad: {  	v31 =	vld [tilespmem:s26+$0xFFFFFF30];
	v17 =	vmax.f32 v29, $0.0e+00  }
0x3ae: {  	v24 =	vld [tilespmem:s25+$0xB0];
	[tilespmem:s25+$0xFFFFFFA0] =	vst v26;
	v26 =	vmul.f32 v17, v5  }
0x3af: {  	v59 =	vadd.f32 v57, v58;
	v25 =	vld [tilespmem:s26+$0xFFFFFFB0]  }
0x3b0: {  	[tilespmem:s25+$0xA0] =	vst v26;
	v26 =	vld [tilespmem:s24+$0xFFFFFF60]  }
0x3b1: {  	v29 =	vmax.f32 v59, $0.0e+00;
	v22 =	vld [tilespmem:s26+$0xB0]  }
0x3b2: {  	v20 =	vld [tilespmem:s25+$0xFFFFFF40];
	v29 =	vmul.f32 v29, v9;
	v23 =	vadd.f32 v33, v31  }
0x3b3: {  	v19 =	vld [tilespmem:s25+$0xFFFFFFC0]  }
0x3b4: {  	v18 =	vld [tilespmem:s25+$0xC0];
	[tilespmem:s25+$0x30] =	vst v29;
	v23 =	vmax.f32 v23, $0.0e+00;
	v25 =	vadd.f32 v56, v25  }
0x3b5: {  	v63 =	vld [tilespmem:s26+$0x40];
	v23 =	vmul.f32 v23, v10;
	v26 =	vadd.f32 v13, v26  }
0x3b6: {  	v17 =	vld [tilespmem:s25+$0xD0];
	v22 =	vadd.f32 v24, v22;
	v13 =	vmax.f32 v25, $0.0e+00  }
0x3b7: {  	[tilespmem:s25+$0xFFFFFF30] =	vst v23;
	v23 =	vmul.f32 v13, v11;
	v13 =	vld [tilespmem:s25+$0xFFFFFFE0];
	v25 =	vmax.f32 v26, $0.0e+00;
	v26 =	vadd.f32 v14, v60  }
0x3b8: {  	[tilespmem:s23+$0x70] =	vst v27;
	v21 =	vadd.f32 v21, v61;
	v24 =	vld [tilespmem:s26+$0xFFFFFF40];
	v14 =	vmax.f32 v22, $0.0e+00;
	v22 =	vmul.f32 v25, v2  }
0x3b9: {  	[tilespmem:s25+$0xFFFFFFB0] =	vst v23;
	v27 =	vmul.f32 v14, v5;
	v14 =	vld [tilespmem:s25+$0xE0];
	v23 =	vmax.f32 v26, $0.0e+00  }
0x3ba: {  	v26 =	vadd.f32 v62, v63;
	v25 =	vld [tilespmem:s26+$0xFFFFFFC0];
	[tilespmem:s23+$0xFFFFFF60] =	vst v22;
	v22 =	vmax.f32 v21, $0.0e+00;
	v23 =	vmul.f32 v23, v3  }
0x3bb: {  	s28 =	simm.s32 $0x4;
	[tilespmem:s25+$0xB0] =	vst v27;
	v21 =	vld [tilespmem:s24+$0xFFFFFF70];
	v22 =	vmul.f32 v22, v4  }
.LBB2_8:
0x3bc: {  	s29 =	sadd.s32 $0x104, s28;
	v26 =	vmax.f32 v26, $0.0e+00;
	v27 =	vld [tilespmem:s26+$0xC0];
	[tilespmem:s23+$0xFFFFFFE0] =	vst v23  }
0x3bd: {  	s30 =	sadd.s32 $0x107, s28;
	v23 =	vmov s29;
	s29 =	sadd.s32 $0x105, s28;
	v20 =	vadd.f32 v20, v24;
	v24 =	vmul.f32 v26, v9;
	v26 =	vld [tilespmem:s24+$0xFFFFFFF0];
	[tilespmem:s23+$0xE0] =	vst v22  }
0x3be: {  	v28 =	vmov s30;
	v22 =	vand.u32 $0xFFFFFFFC, v23;
	v23 =	vmov s29;
	v29 =	vld [tilespmem:s24+$0xF0];
	s24 =	smov.u32 s26  }
0x3bf: {  	v23 =	vand.u32 $0xFFFFFFFD, v23;
	v20 =	vmax.f32 v20, $0.0e+00;
	v19 =	vadd.f32 v19, v25;
	[tilespmem:s25+$0x40] =	vst v24;
	v24 =	vld [tilespmem:s25+$0x50]  }
0x3c0: {  	v22 =	vbroadcast v22, $0x0;
	v20 =	vmul.f32 v20, v10;
	v25 =	vld [tilespmem:s26+$0x50];
	v21 =	vadd.f32 v7, v21  }
0x3c1: {  	v23 =	vbroadcast v23, $0x0;
	v7 =	vld [tilespmem:s25+$0xFFFFFF70];
	v19 =	vmax.f32 v19, $0.0e+00;
	v18 =	vadd.f32 v18, v27  }
0x3c2: {  	[tilespmem:s25+$0xFFFFFF40] =	vst v20;
	v19 =	vmul.f32 v19, v11;
	v20 =	vmax.f32 v21, $0.0e+00;
	v21 =	vadd.f32 v6, v26;
	v6 =	vld [tilespmem:s25+$0xFFFFFFF0]  }
0x3c3: {  	v26 =	vld [tilespmem:s26+$0xFFFFFF50];
	v18 =	vmax.f32 v18, $0.0e+00;
	v20 =	vmul.f32 v20, v2;
	v27 =	vadd.f32 v8, v29;
	v2 =	vmovc v10  }
0x3c4: {  	[tilespmem:s25+$0xFFFFFFC0] =	vst v19;
	v10 =	vmul.f32 v18, v5;
	v8 =	vld [tilespmem:s25+$0xF0];
	v18 =	vmax.f32 v21, $0.0e+00  }
0x3c5: {  	v19 =	vld [tilespmem:s26+$0xFFFFFFD0];
	v21 =	vadd.f32 v24, v25;
	[tilespmem:s23+$0xFFFFFF70] =	vst v20;
	v18 =	vmul.f32 v18, v3;
	v20 =	vmax.f32 v27, $0.0e+00;
	v3 =	vmovc v11  }
0x3c6: {  	s29 =	sadd.s32 $0x106, s28;
	s28 =	sadd.s32 $0x4, s28;
	[tilespmem:s25+$0xC0] =	vst v10;
	v11 =	vmul.f32 v20, v4;
	v4 =	vmov v5;
	v5 =	vld.idx.msk [tilespmem:v28+s14+$0x0], $0xffff  }
0x3c7: {  	p0 =	slt.u32 s28, $0x7C;
	v20 =	vmov s29;
	v21 =	vmax.f32 v21, $0.0e+00;
	v24 =	vld [tilespmem:s26+$0xD0];
	[tilespmem:s23+$0xFFFFFFF0] =	vst v18  }
0x3c8: {  	v18 =	vand.u32 $0xFFFFFFFE, v20;
	v10 =	vld.idx.msk [tilespmem:v22+s14+$0x0], $0xffff;
	v15 =	vadd.f32 v15, v26;
	v20 =	vmul.f32 v21, v9;
	[tilespmem:s23+$0xF0] =	vst v11;
	s23 =	smov.u32 s25  }
0x3c9: {  	v18 =	vbroadcast v18, $0x0;
	v11 =	vld.idx.msk [tilespmem:v23+s14+$0x0], $0xffff  }
0x3ca: {  	v15 =	vmax.f32 v15, $0.0e+00;
	v16 =	vadd.f32 v16, v19;
	[tilespmem:s25+$0x50] =	vst v20;
	v19 =	vld [tilespmem:s25+$0x60]  }
0x3cb: {  	s26 =	sadd.s32 $0x200, s26;
	v15 =	vmul.f32 v15, v2;
	v20 =	vld [tilespmem:s24+$0x60]  }
0x3cc: {  	s25 =	sadd.s32 $0x200, s25;
	v21 =	vld [tilespmem:s26+$0x0];
	v16 =	vmax.f32 v16, $0.0e+00;
	v17 =	vadd.f32 v17, v24  }
0x3cd: {  	v22 =	vld [tilespmem:s25+$0x0];
	[tilespmem:s23+$0xFFFFFF50] =	vst v15;
	v15 =	vmul.f32 v16, v3  }
0x3ce: {  	v16 =	vld [tilespmem:s26+$0xFFFFFF00];
	v17 =	vmax.f32 v17, $0.0e+00  }
0x3cf: {  	v18 =	vld.idx.msk [tilespmem:v18+s14+$0x0], $0xffff;
	[tilespmem:s23+$0xFFFFFFD0] =	vst v15;
	v15 =	vmul.f32 v17, v4  }
0x3d0: {  	v17 =	vld [tilespmem:s25+$0xFFFFFF00];
	v19 =	vadd.f32 v19, v20  }
0x3d1: {  	v20 =	vld [tilespmem:s26+$0xFFFFFF80];
	[tilespmem:s23+$0xD0] =	vst v15  }
0x3d2: {  	v15 =	vld [tilespmem:s25+$0xFFFFFF80];
	v21 =	vadd.f32 v22, v21;
	v19 =	vmax.f32 v19, $0.0e+00  }
0x3d3: {  	v22 =	vld [tilespmem:s26+$0x80];
	v19 =	vmul.f32 v19, v9  }
0x3d4: {  	v21 =	vmax.f32 v21, $0.0e+00;
	v23 =	vld [tilespmem:s25+$0x80]  }
0x3d5: {  	v16 =	vadd.f32 v17, v16;
	v17 =	vmul.f32 v21, v18;
	[tilespmem:s23+$0x60] =	vst v19;
	v19 =	vld [tilespmem:s23+$0x70]  }
0x3d6: {  	v21 =	vld [tilespmem:s24+$0x70]  }
0x3d7: {  	v16 =	vmax.f32 v16, $0.0e+00;
	v15 =	vadd.f32 v15, v20;
	[tilespmem:s25+$0x0] =	vst v17;
	v17 =	vld [tilespmem:s25+$0x10]  }
0x3d8: {  	v16 =	vmul.f32 v16, v10;
	v20 =	vld [tilespmem:s26+$0x10]  }
0x3d9: {  	v24 =	vld [tilespmem:s25+$0xFFFFFF10];
	v15 =	vmax.f32 v15, $0.0e+00;
	v22 =	vadd.f32 v23, v22  }
0x3da: {  	[tilespmem:s25+$0xFFFFFF00] =	vst v16;
	v15 =	vmul.f32 v15, v11;
	v16 =	vld [tilespmem:s25+$0xFFFFFF90]  }
0x3db: {  	v23 =	vld [tilespmem:s26+$0xFFFFFF10];
	v22 =	vmax.f32 v22, $0.0e+00;
	v19 =	vadd.f32 v19, v21  }
0x3dc: {  	[tilespmem:s25+$0xFFFFFF80] =	vst v15;
	v15 =	vmul.f32 v22, v5;
	v21 =	vld [tilespmem:s25+$0x90]  }
0x3dd: {  	v22 =	vld [tilespmem:s26+$0xFFFFFF90];
	v17 =	vadd.f32 v17, v20;
	v19 =	vmax.f32 v19, $0.0e+00  }
0x3de: {  	v25 =	vld [tilespmem:s25+$0xFFFFFF20];
	[tilespmem:s25+$0x80] =	vst v15;
	v15 =	vmul.f32 v19, v9;
	v9 =	vmov v18  }
0x3df: {  	v17 =	vmax.f32 v17, $0.0e+00;
	v18 =	vld [tilespmem:s26+$0x90]  }
0x3e0: {  	v19 =	vadd.f32 v24, v23;
	v23 =	vld [tilespmem:s25+$0xFFFFFFA0];
	v17 =	vmul.f32 v17, v9;
	[tilespmem:s23+$0x70] =	vst v15  }
0x3e1: {  	v24 =	vld [tilespmem:s25+$0xA0]  }
0x3e2: {  	v15 =	vmax.f32 v19, $0.0e+00;
	v16 =	vadd.f32 v16, v22;
	[tilespmem:s25+$0x10] =	vst v17;
	v17 =	vld [tilespmem:s25+$0x20]  }
0x3e3: {  	v15 =	vmul.f32 v15, v10;
	v19 =	vld [tilespmem:s26+$0x20]  }
0x3e4: {  	v22 =	vld [tilespmem:s25+$0xFFFFFF30];
	v16 =	vmax.f32 v16, $0.0e+00;
	v18 =	vadd.f32 v21, v18  }
0x3e5: {  	[tilespmem:s25+$0xFFFFFF10] =	vst v15;
	v15 =	vmul.f32 v16, v11;
	v21 =	vld [tilespmem:s25+$0xFFFFFFB0]  }
0x3e6: {  	v16 =	vld [tilespmem:s26+$0xFFFFFF20];
	v18 =	vmax.f32 v18, $0.0e+00  }
0x3e7: {  	[tilespmem:s25+$0xFFFFFF90] =	vst v15;
	v15 =	vmul.f32 v18, v5;
	v26 =	vld [tilespmem:s25+$0xB0]  }
0x3e8: {  	v27 =	vld [tilespmem:s26+$0xFFFFFFA0];
	v17 =	vadd.f32 v17, v19  }
0x3e9: {  	v20 =	vld [tilespmem:s25+$0xFFFFFF40];
	[tilespmem:s25+$0x90] =	vst v15  }
0x3ea: {  	v15 =	vmax.f32 v17, $0.0e+00;
	v17 =	vld [tilespmem:s26+$0xA0]  }
0x3eb: {  	v16 =	vadd.f32 v25, v16;
	v19 =	vld [tilespmem:s25+$0xFFFFFFC0];
	v15 =	vmul.f32 v15, v9  }
0x3ec: {  	v18 =	vld [tilespmem:s25+$0xC0]  }
0x3ed: {  	v16 =	vmax.f32 v16, $0.0e+00;
	v23 =	vadd.f32 v23, v27;
	[tilespmem:s25+$0x20] =	vst v15;
	v25 =	vld [tilespmem:s25+$0x30]  }
0x3ee: {  	v16 =	vmul.f32 v16, v10;
	v27 =	vld [tilespmem:s26+$0x30]  }
0x3ef: {  	v15 =	vld [tilespmem:s25+$0xFFFFFF50];
	v23 =	vmax.f32 v23, $0.0e+00;
	v17 =	vadd.f32 v24, v17  }
0x3f0: {  	[tilespmem:s25+$0xFFFFFF20] =	vst v16;
	v23 =	vmul.f32 v23, v11;
	v16 =	vld [tilespmem:s25+$0xFFFFFFD0]  }
0x3f1: {  	v24 =	vld [tilespmem:s26+$0xFFFFFF30];
	v17 =	vmax.f32 v17, $0.0e+00  }
0x3f2: {  	[tilespmem:s25+$0xFFFFFFA0] =	vst v23;
	v23 =	vmul.f32 v17, v5;
	v17 =	vld [tilespmem:s25+$0xD0]  }
0x3f3: {  	v28 =	vld [tilespmem:s26+$0xFFFFFFB0];
	v25 =	vadd.f32 v25, v27  }
0x3f4: {  	[tilespmem:s25+$0xA0] =	vst v23;
	v23 =	vld [tilespmem:s24+$0xFFFFFF60]  }
0x3f5: {  	v25 =	vmax.f32 v25, $0.0e+00;
	v27 =	vld [tilespmem:s26+$0xB0]  }
0x3f6: {  	v22 =	vadd.f32 v22, v24;
	v24 =	vmul.f32 v25, v9;
	v25 =	vld [tilespmem:s24+$0xFFFFFFE0]  }
0x3f7: {  	v29 =	vld [tilespmem:s24+$0xE0]  }
0x3f8: {  	v22 =	vmax.f32 v22, $0.0e+00;
	v21 =	vadd.f32 v21, v28;
	[tilespmem:s25+$0x30] =	vst v24;
	v28 =	vld [tilespmem:s25+$0x40]  }
0x3f9: {  	v22 =	vmul.f32 v22, v10;
	v30 =	vld [tilespmem:s26+$0x40];
	v23 =	vadd.f32 v12, v23  }
0x3fa: {  	v12 =	vld [tilespmem:s25+$0xFFFFFF60];
	v21 =	vmax.f32 v21, $0.0e+00;
	v26 =	vadd.f32 v26, v27  }
.Ltmp3:
0x3fb: {  	[tilespmem:s25+$0xFFFFFF30] =	vst v22;
	v21 =	vmul.f32 v21, v11;
	v22 =	vmax.f32 v23, $0.0e+00;
	v23 =	vadd.f32 v13, v25;
	v13 =	vld [tilespmem:s25+$0xFFFFFFE0];
	(pc) =	sbr.rel @p0 .LBB2_8-.Ltmp3, $4  }
0x3fc: {  	v24 =	vld [tilespmem:s26+$0xFFFFFF40];
	v25 =	vmax.f32 v26, $0.0e+00;
	v22 =	vmul.f32 v22, v2;
	v27 =	vadd.f32 v14, v29  }
0x3fd: {  	[tilespmem:s25+$0xFFFFFFB0] =	vst v21;
	v21 =	vmul.f32 v25, v5;
	v14 =	vld [tilespmem:s25+$0xE0];
	v23 =	vmax.f32 v23, $0.0e+00  }
0x3fe: {  	v25 =	vld [tilespmem:s26+$0xFFFFFFC0];
	v26 =	vadd.f32 v28, v30;
	[tilespmem:s23+$0xFFFFFF60] =	vst v22;
	v23 =	vmul.f32 v23, v3;
	v22 =	vmax.f32 v27, $0.0e+00  }
0x3ff: {  	[tilespmem:s25+$0xB0] =	vst v21;
	v21 =	vld [tilespmem:s24+$0xFFFFFF70];
	v22 =	vmul.f32 v22, v4  }
0x400: {  	v27 =	vld [tilespmem:s26+$0xC0];
	_ =	sdelay $0x1  }
0x401: {  	v26 =	vmax.f32 v26, $0.0e+00  }
0x402: {  	v26 =	vmul.f32 v26, v9;
	v20 =	vadd.f32 v20, v24  }
0x403: {  	v19 =	vadd.f32 v19, v25  }
0x404: {  	v24 =	vld [tilespmem:s25+$0x50];
	[tilespmem:s25+$0x40] =	vst v26;
	v20 =	vmax.f32 v20, $0.0e+00;
	v18 =	vadd.f32 v18, v27  }
0x405: {  	v20 =	vmul.f32 v20, v10;
	v25 =	vld [tilespmem:s26+$0x50];
	v19 =	vmax.f32 v19, $0.0e+00  }
0x406: {  	v19 =	vmul.f32 v19, v11;
	v18 =	vmax.f32 v18, $0.0e+00  }
0x407: {  	[tilespmem:s25+$0xFFFFFF40] =	vst v20;
	v18 =	vmul.f32 v18, v5  }
0x408: {  	v27 =	vld [tilespmem:s26+$0xFFFFFF50];
	[tilespmem:s25+$0xFFFFFFC0] =	vst v19  }
0x409: {  	v28 =	vld [tilespmem:s26+$0xFFFFFFD0];
	[tilespmem:s25+$0xC0] =	vst v18  }
0x40a: {  	v18 =	vadd.f32 v24, v25;
	v24 =	vld [tilespmem:s26+$0xD0];
	_ =	sdelay $0x2  }
0x40b: {  	v18 =	vmax.f32 v18, $0.0e+00;
	v15 =	vadd.f32 v15, v27  }
0x40c: {  	v18 =	vmul.f32 v18, v9;
	v16 =	vadd.f32 v16, v28  }
0x40d: {  	v15 =	vmax.f32 v15, $0.0e+00;
	v17 =	vadd.f32 v17, v24  }
0x40e: {  	[tilespmem:s25+$0x50] =	vst v18;
	v18 =	vld [tilespmem:s25+$0x60];
	v15 =	vmul.f32 v15, v10;
	v16 =	vmax.f32 v16, $0.0e+00  }
0x40f: {  	v24 =	vld [tilespmem:s26+$0x60];
	v16 =	vmul.f32 v16, v11;
	v17 =	vmax.f32 v17, $0.0e+00  }
0x410: {  	[tilespmem:s25+$0xFFFFFF50] =	vst v15;
	v15 =	vmul.f32 v17, v5  }
0x411: {  	[tilespmem:s25+$0xFFFFFFD0] =	vst v16;
	v16 =	vld [tilespmem:s26+$0xFFFFFF60]  }
0x412: {  	[tilespmem:s25+$0xD0] =	vst v15;
	v15 =	vld [tilespmem:s26+$0xFFFFFFE0]  }
0x413: {  	v17 =	vld [tilespmem:s26+$0xE0]  }
0x414: {  	v18 =	vadd.f32 v18, v24  }
0x415: {  	v26 =	vld [tilespmem:s25+$0xFFFFFF70]  }
0x416: {  	v20 =	vld [tilespmem:s25+$0xFFFFFFF0];
	v18 =	vmax.f32 v18, $0.0e+00;
	v12 =	vadd.f32 v12, v16  }
0x417: {  	[tilespmem:s23+$0xFFFFFFE0] =	vst v23;
	v19 =	vld [tilespmem:s25+$0xF0];
	v16 =	vmul.f32 v18, v9;
	v13 =	vadd.f32 v13, v15  }
0x418: {  	[tilespmem:s23+$0xE0] =	vst v22;
	v15 =	vld [tilespmem:s24+$0xFFFFFFF0];
	v12 =	vmax.f32 v12, $0.0e+00;
	v14 =	vadd.f32 v14, v17  }
0x419: {  	[tilespmem:s25+$0x60] =	vst v16;
	v16 =	vld [tilespmem:s25+$0x70];
	v12 =	vmul.f32 v12, v10;
	v13 =	vmax.f32 v13, $0.0e+00  }
0x41a: {  	v17 =	vld [tilespmem:s24+$0xF0];
	v13 =	vmul.f32 v13, v11;
	v14 =	vmax.f32 v14, $0.0e+00  }
0x41b: {  	v18 =	vld [tilespmem:s26+$0x70];
	[tilespmem:s25+$0xFFFFFF60] =	vst v12;
	v12 =	vmul.f32 v14, v5  }
0x41c: {  	v14 =	vld [tilespmem:s26+$0xFFFFFF70];
	[tilespmem:s25+$0xFFFFFFE0] =	vst v13  }
0x41d: {  	v7 =	vadd.f32 v7, v21;
	v13 =	vld [tilespmem:s26+$0xFFFFFFF0];
	[tilespmem:s25+$0xE0] =	vst v12  }
0x41e: {  	v6 =	vadd.f32 v6, v15;
	v12 =	vld [tilespmem:s26+$0xF0]  }
0x41f: {  	v7 =	vmax.f32 v7, $0.0e+00;
	v8 =	vadd.f32 v8, v17  }
0x420: {  	v2 =	vmul.f32 v7, v2;
	v7 =	vadd.f32 v16, v18;
	v6 =	vmax.f32 v6, $0.0e+00  }
0x421: {  	v3 =	vmul.f32 v6, v3;
	v6 =	vmax.f32 v8, $0.0e+00;
	v8 =	vadd.f32 v26, v14  }
0x422: {  	[tilespmem:s23+$0xFFFFFF70] =	vst v2;
	v2 =	vmul.f32 v6, v4;
	v4 =	vmax.f32 v7, $0.0e+00;
	v6 =	vadd.f32 v20, v13  }
0x423: {  	[tilespmem:s23+$0xFFFFFFF0] =	vst v3;
	v3 =	vmul.f32 v4, v9;
	v4 =	vmax.f32 v8, $0.0e+00;
	v7 =	vadd.f32 v19, v12  }
0x424: {  	[tilespmem:s23+$0xF0] =	vst v2;
	v2 =	vmul.f32 v4, v10;
	v4 =	vmax.f32 v6, $0.0e+00  }
0x425: {  	[tilespmem:s25+$0x70] =	vst v3;
	v3 =	vmul.f32 v4, v11;
	v4 =	vmax.f32 v7, $0.0e+00  }
0x426: {  	[tilespmem:s25+$0xFFFFFF70] =	vst v2;
	v2 =	vmul.f32 v4, v5  }
0x427: {  	[tilespmem:s25+$0xFFFFFFF0] =	vst v3  }
0x428: {  	s29 =	simm.s32 $0x300;
	s30 =	simm.s32 $0x11280;
	[tilespmem:s25+$0xF0] =	vst v2  }
0x429: {  	[spmem:s2] =	stream.indirect.scatter.add.f32 [tilespmem:s30], [sflag:$0x5], $0x80, s29, s5, $0xb8;
	[tilespmem:$0x1B340] =	vst v63  }
0x42a: {  	_ =	swait.ge [sflag:s16], $0x4000  }
0x42b: {  	[sflag:s16] =	ssyncset.done $0x0  }
0x42c: {  	s24 =	simm.s32 $0x182;
	[sflag:s16] =	ssyncadd.s32 $0xFFFFC000  }
0x42d: {  	v2 =	vmov s24;
	_ =	swait.ge [sflag:s16], $0x4000  }
0x42e: {  	s25 =	simm.s32 $0x180;
	v2 =	vand.u32 $0xFFFFFFFE, v2;
	[sflag:s16] =	ssyncset.done $0x0  }
0x42f: {  	s24 =	simm.s32 $0x5380;
	v3 =	vmov s25;
	v2 =	vbroadcast v2, $0x0;
	[sflag:s16] =	ssyncadd.s32 $0xFFFFC000  }
0x430: {  	s23 =	simm.s32 $0x15380;
	v3 =	vand.u32 $0xFFFFFFFC, v3;
	v4 =	vld [tilespmem:s24+$0x0]  }
0x431: {  	v3 =	vbroadcast v3, $0x0;
	v5 =	vld [tilespmem:s23+$0x0];
	_ =	sdelay $0x3  }
0x432: {  	s26 =	simm.s32 $0x181;
	v12 =	vld.idx.msk [tilespmem:v2+s14+$0x0], $0xffff  }
0x433: {  	v4 =	vadd.f32 v5, v4;
	v5 =	vmov s26  }
0x434: {  	v2 =	vld.idx.msk [tilespmem:v3+s14+$0x0], $0xffff;
	v3 =	vand.u32 $0xFFFFFFFD, v5  }
0x435: {  	v6 =	vld [tilespmem:s23+$0xFFFFFF00];
	v3 =	vbroadcast v3, $0x0  }
0x436: {  	v5 =	vld [tilespmem:s24+$0xFFFFFF00];
	v4 =	vmax.f32 v4, $0.0e+00  }
0x437: {  	v7 =	vld [tilespmem:s24+$0xFFFFFF80];
	v4 =	vmul.f32 v4, v12  }
0x438: {  	v8 =	vld [tilespmem:s23+$0xFFFFFF80]  }
0x439: {  	s29 =	simm.s32 $0x183;
	v9 =	vld [tilespmem:s23+$0x10];
	[tilespmem:s23+$0x0] =	vst v4  }
0x43a: {  	v4 =	vmov s29;
	v10 =	vld [tilespmem:s24+$0x10]  }
0x43b: {  	v5 =	vadd.f32 v6, v5;
	v3 =	vld.idx.msk [tilespmem:v3+s14+$0x0], $0xffff  }
0x43c: {  	v11 =	vld [tilespmem:s23+$0x80]  }
0x43d: {  	v7 =	vadd.f32 v8, v7;
	v6 =	vld [tilespmem:s24+$0x80];
	v5 =	vmax.f32 v5, $0.0e+00  }
0x43e: {  	v5 =	vmul.f32 v5, v2  }
0x43f: {  	v7 =	vmax.f32 v7, $0.0e+00;
	v4 =	vld.idx.msk [tilespmem:v4+s14+$0x0], $0xffff  }
0x440: {  	v8 =	vadd.f32 v9, v10;
	v9 =	vld [tilespmem:s23+$0xFFFFFF10];
	[tilespmem:s23+$0xFFFFFF00] =	vst v5;
	v5 =	vmul.f32 v7, v3  }
0x441: {  	v10 =	vld [tilespmem:s24+$0xFFFFFF10]  }
0x442: {  	v6 =	vadd.f32 v11, v6;
	v7 =	vld [tilespmem:s23+$0xFFFFFF90];
	v8 =	vmax.f32 v8, $0.0e+00;
	[tilespmem:s23+$0xFFFFFF80] =	vst v5  }
0x443: {  	v8 =	vmul.f32 v8, v12;
	v5 =	vld [tilespmem:s24+$0xFFFFFF90]  }
0x444: {  	v6 =	vmax.f32 v6, $0.0e+00  }
0x445: {  	v6 =	vmul.f32 v6, v4;
	[tilespmem:s23+$0x10] =	vst v8;
	v8 =	vld [tilespmem:s23+$0x20]  }
0x446: {  	v11 =	vld [tilespmem:s24+$0x20];
	v9 =	vadd.f32 v9, v10  }
0x447: {  	v13 =	vld [tilespmem:s23+$0x90];
	[tilespmem:s23+$0x80] =	vst v6  }
0x448: {  	v6 =	vld [tilespmem:s24+$0x90];
	v9 =	vmax.f32 v9, $0.0e+00;
	v5 =	vadd.f32 v7, v5  }
0x449: {  	v9 =	vmul.f32 v9, v2  }
0x44a: {  	v5 =	vmax.f32 v5, $0.0e+00  }
0x44b: {  	v10 =	vld [tilespmem:s23+$0xFFFFFF20];
	v8 =	vadd.f32 v8, v11;
	[tilespmem:s23+$0xFFFFFF10] =	vst v9;
	v5 =	vmul.f32 v5, v3  }
0x44c: {  	v11 =	vld [tilespmem:s24+$0xFFFFFF20]  }
0x44d: {  	v7 =	vld [tilespmem:s23+$0xFFFFFFA0];
	v6 =	vadd.f32 v13, v6;
	v8 =	vmax.f32 v8, $0.0e+00;
	[tilespmem:s23+$0xFFFFFF90] =	vst v5  }
0x44e: {  	v5 =	vmul.f32 v8, v12;
	v8 =	vld [tilespmem:s24+$0xFFFFFFA0]  }
0x44f: {  	v6 =	vmax.f32 v6, $0.0e+00  }
0x450: {  	v17 =	vld [tilespmem:s23+$0xA0];
	[tilespmem:s23+$0x20] =	vst v5;
	v5 =	vmul.f32 v6, v4  }
0x451: {  	v6 =	vld [tilespmem:s23+$0x30];
	v10 =	vadd.f32 v10, v11  }
0x452: {  	v11 =	vld [tilespmem:s24+$0x30];
	[tilespmem:s23+$0x90] =	vst v5  }
0x453: {  	v10 =	vmax.f32 v10, $0.0e+00;
	v5 =	vld [tilespmem:s24+$0xA0];
	v7 =	vadd.f32 v7, v8  }
0x454: {  	v14 =	vld [tilespmem:s23+$0xFFFFFF30];
	v10 =	vmul.f32 v10, v2  }
0x455: {  	v18 =	vld [tilespmem:s23+$0xB0];
	v7 =	vmax.f32 v7, $0.0e+00  }
0x456: {  	v19 =	vld [tilespmem:s23+$0xFFFFFF40];
	[tilespmem:s23+$0xFFFFFF20] =	vst v10;
	v7 =	vmul.f32 v7, v3  }
0x457: {  	v6 =	vadd.f32 v6, v11;
	v10 =	vld [tilespmem:s24+$0xFFFFFF30]  }
0x458: {  	v9 =	vld [tilespmem:s23+$0xFFFFFFB0];
	v5 =	vadd.f32 v17, v5;
	[tilespmem:s23+$0xFFFFFFA0] =	vst v7  }
0x459: {  	v6 =	vmax.f32 v6, $0.0e+00;
	v7 =	vld [tilespmem:s24+$0xFFFFFFB0]  }
0x45a: {  	v15 =	vld [tilespmem:s23+$0xFFFFFF50];
	v6 =	vmul.f32 v6, v12;
	v5 =	vmax.f32 v5, $0.0e+00  }
0x45b: {  	v16 =	vld [tilespmem:s23+$0xFFFFFFD0];
	v5 =	vmul.f32 v5, v4  }
0x45c: {  	[tilespmem:s23+$0x30] =	vst v6;
	v6 =	vadd.f32 v14, v10;
	v10 =	vld [tilespmem:s23+$0x40]  }
0x45d: {  	v11 =	vld [tilespmem:s24+$0x40];
	[tilespmem:s23+$0xA0] =	vst v5  }
0x45e: {  	v5 =	vmax.f32 v6, $0.0e+00;
	v6 =	vadd.f32 v9, v7;
	v7 =	vld [tilespmem:s24+$0xB0]  }
0x45f: {  	v20 =	vld [tilespmem:s23+$0xC0];
	v5 =	vmul.f32 v5, v2  }
0x460: {  	s25 =	simm.s32 $0x15580;
	v21 =	vld [tilespmem:s23+$0xE0];
	v6 =	vmax.f32 v6, $0.0e+00  }
0x461: {  	v25 =	vld [tilespmem:s25+$0x0];
	[tilespmem:s23+$0xFFFFFF30] =	vst v5;
	v5 =	vmul.f32 v6, v3  }
0x462: {  	v26 =	vld [tilespmem:s23+$0x60];
	v9 =	vadd.f32 v10, v11  }
0x463: {  	v8 =	vld [tilespmem:s23+$0xFFFFFFC0];
	[tilespmem:s23+$0xFFFFFFB0] =	vst v5;
	v5 =	vadd.f32 v18, v7  }
0x464: {  	v9 =	vmax.f32 v9, $0.0e+00;
	v7 =	vld [tilespmem:s24+$0xFFFFFFC0]  }
0x465: {  	v6 =	vld [tilespmem:s24+$0xFFFFFF40];
	v9 =	vmul.f32 v9, v12;
	v5 =	vmax.f32 v5, $0.0e+00  }
0x466: {  	v29 =	vld [tilespmem:s25+$0x80];
	v5 =	vmul.f32 v5, v4  }
0x467: {  	s30 =	simm.s32 $0x184;
	v30 =	vld [tilespmem:s23+$0x70];
	[tilespmem:s23+$0x40] =	vst v9  }
0x468: {  	v9 =	vld [tilespmem:s23+$0x50];
	[tilespmem:s23+$0xB0] =	vst v5;
	v5 =	vmov s30  }
0x469: {  	s26 =	simm.s32 $0x187;
	v10 =	vld [tilespmem:s24+$0x50];
	v8 =	vadd.f32 v8, v7;
	v5 =	vand.u32 $0xFFFFFFFC, v5  }
0x46a: {  	v53 =	vld [tilespmem:s25+$0x90];
	v11 =	vmov s26;
	v6 =	vadd.f32 v19, v6;
	v19 =	vbroadcast v5, $0x0  }
0x46b: {  	v31 =	vld [tilespmem:s25+$0xFFFFFF20];
	v5 =	vmax.f32 v8, $0.0e+00  }
0x46c: {  	v32 =	vld [tilespmem:s25+$0xFFFFFFA0];
	v5 =	vmul.f32 v5, v3  }
0x46d: {  	v55 =	vld [tilespmem:s25+$0xA0];
	s29 =	simm.s32 $0x186;
	s30 =	simm.s32 $0x185  }
0x46e: {  	v33 =	vld [tilespmem:s25+$0xFFFFFF30];
	v9 =	vadd.f32 v9, v10;
	v10 =	vmov s30;
	[tilespmem:s23+$0xFFFFFFC0] =	vst v5;
	v5 =	vmov s29  }
0x46f: {  	v10 =	vand.u32 $0xFFFFFFFD, v10;
	v24 =	vand.u32 $0xFFFFFFFE, v5;
	v5 =	vld.idx.msk [tilespmem:v11+s14+$0x0], $0xffff  }
0x470: {  	s26 =	simm.s32 $0x5580;
	v11 =	vbroadcast v24, $0x0;
	v24 =	vbroadcast v10, $0x0;
	v10 =	vld.idx.msk [tilespmem:v19+s14+$0x0], $0xffff  }
0x471: {  	v9 =	vmax.f32 v9, $0.0e+00;
	v19 =	vld [tilespmem:s26+$0x0]  }
0x472: {  	v56 =	vld [tilespmem:s25+$0xFFFFFFB0];
	v9 =	vmul.f32 v9, v12  }
0x473: {  	v18 =	vld [tilespmem:s24+$0xC0]  }
0x474: {  	v57 =	vld [tilespmem:s25+$0x30];
	[tilespmem:s23+$0x50] =	vst v9  }
0x475: {  	v27 =	vld [tilespmem:s24+$0x60]  }
0x476: {  	v19 =	vadd.f32 v25, v19;
	v25 =	vld [tilespmem:s25+$0xFFFFFF00]  }
0x477: {  	v9 =	vld.idx.msk [tilespmem:v11+s14+$0x0], $0xffff  }
0x478: {  	v18 =	vadd.f32 v20, v18;
	v11 =	vld.idx.msk [tilespmem:v24+s14+$0x0], $0xffff  }
0x479: {  	v24 =	vld [tilespmem:s26+$0xFFFFFF00]  }
0x47a: {  	v20 =	vld [tilespmem:s26+$0xFFFFFF80];
	v18 =	vmax.f32 v18, $0.0e+00  }
0x47b: {  	v18 =	vmul.f32 v18, v4;
	v26 =	vadd.f32 v26, v27;
	v27 =	vld [tilespmem:s25+$0xFFFFFF80];
	v19 =	vmax.f32 v19, $0.0e+00  }
0x47c: {  	v62 =	vld [tilespmem:s25+$0x40];
	v19 =	vmul.f32 v19, v9  }
0x47d: {  	v52 =	vld [tilespmem:s26+$0x80];
	[tilespmem:s23+$0xC0] =	vst v18;
	v26 =	vmax.f32 v26, $0.0e+00  }
0x47e: {  	v18 =	vadd.f32 v25, v24;
	[tilespmem:s25+$0x0] =	vst v19;
	v19 =	vmul.f32 v26, v12;
	v26 =	vld [tilespmem:s25+$0x10]  }
0x47f: {  	v24 =	vld [tilespmem:s26+$0x10]  }
0x480: {  	v13 =	vld [tilespmem:s23+$0xFFFFFF60];
	v18 =	vmax.f32 v18, $0.0e+00;
	[tilespmem:s23+$0x60] =	vst v19;
	v19 =	vadd.f32 v27, v20  }
0x481: {  	v17 =	vld [tilespmem:s23+$0xD0];
	v18 =	vmul.f32 v18, v10  }
0x482: {  	v14 =	vld [tilespmem:s23+$0xFFFFFFE0];
	v28 =	vadd.f32 v29, v52;
	v19 =	vmax.f32 v19, $0.0e+00  }
0x483: {  	v20 =	vld [tilespmem:s25+$0xFFFFFF10];
	[tilespmem:s25+$0xFFFFFF00] =	vst v18;
	v18 =	vmul.f32 v19, v11  }
0x484: {  	v28 =	vmax.f32 v28, $0.0e+00;
	v24 =	vadd.f32 v26, v24;
	v26 =	vld [tilespmem:s26+$0xFFFFFF10]  }
0x485: {  	v6 =	vmax.f32 v6, $0.0e+00;
	v19 =	vld [tilespmem:s25+$0xFFFFFF90];
	[tilespmem:s25+$0xFFFFFF80] =	vst v18;
	v18 =	vmul.f32 v28, v5  }
0x486: {  	v6 =	vmul.f32 v6, v2;
	v54 =	vld [tilespmem:s26+$0xFFFFFF90]  }
0x487: {  	v7 =	vld [tilespmem:s23+$0xFFFFFF70];
	[tilespmem:s25+$0x80] =	vst v18  }
0x488: {  	[tilespmem:s23+$0xFFFFFF40] =	vst v6;
	v24 =	vmax.f32 v24, $0.0e+00;
	v18 =	vld [tilespmem:s26+$0x90]  }
0x489: {  	v22 =	vld [tilespmem:s24+$0xFFFFFF50];
	v24 =	vmul.f32 v24, v9;
	v20 =	vadd.f32 v20, v26  }
0x48a: {  	v23 =	vld [tilespmem:s24+$0xFFFFFFD0]  }
0x48b: {  	[tilespmem:s25+$0x10] =	vst v24;
	v24 =	vld [tilespmem:s25+$0x20];
	v20 =	vmax.f32 v20, $0.0e+00;
	v19 =	vadd.f32 v19, v54  }
0x48c: {  	v26 =	vld [tilespmem:s26+$0x20];
	v20 =	vmul.f32 v20, v10  }
0x48d: {  	v25 =	vld [tilespmem:s24+$0xD0];
	v19 =	vmax.f32 v19, $0.0e+00;
	v18 =	vadd.f32 v53, v18  }
0x48e: {  	v6 =	vld [tilespmem:s23+$0xFFFFFFF0];
	v22 =	vadd.f32 v15, v22;
	[tilespmem:s25+$0xFFFFFF10] =	vst v20;
	v19 =	vmul.f32 v19, v11  }
0x48f: {  	v34 =	vld [tilespmem:s26+$0xFFFFFF20];
	v18 =	vmax.f32 v18, $0.0e+00  }
0x490: {  	v22 =	vmax.f32 v22, $0.0e+00;
	v23 =	vadd.f32 v16, v23;
	v27 =	vld [tilespmem:s24+$0x70];
	[tilespmem:s25+$0xFFFFFF90] =	vst v19;
	v18 =	vmul.f32 v18, v5  }
0x491: {  	v22 =	vmul.f32 v22, v2;
	v20 =	vadd.f32 v24, v26;
	v26 =	vld [tilespmem:s26+$0xFFFFFFA0]  }
0x492: {  	v8 =	vld [tilespmem:s23+$0xF0];
	v23 =	vmax.f32 v23, $0.0e+00;
	v25 =	vadd.f32 v17, v25;
	[tilespmem:s25+$0x90] =	vst v18  }
0x493: {  	[tilespmem:s23+$0xFFFFFF50] =	vst v22;
	v22 =	vmul.f32 v23, v3;
	v19 =	vmax.f32 v20, $0.0e+00;
	v35 =	vld [tilespmem:s26+$0xA0]  }
0x494: {  	v15 =	vld [tilespmem:s25+$0xFFFFFF50];
	v23 =	vmax.f32 v25, $0.0e+00;
	v18 =	vmul.f32 v19, v9;
	v31 =	vadd.f32 v31, v34  }
0x495: {  	v16 =	vld [tilespmem:s25+$0xFFFFFFD0];
	[tilespmem:s23+$0xFFFFFFD0] =	vst v22;
	v23 =	vmul.f32 v23, v4  }
0x496: {  	v60 =	vld [tilespmem:s24+$0xFFFFFFE0];
	v27 =	vadd.f32 v30, v27;
	[tilespmem:s25+$0x20] =	vst v18;
	v31 =	vmax.f32 v31, $0.0e+00;
	v26 =	vadd.f32 v32, v26  }
0x497: {  	[tilespmem:s23+$0xD0] =	vst v23;
	v58 =	vld [tilespmem:s26+$0x30];
	v31 =	vmul.f32 v31, v10  }
0x498: {  	v61 =	vld [tilespmem:s24+$0xE0];
	v27 =	vmax.f32 v27, $0.0e+00;
	v29 =	vadd.f32 v55, v35;
	v26 =	vmax.f32 v26, $0.0e+00  }
0x499: {  	v27 =	vmul.f32 v27, v12;
	v12 =	vld [tilespmem:s25+$0xFFFFFF60];
	[tilespmem:s25+$0xFFFFFF20] =	vst v31;
	v26 =	vmul.f32 v26, v11  }
0x49a: {  	v31 =	vld [tilespmem:s26+$0xFFFFFF30];
	v17 =	vmax.f32 v29, $0.0e+00  }
0x49b: {  	v24 =	vld [tilespmem:s25+$0xB0];
	[tilespmem:s25+$0xFFFFFFA0] =	vst v26;
	v26 =	vmul.f32 v17, v5  }
0x49c: {  	v59 =	vadd.f32 v57, v58;
	v25 =	vld [tilespmem:s26+$0xFFFFFFB0]  }
0x49d: {  	[tilespmem:s25+$0xA0] =	vst v26;
	v26 =	vld [tilespmem:s24+$0xFFFFFF60]  }
0x49e: {  	v29 =	vmax.f32 v59, $0.0e+00;
	v22 =	vld [tilespmem:s26+$0xB0]  }
0x49f: {  	v20 =	vld [tilespmem:s25+$0xFFFFFF40];
	v29 =	vmul.f32 v29, v9;
	v23 =	vadd.f32 v33, v31  }
0x4a0: {  	v19 =	vld [tilespmem:s25+$0xFFFFFFC0]  }
0x4a1: {  	v18 =	vld [tilespmem:s25+$0xC0];
	[tilespmem:s25+$0x30] =	vst v29;
	v23 =	vmax.f32 v23, $0.0e+00;
	v25 =	vadd.f32 v56, v25  }
0x4a2: {  	v63 =	vld [tilespmem:s26+$0x40];
	v23 =	vmul.f32 v23, v10;
	v26 =	vadd.f32 v13, v26  }
0x4a3: {  	v17 =	vld [tilespmem:s25+$0xD0];
	v22 =	vadd.f32 v24, v22;
	v13 =	vmax.f32 v25, $0.0e+00  }
0x4a4: {  	[tilespmem:s25+$0xFFFFFF30] =	vst v23;
	v23 =	vmul.f32 v13, v11;
	v13 =	vld [tilespmem:s25+$0xFFFFFFE0];
	v25 =	vmax.f32 v26, $0.0e+00;
	v26 =	vadd.f32 v14, v60  }
0x4a5: {  	[tilespmem:s23+$0x70] =	vst v27;
	v21 =	vadd.f32 v21, v61;
	v24 =	vld [tilespmem:s26+$0xFFFFFF40];
	v14 =	vmax.f32 v22, $0.0e+00;
	v22 =	vmul.f32 v25, v2  }
0x4a6: {  	[tilespmem:s25+$0xFFFFFFB0] =	vst v23;
	v27 =	vmul.f32 v14, v5;
	v14 =	vld [tilespmem:s25+$0xE0];
	v23 =	vmax.f32 v26, $0.0e+00  }
0x4a7: {  	v26 =	vadd.f32 v62, v63;
	v25 =	vld [tilespmem:s26+$0xFFFFFFC0];
	[tilespmem:s23+$0xFFFFFF60] =	vst v22;
	v22 =	vmax.f32 v21, $0.0e+00;
	v23 =	vmul.f32 v23, v3  }
0x4a8: {  	s28 =	simm.s32 $0x4;
	[tilespmem:s25+$0xB0] =	vst v27;
	v21 =	vld [tilespmem:s24+$0xFFFFFF70];
	v22 =	vmul.f32 v22, v4  }
.LBB2_10:
0x4a9: {  	s29 =	sadd.s32 $0x184, s28;
	v26 =	vmax.f32 v26, $0.0e+00;
	v27 =	vld [tilespmem:s26+$0xC0];
	[tilespmem:s23+$0xFFFFFFE0] =	vst v23  }
0x4aa: {  	s30 =	sadd.s32 $0x187, s28;
	v23 =	vmov s29;
	s29 =	sadd.s32 $0x185, s28;
	v20 =	vadd.f32 v20, v24;
	v24 =	vmul.f32 v26, v9;
	v26 =	vld [tilespmem:s24+$0xFFFFFFF0];
	[tilespmem:s23+$0xE0] =	vst v22  }
0x4ab: {  	v28 =	vmov s30;
	v22 =	vand.u32 $0xFFFFFFFC, v23;
	v23 =	vmov s29;
	v29 =	vld [tilespmem:s24+$0xF0];
	s24 =	smov.u32 s26  }
0x4ac: {  	v23 =	vand.u32 $0xFFFFFFFD, v23;
	v20 =	vmax.f32 v20, $0.0e+00;
	v19 =	vadd.f32 v19, v25;
	[tilespmem:s25+$0x40] =	vst v24;
	v24 =	vld [tilespmem:s25+$0x50]  }
0x4ad: {  	v22 =	vbroadcast v22, $0x0;
	v20 =	vmul.f32 v20, v10;
	v25 =	vld [tilespmem:s26+$0x50];
	v21 =	vadd.f32 v7, v21  }
0x4ae: {  	v23 =	vbroadcast v23, $0x0;
	v7 =	vld [tilespmem:s25+$0xFFFFFF70];
	v19 =	vmax.f32 v19, $0.0e+00;
	v18 =	vadd.f32 v18, v27  }
0x4af: {  	[tilespmem:s25+$0xFFFFFF40] =	vst v20;
	v19 =	vmul.f32 v19, v11;
	v20 =	vmax.f32 v21, $0.0e+00;
	v21 =	vadd.f32 v6, v26;
	v6 =	vld [tilespmem:s25+$0xFFFFFFF0]  }
0x4b0: {  	v26 =	vld [tilespmem:s26+$0xFFFFFF50];
	v18 =	vmax.f32 v18, $0.0e+00;
	v20 =	vmul.f32 v20, v2;
	v27 =	vadd.f32 v8, v29;
	v2 =	vmovc v10  }
0x4b1: {  	[tilespmem:s25+$0xFFFFFFC0] =	vst v19;
	v10 =	vmul.f32 v18, v5;
	v8 =	vld [tilespmem:s25+$0xF0];
	v18 =	vmax.f32 v21, $0.0e+00  }
0x4b2: {  	v19 =	vld [tilespmem:s26+$0xFFFFFFD0];
	v21 =	vadd.f32 v24, v25;
	[tilespmem:s23+$0xFFFFFF70] =	vst v20;
	v18 =	vmul.f32 v18, v3;
	v20 =	vmax.f32 v27, $0.0e+00;
	v3 =	vmovc v11  }
0x4b3: {  	s29 =	sadd.s32 $0x186, s28;
	s28 =	sadd.s32 $0x4, s28;
	[tilespmem:s25+$0xC0] =	vst v10;
	v11 =	vmul.f32 v20, v4;
	v4 =	vmov v5;
	v5 =	vld.idx.msk [tilespmem:v28+s14+$0x0], $0xffff  }
0x4b4: {  	p0 =	slt.u32 s28, $0x7C;
	v20 =	vmov s29;
	v21 =	vmax.f32 v21, $0.0e+00;
	v24 =	vld [tilespmem:s26+$0xD0];
	[tilespmem:s23+$0xFFFFFFF0] =	vst v18  }
0x4b5: {  	v18 =	vand.u32 $0xFFFFFFFE, v20;
	v10 =	vld.idx.msk [tilespmem:v22+s14+$0x0], $0xffff;
	v15 =	vadd.f32 v15, v26;
	v20 =	vmul.f32 v21, v9;
	[tilespmem:s23+$0xF0] =	vst v11;
	s23 =	smov.u32 s25  }
0x4b6: {  	v18 =	vbroadcast v18, $0x0;
	v11 =	vld.idx.msk [tilespmem:v23+s14+$0x0], $0xffff  }
0x4b7: {  	v15 =	vmax.f32 v15, $0.0e+00;
	v16 =	vadd.f32 v16, v19;
	[tilespmem:s25+$0x50] =	vst v20;
	v19 =	vld [tilespmem:s25+$0x60]  }
0x4b8: {  	s26 =	sadd.s32 $0x200, s26;
	v15 =	vmul.f32 v15, v2;
	v20 =	vld [tilespmem:s24+$0x60]  }
0x4b9: {  	s25 =	sadd.s32 $0x200, s25;
	v21 =	vld [tilespmem:s26+$0x0];
	v16 =	vmax.f32 v16, $0.0e+00;
	v17 =	vadd.f32 v17, v24  }
0x4ba: {  	v22 =	vld [tilespmem:s25+$0x0];
	[tilespmem:s23+$0xFFFFFF50] =	vst v15;
	v15 =	vmul.f32 v16, v3  }
0x4bb: {  	v16 =	vld [tilespmem:s26+$0xFFFFFF00];
	v17 =	vmax.f32 v17, $0.0e+00  }
0x4bc: {  	v18 =	vld.idx.msk [tilespmem:v18+s14+$0x0], $0xffff;
	[tilespmem:s23+$0xFFFFFFD0] =	vst v15;
	v15 =	vmul.f32 v17, v4  }
0x4bd: {  	v17 =	vld [tilespmem:s25+$0xFFFFFF00];
	v19 =	vadd.f32 v19, v20  }
0x4be: {  	v20 =	vld [tilespmem:s26+$0xFFFFFF80];
	[tilespmem:s23+$0xD0] =	vst v15  }
0x4bf: {  	v15 =	vld [tilespmem:s25+$0xFFFFFF80];
	v21 =	vadd.f32 v22, v21;
	v19 =	vmax.f32 v19, $0.0e+00  }
0x4c0: {  	v22 =	vld [tilespmem:s26+$0x80];
	v19 =	vmul.f32 v19, v9  }
0x4c1: {  	v21 =	vmax.f32 v21, $0.0e+00;
	v23 =	vld [tilespmem:s25+$0x80]  }
0x4c2: {  	v16 =	vadd.f32 v17, v16;
	v17 =	vmul.f32 v21, v18;
	[tilespmem:s23+$0x60] =	vst v19;
	v19 =	vld [tilespmem:s23+$0x70]  }
0x4c3: {  	v21 =	vld [tilespmem:s24+$0x70]  }
0x4c4: {  	v16 =	vmax.f32 v16, $0.0e+00;
	v15 =	vadd.f32 v15, v20;
	[tilespmem:s25+$0x0] =	vst v17;
	v17 =	vld [tilespmem:s25+$0x10]  }
0x4c5: {  	v16 =	vmul.f32 v16, v10;
	v20 =	vld [tilespmem:s26+$0x10]  }
0x4c6: {  	v24 =	vld [tilespmem:s25+$0xFFFFFF10];
	v15 =	vmax.f32 v15, $0.0e+00;
	v22 =	vadd.f32 v23, v22  }
0x4c7: {  	[tilespmem:s25+$0xFFFFFF00] =	vst v16;
	v15 =	vmul.f32 v15, v11;
	v16 =	vld [tilespmem:s25+$0xFFFFFF90]  }
0x4c8: {  	v23 =	vld [tilespmem:s26+$0xFFFFFF10];
	v22 =	vmax.f32 v22, $0.0e+00;
	v19 =	vadd.f32 v19, v21  }
0x4c9: {  	[tilespmem:s25+$0xFFFFFF80] =	vst v15;
	v15 =	vmul.f32 v22, v5;
	v21 =	vld [tilespmem:s25+$0x90]  }
0x4ca: {  	v22 =	vld [tilespmem:s26+$0xFFFFFF90];
	v17 =	vadd.f32 v17, v20;
	v19 =	vmax.f32 v19, $0.0e+00  }
0x4cb: {  	v25 =	vld [tilespmem:s25+$0xFFFFFF20];
	[tilespmem:s25+$0x80] =	vst v15;
	v15 =	vmul.f32 v19, v9;
	v9 =	vmov v18  }
0x4cc: {  	v17 =	vmax.f32 v17, $0.0e+00;
	v18 =	vld [tilespmem:s26+$0x90]  }
0x4cd: {  	v19 =	vadd.f32 v24, v23;
	v23 =	vld [tilespmem:s25+$0xFFFFFFA0];
	v17 =	vmul.f32 v17, v9;
	[tilespmem:s23+$0x70] =	vst v15  }
0x4ce: {  	v24 =	vld [tilespmem:s25+$0xA0]  }
0x4cf: {  	v15 =	vmax.f32 v19, $0.0e+00;
	v16 =	vadd.f32 v16, v22;
	[tilespmem:s25+$0x10] =	vst v17;
	v17 =	vld [tilespmem:s25+$0x20]  }
0x4d0: {  	v15 =	vmul.f32 v15, v10;
	v19 =	vld [tilespmem:s26+$0x20]  }
0x4d1: {  	v22 =	vld [tilespmem:s25+$0xFFFFFF30];
	v16 =	vmax.f32 v16, $0.0e+00;
	v18 =	vadd.f32 v21, v18  }
0x4d2: {  	[tilespmem:s25+$0xFFFFFF10] =	vst v15;
	v15 =	vmul.f32 v16, v11;
	v21 =	vld [tilespmem:s25+$0xFFFFFFB0]  }
0x4d3: {  	v16 =	vld [tilespmem:s26+$0xFFFFFF20];
	v18 =	vmax.f32 v18, $0.0e+00  }
0x4d4: {  	[tilespmem:s25+$0xFFFFFF90] =	vst v15;
	v15 =	vmul.f32 v18, v5;
	v26 =	vld [tilespmem:s25+$0xB0]  }
0x4d5: {  	v27 =	vld [tilespmem:s26+$0xFFFFFFA0];
	v17 =	vadd.f32 v17, v19  }
0x4d6: {  	v20 =	vld [tilespmem:s25+$0xFFFFFF40];
	[tilespmem:s25+$0x90] =	vst v15  }
0x4d7: {  	v15 =	vmax.f32 v17, $0.0e+00;
	v17 =	vld [tilespmem:s26+$0xA0]  }
0x4d8: {  	v16 =	vadd.f32 v25, v16;
	v19 =	vld [tilespmem:s25+$0xFFFFFFC0];
	v15 =	vmul.f32 v15, v9  }
0x4d9: {  	v18 =	vld [tilespmem:s25+$0xC0]  }
0x4da: {  	v16 =	vmax.f32 v16, $0.0e+00;
	v23 =	vadd.f32 v23, v27;
	[tilespmem:s25+$0x20] =	vst v15;
	v25 =	vld [tilespmem:s25+$0x30]  }
0x4db: {  	v16 =	vmul.f32 v16, v10;
	v27 =	vld [tilespmem:s26+$0x30]  }
0x4dc: {  	v15 =	vld [tilespmem:s25+$0xFFFFFF50];
	v23 =	vmax.f32 v23, $0.0e+00;
	v17 =	vadd.f32 v24, v17  }
0x4dd: {  	[tilespmem:s25+$0xFFFFFF20] =	vst v16;
	v23 =	vmul.f32 v23, v11;
	v16 =	vld [tilespmem:s25+$0xFFFFFFD0]  }
0x4de: {  	v24 =	vld [tilespmem:s26+$0xFFFFFF30];
	v17 =	vmax.f32 v17, $0.0e+00  }
0x4df: {  	[tilespmem:s25+$0xFFFFFFA0] =	vst v23;
	v23 =	vmul.f32 v17, v5;
	v17 =	vld [tilespmem:s25+$0xD0]  }
0x4e0: {  	v28 =	vld [tilespmem:s26+$0xFFFFFFB0];
	v25 =	vadd.f32 v25, v27  }
0x4e1: {  	[tilespmem:s25+$0xA0] =	vst v23;
	v23 =	vld [tilespmem:s24+$0xFFFFFF60]  }
0x4e2: {  	v25 =	vmax.f32 v25, $0.0e+00;
	v27 =	vld [tilespmem:s26+$0xB0]  }
0x4e3: {  	v22 =	vadd.f32 v22, v24;
	v24 =	vmul.f32 v25, v9;
	v25 =	vld [tilespmem:s24+$0xFFFFFFE0]  }
0x4e4: {  	v29 =	vld [tilespmem:s24+$0xE0]  }
0x4e5: {  	v22 =	vmax.f32 v22, $0.0e+00;
	v21 =	vadd.f32 v21, v28;
	[tilespmem:s25+$0x30] =	vst v24;
	v28 =	vld [tilespmem:s25+$0x40]  }
0x4e6: {  	v22 =	vmul.f32 v22, v10;
	v30 =	vld [tilespmem:s26+$0x40];
	v23 =	vadd.f32 v12, v23  }
0x4e7: {  	v12 =	vld [tilespmem:s25+$0xFFFFFF60];
	v21 =	vmax.f32 v21, $0.0e+00;
	v26 =	vadd.f32 v26, v27  }
.Ltmp4:
0x4e8: {  	[tilespmem:s25+$0xFFFFFF30] =	vst v22;
	v21 =	vmul.f32 v21, v11;
	v22 =	vmax.f32 v23, $0.0e+00;
	v23 =	vadd.f32 v13, v25;
	v13 =	vld [tilespmem:s25+$0xFFFFFFE0];
	(pc) =	sbr.rel @p0 .LBB2_10-.Ltmp4, $4  }
0x4e9: {  	v24 =	vld [tilespmem:s26+$0xFFFFFF40];
	v25 =	vmax.f32 v26, $0.0e+00;
	v22 =	vmul.f32 v22, v2;
	v27 =	vadd.f32 v14, v29  }
0x4ea: {  	[tilespmem:s25+$0xFFFFFFB0] =	vst v21;
	v21 =	vmul.f32 v25, v5;
	v14 =	vld [tilespmem:s25+$0xE0];
	v23 =	vmax.f32 v23, $0.0e+00  }
0x4eb: {  	v25 =	vld [tilespmem:s26+$0xFFFFFFC0];
	v26 =	vadd.f32 v28, v30;
	[tilespmem:s23+$0xFFFFFF60] =	vst v22;
	v23 =	vmul.f32 v23, v3;
	v22 =	vmax.f32 v27, $0.0e+00  }
0x4ec: {  	[tilespmem:s25+$0xB0] =	vst v21;
	v21 =	vld [tilespmem:s24+$0xFFFFFF70];
	v22 =	vmul.f32 v22, v4  }
0x4ed: {  	v27 =	vld [tilespmem:s26+$0xC0];
	_ =	sdelay $0x2  }
0x4ee: {  	v20 =	vadd.f32 v20, v24  }
0x4ef: {  	v26 =	vmax.f32 v26, $0.0e+00;
	v19 =	vadd.f32 v19, v25  }
0x4f0: {  	v26 =	vmul.f32 v26, v9;
	v20 =	vmax.f32 v20, $0.0e+00;
	v18 =	vadd.f32 v18, v27  }
0x4f1: {  	v20 =	vmul.f32 v20, v10;
	v19 =	vmax.f32 v19, $0.0e+00  }
0x4f2: {  	v35 =	vld [tilespmem:s25+$0x50];
	[tilespmem:s25+$0x40] =	vst v26;
	v19 =	vmul.f32 v19, v11;
	v18 =	vmax.f32 v18, $0.0e+00  }
0x4f3: {  	v36 =	vld [tilespmem:s26+$0x50];
	[tilespmem:s25+$0xFFFFFF40] =	vst v20;
	v18 =	vmul.f32 v18, v5  }
0x4f4: {  	v39 =	vld [tilespmem:s26+$0xFFFFFF50];
	[tilespmem:s25+$0xFFFFFFC0] =	vst v19  }
0x4f5: {  	v41 =	vld [tilespmem:s26+$0xFFFFFFD0];
	[tilespmem:s25+$0xC0] =	vst v18  }
0x4f6: {  	v42 =	vld [tilespmem:s26+$0xD0];
	_ =	sdelay $0x1  }
0x4f7: {  	v24 =	vadd.f32 v35, v36  }
0x4f8: {  	v15 =	vadd.f32 v15, v39  }
0x4f9: {  	v24 =	vmax.f32 v24, $0.0e+00;
	v16 =	vadd.f32 v16, v41  }
0x4fa: {  	v24 =	vmul.f32 v24, v9;
	v15 =	vmax.f32 v15, $0.0e+00;
	v17 =	vadd.f32 v17, v42  }
0x4fb: {  	v15 =	vmul.f32 v15, v10;
	v16 =	vmax.f32 v16, $0.0e+00  }
0x4fc: {  	v43 =	vld [tilespmem:s25+$0x60];
	[tilespmem:s25+$0x50] =	vst v24;
	v16 =	vmul.f32 v16, v11;
	v17 =	vmax.f32 v17, $0.0e+00  }
0x4fd: {  	v24 =	vld [tilespmem:s26+$0x60];
	[tilespmem:s25+$0xFFFFFF50] =	vst v15;
	v44 =	vmul.f32 v17, v5  }
0x4fe: {  	v45 =	vld [tilespmem:s26+$0xFFFFFF60];
	[tilespmem:s25+$0xFFFFFFD0] =	vst v16  }
0x4ff: {  	v46 =	vld [tilespmem:s26+$0xFFFFFFE0];
	[tilespmem:s25+$0xD0] =	vst v44  }
0x500: {  	v47 =	vld [tilespmem:s26+$0xE0];
	_ =	sdelay $0x1  }
0x501: {  	v37 =	vld [tilespmem:s25+$0xFFFFFF70];
	v18 =	vadd.f32 v43, v24  }
0x502: {  	v38 =	vld [tilespmem:s25+$0xFFFFFFF0];
	v12 =	vadd.f32 v12, v45  }
0x503: {  	v40 =	vld [tilespmem:s25+$0xF0];
	v18 =	vmax.f32 v18, $0.0e+00;
	v13 =	vadd.f32 v13, v46  }
0x504: {  	[tilespmem:s23+$0xFFFFFFE0] =	vst v23;
	v51 =	vld [tilespmem:s25+$0x70];
	v48 =	vmul.f32 v18, v9;
	v12 =	vmax.f32 v12, $0.0e+00;
	v14 =	vadd.f32 v14, v47  }
0x505: {  	v49 =	vld [tilespmem:s24+$0xFFFFFFF0];
	[tilespmem:s23+$0xE0] =	vst v22;
	v12 =	vmul.f32 v12, v10;
	v13 =	vmax.f32 v13, $0.0e+00  }
0x506: {  	v50 =	vld [tilespmem:s24+$0xF0];
	[tilespmem:s25+$0x60] =	vst v48;
	v13 =	vmul.f32 v13, v11;
	v14 =	vmax.f32 v14, $0.0e+00  }
0x507: {  	v52 =	vld [tilespmem:s26+$0x70];
	[tilespmem:s25+$0xFFFFFF60] =	vst v12;
	v53 =	vmul.f32 v14, v5  }
0x508: {  	v54 =	vld [tilespmem:s26+$0xFFFFFF70];
	[tilespmem:s25+$0xFFFFFFE0] =	vst v13  }
0x509: {  	v7 =	vadd.f32 v7, v21;
	v13 =	vld [tilespmem:s26+$0xFFFFFFF0];
	[tilespmem:s25+$0xE0] =	vst v53  }
0x50a: {  	v6 =	vadd.f32 v6, v49;
	v12 =	vld [tilespmem:s26+$0xF0]  }
0x50b: {  	v7 =	vmax.f32 v7, $0.0e+00;
	v8 =	vadd.f32 v8, v50  }
0x50c: {  	v2 =	vmul.f32 v7, v2;
	v6 =	vmax.f32 v6, $0.0e+00;
	v55 =	vadd.f32 v51, v52  }
0x50d: {  	v3 =	vmul.f32 v6, v3;
	v56 =	vmax.f32 v8, $0.0e+00;
	v57 =	vadd.f32 v37, v54  }
0x50e: {  	[tilespmem:s23+$0xFFFFFF70] =	vst v2;
	v2 =	vmul.f32 v56, v4;
	v58 =	vmax.f32 v55, $0.0e+00;
	v59 =	vadd.f32 v38, v13  }
0x50f: {  	[tilespmem:s23+$0xFFFFFFF0] =	vst v3;
	v3 =	vmul.f32 v58, v9;
	v60 =	vmax.f32 v57, $0.0e+00;
	v61 =	vadd.f32 v40, v12  }
0x510: {  	[tilespmem:s23+$0xF0] =	vst v2;
	v2 =	vmul.f32 v60, v10;
	v62 =	vmax.f32 v59, $0.0e+00  }
0x511: {  	[tilespmem:s25+$0x70] =	vst v3;
	v3 =	vmul.f32 v62, v11;
	v63 =	vmax.f32 v61, $0.0e+00  }
0x512: {  	[tilespmem:s25+$0xFFFFFF70] =	vst v2;
	v2 =	vmul.f32 v63, v5  }
0x513: {  	[tilespmem:s25+$0xFFFFFFF0] =	vst v3  }
0x514: {  	s29 =	simm.s32 $0x15280;
	[tilespmem:s25+$0xF0] =	vst v2;
	s25 =	simm.s32 $0x380  }
0x515: {  	[spmem:s2] =	stream.indirect.scatter.add.f32 [tilespmem:s29], [sflag:$0x5], $0x80, s25, s5, $0xb8;
	[tilespmem:$0x1B340] =	vst v63  }
0x516: {  	_ =	swait.ge [sflag:s21], $0x200  }
0x517: {  	[sflag:s21] =	ssyncset.done $0x0  }
0x518: {  	[sflag:s21] =	ssyncadd.s32 $0xFFFFFE00  }
0x519: {  	_ =	swait.ge [sflag:s21], $0x200  }
0x51a: {  	[sflag:s21] =	ssyncset.done $0x0  }
0x51b: {  	[sflag:s21] =	ssyncadd.s32 $0xFFFFFE00  }
0x51c: {  	_ =	swait.ge [sflag:s21], $0x200  }
0x51d: {  	[sflag:s21] =	ssyncset.done $0x0  }
0x51e: {  	[sflag:s21] =	ssyncadd.s32 $0xFFFFFE00  }
0x51f: {  	_ =	swait.ge [sflag:s21], $0x4000  }
0x520: {  	[sflag:s21] =	ssyncset.done $0x0  }
0x521: {  	[sflag:s21] =	ssyncadd.s32 $0xFFFFC000  }
0x522: {  	_ =	swait.ge [sflag:s21], $0x4000  }
0x523: {  	[sflag:s21] =	ssyncset.done $0x0  }
0x524: {  	[sflag:s21] =	ssyncadd.s32 $0xFFFFC000  }
0x525: {  	_ =	swait.ge [sflag:s21], $0x4000  }
0x526: {  	[sflag:s21] =	ssyncset.done $0x0  }
0x527: {  	[sflag:s21] =	ssyncadd.s32 $0xFFFFC000  }
0x528: {  	_ =	swait.ge [sflag:s21], $0x4000  }
0x529: {  	[sflag:s21] =	ssyncset.done $0x0  }
0x52a: {  	[sflag:s21] =	ssyncadd.s32 $0xFFFFC000  }
0x52b: {  	[bflag:$0x0] =	sbarrier.arrive $0xFFFF  }
0x52c: {  	[tilespmem:s9], [sflag:$0x6] =	stream.linear.gather [spmem:s17], $0x2000, $0x38;
	[tilespmem:$0x1B340] =	vst v63  }
0x52d: {  	_ =	swait.ge [sflag:s10], $0x2000  }
0x52e: {  	[sflag:s10] =	ssyncset.done $0x0  }
0x52f: {  	s30 =	rddreg [dreg:$0x19];
	[sflag:s10] =	ssyncadd.s32 $0xFFFFE000  }
0x530: {  	[hbm4b:s30+s7] =	stream.linear.scatter [tilespmem:s9], [sflag:$0x6], $0x2000, $0x38;
	[tilespmem:$0x1B340] =	vst v63  }
0x531: {  	_ =	swait.ge [sflag:s10], $0x2000  }
0x532: {  	[sflag:s10] =	ssyncset.done $0x0  }
0x533: {  	[sflag:s10] =	ssyncadd.s32 $0xFFFFE000  }
0x534: {  	[tilespmem:s11], [sflag:$0x6] =	stream.linear.gather [spmem:s18], $0x40, $0x38;
	[tilespmem:$0x1B340] =	vst v63  }
0x535: {  	_ =	swait.ge [sflag:s10], $0x40  }
0x536: {  	[sflag:s10] =	ssyncset.done $0x0  }
0x537: {  	[sflag:s10] =	ssyncadd.s32 $0xFFFFFFC0  }
0x538: {  	[hbm4b:s31+s7] =	stream.linear.scatter [tilespmem:s11], [sflag:$0x6], $0x40, $0x38;
	[tilespmem:$0x1B340] =	vst v63  }
0x539: {  	_ =	swait.ge [sflag:s10], $0x40  }
0x53a: {  	[sflag:s10] =	ssyncset.done $0x0  }
0x53b: {  	[sflag:s10] =	ssyncadd.s32 $0xFFFFFFC0  }
0x53c: {  	[tilespmem:s11], [sflag:$0x6] =	stream.linear.gather [spmem:s19], $0x40, $0x38;
	[tilespmem:$0x1B340] =	vst v63  }
0x53d: {  	_ =	swait.ge [sflag:s10], $0x40  }
0x53e: {  	[sflag:s10] =	ssyncset.done $0x0  }
0x53f: {  	[sflag:s10] =	ssyncadd.s32 $0xFFFFFFC0  }
0x540: {  	[hbm4b:s0+s7] =	stream.linear.scatter [tilespmem:s11], [sflag:$0x6], $0x40, $0x38;
	[tilespmem:$0x1B340] =	vst v63  }
0x541: {  	_ =	swait.ge [sflag:s10], $0x40  }
0x542: {  	[sflag:s10] =	ssyncset.done $0x0  }
0x543: {  	[sflag:s10] =	ssyncadd.s32 $0xFFFFFFC0  }
0x544: {  	[tilespmem:s11], [sflag:$0x6] =	stream.linear.gather [spmem:s20], $0x40, $0x38;
	[tilespmem:$0x1B340] =	vst v63  }
0x545: {  	s22 =	sadd.s32 $0x1, s22;
	_ =	swait.ge [sflag:s10], $0x40  }
0x546: {  	p0 =	sne.s32 s22, s3;
	[sflag:s10] =	ssyncset.done $0x0  }
.Ltmp5:
0x547: {  	[sflag:s10] =	ssyncadd.s32 $0xFFFFFFC0;
	(pc) =	sbr.rel @p0 .LBB2_1-.Ltmp5, $4  }
0x548: {  	[hbm4b:s6+s7] =	stream.linear.scatter [tilespmem:s11], [sflag:$0x6], $0x40, $0x38;
	[tilespmem:$0x1B340] =	vst v63  }
0x549: {  	_ =	swait.ge [sflag:s10], $0x40  }
0x54a: {  	[sflag:s10] =	ssyncset.done $0x0  }
0x54b: {  	s26 =	simm.s32 $0x600;
	[sflag:s10] =	ssyncadd.s32 $0xFFFFFFC0  }
0x54c: {  	_ =	sfence.sel $0x180000  }
0x54d: {  	[bflag:$0x0] =	sbarrier.arrive $0xFFFF  }
0x54e: {  	_ =	strace $0x9000004A  }
0x54f: {  	s0 =	stileid.u32;
	[bflag:$0x2] =	sbarrier.arrive $0xFFFF  }
0x550: {  	p0 =	sne.s32 s0, $0x0;
	s0 =	rddreg [dreg:$0x7]  }
0x551: {  	s0 =	sadd.s32 @!p0 $0x100000, s0  }
0x552: {  	[sflag:s0] =	ssyncadd.tile.s32 @!p0 $0x1;
	_ =	shalt  }
.Lfunc_end2:
_tile_overlayer_lowered:
.L_overlay_start_2:
0x553: {  	(tag) =	ssettag $0x2  }
0x554: {  	s0 =	rddreg [dreg:$0x0];
	s2 =	stileid.u32  }
0x555: {  	s1 =	rddreg [dreg:$0x1];
	p0 =	sne.s32 s2, $0x0  }
0x556: {  	s3 =	rddreg [dreg:$0x2];
	[bflag:$0x3] =	sbarrier.arrive $0xFFFF;
	s2 =	simm.s32 @!p0 $0x1C06  }
0x557: {  	[timem:s3], [sflag:s2] =	dma.local @!p0 [hbm:s0], s1  }
0x558: {  	s0 =	simm.s32 @!p0 $0x6  }
0x559: {  	_ =	swait.ge @!p0 [sflag:s0], s1  }
0x55a: {  	s1 =	ssub.s32 @!p0 $0x0, s1;
	[sflag:s0] =	ssyncset.done @!p0 $0x0  }
0x55b: {  	[sflag:s0] =	ssyncadd.s32 @!p0 s1  }
0x55c: {  	[bflag:$0x3] =	sbarrier.arrive $0xFFFF  }
0x55d: {  	_ =	shalt  }

// kernel: kernel.7.cloned.1.call-start
scs
__scs_entry_jumppad:
0x0: {  	(pc) =	sbr.rel $0x88, $3  }
0x1: {  	(tag) =	ssettag $0x0;
	lr =	simm.s32 $0x1  }
0x2: {  	[smem:$0x3F8E] =	sst lr;
	_ =	strace $0xD0000000  }
0x3: {  	_ = 	snop  }
0x4: {  	_ = 	snop  }
0x5: {  	_ = 	snop  }
0x6: {  	_ = 	snop  }
0x7: {  	_ = 	snop  }
__scs_overlays_trampoline_lowered:
0x8: {  	[smem:$0x3F9D] =	sst s0  }
0x9: {  	[smem:$0x3F9E] =	sst s1  }
0xa: {  	[smem:$0x3F9F] =	sst s2  }
0xb: {  	[smem:$0x3FA0] =	sst s3  }
0xc: {  	[smem:$0x3FA1] =	sst s4  }
0xd: {  	[smem:$0x3FA2] =	sst s5  }
0xe: {  	[smem:$0x3FA3] =	sst s6  }
0xf: {  	[smem:$0x3FA4] =	sst s7  }
0x10: {  	[smem:$0x3FA5] =	sst s8  }
0x11: {  	[smem:$0x3FA6] =	sst s9;
	s0 =	simm.s32 @!p0 $0x0  }
0x12: {  	s1 =	sld [smem:$0x3F8C];
	s0 =	simm.s32 @p0 $0x1  }
0x13: {  	[smem:$0x3FA7] =	sst s0;
	s0 =	simm.s32 @!p1 $0x0  }
0x14: {  	s2 =	sld [smem:$0x3F8B];
	s0 =	simm.s32 @p1 $0x1  }
0x15: {  	[smem:$0x3FA8] =	sst s0;
	s0 =	simm.s32 @!p2 $0x0  }
0x16: {  	s3 =	sld [smem:$0x3FDB];
	s0 =	simm.s32 @p2 $0x1  }
0x17: {  	s4 =	simm.s32 $0x1BF5;
	[smem:$0x3FAA] =	sst s0  }
0x18: {  	s0 =	sld [smem:$0x3F8D];
	_ =	swait.ge [sflag:s4], $0x0  }
0x19: {  	s7 =	sld [smem:$0x3F8E]  }
0x1a: {  	s8 =	sadd.s32 $0xFFFFE003, lr  }
0x1b: {  	s9 =	sadd.s32 $0xFFFFFEF7, lr;
	s5 =	simm.s32 $0xFFFFFFFF;
	p2 =	slt.u32 s8, $0xFFFFF086  }
0x1c: {  	p1 =	slt.u32 s9, $0xF7A;
	s5 =	simm.s32 @!p2 $0x0  }
0x1d: {  	s5 =	simm.s32 @p1 $0x1;
	p0 =	seq.s32 s7, s2  }
0x1e: {  	s7 =	smul.u32 @!p0 $0xF7A, s2;
	p2 =	seq.s32 @!p0 s5, $0x0  }
0x1f: {  	s9 =	smul.u32 $0xF7A, s1;
	s8 =	simm.s32 @!p0 $0x1BF5;
	p2 =	por !p2, p0  }
0x20: {  	[sflag:s8] =	ssyncset.s32 @!p0 $0xFFFFF086;
	s6 =	sadd.s32 @!p0 s3, s7;
	s7 =	simm.s32 @!p0 $0x108  }
0x21: {  	s3 =	sadd.s32 s3, s9;
	s6 =	sadd.s32 @!p0 $0x88, s6;
	s7 =	simm.s32 @p2 $0x1082  }
0x22: {  	[simem:s7], [sflag:s8] =	dma.local @!p0 [hbm:s6], $0xF7A  }
0x23: {  	s9 =	sor.u32 $0xD0000000, s2;
	s6 =	simm.s32 $0x108;
	_ =	swait.ge @!p0 [sflag:s8], $0x0  }
0x24: {  	s3 =	sadd.s32 $0x88, s3;
	s6 =	simm.s32 @!p1 $0x1082;
	[sflag:s4] =	ssyncset.s32 $0xFFFFF086  }
0x25: {  	[simem:s6], [sflag:s4] =	dma.local [hbm:s3], $0xF7A  }
0x26: {  	[smem:$0x3F8E] =	sst s1;
	(tag) =	ssettag s2;
	_ =	strace s9  }
0x27: {  	s1 =	sld [smem:$0x3F9E]  }
0x28: {  	s2 =	sld [smem:$0x3F9F]  }
0x29: {  	s4 =	sld [smem:$0x3FA1]  }
0x2a: {  	p0 =	seq.s32 s5, $0x0;
	s5 =	sld [smem:$0x3FA2]  }
0x2b: {  	s6 =	sld [smem:$0x3FA3]  }
0x2c: {  	s7 =	sld [smem:$0x3FA4]  }
0x2d: {  	s3 =	simm.s32 $0x108;
	s8 =	sld [smem:$0x3FA5]  }
0x2e: {  	s3 =	simm.s32 @!p0 $0x1082;
	s9 =	sld [smem:$0x3FA6]  }
0x2f: {  	lr =	sadd.s32 s0, s3;
	s0 =	sld [smem:$0x3F9D]  }
0x30: {  	s3 =	sld [smem:$0x3FA0]  }
0x31: {  	[smem:$0x3FA9] =	sst s10  }
0x32: {  	s10 =	sld [smem:$0x3FA7];
	_ =	sdelay $0x3  }
0x33: {  	p0 =	seq.s32 s10, $0x1;
	s10 =	sld [smem:$0x3FA9];
	_ =	sdelay $0x3  }
0x34: {  	[smem:$0x3FA9] =	sst s10  }
0x35: {  	s10 =	sld [smem:$0x3FA8];
	_ =	sdelay $0x3  }
0x36: {  	p1 =	seq.s32 s10, $0x1;
	s10 =	sld [smem:$0x3FA9];
	_ =	sdelay $0x3  }
0x37: {  	[smem:$0x3FA9] =	sst s10  }
0x38: {  	s10 =	sld [smem:$0x3FAA]  }
0x39: {  	_ = 	snop;
	(pc) =	sbr.ind lr, $3  }
0x3a: {  	_ = 	snop  }
0x3b: {  	_ = 	snop  }
0x3c: {  	p2 =	seq.s32 s10, $0x1;
	s10 =	sld [smem:$0x3FA9]  }
0x3d: {  	_ =	shalt  }
0x3e: {  	_ =	shalt  }
0x3f: {  	_ =	shalt  }
0x40: {  	_ =	shalt  }
0x41: {  	_ =	shalt  }
0x42: {  	_ =	shalt  }
0x43: {  	_ =	shalt  }
0x44: {  	_ =	shalt  }
0x45: {  	_ =	shalt  }
0x46: {  	_ =	shalt  }
0x47: {  	_ =	shalt  }
0x48: {  	_ =	shalt  }
0x49: {  	_ =	shalt  }
0x4a: {  	_ =	shalt  }
0x4b: {  	_ =	shalt  }
0x4c: {  	_ =	shalt  }
0x4d: {  	_ =	shalt  }
0x4e: {  	_ =	shalt  }
0x4f: {  	_ =	shalt  }
0x50: {  	_ =	shalt  }
0x51: {  	_ =	shalt  }
0x52: {  	_ =	shalt  }
0x53: {  	_ =	shalt  }
0x54: {  	_ =	shalt  }
0x55: {  	_ =	shalt  }
0x56: {  	_ =	shalt  }
0x57: {  	_ =	shalt  }
0x58: {  	_ =	shalt  }
0x59: {  	_ =	shalt  }
0x5a: {  	_ =	shalt  }
0x5b: {  	_ =	shalt  }
0x5c: {  	_ =	shalt  }
0x5d: {  	_ =	shalt  }
0x5e: {  	_ =	shalt  }
0x5f: {  	_ =	shalt  }
0x60: {  	_ =	shalt  }
0x61: {  	_ =	shalt  }
0x62: {  	_ =	shalt  }
0x63: {  	_ =	shalt  }
0x64: {  	_ =	shalt  }
0x65: {  	_ =	shalt  }
0x66: {  	_ =	shalt  }
0x67: {  	_ =	shalt  }
0x68: {  	_ =	shalt  }
0x69: {  	_ =	shalt  }
0x6a: {  	_ =	shalt  }
0x6b: {  	_ =	shalt  }
0x6c: {  	_ =	shalt  }
0x6d: {  	_ =	shalt  }
0x6e: {  	_ =	shalt  }
0x6f: {  	_ =	shalt  }
0x70: {  	_ =	shalt  }
0x71: {  	_ =	shalt  }
0x72: {  	_ =	shalt  }
0x73: {  	_ =	shalt  }
0x74: {  	_ =	shalt  }
0x75: {  	_ =	shalt  }
0x76: {  	_ =	shalt  }
0x77: {  	_ =	shalt  }
0x78: {  	_ =	shalt  }
0x79: {  	_ =	shalt  }
0x7a: {  	_ =	shalt  }
0x7b: {  	_ =	shalt  }
0x7c: {  	_ =	shalt  }
0x7d: {  	_ =	shalt  }
0x7e: {  	_ =	shalt  }
0x7f: {  	_ =	shalt  }
0x80: {  	_ =	shalt  }
0x81: {  	_ =	shalt  }
0x82: {  	_ =	shalt  }
0x83: {  	_ =	shalt  }
0x84: {  	_ =	shalt  }
0x85: {  	_ =	shalt  }
0x86: {  	_ =	shalt  }
0x87: {  	_ =	shalt  }
.Lfunc_end0:
.L_simem_size_0:
called_computation_lowered:
.L_overlay_start_0:
0x88: {  	s2 =	sld [smem:$0x3FD9]  }
0x89: {  	s3 =	sld [smem:$0x3FFE];
	_ =	sdelay $0x1  }
0x8a: {  	s1 =	srdreg.scid  }
0x8b: {  	s0 =	sand.u32 $0x1, s1  }
0x8c: {  	s14 =	sshll.u32 s0, $0xA;
	s2 =	sadd.s32 s3, s2  }
0x8d: {  	s2 =	sadd.s32 s2, s14  }
0x8e: {  	[smem:$0x3FB5] =	sst s2  }
0x8f: {  	_ = 	snop  }
0x90: {  	s2 =	sld [smem:$0x3FD0];
	_ =	sdelay $0x2  }
0x91: {  	s4 =	simm.s32 $0xA;
	s5 =	simm.s32 $0x10;
	s15 =	sld [smem:$0x3FC6]  }
0x92: {  	[smem:s5], [sflag:s4] =	dma.local [hbm:s2], $0x1  }
0x93: {  	_ =	swait.eq [sflag:s4], $0x1  }
0x94: {  	[sflag:s4] =	ssyncset.done $0x0  }
0x95: {  	[sflag:s4] =	ssyncadd.s32 $0xFFFFFFFF  }
0x96: {  	s16 =	sld [smem:$0x12];
	(tm) =	ssettm $0x1  }
0x97: {  	s17 =	sld [smem:$0x3FFB];
	_ =	sdelay $0x3  }
0x98: {  	_ =	strace s17  }
0x99: {  	s4 =	sld [smem:$0x3FFC];
	_ =	sdelay $0x3  }
0x9a: {  	_ =	strace s4  }
0x9b: {  	s4 =	sld [smem:$0x3FFD];
	_ =	sdelay $0x3  }
0x9c: {  	_ =	strace s4  }
0x9d: {  	_ =	strace $0x8FFFFFFF  }
0x9e: {  	s18 =	sld [smem:$0x3FDB];
	_ =	sdelay $0x1  }
0x9f: {  	s19 =	simm.s32 $_scs_section_size  }
0xa0: {  	s6 =	simm.s32 $_size__tile_overlayer_lowered;
	s7 =	simm.s32 $_tile_overlayer_lowered  }
0xa1: {  	s22 =	simm.s32 $0x1BFF;
	s21 =	sshll.u32 s7, $0x1;
	s4 =	sadd.s32 s19, s18  }
0xa2: {  	s8 =	simm.s32 $0x0;
	s20 =	sshll.u32 s6, $0x1;
	s6 =	sadd.s32 s21, s4  }
0xa3: {  	[timem:s8], [sflag:s22] =	dma.local [hbm:s6], s20  }
0xa4: {  	_ =	swait.ge [sflag:s22], s20  }
0xa5: {  	s5 =	ssub.s32 $0x0, s20;
	[sflag:s22] =	ssyncset.done $0x0  }
0xa6: {  	[sflag:s22] =	ssyncadd.s32 s5;
	_ =	sdelay $0x1  }
0xa7: {  	s23 =	simm.s32 $0x1B8B  }
0xa8: {  	_ =	swait.ge [sflag:s23], $0x1  }
0xa9: {  	[sflag:s23] =	ssyncset.done $0x0  }
0xaa: {  	s25 =	simm.s32 $0x1B8E;
	s24 =	sld [smem:$0x3FFE];
	[sflag:s23] =	ssyncadd.s32 $0xFFFFFFFF  }
0xab: {  	s26 =	simm.s32 $execute0_lowered;
	[smem:$0x3FD2] =	sst s25  }
0xac: {  	s6 =	sshll.u32 s26, $0x1;
	_ =	strace $0x80000046;
	[dreg:$0x1] =	wrdreg $0xFFFFFFFF  }
0xad: {  	s28 =	simm.s32 $_size_execute0_lowered;
	s4 =	sadd.s32 s4, s6;
	[dreg:$0x0] =	wrdreg $0x0  }
0xae: {  	s6 =	sshll.u32 s28, $0x1;
	[dreg:$0x2] =	wrdreg s4  }
0xaf: {  	[dreg:$0x3] =	wrdreg s6  }
0xb0: {  	[dreg:$0x4] =	wrdreg $0xC0  }
0xb1: {  	_ =	task [dreg:s8], $0x5FFFF  }
0xb2: {  	[dreg:$0x1] =	wrdreg $0xFFFFFFFF  }
0xb3: {  	[dreg:$0x0] =	wrdreg $0x60  }
0xb4: {  	[dreg:$0x2] =	wrdreg s16  }
0xb5: {  	[dreg:$0x3] =	wrdreg s15  }
0xb6: {  	[dreg:$0x4] =	wrdreg s24  }
0xb7: {  	[dreg:$0x5] =	wrdreg $0x9  }
0xb8: {  	_ =	task.clear_ibuf [dreg:s8], $0x6FFFF;
	_ =	strace $0x90000046  }
0xb9: {  	s29 =	simm.s32 $0x9;
	_ =	strace $0x80000048  }
0xba: {  	_ =	swait.ge [sflag:s29], $0x1  }
0xbb: {  	[sflag:s29] =	ssyncadd.s32 $0xFFFFFFFF  }
0xbc: {  	_ =	strace $0x90000048  }
0xbd: {  	_ =	sfence  }
0xbe: {  	s30 =	sld [smem:$0x0];
	_ =	sdelay $0x2  }
0xbf: {  	s31 =	sshll.u32 s1, $0xD;
	s1 =	sshrl.u32 s1, $0x2  }
0xc0: {  	s3 =	sand.u32 $0x4000, s31;
	s1 =	sadd.s32 s1, s30  }
0xc1: {  	s0 =	sor.u32 s3, s0;
	s1 =	sshll.u32 s1, $0x11  }
0xc2: {  	s0 =	sor.u32 s1, s0  }
0xc3: {  	s0 =	sadd.s32 $0x8F2B, s0  }
0xc4: {  	[sflag:s0] =	ssyncadd.remote.s32 $0x1  }
0xc5: {  	_ =	sfence.sel $0xFFFF  }
0xc6: {  	[dreg:$0x0] =	wrdreg $0xFFFFFFFF;
	(pc) =	sbr.abs _section_cstart, $3  }
0xc7: {  	[dreg:$0x1] =	wrdreg $0xFFFFFFFF  }
0xc8: {  	_ =	task.clear_ibuf [dreg:s8], $0x2FFFF;
	_ =	strace $0x9FFFFFFF  }
0xc9: {  	(tm) =	ssettm $0x7FFFFFFF  }
tec
execute0_lowered:
.L_overlay_start_1:
0x0: {  	(tag) =	ssettag $0x1  }
0x1: {  	s1 =	rddreg [dreg:$0x0];
	s2 =	srdreg.scid  }
0x2: {  	s3 =	rddreg [dreg:$0x1];
	s0 =	stileid.u32  }
0x3: {  	s6 =	rddreg [dreg:$0x2];
	s8 =	simm.s32 $0x1;
	s10 =	simm.s32 $0x2  }
0x4: {  	s11 =	simm.s32 $0x0;
	s5 =	sand.u32 $0x1, s2;
	s7 =	sshll.u32 s0, $0x5  }
0x5: {  	s2 =	rddreg [dreg:$0x3];
	s4 =	sshll.u32 s5, $0x9;
	s5 =	ssub.s32 $0x2, s5  }
0x6: {  	s9 =	sor.u32 s7, s4;
	s4 =	simm.s32 $0x0;
	s31 =	sshrl.u32 s5, $0x1  }
0x7: {  	s7 =	sshll.u32 s9, $0x7;
	[smem:$0x7FF] =	sst s4;
	v0 =	vmov s9;
	s9 =	simm.s32 $0x8000  }
0x8: {  	s6 =	sadd.s32 s7, s6;
	_ =	strace $0x80000047;
	s7 =	ssub.s32 s5, s31  }
0x9: {  	v1 =	vimm.f32 $-1.000000000e+00;
	s5 =	sadd.s32 $0x4000, s6;
	s6 =	smax.u32 s7, $0x1;
	s7 =	simm.s32 $0x4000  }
.LBB2_1:
0xa: {  	[tilespmem:s4], [sflag:$0x1] =	stream.linear.gather [hbm4b:s1+s4], $0x4000, $0x38;
	[tilespmem:$0x10000] =	vst v63  }
0xb: {  	s12 =	simm.s32 $0xFFFF8000  }
0xc: {  	s13 =	simm.s32 $0x0;
	s14 =	simm.s32 $0x0;
	s15 =	simm.s32 $0x0  }
0xd: {  	[tilespmem:s7], [sflag:$0x1] =	stream.linear.gather [hbm4b:s3+s4], $0x4000, $0x38;
	[tilespmem:$0x10000] =	vst v63  }
.LBB2_2:
0xe: {  	s16 =	sadd.s32 $0x8000, s12  }
0xf: {  	s17 =	sand.u32 $0x380, s15;
	s16 =	sand.u32 $0x6000, s16  }
0x10: {  	s16 =	sor.u32 s17, s16  }
0x11: {  	[tilespmem:s16+$0x8000] =	vst v1  }
0x12: {  	[tilespmem:s16+$0x8010] =	vst v1  }
0x13: {  	[tilespmem:s16+$0x8020] =	vst v1  }
0x14: {  	[tilespmem:s16+$0x8030] =	vst v1  }
0x15: {  	[tilespmem:s16+$0x8040] =	vst v1  }
0x16: {  	[tilespmem:s16+$0x8050] =	vst v1  }
0x17: {  	[tilespmem:s16+$0x8060] =	vst v1  }
0x18: {  	[tilespmem:s16+$0x8070] =	vst v1  }
0x19: {  	[tilespmem:s16+$0x8400] =	vst v1  }
0x1a: {  	[tilespmem:s16+$0x8410] =	vst v1  }
0x1b: {  	[tilespmem:s16+$0x8420] =	vst v1  }
0x1c: {  	[tilespmem:s16+$0x8430] =	vst v1  }
0x1d: {  	[tilespmem:s16+$0x8440] =	vst v1  }
0x1e: {  	[tilespmem:s16+$0x8450] =	vst v1  }
0x1f: {  	[tilespmem:s16+$0x8460] =	vst v1  }
0x20: {  	[tilespmem:s16+$0x8470] =	vst v1  }
0x21: {  	[tilespmem:s16+$0x8800] =	vst v1  }
0x22: {  	[tilespmem:s16+$0x8810] =	vst v1  }
0x23: {  	[tilespmem:s16+$0x8820] =	vst v1  }
0x24: {  	[tilespmem:s16+$0x8830] =	vst v1  }
0x25: {  	[tilespmem:s16+$0x8840] =	vst v1  }
0x26: {  	[tilespmem:s16+$0x8850] =	vst v1  }
0x27: {  	[tilespmem:s16+$0x8860] =	vst v1  }
0x28: {  	[tilespmem:s16+$0x8870] =	vst v1  }
0x29: {  	[tilespmem:s16+$0x8C00] =	vst v1  }
0x2a: {  	[tilespmem:s16+$0x8C10] =	vst v1  }
0x2b: {  	[tilespmem:s16+$0x8C20] =	vst v1  }
0x2c: {  	[tilespmem:s16+$0x8C30] =	vst v1  }
0x2d: {  	[tilespmem:s16+$0x8C40] =	vst v1  }
0x2e: {  	[tilespmem:s16+$0x8C50] =	vst v1  }
0x2f: {  	[tilespmem:s16+$0x8C60] =	vst v1  }
0x30: {  	[tilespmem:s16+$0x8C70] =	vst v1  }
0x31: {  	[tilespmem:s16+$0x9000] =	vst v1  }
0x32: {  	[tilespmem:s16+$0x9010] =	vst v1  }
0x33: {  	[tilespmem:s16+$0x9020] =	vst v1  }
0x34: {  	[tilespmem:s16+$0x9030] =	vst v1  }
0x35: {  	[tilespmem:s16+$0x9040] =	vst v1  }
0x36: {  	[tilespmem:s16+$0x9050] =	vst v1  }
0x37: {  	[tilespmem:s16+$0x9060] =	vst v1  }
0x38: {  	[tilespmem:s16+$0x9070] =	vst v1  }
0x39: {  	[tilespmem:s16+$0x9400] =	vst v1  }
0x3a: {  	[tilespmem:s16+$0x9410] =	vst v1  }
0x3b: {  	[tilespmem:s16+$0x9420] =	vst v1  }
0x3c: {  	[tilespmem:s16+$0x9430] =	vst v1  }
0x3d: {  	[tilespmem:s16+$0x9440] =	vst v1  }
0x3e: {  	[tilespmem:s16+$0x9450] =	vst v1  }
0x3f: {  	[tilespmem:s16+$0x9460] =	vst v1  }
0x40: {  	[tilespmem:s16+$0x9470] =	vst v1  }
0x41: {  	[tilespmem:s16+$0x9800] =	vst v1  }
0x42: {  	[tilespmem:s16+$0x9810] =	vst v1  }
0x43: {  	[tilespmem:s16+$0x9820] =	vst v1  }
0x44: {  	[tilespmem:s16+$0x9830] =	vst v1  }
0x45: {  	s22 =	sand.u32 $0x7, s13;
	[tilespmem:s16+$0x9840] =	vst v1  }
0x46: {  	s17 =	sshll.u32 s22, $0x7;
	[tilespmem:s16+$0x9850] =	vst v1  }
0x47: {  	s17 =	sadd.s32 s17, s14;
	[tilespmem:s16+$0x9860] =	vst v1  }
0x48: {  	[tilespmem:s16+$0x9870] =	vst v1;
	s23 =	sor.u32 $0x1C00, s17  }
0x49: {  	s24 =	sor.u32 $0x1C10, s17;
	[tilespmem:s23+$0x8000] =	vst v1  }
0x4a: {  	s25 =	sor.u32 $0x1C20, s17;
	[tilespmem:s24+$0x8000] =	vst v1  }
0x4b: {  	p0 =	sne.s32 s15, $0xF80;
	s26 =	sor.u32 $0x1C30, s17;
	[tilespmem:s25+$0x8000] =	vst v1  }
.Ltmp0:
0x4c: {  	s28 =	sor.u32 $0x1C40, s17;
	[tilespmem:s26+$0x8000] =	vst v1;
	(pc) =	sbr.rel @p0 .LBB2_2-.Ltmp0, $4  }
0x4d: {  	s29 =	sor.u32 $0x1C50, s17;
	[tilespmem:s28+$0x8000] =	vst v1  }
0x4e: {  	s30 =	sor.u32 $0x1C60, s17;
	[tilespmem:s29+$0x8000] =	vst v1  }
0x4f: {  	s13 =	sadd.s32 $0x1, s13;
	s31 =	sor.u32 $0x1C70, s17;
	[tilespmem:s30+$0x8000] =	vst v1  }
0x50: {  	s12 =	sadd.s32 $0x400, s12;
	s15 =	sadd.s32 $0x80, s15;
	s14 =	sadd.s32 $0x400, s14;
	[tilespmem:s31+$0x8000] =	vst v1  }
0x51: {  	_ =	swait.ge [sflag:s8], $0x4000  }
0x52: {  	[sflag:s8] =	ssyncset.done $0x0  }
0x53: {  	[sflag:s8] =	ssyncadd.s32 $0xFFFFC000  }
0x54: {  	_ =	swait.ge [sflag:s8], $0x4000  }
0x55: {  	[sflag:s8] =	ssyncset.done $0x0  }
0x56: {  	s12 =	simm.s32 $0x0;
	[sflag:s8] =	ssyncadd.s32 $0xFFFFC000  }
.LBB2_4:
0x57: {  	s13 =	sshra.s32 s12, $0x2  }
0x58: {  	v2 =	vld [tilespmem:s13+$0x0];
	_ =	sdelay $0x4  }
0x59: {  	v3 =	vshra.s32 v2, $0xA;
	v5 =	vshll.u32 v2, $0x3;
	v2 =	vand.u32 $0x7F, v2  }
0x5a: {  	v4 =	vsub.s32 v3, v0;
	v5 =	vand.u32 $0x1C00, v5;
	v3 =	vshll.u32 v3, $0x7  }
0x5b: {  	v6 =	vshll.u32 v4, $0xA;
	v3 =	vand.u32 $0x380, v3;
	v2 =	vor.u32 v2, v5  }
0x5c: {  	vm0 =	vlt.u32 v4, $0x20;
	v58 =	vand.u32 $0xFFFFE000, v6;
	v2 =	vor.u32 v3, v2  }
0x5d: {  	v3 =	vld [tilespmem:s13+$0x4000];
	v2 =	vor.u32 v58, v2;
	_ =	sdelay $0x4  }
0x5e: {  	[tilespmem:v2+s9+$0x0] =	vst.idx.msk vm0, v3  }
0x5f: {  	v2 =	vld [tilespmem:s13+$0x10];
	_ =	sdelay $0x4  }
0x60: {  	v3 =	vshra.s32 v2, $0xA;
	v60 =	vshll.u32 v2, $0x3;
	v2 =	vand.u32 $0x7F, v2  }
0x61: {  	v59 =	vsub.s32 v3, v0;
	v5 =	vand.u32 $0x1C00, v60;
	v3 =	vshll.u32 v3, $0x7  }
0x62: {  	v61 =	vshll.u32 v59, $0xA;
	v3 =	vand.u32 $0x380, v3;
	v2 =	vor.u32 v2, v5  }
0x63: {  	vm13 =	vlt.u32 v59, $0x20;
	v62 =	vand.u32 $0xFFFFE000, v61;
	v2 =	vor.u32 v3, v2  }
0x64: {  	v3 =	vld [tilespmem:s13+$0x4010];
	v2 =	vor.u32 v62, v2;
	_ =	sdelay $0x4  }
0x65: {  	[tilespmem:v2+s9+$0x0] =	vst.idx.msk vm13, v3  }
0x66: {  	v2 =	vld [tilespmem:s13+$0x20];
	_ =	sdelay $0x4  }
0x67: {  	v3 =	vshra.s32 v2, $0xA;
	v9 =	vshll.u32 v2, $0x3;
	v2 =	vand.u32 $0x7F, v2  }
0x68: {  	v63 =	vsub.s32 v3, v0;
	v5 =	vand.u32 $0x1C00, v9;
	v3 =	vshll.u32 v3, $0x7  }
0x69: {  	v10 =	vshll.u32 v63, $0xA;
	v3 =	vand.u32 $0x380, v3;
	v2 =	vor.u32 v2, v5  }
0x6a: {  	vm14 =	vlt.u32 v63, $0x20;
	v11 =	vand.u32 $0xFFFFE000, v10;
	v2 =	vor.u32 v3, v2  }
0x6b: {  	v3 =	vld [tilespmem:s13+$0x4020];
	v2 =	vor.u32 v11, v2;
	_ =	sdelay $0x4  }
0x6c: {  	[tilespmem:v2+s9+$0x0] =	vst.idx.msk vm14, v3  }
0x6d: {  	v2 =	vld [tilespmem:s13+$0x30];
	_ =	sdelay $0x4  }
0x6e: {  	v3 =	vshra.s32 v2, $0xA;
	v13 =	vshll.u32 v2, $0x3;
	v2 =	vand.u32 $0x7F, v2  }
0x6f: {  	v12 =	vsub.s32 v3, v0;
	v5 =	vand.u32 $0x1C00, v13;
	v3 =	vshll.u32 v3, $0x7  }
0x70: {  	v14 =	vshll.u32 v12, $0xA;
	v3 =	vand.u32 $0x380, v3;
	v2 =	vor.u32 v2, v5  }
0x71: {  	vm15 =	vlt.u32 v12, $0x20;
	v15 =	vand.u32 $0xFFFFE000, v14;
	v2 =	vor.u32 v3, v2  }
0x72: {  	v3 =	vld [tilespmem:s13+$0x4030];
	v2 =	vor.u32 v15, v2;
	_ =	sdelay $0x4  }
0x73: {  	[tilespmem:v2+s9+$0x0] =	vst.idx.msk vm15, v3  }
0x74: {  	v2 =	vld [tilespmem:s13+$0x40];
	_ =	sdelay $0x4  }
0x75: {  	v3 =	vshra.s32 v2, $0xA;
	v17 =	vshll.u32 v2, $0x3;
	v2 =	vand.u32 $0x7F, v2  }
0x76: {  	v16 =	vsub.s32 v3, v0;
	v5 =	vand.u32 $0x1C00, v17;
	v3 =	vshll.u32 v3, $0x7  }
0x77: {  	v18 =	vshll.u32 v16, $0xA;
	v3 =	vand.u32 $0x380, v3;
	v2 =	vor.u32 v2, v5  }
0x78: {  	vm4 =	vlt.u32 v16, $0x20;
	v19 =	vand.u32 $0xFFFFE000, v18;
	v2 =	vor.u32 v3, v2  }
0x79: {  	v3 =	vld [tilespmem:s13+$0x4040];
	v2 =	vor.u32 v19, v2;
	_ =	sdelay $0x4  }
0x7a: {  	[tilespmem:v2+s9+$0x0] =	vst.idx.msk vm4, v3  }
0x7b: {  	v2 =	vld [tilespmem:s13+$0x50];
	_ =	sdelay $0x4  }
0x7c: {  	v3 =	vshra.s32 v2, $0xA;
	v21 =	vshll.u32 v2, $0x3;
	v2 =	vand.u32 $0x7F, v2  }
0x7d: {  	v20 =	vsub.s32 v3, v0;
	v5 =	vand.u32 $0x1C00, v21;
	v3 =	vshll.u32 v3, $0x7  }
0x7e: {  	v22 =	vshll.u32 v20, $0xA;
	v3 =	vand.u32 $0x380, v3;
	v2 =	vor.u32 v2, v5  }
0x7f: {  	vm5 =	vlt.u32 v20, $0x20;
	v23 =	vand.u32 $0xFFFFE000, v22;
	v2 =	vor.u32 v3, v2  }
0x80: {  	v3 =	vld [tilespmem:s13+$0x4050];
	v2 =	vor.u32 v23, v2;
	_ =	sdelay $0x4  }
0x81: {  	[tilespmem:v2+s9+$0x0] =	vst.idx.msk vm5, v3  }
0x82: {  	v2 =	vld [tilespmem:s13+$0x60];
	_ =	sdelay $0x4  }
0x83: {  	v3 =	vshra.s32 v2, $0xA;
	v25 =	vshll.u32 v2, $0x3;
	v2 =	vand.u32 $0x7F, v2  }
0x84: {  	v24 =	vsub.s32 v3, v0;
	v5 =	vand.u32 $0x1C00, v25;
	v3 =	vshll.u32 v3, $0x7  }
0x85: {  	v26 =	vshll.u32 v24, $0xA;
	v3 =	vand.u32 $0x380, v3;
	v2 =	vor.u32 v2, v5  }
0x86: {  	vm6 =	vlt.u32 v24, $0x20;
	v27 =	vand.u32 $0xFFFFE000, v26;
	v2 =	vor.u32 v3, v2  }
0x87: {  	v3 =	vld [tilespmem:s13+$0x4060];
	v2 =	vor.u32 v27, v2;
	_ =	sdelay $0x4  }
0x88: {  	[tilespmem:v2+s9+$0x0] =	vst.idx.msk vm6, v3  }
0x89: {  	v2 =	vld [tilespmem:s13+$0x70];
	_ =	sdelay $0x4  }
0x8a: {  	v3 =	vshra.s32 v2, $0xA;
	v29 =	vshll.u32 v2, $0x3;
	v2 =	vand.u32 $0x7F, v2  }
0x8b: {  	v28 =	vsub.s32 v3, v0;
	v5 =	vand.u32 $0x1C00, v29;
	v3 =	vshll.u32 v3, $0x7  }
0x8c: {  	v30 =	vshll.u32 v28, $0xA;
	v3 =	vand.u32 $0x380, v3;
	v2 =	vor.u32 v2, v5  }
0x8d: {  	vm7 =	vlt.u32 v28, $0x20;
	v31 =	vand.u32 $0xFFFFE000, v30;
	v2 =	vor.u32 v3, v2  }
0x8e: {  	v3 =	vld [tilespmem:s13+$0x4070];
	v2 =	vor.u32 v31, v2;
	_ =	sdelay $0x4  }
0x8f: {  	[tilespmem:v2+s9+$0x0] =	vst.idx.msk vm7, v3  }
0x90: {  	v2 =	vld [tilespmem:s13+$0x80];
	_ =	sdelay $0x4  }
0x91: {  	v3 =	vshra.s32 v2, $0xA;
	v33 =	vshll.u32 v2, $0x3;
	v2 =	vand.u32 $0x7F, v2  }
0x92: {  	v32 =	vsub.s32 v3, v0;
	v5 =	vand.u32 $0x1C00, v33;
	v3 =	vshll.u32 v3, $0x7  }
0x93: {  	v34 =	vshll.u32 v32, $0xA;
	v3 =	vand.u32 $0x380, v3;
	v2 =	vor.u32 v2, v5  }
0x94: {  	vm8 =	vlt.u32 v32, $0x20;
	v35 =	vand.u32 $0xFFFFE000, v34;
	v2 =	vor.u32 v3, v2  }
0x95: {  	v3 =	vld [tilespmem:s13+$0x4080];
	v2 =	vor.u32 v35, v2;
	_ =	sdelay $0x4  }
0x96: {  	[tilespmem:v2+s9+$0x0] =	vst.idx.msk vm8, v3  }
0x97: {  	v2 =	vld [tilespmem:s13+$0x90];
	_ =	sdelay $0x4  }
0x98: {  	v3 =	vshra.s32 v2, $0xA;
	v37 =	vshll.u32 v2, $0x3;
	v2 =	vand.u32 $0x7F, v2  }
0x99: {  	v36 =	vsub.s32 v3, v0;
	v5 =	vand.u32 $0x1C00, v37;
	v3 =	vshll.u32 v3, $0x7  }
0x9a: {  	v38 =	vshll.u32 v36, $0xA;
	v3 =	vand.u32 $0x380, v3;
	v2 =	vor.u32 v2, v5  }
0x9b: {  	vm9 =	vlt.u32 v36, $0x20;
	v39 =	vand.u32 $0xFFFFE000, v38;
	v2 =	vor.u32 v3, v2  }
0x9c: {  	v3 =	vld [tilespmem:s13+$0x4090];
	v2 =	vor.u32 v39, v2;
	_ =	sdelay $0x4  }
0x9d: {  	[tilespmem:v2+s9+$0x0] =	vst.idx.msk vm9, v3  }
0x9e: {  	v2 =	vld [tilespmem:s13+$0xA0];
	_ =	sdelay $0x4  }
0x9f: {  	v3 =	vshra.s32 v2, $0xA;
	v41 =	vshll.u32 v2, $0x3;
	v2 =	vand.u32 $0x7F, v2  }
0xa0: {  	v40 =	vsub.s32 v3, v0;
	v5 =	vand.u32 $0x1C00, v41;
	v3 =	vshll.u32 v3, $0x7  }
0xa1: {  	v42 =	vshll.u32 v40, $0xA;
	v3 =	vand.u32 $0x380, v3;
	v2 =	vor.u32 v2, v5  }
0xa2: {  	vm10 =	vlt.u32 v40, $0x20;
	v43 =	vand.u32 $0xFFFFE000, v42;
	v2 =	vor.u32 v3, v2  }
0xa3: {  	v3 =	vld [tilespmem:s13+$0x40A0];
	v2 =	vor.u32 v43, v2;
	_ =	sdelay $0x4  }
0xa4: {  	[tilespmem:v2+s9+$0x0] =	vst.idx.msk vm10, v3  }
0xa5: {  	v2 =	vld [tilespmem:s13+$0xB0];
	_ =	sdelay $0x4  }
0xa6: {  	v3 =	vshra.s32 v2, $0xA;
	v45 =	vshll.u32 v2, $0x3;
	v2 =	vand.u32 $0x7F, v2  }
0xa7: {  	v44 =	vsub.s32 v3, v0;
	v5 =	vand.u32 $0x1C00, v45;
	v3 =	vshll.u32 v3, $0x7  }
0xa8: {  	v46 =	vshll.u32 v44, $0xA;
	v3 =	vand.u32 $0x380, v3;
	v2 =	vor.u32 v2, v5  }
0xa9: {  	vm11 =	vlt.u32 v44, $0x20;
	v47 =	vand.u32 $0xFFFFE000, v46;
	v2 =	vor.u32 v3, v2  }
0xaa: {  	v3 =	vld [tilespmem:s13+$0x40B0];
	v2 =	vor.u32 v47, v2;
	_ =	sdelay $0x4  }
0xab: {  	[tilespmem:v2+s9+$0x0] =	vst.idx.msk vm11, v3  }
0xac: {  	v2 =	vld [tilespmem:s13+$0xC0];
	_ =	sdelay $0x4  }
0xad: {  	v3 =	vshra.s32 v2, $0xA;
	v49 =	vshll.u32 v2, $0x3;
	v2 =	vand.u32 $0x7F, v2  }
0xae: {  	v48 =	vsub.s32 v3, v0;
	v5 =	vand.u32 $0x1C00, v49;
	v3 =	vshll.u32 v3, $0x7  }
0xaf: {  	v50 =	vshll.u32 v48, $0xA;
	v3 =	vand.u32 $0x380, v3;
	v2 =	vor.u32 v2, v5  }
0xb0: {  	vm12 =	vlt.u32 v48, $0x20;
	v51 =	vand.u32 $0xFFFFE000, v50;
	v2 =	vor.u32 v3, v2  }
0xb1: {  	v3 =	vld [tilespmem:s13+$0x40C0];
	v2 =	vor.u32 v51, v2;
	_ =	sdelay $0x4  }
0xb2: {  	[tilespmem:v2+s9+$0x0] =	vst.idx.msk vm12, v3  }
0xb3: {  	v2 =	vld [tilespmem:s13+$0xD0];
	_ =	sdelay $0x4  }
0xb4: {  	v3 =	vshra.s32 v2, $0xA;
	v53 =	vshll.u32 v2, $0x3;
	v2 =	vand.u32 $0x7F, v2  }
0xb5: {  	v52 =	vsub.s32 v3, v0;
	v5 =	vand.u32 $0x1C00, v53;
	v3 =	vshll.u32 v3, $0x7  }
0xb6: {  	v54 =	vshll.u32 v52, $0xA;
	v3 =	vand.u32 $0x380, v3;
	v2 =	vor.u32 v2, v5  }
0xb7: {  	vm13 =	vlt.u32 v52, $0x20;
	v55 =	vand.u32 $0xFFFFE000, v54;
	v2 =	vor.u32 v3, v2  }
0xb8: {  	v3 =	vld [tilespmem:s13+$0x40D0];
	v2 =	vor.u32 v55, v2;
	_ =	sdelay $0x4  }
0xb9: {  	[tilespmem:v2+s9+$0x0] =	vst.idx.msk vm13, v3  }
0xba: {  	v2 =	vld [tilespmem:s13+$0xE0];
	_ =	sdelay $0x4  }
0xbb: {  	v3 =	vshra.s32 v2, $0xA;
	v57 =	vshll.u32 v2, $0x3;
	v2 =	vand.u32 $0x7F, v2  }
0xbc: {  	v56 =	vsub.s32 v3, v0;
	v5 =	vand.u32 $0x1C00, v57;
	v3 =	vshll.u32 v3, $0x7  }
0xbd: {  	v58 =	vshll.u32 v56, $0xA;
	v3 =	vand.u32 $0x380, v3;
	v2 =	vor.u32 v2, v5  }
0xbe: {  	vm14 =	vlt.u32 v56, $0x20;
	v59 =	vand.u32 $0xFFFFE000, v58;
	v2 =	vor.u32 v3, v2  }
0xbf: {  	v3 =	vld [tilespmem:s13+$0x40E0];
	v2 =	vor.u32 v59, v2;
	_ =	sdelay $0x4  }
0xc0: {  	[tilespmem:v2+s9+$0x0] =	vst.idx.msk vm14, v3  }
0xc1: {  	v2 =	vld [tilespmem:s13+$0xF0];
	_ =	sdelay $0x4  }
0xc2: {  	v3 =	vshra.s32 v2, $0xA;
	v61 =	vshll.u32 v2, $0x3;
	v2 =	vand.u32 $0x7F, v2  }
0xc3: {  	v60 =	vsub.s32 v3, v0;
	v5 =	vand.u32 $0x1C00, v61;
	v3 =	vshll.u32 v3, $0x7  }
0xc4: {  	v62 =	vshll.u32 v60, $0xA;
	v3 =	vand.u32 $0x380, v3;
	v2 =	vor.u32 v2, v5  }
0xc5: {  	vm15 =	vlt.u32 v60, $0x20;
	v63 =	vand.u32 $0xFFFFE000, v62;
	v2 =	vor.u32 v3, v2  }
0xc6: {  	p0 =	sne.s32 s12, $0xFC00;
	v3 =	vld [tilespmem:s13+$0x40F0];
	v2 =	vor.u32 v63, v2  }
.Ltmp1:
0xc7: {  	_ = 	snop;
	(pc) =	sbr.rel @p0 .LBB2_4-.Ltmp1, $2  }
0xc8: {  	_ =	sdelay $0x2  }
0xc9: {  	s12 =	sadd.s32 $0x400, s12;
	[tilespmem:v2+s9+$0x0] =	vst.idx.msk vm15, v3  }
0xca: {  	s11 =	sadd.s32 $0x1, s11  }
0xcb: {  	p0 =	sne.s32 s11, s6  }
.Ltmp2:
0xcc: {  	_ = 	snop;
	(pc) =	sbr.rel @p0 .LBB2_1-.Ltmp2, $4  }
0xcd: {  	[hbm4b:s5+s4] =	stream.linear.scatter [tilespmem:s9], [sflag:$0x2], $0x8000, $0x38;
	[tilespmem:$0x10000] =	vst v63  }
0xce: {  	_ =	swait.ge [sflag:s10], $0x8000  }
0xcf: {  	[sflag:s10] =	ssyncset.done $0x0  }
0xd0: {  	[sflag:s10] =	ssyncadd.s32 $0xFFFF8000  }
0xd1: {  	_ =	sfence.sel $0x180000  }
0xd2: {  	[bflag:$0x0] =	sbarrier.arrive $0xFFFF  }
0xd3: {  	p0 =	sne.s32 s0, $0x0;
	_ =	strace $0x90000047  }
0xd4: {  	s0 =	sadd.s32 @!p0 $0x100000, s2;
	[bflag:$0x2] =	sbarrier.arrive $0xFFFF  }
0xd5: {  	[sflag:s0] =	ssyncadd.tile.s32 @!p0 $0x1;
	_ =	shalt  }
.Lfunc_end2:
_tile_overlayer_lowered:
.L_overlay_start_2:
0xd6: {  	(tag) =	ssettag $0x2  }
0xd7: {  	s0 =	rddreg [dreg:$0x0];
	s2 =	stileid.u32  }
0xd8: {  	s1 =	rddreg [dreg:$0x1];
	p0 =	sne.s32 s2, $0x0  }
0xd9: {  	s3 =	rddreg [dreg:$0x2];
	[bflag:$0x3] =	sbarrier.arrive $0xFFFF;
	s2 =	simm.s32 @!p0 $0x1C02  }
0xda: {  	[timem:s3], [sflag:s2] =	dma.local @!p0 [hbm:s0], s1  }
0xdb: {  	s0 =	simm.s32 @!p0 $0x2  }
0xdc: {  	_ =	swait.ge @!p0 [sflag:s0], s1  }
0xdd: {  	s1 =	ssub.s32 @!p0 $0x0, s1;
	[sflag:s0] =	ssyncset.done @!p0 $0x0  }
0xde: {  	[sflag:s0] =	ssyncadd.s32 @!p0 s1  }
0xdf: {  	[bflag:$0x3] =	sbarrier.arrive $0xFFFF  }
0xe0: {  	_ =	shalt  }

</sc_bundles>
